<compile_context>
chip_gen: v7x
topology: tpu7x:2x2x1
jax: 0.10.2.dev20260603
libtpu: 0.0.44.dev20260713+nightly
codegen_flags: <defaults>
</compile_context>

<pallas_src>
import functools

import jax
import jax.numpy as jnp
from jax import lax
from jax.experimental import pallas as pl
from jax.experimental.pallas import tpu as pltpu
from jax.experimental.pallas import tpu_sc as plsc

VOCAB_SIZE = 100000
HIDDEN = 768
MAX_POS = 512
BATCH = 1024
SEQ = 200

NUM_WORKERS = 32
SEQ_PER_WORKER = BATCH // NUM_WORKERS
CH = 40
N_CHUNKS = SEQ // CH
T_STEPS = N_CHUNKS * SEQ_PER_WORKER
LANES = 16
VECS = HIDDEN // LANES


def _sc_embed(ids_flat, word_embeddings, position_embeddings):
    mesh = plsc.VectorSubcoreMesh(core_axis_name="c", subcore_axis_name="s")

    @functools.partial(
        pl.kernel,
        out_type=jax.ShapeDtypeStruct((BATCH * SEQ, HIDDEN), jnp.float32),
        mesh=mesh,
        scratch_types=[
            pltpu.VMEM((SEQ_PER_WORKER * SEQ,), jnp.int32),
            pltpu.VMEM((CH, HIDDEN), jnp.float32),
            pltpu.VMEM((CH, HIDDEN), jnp.float32),
            pltpu.VMEM((CH, HIDDEN), jnp.float32),
            pltpu.VMEM((CH, HIDDEN), jnp.float32),
            pltpu.SemaphoreType.DMA,
            pltpu.SemaphoreType.DMA,
            pltpu.SemaphoreType.DMA,
            pltpu.SemaphoreType.DMA,
            pltpu.SemaphoreType.DMA,
            pltpu.SemaphoreType.DMA,
        ],
    )
    def k(ids_hbm, word_hbm, pos_hbm, out_hbm,
          idx_all, pos_v, rows0, rows1, rows2,
          gsem0, gsem1, gsem2, ssem0, ssem1, ssem2):
        wid = lax.axis_index("s") * 2 + lax.axis_index("c")
        seq_base = wid * SEQ_PER_WORKER
        row_base = seq_base * SEQ
        rows = (rows0, rows1, rows2)
        gsem = (gsem0, gsem1, gsem2)
        ssem = (ssem0, ssem1, ssem2)

        pltpu.sync_copy(ids_hbm.at[pl.ds(row_base, SEQ_PER_WORKER * SEQ)], idx_all)

        def chunk_addr(t):
            c = t // SEQ_PER_WORKER
            b = t - c * SEQ_PER_WORKER
            return c, b, b * SEQ + c * CH

        def start_gather(t, p):
            _, _, l = chunk_addr(t)
            pltpu.async_copy(word_hbm.at[idx_all.at[pl.ds(l, CH)]], rows[p], gsem[p])

        def wait_gather(t, p):
            _, _, l = chunk_addr(t)
            pltpu.make_async_copy(
                word_hbm.at[idx_all.at[pl.ds(l, CH)]], rows[p], gsem[p]).wait()

        def start_store(t, p):
            _, _, l = chunk_addr(t)
            pltpu.async_copy(rows[p], out_hbm.at[pl.ds(row_base + l, CH)], ssem[p])

        def wait_store(t, p):
            _, _, l = chunk_addr(t)
            pltpu.make_async_copy(
                rows[p], out_hbm.at[pl.ds(row_base + l, CH)], ssem[p]).wait()

        start_gather(0, 0)
        start_gather(1, 1)

        def step(t, p):
            c, b, _ = chunk_addr(t)

            @pl.when(b == 0)
            def _():
                pltpu.sync_copy(pos_hbm.at[pl.ds(c * CH, CH)], pos_v)

            @pl.when(t >= 1)
            def _():
                wait_store(t - 1, (p - 1) % 3)

            @pl.when(t + 2 < T_STEPS)
            def _():
                start_gather(t + 2, (p + 2) % 3)

            wait_gather(t, p)

            def add_row(r, _):
                for j in range(VECS):
                    sl = pl.ds(j * LANES, LANES)
                    plsc.addupdate(rows[p].at[r, sl], pos_v[r, sl])
                return 0

            lax.fori_loop(0, CH, add_row, 0)
            start_store(t, p)
            return 0

        def trip(t3, _):
            step(3 * t3, 0)
            step(3 * t3 + 1, 1)
            step(3 * t3 + 2, 2)
            return 0

        lax.fori_loop(0, T_STEPS // 3, trip, 0)
        step(jnp.int32(T_STEPS - 1), (T_STEPS - 1) % 3)
        wait_store(T_STEPS - 1, (T_STEPS - 1) % 3)

    return k(ids_flat, word_embeddings, position_embeddings)


@jax.jit
def kernel(input_ids, word_embeddings, position_embeddings):
    ids_flat = input_ids.reshape(BATCH * SEQ).astype(jnp.int32)
    out = _sc_embed(ids_flat, word_embeddings, position_embeddings)
    return out.reshape(BATCH, SEQ, HIDDEN)

# --- scband reference (transcript-rebuilt; emitter-appended) ---
"""Pipeline reference for scband-blip2-text-embeddings-47588237640384 (READ-ONLY COPY).

The authoritative reference and input builder live on the scoring server;
editing this copy changes nothing except your own understanding.
"""

import jax, jax.numpy as jnp
import numpy as np

VOCAB_SIZE = 100000
HIDDEN = 768
MAX_POS = 512
PAD_IDX = 0
BATCH = 1024
SEQ = 200


def setup_inputs(seed: int = 0) -> dict:
    key = jax.random.key(seed)
    k_ids, k_we, k_pe = jax.random.split(key, 3)
    input_ids = jax.random.randint(k_ids, (BATCH, SEQ), 0, VOCAB_SIZE, dtype=jnp.int64 if jax.config.jax_enable_x64 else jnp.int32)
    word_embeddings = jax.random.normal(k_we, (VOCAB_SIZE, HIDDEN), dtype=jnp.float32) * 0.02
    # nn.Embedding with padding_idx zeros that row at init
    word_embeddings = word_embeddings.at[PAD_IDX].set(0.0)
    position_embeddings = jax.random.normal(k_pe, (MAX_POS, HIDDEN), dtype=jnp.float32) * 0.02
    return {
        "input_ids": input_ids,
        "word_embeddings": word_embeddings,
        "position_embeddings": position_embeddings,
    }


def reference(input_ids, word_embeddings, position_embeddings):
    # Blip2TextEmbeddings.forward with position_ids=None, query_embeds=None
    seq_length = input_ids.shape[1]
    position_ids = jnp.arange(MAX_POS)[None, :][:, :seq_length]  # buffer slice [1, S]
    embeddings = jnp.take(word_embeddings, input_ids, axis=0)  # [B, S, H]
    # position_embedding_type == 'absolute'
    position_embs = jnp.take(position_embeddings, position_ids, axis=0)  # [1, S, H] via axis-0 gather
    embeddings = embeddings + position_embs
    return embeddings


if False:  # reference __main__ guard neutralized (emitter)
    inp = setup_inputs()
    out = reference(**inp)
    print(out.shape, out.dtype)

if __name__ == "__main__":
    import jax
    _d = setup_inputs()
    print(jax.jit(kernel)(*tuple(_d.values())))

</pallas_src>

<mosaic_0001>
#map = affine_map<(d0, d1) -> (0)>
#map1 = affine_map<(d0, d1) -> (0, 0)>
module attributes {stable_mosaic.version = 14 : i64} {
  func.func @k(%arg0: i32, %arg1: i32, %arg2: memref<204800xi32, #tpu.memory_space<hbm>>, %arg3: memref<100000x768xf32, #tpu.memory_space<hbm>>, %arg4: memref<512x768xf32, #tpu.memory_space<hbm>>, %arg5: memref<204800x768xf32, #tpu.memory_space<hbm>>, %arg6: memref<6400xi32, #tpu.memory_space<vmem>>, %arg7: memref<40x768xf32, #tpu.memory_space<vmem>>, %arg8: memref<40x768xf32, #tpu.memory_space<vmem>>, %arg9: memref<40x768xf32, #tpu.memory_space<vmem>>, %arg10: memref<40x768xf32, #tpu.memory_space<vmem>>, %arg11: memref<!tpu.dma_semaphore, #tpu.memory_space<semaphore_mem>>, %arg12: memref<!tpu.dma_semaphore, #tpu.memory_space<semaphore_mem>>, %arg13: memref<!tpu.dma_semaphore, #tpu.memory_space<semaphore_mem>>, %arg14: memref<!tpu.dma_semaphore, #tpu.memory_space<semaphore_mem>>, %arg15: memref<!tpu.dma_semaphore, #tpu.memory_space<semaphore_mem>>, %arg16: memref<!tpu.dma_semaphore, #tpu.memory_space<semaphore_mem>>) attributes {dimension_semantics = [#tpu.dimension_semantics<core_parallel>, #tpu.dimension_semantics<subcore_parallel>], iteration_bounds = array<i64: 2, 16>, scalar_prefetch = 0 : i64, scratch_operands = 11 : i64, tpu.core_type = #tpu.core_type<sc_vector_subcore>, window_params = [{transform_indices = #map}, {transform_indices = #map1}, {transform_indices = #map1}, {transform_indices = #map1}]} {
    %mul3A = arith.constant 2 : i32
    %mul3A_0 = arith.muli %arg1, %mul3A : i32
    %add3A = arith.addi %mul3A_0, %arg0 : i32
    %mul3A_1 = arith.constant 32 : i32
    %mul3A_2 = arith.muli %add3A, %mul3A_1 : i32
    %mul3A_3 = arith.constant 200 : i32
    %mul3A_4 = arith.muli %mul3A_2, %mul3A_3 : i32
    "tpu.region"() ({
      %run_scoped3A = tpu.sem_alloc : memref<!tpu.dma_semaphore, #tpu.memory_space<semaphore_mem>>
      %dma_start3A_151 = tpu.memref_slice %arg2[%mul3A_4] : memref<204800xi32, #tpu.memory_space<hbm>> -> memref<6400xi32, #tpu.memory_space<hbm>>
      %dma_start3A_152 = tpu.memref_slice %arg2[%mul3A_4] : memref<204800xi32, #tpu.memory_space<hbm>> -> memref<6400xi32, #tpu.memory_space<hbm>>
      tpu.enqueue_dma source(%dma_start3A_152 : memref<6400xi32, #tpu.memory_space<hbm>>) target(%arg6 : memref<6400xi32, #tpu.memory_space<vmem>>) target_semaphore(%run_scoped3A : memref<!tpu.dma_semaphore, #tpu.memory_space<semaphore_mem>>)
      %dma_wait3A_153 = tpu.memref_slice %arg2[%mul3A_4] : memref<204800xi32, #tpu.memory_space<hbm>> -> memref<6400xi32, #tpu.memory_space<hbm>>
      %dma_wait3A_154 = tpu.memref_slice %arg2[%mul3A_4] : memref<204800xi32, #tpu.memory_space<hbm>> -> memref<6400xi32, #tpu.memory_space<hbm>>
      tpu.wait_dma2 semaphore(%run_scoped3A : memref<!tpu.dma_semaphore, #tpu.memory_space<semaphore_mem>>) src(%dma_wait3A_154 : memref<6400xi32, #tpu.memory_space<hbm>>) dst(%arg6 : memref<6400xi32, #tpu.memory_space<vmem>>)
      tpu.yield
    }) : () -> ()
    %dma_start3A = arith.constant 0 : i32
    %dma_start3A_5 = tpu.memref_slice %arg6[%dma_start3A] : memref<6400xi32, #tpu.memory_space<vmem>> -> memref<40xi32, #tpu.memory_space<vmem>>
    %dma_start3A_6 = arith.constant 0 : i32
    %dma_start3A_7 = arith.constant 0 : i32
    %dma_start3A_8 = tpu.memref_slice %arg3[%dma_start3A_6, %dma_start3A_7] : memref<100000x768xf32, #tpu.memory_space<hbm>> -> memref<100000x768xf32, #tpu.memory_space<hbm>>
    tpu.enqueue_indirect_dma source(%dma_start3A_8 : memref<100000x768xf32, #tpu.memory_space<hbm>>) target(%arg8 : memref<40x768xf32, #tpu.memory_space<vmem>>) offsets(%dma_start3A_5 : memref<40xi32, #tpu.memory_space<vmem>>) semaphore(%arg11 : memref<!tpu.dma_semaphore, #tpu.memory_space<semaphore_mem>>)
    %dma_start3A_9 = arith.constant 200 : i32
    %dma_start3A_10 = tpu.memref_slice %arg6[%dma_start3A_9] : memref<6400xi32, #tpu.memory_space<vmem>> -> memref<40xi32, #tpu.memory_space<vmem>>
    %dma_start3A_11 = arith.constant 0 : i32
    %dma_start3A_12 = arith.constant 0 : i32
    %dma_start3A_13 = tpu.memref_slice %arg3[%dma_start3A_11, %dma_start3A_12] : memref<100000x768xf32, #tpu.memory_space<hbm>> -> memref<100000x768xf32, #tpu.memory_space<hbm>>
    tpu.enqueue_indirect_dma source(%dma_start3A_13 : memref<100000x768xf32, #tpu.memory_space<hbm>>) target(%arg9 : memref<40x768xf32, #tpu.memory_space<vmem>>) offsets(%dma_start3A_10 : memref<40xi32, #tpu.memory_space<vmem>>) semaphore(%arg12 : memref<!tpu.dma_semaphore, #tpu.memory_space<semaphore_mem>>)
    %scan3A = arith.constant 0 : i32
    %scan3A_14 = arith.constant 0 : i32
    %scan3A_15 = arith.constant 53 : i32
    %scan3A_16 = arith.addi %scan3A_14, %scan3A_15 : i32
    %scan3A_17 = arith.constant 1 : i32
    %scan3A_18 = scf.for %scan3A_151 = %scan3A_14 to %scan3A_16 step %scan3A_17 iter_args(%scan3A_152 = %scan3A) -> (i32)  : i32 {
      %mul3A_153 = arith.constant 3 : i32
      %mul3A_154 = arith.muli %mul3A_153, %scan3A_151 : i32
      %jit3A_155 = arith.constant 32 : i32
      %div3A_156 = arith.divsi %mul3A_154, %jit3A_155 : i32
      %sign3A_157 = arith.constant 0 : i32
      %sign3A_158 = arith.cmpi sgt, %mul3A_154, %sign3A_157 : i32
      %sign3A_159 = arith.extui %sign3A_158 : i1 to i32
      %sign3A_160 = arith.constant 0 : i32
      %sign3A_161 = arith.cmpi slt, %mul3A_154, %sign3A_160 : i32
      %sign3A_162 = arith.extui %sign3A_161 : i1 to i32
      %sign3A_163 = arith.subi %sign3A_159, %sign3A_162 : i32
      %sign3A_164 = arith.constant 0 : i32
      %sign3A_165 = arith.cmpi sgt, %jit3A_155, %sign3A_164 : i32
      %sign3A_166 = arith.extui %sign3A_165 : i1 to i32
      %sign3A_167 = arith.constant 0 : i32
      %sign3A_168 = arith.cmpi slt, %jit3A_155, %sign3A_167 : i32
      %sign3A_169 = arith.extui %sign3A_168 : i1 to i32
      %sign3A_170 = arith.subi %sign3A_166, %sign3A_169 : i32
      %ne3A_171 = arith.cmpi ne, %sign3A_163, %sign3A_170 : i32
      %rem3A_172 = arith.remsi %mul3A_154, %jit3A_155 : i32
      %ne3A_173 = arith.constant 0 : i32
      %ne3A_174 = arith.cmpi ne, %rem3A_172, %ne3A_173 : i32
      %and3A_175 = arith.andi %ne3A_171, %ne3A_174 : i1
      %sub3A_176 = arith.constant 1 : i32
      %sub3A_177 = arith.subi %div3A_156, %sub3A_176 : i32
      %select_n3A_178 = arith.select %and3A_175, %sub3A_177, %div3A_156 : i32
      %mul3A_179 = arith.constant 32 : i32
      %mul3A_180 = arith.muli %select_n3A_178, %mul3A_179 : i32
      %sub3A_181 = arith.subi %mul3A_154, %mul3A_180 : i32
      %mul3A_182 = arith.constant 200 : i32
      %mul3A_183 = arith.muli %sub3A_181, %mul3A_182 : i32
      %mul3A_184 = arith.constant 40 : i32
      %mul3A_185 = arith.muli %select_n3A_178, %mul3A_184 : i32
      %add3A_186 = arith.addi %mul3A_183, %mul3A_185 : i32
      %eq3A_187 = arith.constant 0 : i32
      %eq3A_188 = arith.cmpi eq, %sub3A_181, %eq3A_187 : i32
      %convert_element_type3A_189 = arith.extui %eq3A_188 : i1 to i32
      %cond3A_190 = arith.constant 0 : i32
      %cond3A_191 = arith.cmpi ne, %convert_element_type3A_189, %cond3A_190 : i32
      scf.if %cond3A_191 {
        %mul3A_551 = arith.constant 40 : i32
        %mul3A_552 = arith.muli %select_n3A_178, %mul3A_551 : i32
        "tpu.region"() ({
          %run_scoped3A = tpu.sem_alloc : memref<!tpu.dma_semaphore, #tpu.memory_space<semaphore_mem>>
          %dma_start3A_553 = arith.constant 0 : i32
          %dma_start3A_554 = tpu.memref_slice %arg4[%mul3A_552, %dma_start3A_553] : memref<512x768xf32, #tpu.memory_space<hbm>> -> memref<40x768xf32, #tpu.memory_space<hbm>>
          %dma_start3A_555 = arith.constant 0 : i32
          %dma_start3A_556 = tpu.memref_slice %arg4[%mul3A_552, %dma_start3A_555] : memref<512x768xf32, #tpu.memory_space<hbm>> -> memref<40x768xf32, #tpu.memory_space<hbm>>
          tpu.enqueue_dma source(%dma_start3A_556 : memref<40x768xf32, #tpu.memory_space<hbm>>) target(%arg7 : memref<40x768xf32, #tpu.memory_space<vmem>>) target_semaphore(%run_scoped3A : memref<!tpu.dma_semaphore, #tpu.memory_space<semaphore_mem>>)
          %dma_wait3A_557 = arith.constant 0 : i32
          %dma_wait3A_558 = tpu.memref_slice %arg4[%mul3A_552, %dma_wait3A_557] : memref<512x768xf32, #tpu.memory_space<hbm>> -> memref<40x768xf32, #tpu.memory_space<hbm>>
          %dma_wait3A_559 = arith.constant 0 : i32
          %dma_wait3A_560 = tpu.memref_slice %arg4[%mul3A_552, %dma_wait3A_559] : memref<512x768xf32, #tpu.memory_space<hbm>> -> memref<40x768xf32, #tpu.memory_space<hbm>>
          tpu.wait_dma2 semaphore(%run_scoped3A : memref<!tpu.dma_semaphore, #tpu.memory_space<semaphore_mem>>) src(%dma_wait3A_560 : memref<40x768xf32, #tpu.memory_space<hbm>>) dst(%arg7 : memref<40x768xf32, #tpu.memory_space<vmem>>)
          tpu.yield
        }) : () -> ()
      } else {
      }
      %ge3A_192 = arith.constant 1 : i32
      %ge3A_193 = arith.cmpi sge, %mul3A_154, %ge3A_192 : i32
      %convert_element_type3A_194 = arith.extui %ge3A_193 : i1 to i32
      %cond3A_195 = arith.constant 0 : i32
      %cond3A_196 = arith.cmpi ne, %convert_element_type3A_194, %cond3A_195 : i32
      scf.if %cond3A_196 {
        %sub3A_551 = arith.constant 1 : i32
        %sub3A_552 = arith.subi %mul3A_154, %sub3A_551 : i32
        %jit3A_553 = arith.constant 32 : i32
        %div3A_554 = arith.divsi %sub3A_552, %jit3A_553 : i32
        %sign3A_555 = arith.constant 0 : i32
        %sign3A_556 = arith.cmpi sgt, %sub3A_552, %sign3A_555 : i32
        %sign3A_557 = arith.extui %sign3A_556 : i1 to i32
        %sign3A_558 = arith.constant 0 : i32
        %sign3A_559 = arith.cmpi slt, %sub3A_552, %sign3A_558 : i32
        %sign3A_560 = arith.extui %sign3A_559 : i1 to i32
        %sign3A_561 = arith.subi %sign3A_557, %sign3A_560 : i32
        %sign3A_562 = arith.constant 0 : i32
        %sign3A_563 = arith.cmpi sgt, %jit3A_553, %sign3A_562 : i32
        %sign3A_564 = arith.extui %sign3A_563 : i1 to i32
        %sign3A_565 = arith.constant 0 : i32
        %sign3A_566 = arith.cmpi slt, %jit3A_553, %sign3A_565 : i32
        %sign3A_567 = arith.extui %sign3A_566 : i1 to i32
        %sign3A_568 = arith.subi %sign3A_564, %sign3A_567 : i32
        %ne3A_569 = arith.cmpi ne, %sign3A_561, %sign3A_568 : i32
        %rem3A_570 = arith.remsi %sub3A_552, %jit3A_553 : i32
        %ne3A_571 = arith.constant 0 : i32
        %ne3A_572 = arith.cmpi ne, %rem3A_570, %ne3A_571 : i32
        %and3A_573 = arith.andi %ne3A_569, %ne3A_572 : i1
        %sub3A_574 = arith.constant 1 : i32
        %sub3A_575 = arith.subi %div3A_554, %sub3A_574 : i32
        %select_n3A_576 = arith.select %and3A_573, %sub3A_575, %div3A_554 : i32
        %mul3A_577 = arith.constant 32 : i32
        %mul3A_578 = arith.muli %select_n3A_576, %mul3A_577 : i32
        %sub3A_579 = arith.subi %sub3A_552, %mul3A_578 : i32
        %mul3A_580 = arith.constant 200 : i32
        %mul3A_581 = arith.muli %sub3A_579, %mul3A_580 : i32
        %mul3A_582 = arith.constant 40 : i32
        %mul3A_583 = arith.muli %select_n3A_576, %mul3A_582 : i32
        %add3A_584 = arith.addi %mul3A_581, %mul3A_583 : i32
        %add3A_585 = arith.addi %mul3A_4, %add3A_584 : i32
        %dma_wait3A_586 = arith.constant 0 : i32
        %dma_wait3A_587 = tpu.memref_slice %arg5[%add3A_585, %dma_wait3A_586] : memref<204800x768xf32, #tpu.memory_space<hbm>> -> memref<40x768xf32, #tpu.memory_space<hbm>>
        %dma_wait3A_588 = arith.constant 0 : i32
        %dma_wait3A_589 = tpu.memref_slice %arg5[%add3A_585, %dma_wait3A_588] : memref<204800x768xf32, #tpu.memory_space<hbm>> -> memref<40x768xf32, #tpu.memory_space<hbm>>
        tpu.wait_dma2 semaphore(%arg16 : memref<!tpu.dma_semaphore, #tpu.memory_space<semaphore_mem>>) src(%arg10 : memref<40x768xf32, #tpu.memory_space<vmem>>) dst(%dma_wait3A_589 : memref<40x768xf32, #tpu.memory_space<hbm>>)
      } else {
      }
      %add3A_197 = arith.constant 2 : i32
      %add3A_198 = arith.addi %mul3A_154, %add3A_197 : i32
      %lt3A_199 = arith.constant 160 : i32
      %lt3A_200 = arith.cmpi slt, %add3A_198, %lt3A_199 : i32
      %convert_element_type3A_201 = arith.extui %lt3A_200 : i1 to i32
      %cond3A_202 = arith.constant 0 : i32
      %cond3A_203 = arith.cmpi ne, %convert_element_type3A_201, %cond3A_202 : i32
      scf.if %cond3A_203 {
        %add3A_551 = arith.constant 2 : i32
        %add3A_552 = arith.addi %mul3A_154, %add3A_551 : i32
        %jit3A_553 = arith.constant 32 : i32
        %div3A_554 = arith.divsi %add3A_552, %jit3A_553 : i32
        %sign3A_555 = arith.constant 0 : i32
        %sign3A_556 = arith.cmpi sgt, %add3A_552, %sign3A_555 : i32
        %sign3A_557 = arith.extui %sign3A_556 : i1 to i32
        %sign3A_558 = arith.constant 0 : i32
        %sign3A_559 = arith.cmpi slt, %add3A_552, %sign3A_558 : i32
        %sign3A_560 = arith.extui %sign3A_559 : i1 to i32
        %sign3A_561 = arith.subi %sign3A_557, %sign3A_560 : i32
        %sign3A_562 = arith.constant 0 : i32
        %sign3A_563 = arith.cmpi sgt, %jit3A_553, %sign3A_562 : i32
        %sign3A_564 = arith.extui %sign3A_563 : i1 to i32
        %sign3A_565 = arith.constant 0 : i32
        %sign3A_566 = arith.cmpi slt, %jit3A_553, %sign3A_565 : i32
        %sign3A_567 = arith.extui %sign3A_566 : i1 to i32
        %sign3A_568 = arith.subi %sign3A_564, %sign3A_567 : i32
        %ne3A_569 = arith.cmpi ne, %sign3A_561, %sign3A_568 : i32
        %rem3A_570 = arith.remsi %add3A_552, %jit3A_553 : i32
        %ne3A_571 = arith.constant 0 : i32
        %ne3A_572 = arith.cmpi ne, %rem3A_570, %ne3A_571 : i32
        %and3A_573 = arith.andi %ne3A_569, %ne3A_572 : i1
        %sub3A_574 = arith.constant 1 : i32
        %sub3A_575 = arith.subi %div3A_554, %sub3A_574 : i32
        %select_n3A_576 = arith.select %and3A_573, %sub3A_575, %div3A_554 : i32
        %mul3A_577 = arith.constant 32 : i32
        %mul3A_578 = arith.muli %select_n3A_576, %mul3A_577 : i32
        %sub3A_579 = arith.subi %add3A_552, %mul3A_578 : i32
        %mul3A_580 = arith.constant 200 : i32
        %mul3A_581 = arith.muli %sub3A_579, %mul3A_580 : i32
        %mul3A_582 = arith.constant 40 : i32
        %mul3A_583 = arith.muli %select_n3A_576, %mul3A_582 : i32
        %add3A_584 = arith.addi %mul3A_581, %mul3A_583 : i32
        %dma_start3A_585 = tpu.memref_slice %arg6[%add3A_584] : memref<6400xi32, #tpu.memory_space<vmem>> -> memref<40xi32, #tpu.memory_space<vmem>>
        %dma_start3A_586 = arith.constant 0 : i32
        %dma_start3A_587 = arith.constant 0 : i32
        %dma_start3A_588 = tpu.memref_slice %arg3[%dma_start3A_586, %dma_start3A_587] : memref<100000x768xf32, #tpu.memory_space<hbm>> -> memref<100000x768xf32, #tpu.memory_space<hbm>>
        tpu.enqueue_indirect_dma source(%dma_start3A_588 : memref<100000x768xf32, #tpu.memory_space<hbm>>) target(%arg10 : memref<40x768xf32, #tpu.memory_space<vmem>>) offsets(%dma_start3A_585 : memref<40xi32, #tpu.memory_space<vmem>>) semaphore(%arg13 : memref<!tpu.dma_semaphore, #tpu.memory_space<semaphore_mem>>)
      } else {
      }
      %jit3A_204 = arith.constant 32 : i32
      %div3A_205 = arith.divsi %mul3A_154, %jit3A_204 : i32
      %sign3A_206 = arith.constant 0 : i32
      %sign3A_207 = arith.cmpi sgt, %mul3A_154, %sign3A_206 : i32
      %sign3A_208 = arith.extui %sign3A_207 : i1 to i32
      %sign3A_209 = arith.constant 0 : i32
      %sign3A_210 = arith.cmpi slt, %mul3A_154, %sign3A_209 : i32
      %sign3A_211 = arith.extui %sign3A_210 : i1 to i32
      %sign3A_212 = arith.subi %sign3A_208, %sign3A_211 : i32
      %sign3A_213 = arith.constant 0 : i32
      %sign3A_214 = arith.cmpi sgt, %jit3A_204, %sign3A_213 : i32
      %sign3A_215 = arith.extui %sign3A_214 : i1 to i32
      %sign3A_216 = arith.constant 0 : i32
      %sign3A_217 = arith.cmpi slt, %jit3A_204, %sign3A_216 : i32
      %sign3A_218 = arith.extui %sign3A_217 : i1 to i32
      %sign3A_219 = arith.subi %sign3A_215, %sign3A_218 : i32
      %ne3A_220 = arith.cmpi ne, %sign3A_212, %sign3A_219 : i32
      %rem3A_221 = arith.remsi %mul3A_154, %jit3A_204 : i32
      %ne3A_222 = arith.constant 0 : i32
      %ne3A_223 = arith.cmpi ne, %rem3A_221, %ne3A_222 : i32
      %and3A_224 = arith.andi %ne3A_220, %ne3A_223 : i1
      %sub3A_225 = arith.constant 1 : i32
      %sub3A_226 = arith.subi %div3A_205, %sub3A_225 : i32
      %select_n3A_227 = arith.select %and3A_224, %sub3A_226, %div3A_205 : i32
      %mul3A_228 = arith.constant 32 : i32
      %mul3A_229 = arith.muli %select_n3A_227, %mul3A_228 : i32
      %sub3A_230 = arith.subi %mul3A_154, %mul3A_229 : i32
      %mul3A_231 = arith.constant 200 : i32
      %mul3A_232 = arith.muli %sub3A_230, %mul3A_231 : i32
      %mul3A_233 = arith.constant 40 : i32
      %mul3A_234 = arith.muli %select_n3A_227, %mul3A_233 : i32
      %add3A_235 = arith.addi %mul3A_232, %mul3A_234 : i32
      %dma_wait3A_236 = tpu.memref_slice %arg6[%add3A_235] : memref<6400xi32, #tpu.memory_space<vmem>> -> memref<40xi32, #tpu.memory_space<vmem>>
      %dma_wait3A_237 = arith.constant 0 : i32
      %dma_wait3A_238 = arith.constant 0 : i32
      %dma_wait3A_239 = tpu.memref_slice %arg3[%dma_wait3A_237, %dma_wait3A_238] : memref<100000x768xf32, #tpu.memory_space<hbm>> -> memref<100000x768xf32, #tpu.memory_space<hbm>>
      tpu.wait_indirect_dma semaphore(%arg11 : memref<!tpu.dma_semaphore, #tpu.memory_space<semaphore_mem>>) src(%dma_wait3A_239 : memref<100000x768xf32, #tpu.memory_space<hbm>>) dst(%arg8 : memref<40x768xf32, #tpu.memory_space<vmem>>)
      %scan3A_240 = arith.constant 0 : i32
      %scan3A_241 = arith.constant 0 : i32
      %scan3A_242 = arith.constant 40 : i32
      %scan3A_243 = arith.addi %scan3A_241, %scan3A_242 : i32
      %scan3A_244 = arith.constant 1 : i32
      %scan3A_245 = scf.for %scan3A_551 = %scan3A_241 to %scan3A_243 step %scan3A_244 iter_args(%scan3A_552 = %scan3A_240) -> (i32)  : i32 {
        %get3A = arith.index_cast %scan3A_551 : i32 to index
        %get3A_553 = arith.constant 0 : index
        %get3A_554 = tpu.vector_load %arg7[%get3A, %get3A_553] {strides = array<i32>} : memref<40x768xf32, #tpu.memory_space<vmem>>, vector<1x16xf32>,
        %get3A_555 = vector.shape_cast %get3A_554 : vector<1x16xf32> to vector<16xf32>
        %swap3A = arith.index_cast %scan3A_551 : i32 to index
        %swap3A_556 = arith.constant 0 : index
        %swap3A_557 = tpu.vector_load %arg8[%swap3A, %swap3A_556] {strides = array<i32>} : memref<40x768xf32, #tpu.memory_space<vmem>>, vector<1x16xf32>,
        %swap3A_558 = vector.shape_cast %swap3A_557 : vector<1x16xf32> to vector<16xf32>
        %swap3A_559 = vector.shape_cast %get3A_555 : vector<16xf32> to vector<1x16xf32>
        tpu.vector_store %arg8[%swap3A, %swap3A_556], %swap3A_559 {add = true, strides = array<i32>} : memref<40x768xf32, #tpu.memory_space<vmem>>, vector<1x16xf32>,
        %get3A_560 = arith.index_cast %scan3A_551 : i32 to index
        %get3A_561 = arith.constant 16 : index
        %get3A_562 = tpu.vector_load %arg7[%get3A_560, %get3A_561] {strides = array<i32>} : memref<40x768xf32, #tpu.memory_space<vmem>>, vector<1x16xf32>,
        %get3A_563 = vector.shape_cast %get3A_562 : vector<1x16xf32> to vector<16xf32>
        %swap3A_564 = arith.index_cast %scan3A_551 : i32 to index
        %swap3A_565 = arith.constant 16 : index
        %swap3A_566 = tpu.vector_load %arg8[%swap3A_564, %swap3A_565] {strides = array<i32>} : memref<40x768xf32, #tpu.memory_space<vmem>>, vector<1x16xf32>,
        %swap3A_567 = vector.shape_cast %swap3A_566 : vector<1x16xf32> to vector<16xf32>
        %swap3A_568 = vector.shape_cast %get3A_563 : vector<16xf32> to vector<1x16xf32>
        tpu.vector_store %arg8[%swap3A_564, %swap3A_565], %swap3A_568 {add = true, strides = array<i32>} : memref<40x768xf32, #tpu.memory_space<vmem>>, vector<1x16xf32>,
        %get3A_569 = arith.index_cast %scan3A_551 : i32 to index
        %get3A_570 = arith.constant 32 : index
        %get3A_571 = tpu.vector_load %arg7[%get3A_569, %get3A_570] {strides = array<i32>} : memref<40x768xf32, #tpu.memory_space<vmem>>, vector<1x16xf32>,
        %get3A_572 = vector.shape_cast %get3A_571 : vector<1x16xf32> to vector<16xf32>
        %swap3A_573 = arith.index_cast %scan3A_551 : i32 to index
        %swap3A_574 = arith.constant 32 : index
        %swap3A_575 = tpu.vector_load %arg8[%swap3A_573, %swap3A_574] {strides = array<i32>} : memref<40x768xf32, #tpu.memory_space<vmem>>, vector<1x16xf32>,
        %swap3A_576 = vector.shape_cast %swap3A_575 : vector<1x16xf32> to vector<16xf32>
        %swap3A_577 = vector.shape_cast %get3A_572 : vector<16xf32> to vector<1x16xf32>
        tpu.vector_store %arg8[%swap3A_573, %swap3A_574], %swap3A_577 {add = true, strides = array<i32>} : memref<40x768xf32, #tpu.memory_space<vmem>>, vector<1x16xf32>,
        %get3A_578 = arith.index_cast %scan3A_551 : i32 to index
        %get3A_579 = arith.constant 48 : index
        %get3A_580 = tpu.vector_load %arg7[%get3A_578, %get3A_579] {strides = array<i32>} : memref<40x768xf32, #tpu.memory_space<vmem>>, vector<1x16xf32>,
        %get3A_581 = vector.shape_cast %get3A_580 : vector<1x16xf32> to vector<16xf32>
        %swap3A_582 = arith.index_cast %scan3A_551 : i32 to index
        %swap3A_583 = arith.constant 48 : index
        %swap3A_584 = tpu.vector_load %arg8[%swap3A_582, %swap3A_583] {strides = array<i32>} : memref<40x768xf32, #tpu.memory_space<vmem>>, vector<1x16xf32>,
        %swap3A_585 = vector.shape_cast %swap3A_584 : vector<1x16xf32> to vector<16xf32>
        %swap3A_586 = vector.shape_cast %get3A_581 : vector<16xf32> to vector<1x16xf32>
        tpu.vector_store %arg8[%swap3A_582, %swap3A_583], %swap3A_586 {add = true, strides = array<i32>} : memref<40x768xf32, #tpu.memory_space<vmem>>, vector<1x16xf32>,
        %get3A_587 = arith.index_cast %scan3A_551 : i32 to index
        %get3A_588 = arith.constant 64 : index
        %get3A_589 = tpu.vector_load %arg7[%get3A_587, %get3A_588] {strides = array<i32>} : memref<40x768xf32, #tpu.memory_space<vmem>>, vector<1x16xf32>,
        %get3A_590 = vector.shape_cast %get3A_589 : vector<1x16xf32> to vector<16xf32>
        %swap3A_591 = arith.index_cast %scan3A_551 : i32 to index
        %swap3A_592 = arith.constant 64 : index
        %swap3A_593 = tpu.vector_load %arg8[%swap3A_591, %swap3A_592] {strides = array<i32>} : memref<40x768xf32, #tpu.memory_space<vmem>>, vector<1x16xf32>,
        %swap3A_594 = vector.shape_cast %swap3A_593 : vector<1x16xf32> to vector<16xf32>
        %swap3A_595 = vector.shape_cast %get3A_590 : vector<16xf32> to vector<1x16xf32>
        tpu.vector_store %arg8[%swap3A_591, %swap3A_592], %swap3A_595 {add = true, strides = array<i32>} : memref<40x768xf32, #tpu.memory_space<vmem>>, vector<1x16xf32>,
        %get3A_596 = arith.index_cast %scan3A_551 : i32 to index
        %get3A_597 = arith.constant 80 : index
        %get3A_598 = tpu.vector_load %arg7[%get3A_596, %get3A_597] {strides = array<i32>} : memref<40x768xf32, #tpu.memory_space<vmem>>, vector<1x16xf32>,
        %get3A_599 = vector.shape_cast %get3A_598 : vector<1x16xf32> to vector<16xf32>
        %swap3A_600 = arith.index_cast %scan3A_551 : i32 to index
        %swap3A_601 = arith.constant 80 : index
        %swap3A_602 = tpu.vector_load %arg8[%swap3A_600, %swap3A_601] {strides = array<i32>} : memref<40x768xf32, #tpu.memory_space<vmem>>, vector<1x16xf32>,
        %swap3A_603 = vector.shape_cast %swap3A_602 : vector<1x16xf32> to vector<16xf32>
        %swap3A_604 = vector.shape_cast %get3A_599 : vector<16xf32> to vector<1x16xf32>
        tpu.vector_store %arg8[%swap3A_600, %swap3A_601], %swap3A_604 {add = true, strides = array<i32>} : memref<40x768xf32, #tpu.memory_space<vmem>>, vector<1x16xf32>,
        %get3A_605 = arith.index_cast %scan3A_551 : i32 to index
        %get3A_606 = arith.constant 96 : index
        %get3A_607 = tpu.vector_load %arg7[%get3A_605, %get3A_606] {strides = array<i32>} : memref<40x768xf32, #tpu.memory_space<vmem>>, vector<1x16xf32>,
        %get3A_608 = vector.shape_cast %get3A_607 : vector<1x16xf32> to vector<16xf32>
        %swap3A_609 = arith.index_cast %scan3A_551 : i32 to index
        %swap3A_610 = arith.constant 96 : index
        %swap3A_611 = tpu.vector_load %arg8[%swap3A_609, %swap3A_610] {strides = array<i32>} : memref<40x768xf32, #tpu.memory_space<vmem>>, vector<1x16xf32>,
        %swap3A_612 = vector.shape_cast %swap3A_611 : vector<1x16xf32> to vector<16xf32>
        %swap3A_613 = vector.shape_cast %get3A_608 : vector<16xf32> to vector<1x16xf32>
        tpu.vector_store %arg8[%swap3A_609, %swap3A_610], %swap3A_613 {add = true, strides = array<i32>} : memref<40x768xf32, #tpu.memory_space<vmem>>, vector<1x16xf32>,
        %get3A_614 = arith.index_cast %scan3A_551 : i32 to index
        %get3A_615 = arith.constant 112 : index
        %get3A_616 = tpu.vector_load %arg7[%get3A_614, %get3A_615] {strides = array<i32>} : memref<40x768xf32, #tpu.memory_space<vmem>>, vector<1x16xf32>,
        %get3A_617 = vector.shape_cast %get3A_616 : vector<1x16xf32> to vector<16xf32>
        %swap3A_618 = arith.index_cast %scan3A_551 : i32 to index
        %swap3A_619 = arith.constant 112 : index
        %swap3A_620 = tpu.vector_load %arg8[%swap3A_618, %swap3A_619] {strides = array<i32>} : memref<40x768xf32, #tpu.memory_space<vmem>>, vector<1x16xf32>,
        %swap3A_621 = vector.shape_cast %swap3A_620 : vector<1x16xf32> to vector<16xf32>
        %swap3A_622 = vector.shape_cast %get3A_617 : vector<16xf32> to vector<1x16xf32>
        tpu.vector_store %arg8[%swap3A_618, %swap3A_619], %swap3A_622 {add = true, strides = array<i32>} : memref<40x768xf32, #tpu.memory_space<vmem>>, vector<1x16xf32>,
        %get3A_623 = arith.index_cast %scan3A_551 : i32 to index
        %get3A_624 = arith.constant 128 : index
        %get3A_625 = tpu.vector_load %arg7[%get3A_623, %get3A_624] {strides = array<i32>} : memref<40x768xf32, #tpu.memory_space<vmem>>, vector<1x16xf32>,
        %get3A_626 = vector.shape_cast %get3A_625 : vector<1x16xf32> to vector<16xf32>
        %swap3A_627 = arith.index_cast %scan3A_551 : i32 to index
        %swap3A_628 = arith.constant 128 : index
        %swap3A_629 = tpu.vector_load %arg8[%swap3A_627, %swap3A_628] {strides = array<i32>} : memref<40x768xf32, #tpu.memory_space<vmem>>, vector<1x16xf32>,
        %swap3A_630 = vector.shape_cast %swap3A_629 : vector<1x16xf32> to vector<16xf32>
        %swap3A_631 = vector.shape_cast %get3A_626 : vector<16xf32> to vector<1x16xf32>
        tpu.vector_store %arg8[%swap3A_627, %swap3A_628], %swap3A_631 {add = true, strides = array<i32>} : memref<40x768xf32, #tpu.memory_space<vmem>>, vector<1x16xf32>,
        %get3A_632 = arith.index_cast %scan3A_551 : i32 to index
        %get3A_633 = arith.constant 144 : index
        %get3A_634 = tpu.vector_load %arg7[%get3A_632, %get3A_633] {strides = array<i32>} : memref<40x768xf32, #tpu.memory_space<vmem>>, vector<1x16xf32>,
        %get3A_635 = vector.shape_cast %get3A_634 : vector<1x16xf32> to vector<16xf32>
        %swap3A_636 = arith.index_cast %scan3A_551 : i32 to index
        %swap3A_637 = arith.constant 144 : index
        %swap3A_638 = tpu.vector_load %arg8[%swap3A_636, %swap3A_637] {strides = array<i32>} : memref<40x768xf32, #tpu.memory_space<vmem>>, vector<1x16xf32>,
        %swap3A_639 = vector.shape_cast %swap3A_638 : vector<1x16xf32> to vector<16xf32>
        %swap3A_640 = vector.shape_cast %get3A_635 : vector<16xf32> to vector<1x16xf32>
        tpu.vector_store %arg8[%swap3A_636, %swap3A_637], %swap3A_640 {add = true, strides = array<i32>} : memref<40x768xf32, #tpu.memory_space<vmem>>, vector<1x16xf32>,
        %get3A_641 = arith.index_cast %scan3A_551 : i32 to index
        %get3A_642 = arith.constant 160 : index
        %get3A_643 = tpu.vector_load %arg7[%get3A_641, %get3A_642] {strides = array<i32>} : memref<40x768xf32, #tpu.memory_space<vmem>>, vector<1x16xf32>,
        %get3A_644 = vector.shape_cast %get3A_643 : vector<1x16xf32> to vector<16xf32>
        %swap3A_645 = arith.index_cast %scan3A_551 : i32 to index
        %swap3A_646 = arith.constant 160 : index
        %swap3A_647 = tpu.vector_load %arg8[%swap3A_645, %swap3A_646] {strides = array<i32>} : memref<40x768xf32, #tpu.memory_space<vmem>>, vector<1x16xf32>,
        %swap3A_648 = vector.shape_cast %swap3A_647 : vector<1x16xf32> to vector<16xf32>
        %swap3A_649 = vector.shape_cast %get3A_644 : vector<16xf32> to vector<1x16xf32>
        tpu.vector_store %arg8[%swap3A_645, %swap3A_646], %swap3A_649 {add = true, strides = array<i32>} : memref<40x768xf32, #tpu.memory_space<vmem>>, vector<1x16xf32>,
        %get3A_650 = arith.index_cast %scan3A_551 : i32 to index
        %get3A_651 = arith.constant 176 : index
        %get3A_652 = tpu.vector_load %arg7[%get3A_650, %get3A_651] {strides = array<i32>} : memref<40x768xf32, #tpu.memory_space<vmem>>, vector<1x16xf32>,
        %get3A_653 = vector.shape_cast %get3A_652 : vector<1x16xf32> to vector<16xf32>
        %swap3A_654 = arith.index_cast %scan3A_551 : i32 to index
        %swap3A_655 = arith.constant 176 : index
        %swap3A_656 = tpu.vector_load %arg8[%swap3A_654, %swap3A_655] {strides = array<i32>} : memref<40x768xf32, #tpu.memory_space<vmem>>, vector<1x16xf32>,
        %swap3A_657 = vector.shape_cast %swap3A_656 : vector<1x16xf32> to vector<16xf32>
        %swap3A_658 = vector.shape_cast %get3A_653 : vector<16xf32> to vector<1x16xf32>
        tpu.vector_store %arg8[%swap3A_654, %swap3A_655], %swap3A_658 {add = true, strides = array<i32>} : memref<40x768xf32, #tpu.memory_space<vmem>>, vector<1x16xf32>,
        %get3A_659 = arith.index_cast %scan3A_551 : i32 to index
        %get3A_660 = arith.constant 192 : index
        %get3A_661 = tpu.vector_load %arg7[%get3A_659, %get3A_660] {strides = array<i32>} : memref<40x768xf32, #tpu.memory_space<vmem>>, vector<1x16xf32>,
        %get3A_662 = vector.shape_cast %get3A_661 : vector<1x16xf32> to vector<16xf32>
        %swap3A_663 = arith.index_cast %scan3A_551 : i32 to index
        %swap3A_664 = arith.constant 192 : index
        %swap3A_665 = tpu.vector_load %arg8[%swap3A_663, %swap3A_664] {strides = array<i32>} : memref<40x768xf32, #tpu.memory_space<vmem>>, vector<1x16xf32>,
        %swap3A_666 = vector.shape_cast %swap3A_665 : vector<1x16xf32> to vector<16xf32>
        %swap3A_667 = vector.shape_cast %get3A_662 : vector<16xf32> to vector<1x16xf32>
        tpu.vector_store %arg8[%swap3A_663, %swap3A_664], %swap3A_667 {add = true, strides = array<i32>} : memref<40x768xf32, #tpu.memory_space<vmem>>, vector<1x16xf32>,
        %get3A_668 = arith.index_cast %scan3A_551 : i32 to index
        %get3A_669 = arith.constant 208 : index
        %get3A_670 = tpu.vector_load %arg7[%get3A_668, %get3A_669] {strides = array<i32>} : memref<40x768xf32, #tpu.memory_space<vmem>>, vector<1x16xf32>,
        %get3A_671 = vector.shape_cast %get3A_670 : vector<1x16xf32> to vector<16xf32>
        %swap3A_672 = arith.index_cast %scan3A_551 : i32 to index
        %swap3A_673 = arith.constant 208 : index
        %swap3A_674 = tpu.vector_load %arg8[%swap3A_672, %swap3A_673] {strides = array<i32>} : memref<40x768xf32, #tpu.memory_space<vmem>>, vector<1x16xf32>,
        %swap3A_675 = vector.shape_cast %swap3A_674 : vector<1x16xf32> to vector<16xf32>
        %swap3A_676 = vector.shape_cast %get3A_671 : vector<16xf32> to vector<1x16xf32>
        tpu.vector_store %arg8[%swap3A_672, %swap3A_673], %swap3A_676 {add = true, strides = array<i32>} : memref<40x768xf32, #tpu.memory_space<vmem>>, vector<1x16xf32>,
        %get3A_677 = arith.index_cast %scan3A_551 : i32 to index
        %get3A_678 = arith.constant 224 : index
        %get3A_679 = tpu.vector_load %arg7[%get3A_677, %get3A_678] {strides = array<i32>} : memref<40x768xf32, #tpu.memory_space<vmem>>, vector<1x16xf32>,
        %get3A_680 = vector.shape_cast %get3A_679 : vector<1x16xf32> to vector<16xf32>
        %swap3A_681 = arith.index_cast %scan3A_551 : i32 to index
        %swap3A_682 = arith.constant 224 : index
        %swap3A_683 = tpu.vector_load %arg8[%swap3A_681, %swap3A_682] {strides = array<i32>} : memref<40x768xf32, #tpu.memory_space<vmem>>, vector<1x16xf32>,
        %swap3A_684 = vector.shape_cast %swap3A_683 : vector<1x16xf32> to vector<16xf32>
        %swap3A_685 = vector.shape_cast %get3A_680 : vector<16xf32> to vector<1x16xf32>
        tpu.vector_store %arg8[%swap3A_681, %swap3A_682], %swap3A_685 {add = true, strides = array<i32>} : memref<40x768xf32, #tpu.memory_space<vmem>>, vector<1x16xf32>,
        %get3A_686 = arith.index_cast %scan3A_551 : i32 to index
        %get3A_687 = arith.constant 240 : index
        %get3A_688 = tpu.vector_load %arg7[%get3A_686, %get3A_687] {strides = array<i32>} : memref<40x768xf32, #tpu.memory_space<vmem>>, vector<1x16xf32>,
        %get3A_689 = vector.shape_cast %get3A_688 : vector<1x16xf32> to vector<16xf32>
        %swap3A_690 = arith.index_cast %scan3A_551 : i32 to index
        %swap3A_691 = arith.constant 240 : index
        %swap3A_692 = tpu.vector_load %arg8[%swap3A_690, %swap3A_691] {strides = array<i32>} : memref<40x768xf32, #tpu.memory_space<vmem>>, vector<1x16xf32>,
        %swap3A_693 = vector.shape_cast %swap3A_692 : vector<1x16xf32> to vector<16xf32>
        %swap3A_694 = vector.shape_cast %get3A_689 : vector<16xf32> to vector<1x16xf32>
        tpu.vector_store %arg8[%swap3A_690, %swap3A_691], %swap3A_694 {add = true, strides = array<i32>} : memref<40x768xf32, #tpu.memory_space<vmem>>, vector<1x16xf32>,
        %get3A_695 = arith.index_cast %scan3A_551 : i32 to index
        %get3A_696 = arith.constant 256 : index
        %get3A_697 = tpu.vector_load %arg7[%get3A_695, %get3A_696] {strides = array<i32>} : memref<40x768xf32, #tpu.memory_space<vmem>>, vector<1x16xf32>,
        %get3A_698 = vector.shape_cast %get3A_697 : vector<1x16xf32> to vector<16xf32>
        %swap3A_699 = arith.index_cast %scan3A_551 : i32 to index
        %swap3A_700 = arith.constant 256 : index
        %swap3A_701 = tpu.vector_load %arg8[%swap3A_699, %swap3A_700] {strides = array<i32>} : memref<40x768xf32, #tpu.memory_space<vmem>>, vector<1x16xf32>,
        %swap3A_702 = vector.shape_cast %swap3A_701 : vector<1x16xf32> to vector<16xf32>
        %swap3A_703 = vector.shape_cast %get3A_698 : vector<16xf32> to vector<1x16xf32>
        tpu.vector_store %arg8[%swap3A_699, %swap3A_700], %swap3A_703 {add = true, strides = array<i32>} : memref<40x768xf32, #tpu.memory_space<vmem>>, vector<1x16xf32>,
        %get3A_704 = arith.index_cast %scan3A_551 : i32 to index
        %get3A_705 = arith.constant 272 : index
        %get3A_706 = tpu.vector_load %arg7[%get3A_704, %get3A_705] {strides = array<i32>} : memref<40x768xf32, #tpu.memory_space<vmem>>, vector<1x16xf32>,
        %get3A_707 = vector.shape_cast %get3A_706 : vector<1x16xf32> to vector<16xf32>
        %swap3A_708 = arith.index_cast %scan3A_551 : i32 to index
        %swap3A_709 = arith.constant 272 : index
        %swap3A_710 = tpu.vector_load %arg8[%swap3A_708, %swap3A_709] {strides = array<i32>} : memref<40x768xf32, #tpu.memory_space<vmem>>, vector<1x16xf32>,
        %swap3A_711 = vector.shape_cast %swap3A_710 : vector<1x16xf32> to vector<16xf32>
        %swap3A_712 = vector.shape_cast %get3A_707 : vector<16xf32> to vector<1x16xf32>
        tpu.vector_store %arg8[%swap3A_708, %swap3A_709], %swap3A_712 {add = true, strides = array<i32>} : memref<40x768xf32, #tpu.memory_space<vmem>>, vector<1x16xf32>,
        %get3A_713 = arith.index_cast %scan3A_551 : i32 to index
        %get3A_714 = arith.constant 288 : index
        %get3A_715 = tpu.vector_load %arg7[%get3A_713, %get3A_714] {strides = array<i32>} : memref<40x768xf32, #tpu.memory_space<vmem>>, vector<1x16xf32>,
        %get3A_716 = vector.shape_cast %get3A_715 : vector<1x16xf32> to vector<16xf32>
        %swap3A_717 = arith.index_cast %scan3A_551 : i32 to index
        %swap3A_718 = arith.constant 288 : index
        %swap3A_719 = tpu.vector_load %arg8[%swap3A_717, %swap3A_718] {strides = array<i32>} : memref<40x768xf32, #tpu.memory_space<vmem>>, vector<1x16xf32>,
        %swap3A_720 = vector.shape_cast %swap3A_719 : vector<1x16xf32> to vector<16xf32>
        %swap3A_721 = vector.shape_cast %get3A_716 : vector<16xf32> to vector<1x16xf32>
        tpu.vector_store %arg8[%swap3A_717, %swap3A_718], %swap3A_721 {add = true, strides = array<i32>} : memref<40x768xf32, #tpu.memory_space<vmem>>, vector<1x16xf32>,
        %get3A_722 = arith.index_cast %scan3A_551 : i32 to index
        %get3A_723 = arith.constant 304 : index
        %get3A_724 = tpu.vector_load %arg7[%get3A_722, %get3A_723] {strides = array<i32>} : memref<40x768xf32, #tpu.memory_space<vmem>>, vector<1x16xf32>,
        %get3A_725 = vector.shape_cast %get3A_724 : vector<1x16xf32> to vector<16xf32>
        %swap3A_726 = arith.index_cast %scan3A_551 : i32 to index
        %swap3A_727 = arith.constant 304 : index
        %swap3A_728 = tpu.vector_load %arg8[%swap3A_726, %swap3A_727] {strides = array<i32>} : memref<40x768xf32, #tpu.memory_space<vmem>>, vector<1x16xf32>,
        %swap3A_729 = vector.shape_cast %swap3A_728 : vector<1x16xf32> to vector<16xf32>
        %swap3A_730 = vector.shape_cast %get3A_725 : vector<16xf32> to vector<1x16xf32>
        tpu.vector_store %arg8[%swap3A_726, %swap3A_727], %swap3A_730 {add = true, strides = array<i32>} : memref<40x768xf32, #tpu.memory_space<vmem>>, vector<1x16xf32>,
        %get3A_731 = arith.index_cast %scan3A_551 : i32 to index
        %get3A_732 = arith.constant 320 : index
        %get3A_733 = tpu.vector_load %arg7[%get3A_731, %get3A_732] {strides = array<i32>} : memref<40x768xf32, #tpu.memory_space<vmem>>, vector<1x16xf32>,
        %get3A_734 = vector.shape_cast %get3A_733 : vector<1x16xf32> to vector<16xf32>
        %swap3A_735 = arith.index_cast %scan3A_551 : i32 to index
        %swap3A_736 = arith.constant 320 : index
        %swap3A_737 = tpu.vector_load %arg8[%swap3A_735, %swap3A_736] {strides = array<i32>} : memref<40x768xf32, #tpu.memory_space<vmem>>, vector<1x16xf32>,
        %swap3A_738 = vector.shape_cast %swap3A_737 : vector<1x16xf32> to vector<16xf32>
        %swap3A_739 = vector.shape_cast %get3A_734 : vector<16xf32> to vector<1x16xf32>
        tpu.vector_store %arg8[%swap3A_735, %swap3A_736], %swap3A_739 {add = true, strides = array<i32>} : memref<40x768xf32, #tpu.memory_space<vmem>>, vector<1x16xf32>,
        %get3A_740 = arith.index_cast %scan3A_551 : i32 to index
        %get3A_741 = arith.constant 336 : index
        %get3A_742 = tpu.vector_load %arg7[%get3A_740, %get3A_741] {strides = array<i32>} : memref<40x768xf32, #tpu.memory_space<vmem>>, vector<1x16xf32>,
        %get3A_743 = vector.shape_cast %get3A_742 : vector<1x16xf32> to vector<16xf32>
        %swap3A_744 = arith.index_cast %scan3A_551 : i32 to index
        %swap3A_745 = arith.constant 336 : index
        %swap3A_746 = tpu.vector_load %arg8[%swap3A_744, %swap3A_745] {strides = array<i32>} : memref<40x768xf32, #tpu.memory_space<vmem>>, vector<1x16xf32>,
        %swap3A_747 = vector.shape_cast %swap3A_746 : vector<1x16xf32> to vector<16xf32>
        %swap3A_748 = vector.shape_cast %get3A_743 : vector<16xf32> to vector<1x16xf32>
        tpu.vector_store %arg8[%swap3A_744, %swap3A_745], %swap3A_748 {add = true, strides = array<i32>} : memref<40x768xf32, #tpu.memory_space<vmem>>, vector<1x16xf32>,
        %get3A_749 = arith.index_cast %scan3A_551 : i32 to index
        %get3A_750 = arith.constant 352 : index
        %get3A_751 = tpu.vector_load %arg7[%get3A_749, %get3A_750] {strides = array<i32>} : memref<40x768xf32, #tpu.memory_space<vmem>>, vector<1x16xf32>,
        %get3A_752 = vector.shape_cast %get3A_751 : vector<1x16xf32> to vector<16xf32>
        %swap3A_753 = arith.index_cast %scan3A_551 : i32 to index
        %swap3A_754 = arith.constant 352 : index
        %swap3A_755 = tpu.vector_load %arg8[%swap3A_753, %swap3A_754] {strides = array<i32>} : memref<40x768xf32, #tpu.memory_space<vmem>>, vector<1x16xf32>,
        %swap3A_756 = vector.shape_cast %swap3A_755 : vector<1x16xf32> to vector<16xf32>
        %swap3A_757 = vector.shape_cast %get3A_752 : vector<16xf32> to vector<1x16xf32>
        tpu.vector_store %arg8[%swap3A_753, %swap3A_754], %swap3A_757 {add = true, strides = array<i32>} : memref<40x768xf32, #tpu.memory_space<vmem>>, vector<1x16xf32>,
        %get3A_758 = arith.index_cast %scan3A_551 : i32 to index
        %get3A_759 = arith.constant 368 : index
        %get3A_760 = tpu.vector_load %arg7[%get3A_758, %get3A_759] {strides = array<i32>} : memref<40x768xf32, #tpu.memory_space<vmem>>, vector<1x16xf32>,
        %get3A_761 = vector.shape_cast %get3A_760 : vector<1x16xf32> to vector<16xf32>
        %swap3A_762 = arith.index_cast %scan3A_551 : i32 to index
        %swap3A_763 = arith.constant 368 : index
        %swap3A_764 = tpu.vector_load %arg8[%swap3A_762, %swap3A_763] {strides = array<i32>} : memref<40x768xf32, #tpu.memory_space<vmem>>, vector<1x16xf32>,
        %swap3A_765 = vector.shape_cast %swap3A_764 : vector<1x16xf32> to vector<16xf32>
        %swap3A_766 = vector.shape_cast %get3A_761 : vector<16xf32> to vector<1x16xf32>
        tpu.vector_store %arg8[%swap3A_762, %swap3A_763], %swap3A_766 {add = true, strides = array<i32>} : memref<40x768xf32, #tpu.memory_space<vmem>>, vector<1x16xf32>,
        %get3A_767 = arith.index_cast %scan3A_551 : i32 to index
        %get3A_768 = arith.constant 384 : index
        %get3A_769 = tpu.vector_load %arg7[%get3A_767, %get3A_768] {strides = array<i32>} : memref<40x768xf32, #tpu.memory_space<vmem>>, vector<1x16xf32>,
        %get3A_770 = vector.shape_cast %get3A_769 : vector<1x16xf32> to vector<16xf32>
        %swap3A_771 = arith.index_cast %scan3A_551 : i32 to index
        %swap3A_772 = arith.constant 384 : index
        %swap3A_773 = tpu.vector_load %arg8[%swap3A_771, %swap3A_772] {strides = array<i32>} : memref<40x768xf32, #tpu.memory_space<vmem>>, vector<1x16xf32>,
        %swap3A_774 = vector.shape_cast %swap3A_773 : vector<1x16xf32> to vector<16xf32>
        %swap3A_775 = vector.shape_cast %get3A_770 : vector<16xf32> to vector<1x16xf32>
        tpu.vector_store %arg8[%swap3A_771, %swap3A_772], %swap3A_775 {add = true, strides = array<i32>} : memref<40x768xf32, #tpu.memory_space<vmem>>, vector<1x16xf32>,
        %get3A_776 = arith.index_cast %scan3A_551 : i32 to index
        %get3A_777 = arith.constant 400 : index
        %get3A_778 = tpu.vector_load %arg7[%get3A_776, %get3A_777] {strides = array<i32>} : memref<40x768xf32, #tpu.memory_space<vmem>>, vector<1x16xf32>,
        %get3A_779 = vector.shape_cast %get3A_778 : vector<1x16xf32> to vector<16xf32>
        %swap3A_780 = arith.index_cast %scan3A_551 : i32 to index
        %swap3A_781 = arith.constant 400 : index
        %swap3A_782 = tpu.vector_load %arg8[%swap3A_780, %swap3A_781] {strides = array<i32>} : memref<40x768xf32, #tpu.memory_space<vmem>>, vector<1x16xf32>,
        %swap3A_783 = vector.shape_cast %swap3A_782 : vector<1x16xf32> to vector<16xf32>
        %swap3A_784 = vector.shape_cast %get3A_779 : vector<16xf32> to vector<1x16xf32>
        tpu.vector_store %arg8[%swap3A_780, %swap3A_781], %swap3A_784 {add = true, strides = array<i32>} : memref<40x768xf32, #tpu.memory_space<vmem>>, vector<1x16xf32>,
        %get3A_785 = arith.index_cast %scan3A_551 : i32 to index
        %get3A_786 = arith.constant 416 : index
        %get3A_787 = tpu.vector_load %arg7[%get3A_785, %get3A_786] {strides = array<i32>} : memref<40x768xf32, #tpu.memory_space<vmem>>, vector<1x16xf32>,
        %get3A_788 = vector.shape_cast %get3A_787 : vector<1x16xf32> to vector<16xf32>
        %swap3A_789 = arith.index_cast %scan3A_551 : i32 to index
        %swap3A_790 = arith.constant 416 : index
        %swap3A_791 = tpu.vector_load %arg8[%swap3A_789, %swap3A_790] {strides = array<i32>} : memref<40x768xf32, #tpu.memory_space<vmem>>, vector<1x16xf32>,
        %swap3A_792 = vector.shape_cast %swap3A_791 : vector<1x16xf32> to vector<16xf32>
        %swap3A_793 = vector.shape_cast %get3A_788 : vector<16xf32> to vector<1x16xf32>
        tpu.vector_store %arg8[%swap3A_789, %swap3A_790], %swap3A_793 {add = true, strides = array<i32>} : memref<40x768xf32, #tpu.memory_space<vmem>>, vector<1x16xf32>,
        %get3A_794 = arith.index_cast %scan3A_551 : i32 to index
        %get3A_795 = arith.constant 432 : index
        %get3A_796 = tpu.vector_load %arg7[%get3A_794, %get3A_795] {strides = array<i32>} : memref<40x768xf32, #tpu.memory_space<vmem>>, vector<1x16xf32>,
        %get3A_797 = vector.shape_cast %get3A_796 : vector<1x16xf32> to vector<16xf32>
        %swap3A_798 = arith.index_cast %scan3A_551 : i32 to index
        %swap3A_799 = arith.constant 432 : index
        %swap3A_800 = tpu.vector_load %arg8[%swap3A_798, %swap3A_799] {strides = array<i32>} : memref<40x768xf32, #tpu.memory_space<vmem>>, vector<1x16xf32>,
        %swap3A_801 = vector.shape_cast %swap3A_800 : vector<1x16xf32> to vector<16xf32>
        %swap3A_802 = vector.shape_cast %get3A_797 : vector<16xf32> to vector<1x16xf32>
        tpu.vector_store %arg8[%swap3A_798, %swap3A_799], %swap3A_802 {add = true, strides = array<i32>} : memref<40x768xf32, #tpu.memory_space<vmem>>, vector<1x16xf32>,
        %get3A_803 = arith.index_cast %scan3A_551 : i32 to index
        %get3A_804 = arith.constant 448 : index
        %get3A_805 = tpu.vector_load %arg7[%get3A_803, %get3A_804] {strides = array<i32>} : memref<40x768xf32, #tpu.memory_space<vmem>>, vector<1x16xf32>,
        %get3A_806 = vector.shape_cast %get3A_805 : vector<1x16xf32> to vector<16xf32>
        %swap3A_807 = arith.index_cast %scan3A_551 : i32 to index
        %swap3A_808 = arith.constant 448 : index
        %swap3A_809 = tpu.vector_load %arg8[%swap3A_807, %swap3A_808] {strides = array<i32>} : memref<40x768xf32, #tpu.memory_space<vmem>>, vector<1x16xf32>,
        %swap3A_810 = vector.shape_cast %swap3A_809 : vector<1x16xf32> to vector<16xf32>
        %swap3A_811 = vector.shape_cast %get3A_806 : vector<16xf32> to vector<1x16xf32>
        tpu.vector_store %arg8[%swap3A_807, %swap3A_808], %swap3A_811 {add = true, strides = array<i32>} : memref<40x768xf32, #tpu.memory_space<vmem>>, vector<1x16xf32>,
        %get3A_812 = arith.index_cast %scan3A_551 : i32 to index
        %get3A_813 = arith.constant 464 : index
        %get3A_814 = tpu.vector_load %arg7[%get3A_812, %get3A_813] {strides = array<i32>} : memref<40x768xf32, #tpu.memory_space<vmem>>, vector<1x16xf32>,
        %get3A_815 = vector.shape_cast %get3A_814 : vector<1x16xf32> to vector<16xf32>
        %swap3A_816 = arith.index_cast %scan3A_551 : i32 to index
        %swap3A_817 = arith.constant 464 : index
        %swap3A_818 = tpu.vector_load %arg8[%swap3A_816, %swap3A_817] {strides = array<i32>} : memref<40x768xf32, #tpu.memory_space<vmem>>, vector<1x16xf32>,
        %swap3A_819 = vector.shape_cast %swap3A_818 : vector<1x16xf32> to vector<16xf32>
        %swap3A_820 = vector.shape_cast %get3A_815 : vector<16xf32> to vector<1x16xf32>
        tpu.vector_store %arg8[%swap3A_816, %swap3A_817], %swap3A_820 {add = true, strides = array<i32>} : memref<40x768xf32, #tpu.memory_space<vmem>>, vector<1x16xf32>,
        %get3A_821 = arith.index_cast %scan3A_551 : i32 to index
        %get3A_822 = arith.constant 480 : index
        %get3A_823 = tpu.vector_load %arg7[%get3A_821, %get3A_822] {strides = array<i32>} : memref<40x768xf32, #tpu.memory_space<vmem>>, vector<1x16xf32>,
        %get3A_824 = vector.shape_cast %get3A_823 : vector<1x16xf32> to vector<16xf32>
        %swap3A_825 = arith.index_cast %scan3A_551 : i32 to index
        %swap3A_826 = arith.constant 480 : index
        %swap3A_827 = tpu.vector_load %arg8[%swap3A_825, %swap3A_826] {strides = array<i32>} : memref<40x768xf32, #tpu.memory_space<vmem>>, vector<1x16xf32>,
        %swap3A_828 = vector.shape_cast %swap3A_827 : vector<1x16xf32> to vector<16xf32>
        %swap3A_829 = vector.shape_cast %get3A_824 : vector<16xf32> to vector<1x16xf32>
        tpu.vector_store %arg8[%swap3A_825, %swap3A_826], %swap3A_829 {add = true, strides = array<i32>} : memref<40x768xf32, #tpu.memory_space<vmem>>, vector<1x16xf32>,
        %get3A_830 = arith.index_cast %scan3A_551 : i32 to index
        %get3A_831 = arith.constant 496 : index
        %get3A_832 = tpu.vector_load %arg7[%get3A_830, %get3A_831] {strides = array<i32>} : memref<40x768xf32, #tpu.memory_space<vmem>>, vector<1x16xf32>,
        %get3A_833 = vector.shape_cast %get3A_832 : vector<1x16xf32> to vector<16xf32>
        %swap3A_834 = arith.index_cast %scan3A_551 : i32 to index
        %swap3A_835 = arith.constant 496 : index
        %swap3A_836 = tpu.vector_load %arg8[%swap3A_834, %swap3A_835] {strides = array<i32>} : memref<40x768xf32, #tpu.memory_space<vmem>>, vector<1x16xf32>,
        %swap3A_837 = vector.shape_cast %swap3A_836 : vector<1x16xf32> to vector<16xf32>
        %swap3A_838 = vector.shape_cast %get3A_833 : vector<16xf32> to vector<1x16xf32>
        tpu.vector_store %arg8[%swap3A_834, %swap3A_835], %swap3A_838 {add = true, strides = array<i32>} : memref<40x768xf32, #tpu.memory_space<vmem>>, vector<1x16xf32>,
        %get3A_839 = arith.index_cast %scan3A_551 : i32 to index
        %get3A_840 = arith.constant 512 : index
        %get3A_841 = tpu.vector_load %arg7[%get3A_839, %get3A_840] {strides = array<i32>} : memref<40x768xf32, #tpu.memory_space<vmem>>, vector<1x16xf32>,
        %get3A_842 = vector.shape_cast %get3A_841 : vector<1x16xf32> to vector<16xf32>
        %swap3A_843 = arith.index_cast %scan3A_551 : i32 to index
        %swap3A_844 = arith.constant 512 : index
        %swap3A_845 = tpu.vector_load %arg8[%swap3A_843, %swap3A_844] {strides = array<i32>} : memref<40x768xf32, #tpu.memory_space<vmem>>, vector<1x16xf32>,
        %swap3A_846 = vector.shape_cast %swap3A_845 : vector<1x16xf32> to vector<16xf32>
        %swap3A_847 = vector.shape_cast %get3A_842 : vector<16xf32> to vector<1x16xf32>
        tpu.vector_store %arg8[%swap3A_843, %swap3A_844], %swap3A_847 {add = true, strides = array<i32>} : memref<40x768xf32, #tpu.memory_space<vmem>>, vector<1x16xf32>,
        %get3A_848 = arith.index_cast %scan3A_551 : i32 to index
        %get3A_849 = arith.constant 528 : index
        %get3A_850 = tpu.vector_load %arg7[%get3A_848, %get3A_849] {strides = array<i32>} : memref<40x768xf32, #tpu.memory_space<vmem>>, vector<1x16xf32>,
        %get3A_851 = vector.shape_cast %get3A_850 : vector<1x16xf32> to vector<16xf32>
        %swap3A_852 = arith.index_cast %scan3A_551 : i32 to index
        %swap3A_853 = arith.constant 528 : index
        %swap3A_854 = tpu.vector_load %arg8[%swap3A_852, %swap3A_853] {strides = array<i32>} : memref<40x768xf32, #tpu.memory_space<vmem>>, vector<1x16xf32>,
        %swap3A_855 = vector.shape_cast %swap3A_854 : vector<1x16xf32> to vector<16xf32>
        %swap3A_856 = vector.shape_cast %get3A_851 : vector<16xf32> to vector<1x16xf32>
        tpu.vector_store %arg8[%swap3A_852, %swap3A_853], %swap3A_856 {add = true, strides = array<i32>} : memref<40x768xf32, #tpu.memory_space<vmem>>, vector<1x16xf32>,
        %get3A_857 = arith.index_cast %scan3A_551 : i32 to index
        %get3A_858 = arith.constant 544 : index
        %get3A_859 = tpu.vector_load %arg7[%get3A_857, %get3A_858] {strides = array<i32>} : memref<40x768xf32, #tpu.memory_space<vmem>>, vector<1x16xf32>,
        %get3A_860 = vector.shape_cast %get3A_859 : vector<1x16xf32> to vector<16xf32>
        %swap3A_861 = arith.index_cast %scan3A_551 : i32 to index
        %swap3A_862 = arith.constant 544 : index
        %swap3A_863 = tpu.vector_load %arg8[%swap3A_861, %swap3A_862] {strides = array<i32>} : memref<40x768xf32, #tpu.memory_space<vmem>>, vector<1x16xf32>,
        %swap3A_864 = vector.shape_cast %swap3A_863 : vector<1x16xf32> to vector<16xf32>
        %swap3A_865 = vector.shape_cast %get3A_860 : vector<16xf32> to vector<1x16xf32>
        tpu.vector_store %arg8[%swap3A_861, %swap3A_862], %swap3A_865 {add = true, strides = array<i32>} : memref<40x768xf32, #tpu.memory_space<vmem>>, vector<1x16xf32>,
        %get3A_866 = arith.index_cast %scan3A_551 : i32 to index
        %get3A_867 = arith.constant 560 : index
        %get3A_868 = tpu.vector_load %arg7[%get3A_866, %get3A_867] {strides = array<i32>} : memref<40x768xf32, #tpu.memory_space<vmem>>, vector<1x16xf32>,
        %get3A_869 = vector.shape_cast %get3A_868 : vector<1x16xf32> to vector<16xf32>
        %swap3A_870 = arith.index_cast %scan3A_551 : i32 to index
        %swap3A_871 = arith.constant 560 : index
        %swap3A_872 = tpu.vector_load %arg8[%swap3A_870, %swap3A_871] {strides = array<i32>} : memref<40x768xf32, #tpu.memory_space<vmem>>, vector<1x16xf32>,
        %swap3A_873 = vector.shape_cast %swap3A_872 : vector<1x16xf32> to vector<16xf32>
        %swap3A_874 = vector.shape_cast %get3A_869 : vector<16xf32> to vector<1x16xf32>
        tpu.vector_store %arg8[%swap3A_870, %swap3A_871], %swap3A_874 {add = true, strides = array<i32>} : memref<40x768xf32, #tpu.memory_space<vmem>>, vector<1x16xf32>,
        %get3A_875 = arith.index_cast %scan3A_551 : i32 to index
        %get3A_876 = arith.constant 576 : index
        %get3A_877 = tpu.vector_load %arg7[%get3A_875, %get3A_876] {strides = array<i32>} : memref<40x768xf32, #tpu.memory_space<vmem>>, vector<1x16xf32>,
        %get3A_878 = vector.shape_cast %get3A_877 : vector<1x16xf32> to vector<16xf32>
        %swap3A_879 = arith.index_cast %scan3A_551 : i32 to index
        %swap3A_880 = arith.constant 576 : index
        %swap3A_881 = tpu.vector_load %arg8[%swap3A_879, %swap3A_880] {strides = array<i32>} : memref<40x768xf32, #tpu.memory_space<vmem>>, vector<1x16xf32>,
        %swap3A_882 = vector.shape_cast %swap3A_881 : vector<1x16xf32> to vector<16xf32>
        %swap3A_883 = vector.shape_cast %get3A_878 : vector<16xf32> to vector<1x16xf32>
        tpu.vector_store %arg8[%swap3A_879, %swap3A_880], %swap3A_883 {add = true, strides = array<i32>} : memref<40x768xf32, #tpu.memory_space<vmem>>, vector<1x16xf32>,
        %get3A_884 = arith.index_cast %scan3A_551 : i32 to index
        %get3A_885 = arith.constant 592 : index
        %get3A_886 = tpu.vector_load %arg7[%get3A_884, %get3A_885] {strides = array<i32>} : memref<40x768xf32, #tpu.memory_space<vmem>>, vector<1x16xf32>,
        %get3A_887 = vector.shape_cast %get3A_886 : vector<1x16xf32> to vector<16xf32>
        %swap3A_888 = arith.index_cast %scan3A_551 : i32 to index
        %swap3A_889 = arith.constant 592 : index
        %swap3A_890 = tpu.vector_load %arg8[%swap3A_888, %swap3A_889] {strides = array<i32>} : memref<40x768xf32, #tpu.memory_space<vmem>>, vector<1x16xf32>,
        %swap3A_891 = vector.shape_cast %swap3A_890 : vector<1x16xf32> to vector<16xf32>
        %swap3A_892 = vector.shape_cast %get3A_887 : vector<16xf32> to vector<1x16xf32>
        tpu.vector_store %arg8[%swap3A_888, %swap3A_889], %swap3A_892 {add = true, strides = array<i32>} : memref<40x768xf32, #tpu.memory_space<vmem>>, vector<1x16xf32>,
        %get3A_893 = arith.index_cast %scan3A_551 : i32 to index
        %get3A_894 = arith.constant 608 : index
        %get3A_895 = tpu.vector_load %arg7[%get3A_893, %get3A_894] {strides = array<i32>} : memref<40x768xf32, #tpu.memory_space<vmem>>, vector<1x16xf32>,
        %get3A_896 = vector.shape_cast %get3A_895 : vector<1x16xf32> to vector<16xf32>
        %swap3A_897 = arith.index_cast %scan3A_551 : i32 to index
        %swap3A_898 = arith.constant 608 : index
        %swap3A_899 = tpu.vector_load %arg8[%swap3A_897, %swap3A_898] {strides = array<i32>} : memref<40x768xf32, #tpu.memory_space<vmem>>, vector<1x16xf32>,
        %swap3A_900 = vector.shape_cast %swap3A_899 : vector<1x16xf32> to vector<16xf32>
        %swap3A_901 = vector.shape_cast %get3A_896 : vector<16xf32> to vector<1x16xf32>
        tpu.vector_store %arg8[%swap3A_897, %swap3A_898], %swap3A_901 {add = true, strides = array<i32>} : memref<40x768xf32, #tpu.memory_space<vmem>>, vector<1x16xf32>,
        %get3A_902 = arith.index_cast %scan3A_551 : i32 to index
        %get3A_903 = arith.constant 624 : index
        %get3A_904 = tpu.vector_load %arg7[%get3A_902, %get3A_903] {strides = array<i32>} : memref<40x768xf32, #tpu.memory_space<vmem>>, vector<1x16xf32>,
        %get3A_905 = vector.shape_cast %get3A_904 : vector<1x16xf32> to vector<16xf32>
        %swap3A_906 = arith.index_cast %scan3A_551 : i32 to index
        %swap3A_907 = arith.constant 624 : index
        %swap3A_908 = tpu.vector_load %arg8[%swap3A_906, %swap3A_907] {strides = array<i32>} : memref<40x768xf32, #tpu.memory_space<vmem>>, vector<1x16xf32>,
        %swap3A_909 = vector.shape_cast %swap3A_908 : vector<1x16xf32> to vector<16xf32>
        %swap3A_910 = vector.shape_cast %get3A_905 : vector<16xf32> to vector<1x16xf32>
        tpu.vector_store %arg8[%swap3A_906, %swap3A_907], %swap3A_910 {add = true, strides = array<i32>} : memref<40x768xf32, #tpu.memory_space<vmem>>, vector<1x16xf32>,
        %get3A_911 = arith.index_cast %scan3A_551 : i32 to index
        %get3A_912 = arith.constant 640 : index
        %get3A_913 = tpu.vector_load %arg7[%get3A_911, %get3A_912] {strides = array<i32>} : memref<40x768xf32, #tpu.memory_space<vmem>>, vector<1x16xf32>,
        %get3A_914 = vector.shape_cast %get3A_913 : vector<1x16xf32> to vector<16xf32>
        %swap3A_915 = arith.index_cast %scan3A_551 : i32 to index
        %swap3A_916 = arith.constant 640 : index
        %swap3A_917 = tpu.vector_load %arg8[%swap3A_915, %swap3A_916] {strides = array<i32>} : memref<40x768xf32, #tpu.memory_space<vmem>>, vector<1x16xf32>,
        %swap3A_918 = vector.shape_cast %swap3A_917 : vector<1x16xf32> to vector<16xf32>
        %swap3A_919 = vector.shape_cast %get3A_914 : vector<16xf32> to vector<1x16xf32>
        tpu.vector_store %arg8[%swap3A_915, %swap3A_916], %swap3A_919 {add = true, strides = array<i32>} : memref<40x768xf32, #tpu.memory_space<vmem>>, vector<1x16xf32>,
        %get3A_920 = arith.index_cast %scan3A_551 : i32 to index
        %get3A_921 = arith.constant 656 : index
        %get3A_922 = tpu.vector_load %arg7[%get3A_920, %get3A_921] {strides = array<i32>} : memref<40x768xf32, #tpu.memory_space<vmem>>, vector<1x16xf32>,
        %get3A_923 = vector.shape_cast %get3A_922 : vector<1x16xf32> to vector<16xf32>
        %swap3A_924 = arith.index_cast %scan3A_551 : i32 to index
        %swap3A_925 = arith.constant 656 : index
        %swap3A_926 = tpu.vector_load %arg8[%swap3A_924, %swap3A_925] {strides = array<i32>} : memref<40x768xf32, #tpu.memory_space<vmem>>, vector<1x16xf32>,
        %swap3A_927 = vector.shape_cast %swap3A_926 : vector<1x16xf32> to vector<16xf32>
        %swap3A_928 = vector.shape_cast %get3A_923 : vector<16xf32> to vector<1x16xf32>
        tpu.vector_store %arg8[%swap3A_924, %swap3A_925], %swap3A_928 {add = true, strides = array<i32>} : memref<40x768xf32, #tpu.memory_space<vmem>>, vector<1x16xf32>,
        %get3A_929 = arith.index_cast %scan3A_551 : i32 to index
        %get3A_930 = arith.constant 672 : index
        %get3A_931 = tpu.vector_load %arg7[%get3A_929, %get3A_930] {strides = array<i32>} : memref<40x768xf32, #tpu.memory_space<vmem>>, vector<1x16xf32>,
        %get3A_932 = vector.shape_cast %get3A_931 : vector<1x16xf32> to vector<16xf32>
        %swap3A_933 = arith.index_cast %scan3A_551 : i32 to index
        %swap3A_934 = arith.constant 672 : index
        %swap3A_935 = tpu.vector_load %arg8[%swap3A_933, %swap3A_934] {strides = array<i32>} : memref<40x768xf32, #tpu.memory_space<vmem>>, vector<1x16xf32>,
        %swap3A_936 = vector.shape_cast %swap3A_935 : vector<1x16xf32> to vector<16xf32>
        %swap3A_937 = vector.shape_cast %get3A_932 : vector<16xf32> to vector<1x16xf32>
        tpu.vector_store %arg8[%swap3A_933, %swap3A_934], %swap3A_937 {add = true, strides = array<i32>} : memref<40x768xf32, #tpu.memory_space<vmem>>, vector<1x16xf32>,
        %get3A_938 = arith.index_cast %scan3A_551 : i32 to index
        %get3A_939 = arith.constant 688 : index
        %get3A_940 = tpu.vector_load %arg7[%get3A_938, %get3A_939] {strides = array<i32>} : memref<40x768xf32, #tpu.memory_space<vmem>>, vector<1x16xf32>,
        %get3A_941 = vector.shape_cast %get3A_940 : vector<1x16xf32> to vector<16xf32>
        %swap3A_942 = arith.index_cast %scan3A_551 : i32 to index
        %swap3A_943 = arith.constant 688 : index
        %swap3A_944 = tpu.vector_load %arg8[%swap3A_942, %swap3A_943] {strides = array<i32>} : memref<40x768xf32, #tpu.memory_space<vmem>>, vector<1x16xf32>,
        %swap3A_945 = vector.shape_cast %swap3A_944 : vector<1x16xf32> to vector<16xf32>
        %swap3A_946 = vector.shape_cast %get3A_941 : vector<16xf32> to vector<1x16xf32>
        tpu.vector_store %arg8[%swap3A_942, %swap3A_943], %swap3A_946 {add = true, strides = array<i32>} : memref<40x768xf32, #tpu.memory_space<vmem>>, vector<1x16xf32>,
        %get3A_947 = arith.index_cast %scan3A_551 : i32 to index
        %get3A_948 = arith.constant 704 : index
        %get3A_949 = tpu.vector_load %arg7[%get3A_947, %get3A_948] {strides = array<i32>} : memref<40x768xf32, #tpu.memory_space<vmem>>, vector<1x16xf32>,
        %get3A_950 = vector.shape_cast %get3A_949 : vector<1x16xf32> to vector<16xf32>
        %swap3A_951 = arith.index_cast %scan3A_551 : i32 to index
        %swap3A_952 = arith.constant 704 : index
        %swap3A_953 = tpu.vector_load %arg8[%swap3A_951, %swap3A_952] {strides = array<i32>} : memref<40x768xf32, #tpu.memory_space<vmem>>, vector<1x16xf32>,
        %swap3A_954 = vector.shape_cast %swap3A_953 : vector<1x16xf32> to vector<16xf32>
        %swap3A_955 = vector.shape_cast %get3A_950 : vector<16xf32> to vector<1x16xf32>
        tpu.vector_store %arg8[%swap3A_951, %swap3A_952], %swap3A_955 {add = true, strides = array<i32>} : memref<40x768xf32, #tpu.memory_space<vmem>>, vector<1x16xf32>,
        %get3A_956 = arith.index_cast %scan3A_551 : i32 to index
        %get3A_957 = arith.constant 720 : index
        %get3A_958 = tpu.vector_load %arg7[%get3A_956, %get3A_957] {strides = array<i32>} : memref<40x768xf32, #tpu.memory_space<vmem>>, vector<1x16xf32>,
        %get3A_959 = vector.shape_cast %get3A_958 : vector<1x16xf32> to vector<16xf32>
        %swap3A_960 = arith.index_cast %scan3A_551 : i32 to index
        %swap3A_961 = arith.constant 720 : index
        %swap3A_962 = tpu.vector_load %arg8[%swap3A_960, %swap3A_961] {strides = array<i32>} : memref<40x768xf32, #tpu.memory_space<vmem>>, vector<1x16xf32>,
        %swap3A_963 = vector.shape_cast %swap3A_962 : vector<1x16xf32> to vector<16xf32>
        %swap3A_964 = vector.shape_cast %get3A_959 : vector<16xf32> to vector<1x16xf32>
        tpu.vector_store %arg8[%swap3A_960, %swap3A_961], %swap3A_964 {add = true, strides = array<i32>} : memref<40x768xf32, #tpu.memory_space<vmem>>, vector<1x16xf32>,
        %get3A_965 = arith.index_cast %scan3A_551 : i32 to index
        %get3A_966 = arith.constant 736 : index
        %get3A_967 = tpu.vector_load %arg7[%get3A_965, %get3A_966] {strides = array<i32>} : memref<40x768xf32, #tpu.memory_space<vmem>>, vector<1x16xf32>,
        %get3A_968 = vector.shape_cast %get3A_967 : vector<1x16xf32> to vector<16xf32>
        %swap3A_969 = arith.index_cast %scan3A_551 : i32 to index
        %swap3A_970 = arith.constant 736 : index
        %swap3A_971 = tpu.vector_load %arg8[%swap3A_969, %swap3A_970] {strides = array<i32>} : memref<40x768xf32, #tpu.memory_space<vmem>>, vector<1x16xf32>,
        %swap3A_972 = vector.shape_cast %swap3A_971 : vector<1x16xf32> to vector<16xf32>
        %swap3A_973 = vector.shape_cast %get3A_968 : vector<16xf32> to vector<1x16xf32>
        tpu.vector_store %arg8[%swap3A_969, %swap3A_970], %swap3A_973 {add = true, strides = array<i32>} : memref<40x768xf32, #tpu.memory_space<vmem>>, vector<1x16xf32>,
        %get3A_974 = arith.index_cast %scan3A_551 : i32 to index
        %get3A_975 = arith.constant 752 : index
        %get3A_976 = tpu.vector_load %arg7[%get3A_974, %get3A_975] {strides = array<i32>} : memref<40x768xf32, #tpu.memory_space<vmem>>, vector<1x16xf32>,
        %get3A_977 = vector.shape_cast %get3A_976 : vector<1x16xf32> to vector<16xf32>
        %swap3A_978 = arith.index_cast %scan3A_551 : i32 to index
        %swap3A_979 = arith.constant 752 : index
        %swap3A_980 = tpu.vector_load %arg8[%swap3A_978, %swap3A_979] {strides = array<i32>} : memref<40x768xf32, #tpu.memory_space<vmem>>, vector<1x16xf32>,
        %swap3A_981 = vector.shape_cast %swap3A_980 : vector<1x16xf32> to vector<16xf32>
        %swap3A_982 = vector.shape_cast %get3A_977 : vector<16xf32> to vector<1x16xf32>
        tpu.vector_store %arg8[%swap3A_978, %swap3A_979], %swap3A_982 {add = true, strides = array<i32>} : memref<40x768xf32, #tpu.memory_space<vmem>>, vector<1x16xf32>,
        %scan3A_983 = arith.constant 0 : i32
        scf.yield %scan3A_983 : i32
      }
      %scan3A_246 = arith.constant 40 : i32
      %jit3A_247 = arith.constant 32 : i32
      %div3A_248 = arith.divsi %mul3A_154, %jit3A_247 : i32
      %sign3A_249 = arith.constant 0 : i32
      %sign3A_250 = arith.cmpi sgt, %mul3A_154, %sign3A_249 : i32
      %sign3A_251 = arith.extui %sign3A_250 : i1 to i32
      %sign3A_252 = arith.constant 0 : i32
      %sign3A_253 = arith.cmpi slt, %mul3A_154, %sign3A_252 : i32
      %sign3A_254 = arith.extui %sign3A_253 : i1 to i32
      %sign3A_255 = arith.subi %sign3A_251, %sign3A_254 : i32
      %sign3A_256 = arith.constant 0 : i32
      %sign3A_257 = arith.cmpi sgt, %jit3A_247, %sign3A_256 : i32
      %sign3A_258 = arith.extui %sign3A_257 : i1 to i32
      %sign3A_259 = arith.constant 0 : i32
      %sign3A_260 = arith.cmpi slt, %jit3A_247, %sign3A_259 : i32
      %sign3A_261 = arith.extui %sign3A_260 : i1 to i32
      %sign3A_262 = arith.subi %sign3A_258, %sign3A_261 : i32
      %ne3A_263 = arith.cmpi ne, %sign3A_255, %sign3A_262 : i32
      %rem3A_264 = arith.remsi %mul3A_154, %jit3A_247 : i32
      %ne3A_265 = arith.constant 0 : i32
      %ne3A_266 = arith.cmpi ne, %rem3A_264, %ne3A_265 : i32
      %and3A_267 = arith.andi %ne3A_263, %ne3A_266 : i1
      %sub3A_268 = arith.constant 1 : i32
      %sub3A_269 = arith.subi %div3A_248, %sub3A_268 : i32
      %select_n3A_270 = arith.select %and3A_267, %sub3A_269, %div3A_248 : i32
      %mul3A_271 = arith.constant 32 : i32
      %mul3A_272 = arith.muli %select_n3A_270, %mul3A_271 : i32
      %sub3A_273 = arith.subi %mul3A_154, %mul3A_272 : i32
      %mul3A_274 = arith.constant 200 : i32
      %mul3A_275 = arith.muli %sub3A_273, %mul3A_274 : i32
      %mul3A_276 = arith.constant 40 : i32
      %mul3A_277 = arith.muli %select_n3A_270, %mul3A_276 : i32
      %add3A_278 = arith.addi %mul3A_275, %mul3A_277 : i32
      %add3A_279 = arith.addi %mul3A_4, %add3A_278 : i32
      %dma_start3A_280 = arith.constant 0 : i32
      %dma_start3A_281 = tpu.memref_slice %arg5[%add3A_279, %dma_start3A_280] : memref<204800x768xf32, #tpu.memory_space<hbm>> -> memref<40x768xf32, #tpu.memory_space<hbm>>
      %dma_start3A_282 = arith.constant 0 : i32
      %dma_start3A_283 = tpu.memref_slice %arg5[%add3A_279, %dma_start3A_282] : memref<204800x768xf32, #tpu.memory_space<hbm>> -> memref<40x768xf32, #tpu.memory_space<hbm>>
      tpu.enqueue_dma source(%arg8 : memref<40x768xf32, #tpu.memory_space<vmem>>) target(%dma_start3A_283 : memref<40x768xf32, #tpu.memory_space<hbm>>) target_semaphore(%arg14 : memref<!tpu.dma_semaphore, #tpu.memory_space<semaphore_mem>>)
      %mul3A_284 = arith.constant 3 : i32
      %mul3A_285 = arith.muli %mul3A_284, %scan3A_151 : i32
      %add3A_286 = arith.constant 1 : i32
      %add3A_287 = arith.addi %mul3A_285, %add3A_286 : i32
      %jit3A_288 = arith.constant 32 : i32
      %div3A_289 = arith.divsi %add3A_287, %jit3A_288 : i32
      %sign3A_290 = arith.constant 0 : i32
      %sign3A_291 = arith.cmpi sgt, %add3A_287, %sign3A_290 : i32
      %sign3A_292 = arith.extui %sign3A_291 : i1 to i32
      %sign3A_293 = arith.constant 0 : i32
      %sign3A_294 = arith.cmpi slt, %add3A_287, %sign3A_293 : i32
      %sign3A_295 = arith.extui %sign3A_294 : i1 to i32
      %sign3A_296 = arith.subi %sign3A_292, %sign3A_295 : i32
      %sign3A_297 = arith.constant 0 : i32
      %sign3A_298 = arith.cmpi sgt, %jit3A_288, %sign3A_297 : i32
      %sign3A_299 = arith.extui %sign3A_298 : i1 to i32
      %sign3A_300 = arith.constant 0 : i32
      %sign3A_301 = arith.cmpi slt, %jit3A_288, %sign3A_300 : i32
      %sign3A_302 = arith.extui %sign3A_301 : i1 to i32
      %sign3A_303 = arith.subi %sign3A_299, %sign3A_302 : i32
      %ne3A_304 = arith.cmpi ne, %sign3A_296, %sign3A_303 : i32
      %rem3A_305 = arith.remsi %add3A_287, %jit3A_288 : i32
      %ne3A_306 = arith.constant 0 : i32
      %ne3A_307 = arith.cmpi ne, %rem3A_305, %ne3A_306 : i32
      %and3A_308 = arith.andi %ne3A_304, %ne3A_307 : i1
      %sub3A_309 = arith.constant 1 : i32
      %sub3A_310 = arith.subi %div3A_289, %sub3A_309 : i32
      %select_n3A_311 = arith.select %and3A_308, %sub3A_310, %div3A_289 : i32
      %mul3A_312 = arith.constant 32 : i32
      %mul3A_313 = arith.muli %select_n3A_311, %mul3A_312 : i32
      %sub3A_314 = arith.subi %add3A_287, %mul3A_313 : i32
      %mul3A_315 = arith.constant 200 : i32
      %mul3A_316 = arith.muli %sub3A_314, %mul3A_315 : i32
      %mul3A_317 = arith.constant 40 : i32
      %mul3A_318 = arith.muli %select_n3A_311, %mul3A_317 : i32
      %add3A_319 = arith.addi %mul3A_316, %mul3A_318 : i32
      %eq3A_320 = arith.constant 0 : i32
      %eq3A_321 = arith.cmpi eq, %sub3A_314, %eq3A_320 : i32
      %convert_element_type3A_322 = arith.extui %eq3A_321 : i1 to i32
      %cond3A_323 = arith.constant 0 : i32
      %cond3A_324 = arith.cmpi ne, %convert_element_type3A_322, %cond3A_323 : i32
      scf.if %cond3A_324 {
        %mul3A_551 = arith.constant 40 : i32
        %mul3A_552 = arith.muli %select_n3A_311, %mul3A_551 : i32
        "tpu.region"() ({
          %run_scoped3A = tpu.sem_alloc : memref<!tpu.dma_semaphore, #tpu.memory_space<semaphore_mem>>
          %dma_start3A_553 = arith.constant 0 : i32
          %dma_start3A_554 = tpu.memref_slice %arg4[%mul3A_552, %dma_start3A_553] : memref<512x768xf32, #tpu.memory_space<hbm>> -> memref<40x768xf32, #tpu.memory_space<hbm>>
          %dma_start3A_555 = arith.constant 0 : i32
          %dma_start3A_556 = tpu.memref_slice %arg4[%mul3A_552, %dma_start3A_555] : memref<512x768xf32, #tpu.memory_space<hbm>> -> memref<40x768xf32, #tpu.memory_space<hbm>>
          tpu.enqueue_dma source(%dma_start3A_556 : memref<40x768xf32, #tpu.memory_space<hbm>>) target(%arg7 : memref<40x768xf32, #tpu.memory_space<vmem>>) target_semaphore(%run_scoped3A : memref<!tpu.dma_semaphore, #tpu.memory_space<semaphore_mem>>)
          %dma_wait3A_557 = arith.constant 0 : i32
          %dma_wait3A_558 = tpu.memref_slice %arg4[%mul3A_552, %dma_wait3A_557] : memref<512x768xf32, #tpu.memory_space<hbm>> -> memref<40x768xf32, #tpu.memory_space<hbm>>
          %dma_wait3A_559 = arith.constant 0 : i32
          %dma_wait3A_560 = tpu.memref_slice %arg4[%mul3A_552, %dma_wait3A_559] : memref<512x768xf32, #tpu.memory_space<hbm>> -> memref<40x768xf32, #tpu.memory_space<hbm>>
          tpu.wait_dma2 semaphore(%run_scoped3A : memref<!tpu.dma_semaphore, #tpu.memory_space<semaphore_mem>>) src(%dma_wait3A_560 : memref<40x768xf32, #tpu.memory_space<hbm>>) dst(%arg7 : memref<40x768xf32, #tpu.memory_space<vmem>>)
          tpu.yield
        }) : () -> ()
      } else {
      }
      %ge3A_325 = arith.constant 1 : i32
      %ge3A_326 = arith.cmpi sge, %add3A_287, %ge3A_325 : i32
      %convert_element_type3A_327 = arith.extui %ge3A_326 : i1 to i32
      %cond3A_328 = arith.constant 0 : i32
      %cond3A_329 = arith.cmpi ne, %convert_element_type3A_327, %cond3A_328 : i32
      scf.if %cond3A_329 {
        %sub3A_551 = arith.constant 1 : i32
        %sub3A_552 = arith.subi %add3A_287, %sub3A_551 : i32
        %jit3A_553 = arith.constant 32 : i32
        %div3A_554 = arith.divsi %sub3A_552, %jit3A_553 : i32
        %sign3A_555 = arith.constant 0 : i32
        %sign3A_556 = arith.cmpi sgt, %sub3A_552, %sign3A_555 : i32
        %sign3A_557 = arith.extui %sign3A_556 : i1 to i32
        %sign3A_558 = arith.constant 0 : i32
        %sign3A_559 = arith.cmpi slt, %sub3A_552, %sign3A_558 : i32
        %sign3A_560 = arith.extui %sign3A_559 : i1 to i32
        %sign3A_561 = arith.subi %sign3A_557, %sign3A_560 : i32
        %sign3A_562 = arith.constant 0 : i32
        %sign3A_563 = arith.cmpi sgt, %jit3A_553, %sign3A_562 : i32
        %sign3A_564 = arith.extui %sign3A_563 : i1 to i32
        %sign3A_565 = arith.constant 0 : i32
        %sign3A_566 = arith.cmpi slt, %jit3A_553, %sign3A_565 : i32
        %sign3A_567 = arith.extui %sign3A_566 : i1 to i32
        %sign3A_568 = arith.subi %sign3A_564, %sign3A_567 : i32
        %ne3A_569 = arith.cmpi ne, %sign3A_561, %sign3A_568 : i32
        %rem3A_570 = arith.remsi %sub3A_552, %jit3A_553 : i32
        %ne3A_571 = arith.constant 0 : i32
        %ne3A_572 = arith.cmpi ne, %rem3A_570, %ne3A_571 : i32
        %and3A_573 = arith.andi %ne3A_569, %ne3A_572 : i1
        %sub3A_574 = arith.constant 1 : i32
        %sub3A_575 = arith.subi %div3A_554, %sub3A_574 : i32
        %select_n3A_576 = arith.select %and3A_573, %sub3A_575, %div3A_554 : i32
        %mul3A_577 = arith.constant 32 : i32
        %mul3A_578 = arith.muli %select_n3A_576, %mul3A_577 : i32
        %sub3A_579 = arith.subi %sub3A_552, %mul3A_578 : i32
        %mul3A_580 = arith.constant 200 : i32
        %mul3A_581 = arith.muli %sub3A_579, %mul3A_580 : i32
        %mul3A_582 = arith.constant 40 : i32
        %mul3A_583 = arith.muli %select_n3A_576, %mul3A_582 : i32
        %add3A_584 = arith.addi %mul3A_581, %mul3A_583 : i32
        %add3A_585 = arith.addi %mul3A_4, %add3A_584 : i32
        %dma_wait3A_586 = arith.constant 0 : i32
        %dma_wait3A_587 = tpu.memref_slice %arg5[%add3A_585, %dma_wait3A_586] : memref<204800x768xf32, #tpu.memory_space<hbm>> -> memref<40x768xf32, #tpu.memory_space<hbm>>
        %dma_wait3A_588 = arith.constant 0 : i32
        %dma_wait3A_589 = tpu.memref_slice %arg5[%add3A_585, %dma_wait3A_588] : memref<204800x768xf32, #tpu.memory_space<hbm>> -> memref<40x768xf32, #tpu.memory_space<hbm>>
        tpu.wait_dma2 semaphore(%arg14 : memref<!tpu.dma_semaphore, #tpu.memory_space<semaphore_mem>>) src(%arg8 : memref<40x768xf32, #tpu.memory_space<vmem>>) dst(%dma_wait3A_589 : memref<40x768xf32, #tpu.memory_space<hbm>>)
      } else {
      }
      %add3A_330 = arith.constant 2 : i32
      %add3A_331 = arith.addi %add3A_287, %add3A_330 : i32
      %lt3A_332 = arith.constant 160 : i32
      %lt3A_333 = arith.cmpi slt, %add3A_331, %lt3A_332 : i32
      %convert_element_type3A_334 = arith.extui %lt3A_333 : i1 to i32
      %cond3A_335 = arith.constant 0 : i32
      %cond3A_336 = arith.cmpi ne, %convert_element_type3A_334, %cond3A_335 : i32
      scf.if %cond3A_336 {
        %add3A_551 = arith.constant 2 : i32
        %add3A_552 = arith.addi %add3A_287, %add3A_551 : i32
        %jit3A_553 = arith.constant 32 : i32
        %div3A_554 = arith.divsi %add3A_552, %jit3A_553 : i32
        %sign3A_555 = arith.constant 0 : i32
        %sign3A_556 = arith.cmpi sgt, %add3A_552, %sign3A_555 : i32
        %sign3A_557 = arith.extui %sign3A_556 : i1 to i32
        %sign3A_558 = arith.constant 0 : i32
        %sign3A_559 = arith.cmpi slt, %add3A_552, %sign3A_558 : i32
        %sign3A_560 = arith.extui %sign3A_559 : i1 to i32
        %sign3A_561 = arith.subi %sign3A_557, %sign3A_560 : i32
        %sign3A_562 = arith.constant 0 : i32
        %sign3A_563 = arith.cmpi sgt, %jit3A_553, %sign3A_562 : i32
        %sign3A_564 = arith.extui %sign3A_563 : i1 to i32
        %sign3A_565 = arith.constant 0 : i32
        %sign3A_566 = arith.cmpi slt, %jit3A_553, %sign3A_565 : i32
        %sign3A_567 = arith.extui %sign3A_566 : i1 to i32
        %sign3A_568 = arith.subi %sign3A_564, %sign3A_567 : i32
        %ne3A_569 = arith.cmpi ne, %sign3A_561, %sign3A_568 : i32
        %rem3A_570 = arith.remsi %add3A_552, %jit3A_553 : i32
        %ne3A_571 = arith.constant 0 : i32
        %ne3A_572 = arith.cmpi ne, %rem3A_570, %ne3A_571 : i32
        %and3A_573 = arith.andi %ne3A_569, %ne3A_572 : i1
        %sub3A_574 = arith.constant 1 : i32
        %sub3A_575 = arith.subi %div3A_554, %sub3A_574 : i32
        %select_n3A_576 = arith.select %and3A_573, %sub3A_575, %div3A_554 : i32
        %mul3A_577 = arith.constant 32 : i32
        %mul3A_578 = arith.muli %select_n3A_576, %mul3A_577 : i32
        %sub3A_579 = arith.subi %add3A_552, %mul3A_578 : i32
        %mul3A_580 = arith.constant 200 : i32
        %mul3A_581 = arith.muli %sub3A_579, %mul3A_580 : i32
        %mul3A_582 = arith.constant 40 : i32
        %mul3A_583 = arith.muli %select_n3A_576, %mul3A_582 : i32
        %add3A_584 = arith.addi %mul3A_581, %mul3A_583 : i32
        %dma_start3A_585 = tpu.memref_slice %arg6[%add3A_584] : memref<6400xi32, #tpu.memory_space<vmem>> -> memref<40xi32, #tpu.memory_space<vmem>>
        %dma_start3A_586 = arith.constant 0 : i32
        %dma_start3A_587 = arith.constant 0 : i32
        %dma_start3A_588 = tpu.memref_slice %arg3[%dma_start3A_586, %dma_start3A_587] : memref<100000x768xf32, #tpu.memory_space<hbm>> -> memref<100000x768xf32, #tpu.memory_space<hbm>>
        tpu.enqueue_indirect_dma source(%dma_start3A_588 : memref<100000x768xf32, #tpu.memory_space<hbm>>) target(%arg8 : memref<40x768xf32, #tpu.memory_space<vmem>>) offsets(%dma_start3A_585 : memref<40xi32, #tpu.memory_space<vmem>>) semaphore(%arg11 : memref<!tpu.dma_semaphore, #tpu.memory_space<semaphore_mem>>)
      } else {
      }
      %jit3A_337 = arith.constant 32 : i32
      %div3A_338 = arith.divsi %add3A_287, %jit3A_337 : i32
      %sign3A_339 = arith.constant 0 : i32
      %sign3A_340 = arith.cmpi sgt, %add3A_287, %sign3A_339 : i32
      %sign3A_341 = arith.extui %sign3A_340 : i1 to i32
      %sign3A_342 = arith.constant 0 : i32
      %sign3A_343 = arith.cmpi slt, %add3A_287, %sign3A_342 : i32
      %sign3A_344 = arith.extui %sign3A_343 : i1 to i32
      %sign3A_345 = arith.subi %sign3A_341, %sign3A_344 : i32
      %sign3A_346 = arith.constant 0 : i32
      %sign3A_347 = arith.cmpi sgt, %jit3A_337, %sign3A_346 : i32
      %sign3A_348 = arith.extui %sign3A_347 : i1 to i32
      %sign3A_349 = arith.constant 0 : i32
      %sign3A_350 = arith.cmpi slt, %jit3A_337, %sign3A_349 : i32
      %sign3A_351 = arith.extui %sign3A_350 : i1 to i32
      %sign3A_352 = arith.subi %sign3A_348, %sign3A_351 : i32
      %ne3A_353 = arith.cmpi ne, %sign3A_345, %sign3A_352 : i32
      %rem3A_354 = arith.remsi %add3A_287, %jit3A_337 : i32
      %ne3A_355 = arith.constant 0 : i32
      %ne3A_356 = arith.cmpi ne, %rem3A_354, %ne3A_355 : i32
      %and3A_357 = arith.andi %ne3A_353, %ne3A_356 : i1
      %sub3A_358 = arith.constant 1 : i32
      %sub3A_359 = arith.subi %div3A_338, %sub3A_358 : i32
      %select_n3A_360 = arith.select %and3A_357, %sub3A_359, %div3A_338 : i32
      %mul3A_361 = arith.constant 32 : i32
      %mul3A_362 = arith.muli %select_n3A_360, %mul3A_361 : i32
      %sub3A_363 = arith.subi %add3A_287, %mul3A_362 : i32
      %mul3A_364 = arith.constant 200 : i32
      %mul3A_365 = arith.muli %sub3A_363, %mul3A_364 : i32
      %mul3A_366 = arith.constant 40 : i32
      %mul3A_367 = arith.muli %select_n3A_360, %mul3A_366 : i32
      %add3A_368 = arith.addi %mul3A_365, %mul3A_367 : i32
      %dma_wait3A_369 = tpu.memref_slice %arg6[%add3A_368] : memref<6400xi32, #tpu.memory_space<vmem>> -> memref<40xi32, #tpu.memory_space<vmem>>
      %dma_wait3A_370 = arith.constant 0 : i32
      %dma_wait3A_371 = arith.constant 0 : i32
      %dma_wait3A_372 = tpu.memref_slice %arg3[%dma_wait3A_370, %dma_wait3A_371] : memref<100000x768xf32, #tpu.memory_space<hbm>> -> memref<100000x768xf32, #tpu.memory_space<hbm>>
      tpu.wait_indirect_dma semaphore(%arg12 : memref<!tpu.dma_semaphore, #tpu.memory_space<semaphore_mem>>) src(%dma_wait3A_372 : memref<100000x768xf32, #tpu.memory_space<hbm>>) dst(%arg9 : memref<40x768xf32, #tpu.memory_space<vmem>>)
      %scan3A_373 = arith.constant 0 : i32
      %scan3A_374 = arith.constant 0 : i32
      %scan3A_375 = arith.constant 40 : i32
      %scan3A_376 = arith.addi %scan3A_374, %scan3A_375 : i32
      %scan3A_377 = arith.constant 1 : i32
      %scan3A_378 = scf.for %scan3A_551 = %scan3A_374 to %scan3A_376 step %scan3A_377 iter_args(%scan3A_552 = %scan3A_373) -> (i32)  : i32 {
        %get3A = arith.index_cast %scan3A_551 : i32 to index
        %get3A_553 = arith.constant 0 : index
        %get3A_554 = tpu.vector_load %arg7[%get3A, %get3A_553] {strides = array<i32>} : memref<40x768xf32, #tpu.memory_space<vmem>>, vector<1x16xf32>,
        %get3A_555 = vector.shape_cast %get3A_554 : vector<1x16xf32> to vector<16xf32>
        %swap3A = arith.index_cast %scan3A_551 : i32 to index
        %swap3A_556 = arith.constant 0 : index
        %swap3A_557 = tpu.vector_load %arg9[%swap3A, %swap3A_556] {strides = array<i32>} : memref<40x768xf32, #tpu.memory_space<vmem>>, vector<1x16xf32>,
        %swap3A_558 = vector.shape_cast %swap3A_557 : vector<1x16xf32> to vector<16xf32>
        %swap3A_559 = vector.shape_cast %get3A_555 : vector<16xf32> to vector<1x16xf32>
        tpu.vector_store %arg9[%swap3A, %swap3A_556], %swap3A_559 {add = true, strides = array<i32>} : memref<40x768xf32, #tpu.memory_space<vmem>>, vector<1x16xf32>,
        %get3A_560 = arith.index_cast %scan3A_551 : i32 to index
        %get3A_561 = arith.constant 16 : index
        %get3A_562 = tpu.vector_load %arg7[%get3A_560, %get3A_561] {strides = array<i32>} : memref<40x768xf32, #tpu.memory_space<vmem>>, vector<1x16xf32>,
        %get3A_563 = vector.shape_cast %get3A_562 : vector<1x16xf32> to vector<16xf32>
        %swap3A_564 = arith.index_cast %scan3A_551 : i32 to index
        %swap3A_565 = arith.constant 16 : index
        %swap3A_566 = tpu.vector_load %arg9[%swap3A_564, %swap3A_565] {strides = array<i32>} : memref<40x768xf32, #tpu.memory_space<vmem>>, vector<1x16xf32>,
        %swap3A_567 = vector.shape_cast %swap3A_566 : vector<1x16xf32> to vector<16xf32>
        %swap3A_568 = vector.shape_cast %get3A_563 : vector<16xf32> to vector<1x16xf32>
        tpu.vector_store %arg9[%swap3A_564, %swap3A_565], %swap3A_568 {add = true, strides = array<i32>} : memref<40x768xf32, #tpu.memory_space<vmem>>, vector<1x16xf32>,
        %get3A_569 = arith.index_cast %scan3A_551 : i32 to index
        %get3A_570 = arith.constant 32 : index
        %get3A_571 = tpu.vector_load %arg7[%get3A_569, %get3A_570] {strides = array<i32>} : memref<40x768xf32, #tpu.memory_space<vmem>>, vector<1x16xf32>,
        %get3A_572 = vector.shape_cast %get3A_571 : vector<1x16xf32> to vector<16xf32>
        %swap3A_573 = arith.index_cast %scan3A_551 : i32 to index
        %swap3A_574 = arith.constant 32 : index
        %swap3A_575 = tpu.vector_load %arg9[%swap3A_573, %swap3A_574] {strides = array<i32>} : memref<40x768xf32, #tpu.memory_space<vmem>>, vector<1x16xf32>,
        %swap3A_576 = vector.shape_cast %swap3A_575 : vector<1x16xf32> to vector<16xf32>
        %swap3A_577 = vector.shape_cast %get3A_572 : vector<16xf32> to vector<1x16xf32>
        tpu.vector_store %arg9[%swap3A_573, %swap3A_574], %swap3A_577 {add = true, strides = array<i32>} : memref<40x768xf32, #tpu.memory_space<vmem>>, vector<1x16xf32>,
        %get3A_578 = arith.index_cast %scan3A_551 : i32 to index
        %get3A_579 = arith.constant 48 : index
        %get3A_580 = tpu.vector_load %arg7[%get3A_578, %get3A_579] {strides = array<i32>} : memref<40x768xf32, #tpu.memory_space<vmem>>, vector<1x16xf32>,
        %get3A_581 = vector.shape_cast %get3A_580 : vector<1x16xf32> to vector<16xf32>
        %swap3A_582 = arith.index_cast %scan3A_551 : i32 to index
        %swap3A_583 = arith.constant 48 : index
        %swap3A_584 = tpu.vector_load %arg9[%swap3A_582, %swap3A_583] {strides = array<i32>} : memref<40x768xf32, #tpu.memory_space<vmem>>, vector<1x16xf32>,
        %swap3A_585 = vector.shape_cast %swap3A_584 : vector<1x16xf32> to vector<16xf32>
        %swap3A_586 = vector.shape_cast %get3A_581 : vector<16xf32> to vector<1x16xf32>
        tpu.vector_store %arg9[%swap3A_582, %swap3A_583], %swap3A_586 {add = true, strides = array<i32>} : memref<40x768xf32, #tpu.memory_space<vmem>>, vector<1x16xf32>,
        %get3A_587 = arith.index_cast %scan3A_551 : i32 to index
        %get3A_588 = arith.constant 64 : index
        %get3A_589 = tpu.vector_load %arg7[%get3A_587, %get3A_588] {strides = array<i32>} : memref<40x768xf32, #tpu.memory_space<vmem>>, vector<1x16xf32>,
        %get3A_590 = vector.shape_cast %get3A_589 : vector<1x16xf32> to vector<16xf32>
        %swap3A_591 = arith.index_cast %scan3A_551 : i32 to index
        %swap3A_592 = arith.constant 64 : index
        %swap3A_593 = tpu.vector_load %arg9[%swap3A_591, %swap3A_592] {strides = array<i32>} : memref<40x768xf32, #tpu.memory_space<vmem>>, vector<1x16xf32>,
        %swap3A_594 = vector.shape_cast %swap3A_593 : vector<1x16xf32> to vector<16xf32>
        %swap3A_595 = vector.shape_cast %get3A_590 : vector<16xf32> to vector<1x16xf32>
        tpu.vector_store %arg9[%swap3A_591, %swap3A_592], %swap3A_595 {add = true, strides = array<i32>} : memref<40x768xf32, #tpu.memory_space<vmem>>, vector<1x16xf32>,
        %get3A_596 = arith.index_cast %scan3A_551 : i32 to index
        %get3A_597 = arith.constant 80 : index
        %get3A_598 = tpu.vector_load %arg7[%get3A_596, %get3A_597] {strides = array<i32>} : memref<40x768xf32, #tpu.memory_space<vmem>>, vector<1x16xf32>,
        %get3A_599 = vector.shape_cast %get3A_598 : vector<1x16xf32> to vector<16xf32>
        %swap3A_600 = arith.index_cast %scan3A_551 : i32 to index
        %swap3A_601 = arith.constant 80 : index
        %swap3A_602 = tpu.vector_load %arg9[%swap3A_600, %swap3A_601] {strides = array<i32>} : memref<40x768xf32, #tpu.memory_space<vmem>>, vector<1x16xf32>,
        %swap3A_603 = vector.shape_cast %swap3A_602 : vector<1x16xf32> to vector<16xf32>
        %swap3A_604 = vector.shape_cast %get3A_599 : vector<16xf32> to vector<1x16xf32>
        tpu.vector_store %arg9[%swap3A_600, %swap3A_601], %swap3A_604 {add = true, strides = array<i32>} : memref<40x768xf32, #tpu.memory_space<vmem>>, vector<1x16xf32>,
        %get3A_605 = arith.index_cast %scan3A_551 : i32 to index
        %get3A_606 = arith.constant 96 : index
        %get3A_607 = tpu.vector_load %arg7[%get3A_605, %get3A_606] {strides = array<i32>} : memref<40x768xf32, #tpu.memory_space<vmem>>, vector<1x16xf32>,
        %get3A_608 = vector.shape_cast %get3A_607 : vector<1x16xf32> to vector<16xf32>
        %swap3A_609 = arith.index_cast %scan3A_551 : i32 to index
        %swap3A_610 = arith.constant 96 : index
        %swap3A_611 = tpu.vector_load %arg9[%swap3A_609, %swap3A_610] {strides = array<i32>} : memref<40x768xf32, #tpu.memory_space<vmem>>, vector<1x16xf32>,
        %swap3A_612 = vector.shape_cast %swap3A_611 : vector<1x16xf32> to vector<16xf32>
        %swap3A_613 = vector.shape_cast %get3A_608 : vector<16xf32> to vector<1x16xf32>
        tpu.vector_store %arg9[%swap3A_609, %swap3A_610], %swap3A_613 {add = true, strides = array<i32>} : memref<40x768xf32, #tpu.memory_space<vmem>>, vector<1x16xf32>,
        %get3A_614 = arith.index_cast %scan3A_551 : i32 to index
        %get3A_615 = arith.constant 112 : index
        %get3A_616 = tpu.vector_load %arg7[%get3A_614, %get3A_615] {strides = array<i32>} : memref<40x768xf32, #tpu.memory_space<vmem>>, vector<1x16xf32>,
        %get3A_617 = vector.shape_cast %get3A_616 : vector<1x16xf32> to vector<16xf32>
        %swap3A_618 = arith.index_cast %scan3A_551 : i32 to index
        %swap3A_619 = arith.constant 112 : index
        %swap3A_620 = tpu.vector_load %arg9[%swap3A_618, %swap3A_619] {strides = array<i32>} : memref<40x768xf32, #tpu.memory_space<vmem>>, vector<1x16xf32>,
        %swap3A_621 = vector.shape_cast %swap3A_620 : vector<1x16xf32> to vector<16xf32>
        %swap3A_622 = vector.shape_cast %get3A_617 : vector<16xf32> to vector<1x16xf32>
        tpu.vector_store %arg9[%swap3A_618, %swap3A_619], %swap3A_622 {add = true, strides = array<i32>} : memref<40x768xf32, #tpu.memory_space<vmem>>, vector<1x16xf32>,
        %get3A_623 = arith.index_cast %scan3A_551 : i32 to index
        %get3A_624 = arith.constant 128 : index
        %get3A_625 = tpu.vector_load %arg7[%get3A_623, %get3A_624] {strides = array<i32>} : memref<40x768xf32, #tpu.memory_space<vmem>>, vector<1x16xf32>,
        %get3A_626 = vector.shape_cast %get3A_625 : vector<1x16xf32> to vector<16xf32>
        %swap3A_627 = arith.index_cast %scan3A_551 : i32 to index
        %swap3A_628 = arith.constant 128 : index
        %swap3A_629 = tpu.vector_load %arg9[%swap3A_627, %swap3A_628] {strides = array<i32>} : memref<40x768xf32, #tpu.memory_space<vmem>>, vector<1x16xf32>,
        %swap3A_630 = vector.shape_cast %swap3A_629 : vector<1x16xf32> to vector<16xf32>
        %swap3A_631 = vector.shape_cast %get3A_626 : vector<16xf32> to vector<1x16xf32>
        tpu.vector_store %arg9[%swap3A_627, %swap3A_628], %swap3A_631 {add = true, strides = array<i32>} : memref<40x768xf32, #tpu.memory_space<vmem>>, vector<1x16xf32>,
        %get3A_632 = arith.index_cast %scan3A_551 : i32 to index
        %get3A_633 = arith.constant 144 : index
        %get3A_634 = tpu.vector_load %arg7[%get3A_632, %get3A_633] {strides = array<i32>} : memref<40x768xf32, #tpu.memory_space<vmem>>, vector<1x16xf32>,
        %get3A_635 = vector.shape_cast %get3A_634 : vector<1x16xf32> to vector<16xf32>
        %swap3A_636 = arith.index_cast %scan3A_551 : i32 to index
        %swap3A_637 = arith.constant 144 : index
        %swap3A_638 = tpu.vector_load %arg9[%swap3A_636, %swap3A_637] {strides = array<i32>} : memref<40x768xf32, #tpu.memory_space<vmem>>, vector<1x16xf32>,
        %swap3A_639 = vector.shape_cast %swap3A_638 : vector<1x16xf32> to vector<16xf32>
        %swap3A_640 = vector.shape_cast %get3A_635 : vector<16xf32> to vector<1x16xf32>
        tpu.vector_store %arg9[%swap3A_636, %swap3A_637], %swap3A_640 {add = true, strides = array<i32>} : memref<40x768xf32, #tpu.memory_space<vmem>>, vector<1x16xf32>,
        %get3A_641 = arith.index_cast %scan3A_551 : i32 to index
        %get3A_642 = arith.constant 160 : index
        %get3A_643 = tpu.vector_load %arg7[%get3A_641, %get3A_642] {strides = array<i32>} : memref<40x768xf32, #tpu.memory_space<vmem>>, vector<1x16xf32>,
        %get3A_644 = vector.shape_cast %get3A_643 : vector<1x16xf32> to vector<16xf32>
        %swap3A_645 = arith.index_cast %scan3A_551 : i32 to index
        %swap3A_646 = arith.constant 160 : index
        %swap3A_647 = tpu.vector_load %arg9[%swap3A_645, %swap3A_646] {strides = array<i32>} : memref<40x768xf32, #tpu.memory_space<vmem>>, vector<1x16xf32>,
        %swap3A_648 = vector.shape_cast %swap3A_647 : vector<1x16xf32> to vector<16xf32>
        %swap3A_649 = vector.shape_cast %get3A_644 : vector<16xf32> to vector<1x16xf32>
        tpu.vector_store %arg9[%swap3A_645, %swap3A_646], %swap3A_649 {add = true, strides = array<i32>} : memref<40x768xf32, #tpu.memory_space<vmem>>, vector<1x16xf32>,
        %get3A_650 = arith.index_cast %scan3A_551 : i32 to index
        %get3A_651 = arith.constant 176 : index
        %get3A_652 = tpu.vector_load %arg7[%get3A_650, %get3A_651] {strides = array<i32>} : memref<40x768xf32, #tpu.memory_space<vmem>>, vector<1x16xf32>,
        %get3A_653 = vector.shape_cast %get3A_652 : vector<1x16xf32> to vector<16xf32>
        %swap3A_654 = arith.index_cast %scan3A_551 : i32 to index
        %swap3A_655 = arith.constant 176 : index
        %swap3A_656 = tpu.vector_load %arg9[%swap3A_654, %swap3A_655] {strides = array<i32>} : memref<40x768xf32, #tpu.memory_space<vmem>>, vector<1x16xf32>,
        %swap3A_657 = vector.shape_cast %swap3A_656 : vector<1x16xf32> to vector<16xf32>
        %swap3A_658 = vector.shape_cast %get3A_653 : vector<16xf32> to vector<1x16xf32>
        tpu.vector_store %arg9[%swap3A_654, %swap3A_655], %swap3A_658 {add = true, strides = array<i32>} : memref<40x768xf32, #tpu.memory_space<vmem>>, vector<1x16xf32>,
        %get3A_659 = arith.index_cast %scan3A_551 : i32 to index
        %get3A_660 = arith.constant 192 : index
        %get3A_661 = tpu.vector_load %arg7[%get3A_659, %get3A_660] {strides = array<i32>} : memref<40x768xf32, #tpu.memory_space<vmem>>, vector<1x16xf32>,
        %get3A_662 = vector.shape_cast %get3A_661 : vector<1x16xf32> to vector<16xf32>
        %swap3A_663 = arith.index_cast %scan3A_551 : i32 to index
        %swap3A_664 = arith.constant 192 : index
        %swap3A_665 = tpu.vector_load %arg9[%swap3A_663, %swap3A_664] {strides = array<i32>} : memref<40x768xf32, #tpu.memory_space<vmem>>, vector<1x16xf32>,
        %swap3A_666 = vector.shape_cast %swap3A_665 : vector<1x16xf32> to vector<16xf32>
        %swap3A_667 = vector.shape_cast %get3A_662 : vector<16xf32> to vector<1x16xf32>
        tpu.vector_store %arg9[%swap3A_663, %swap3A_664], %swap3A_667 {add = true, strides = array<i32>} : memref<40x768xf32, #tpu.memory_space<vmem>>, vector<1x16xf32>,
        %get3A_668 = arith.index_cast %scan3A_551 : i32 to index
        %get3A_669 = arith.constant 208 : index
        %get3A_670 = tpu.vector_load %arg7[%get3A_668, %get3A_669] {strides = array<i32>} : memref<40x768xf32, #tpu.memory_space<vmem>>, vector<1x16xf32>,
        %get3A_671 = vector.shape_cast %get3A_670 : vector<1x16xf32> to vector<16xf32>
        %swap3A_672 = arith.index_cast %scan3A_551 : i32 to index
        %swap3A_673 = arith.constant 208 : index
        %swap3A_674 = tpu.vector_load %arg9[%swap3A_672, %swap3A_673] {strides = array<i32>} : memref<40x768xf32, #tpu.memory_space<vmem>>, vector<1x16xf32>,
        %swap3A_675 = vector.shape_cast %swap3A_674 : vector<1x16xf32> to vector<16xf32>
        %swap3A_676 = vector.shape_cast %get3A_671 : vector<16xf32> to vector<1x16xf32>
        tpu.vector_store %arg9[%swap3A_672, %swap3A_673], %swap3A_676 {add = true, strides = array<i32>} : memref<40x768xf32, #tpu.memory_space<vmem>>, vector<1x16xf32>,
        %get3A_677 = arith.index_cast %scan3A_551 : i32 to index
        %get3A_678 = arith.constant 224 : index
        %get3A_679 = tpu.vector_load %arg7[%get3A_677, %get3A_678] {strides = array<i32>} : memref<40x768xf32, #tpu.memory_space<vmem>>, vector<1x16xf32>,
        %get3A_680 = vector.shape_cast %get3A_679 : vector<1x16xf32> to vector<16xf32>
        %swap3A_681 = arith.index_cast %scan3A_551 : i32 to index
        %swap3A_682 = arith.constant 224 : index
        %swap3A_683 = tpu.vector_load %arg9[%swap3A_681, %swap3A_682] {strides = array<i32>} : memref<40x768xf32, #tpu.memory_space<vmem>>, vector<1x16xf32>,
        %swap3A_684 = vector.shape_cast %swap3A_683 : vector<1x16xf32> to vector<16xf32>
        %swap3A_685 = vector.shape_cast %get3A_680 : vector<16xf32> to vector<1x16xf32>
        tpu.vector_store %arg9[%swap3A_681, %swap3A_682], %swap3A_685 {add = true, strides = array<i32>} : memref<40x768xf32, #tpu.memory_space<vmem>>, vector<1x16xf32>,
        %get3A_686 = arith.index_cast %scan3A_551 : i32 to index
        %get3A_687 = arith.constant 240 : index
        %get3A_688 = tpu.vector_load %arg7[%get3A_686, %get3A_687] {strides = array<i32>} : memref<40x768xf32, #tpu.memory_space<vmem>>, vector<1x16xf32>,
        %get3A_689 = vector.shape_cast %get3A_688 : vector<1x16xf32> to vector<16xf32>
        %swap3A_690 = arith.index_cast %scan3A_551 : i32 to index
        %swap3A_691 = arith.constant 240 : index
        %swap3A_692 = tpu.vector_load %arg9[%swap3A_690, %swap3A_691] {strides = array<i32>} : memref<40x768xf32, #tpu.memory_space<vmem>>, vector<1x16xf32>,
        %swap3A_693 = vector.shape_cast %swap3A_692 : vector<1x16xf32> to vector<16xf32>
        %swap3A_694 = vector.shape_cast %get3A_689 : vector<16xf32> to vector<1x16xf32>
        tpu.vector_store %arg9[%swap3A_690, %swap3A_691], %swap3A_694 {add = true, strides = array<i32>} : memref<40x768xf32, #tpu.memory_space<vmem>>, vector<1x16xf32>,
        %get3A_695 = arith.index_cast %scan3A_551 : i32 to index
        %get3A_696 = arith.constant 256 : index
        %get3A_697 = tpu.vector_load %arg7[%get3A_695, %get3A_696] {strides = array<i32>} : memref<40x768xf32, #tpu.memory_space<vmem>>, vector<1x16xf32>,
        %get3A_698 = vector.shape_cast %get3A_697 : vector<1x16xf32> to vector<16xf32>
        %swap3A_699 = arith.index_cast %scan3A_551 : i32 to index
        %swap3A_700 = arith.constant 256 : index
        %swap3A_701 = tpu.vector_load %arg9[%swap3A_699, %swap3A_700] {strides = array<i32>} : memref<40x768xf32, #tpu.memory_space<vmem>>, vector<1x16xf32>,
        %swap3A_702 = vector.shape_cast %swap3A_701 : vector<1x16xf32> to vector<16xf32>
        %swap3A_703 = vector.shape_cast %get3A_698 : vector<16xf32> to vector<1x16xf32>
        tpu.vector_store %arg9[%swap3A_699, %swap3A_700], %swap3A_703 {add = true, strides = array<i32>} : memref<40x768xf32, #tpu.memory_space<vmem>>, vector<1x16xf32>,
        %get3A_704 = arith.index_cast %scan3A_551 : i32 to index
        %get3A_705 = arith.constant 272 : index
        %get3A_706 = tpu.vector_load %arg7[%get3A_704, %get3A_705] {strides = array<i32>} : memref<40x768xf32, #tpu.memory_space<vmem>>, vector<1x16xf32>,
        %get3A_707 = vector.shape_cast %get3A_706 : vector<1x16xf32> to vector<16xf32>
        %swap3A_708 = arith.index_cast %scan3A_551 : i32 to index
        %swap3A_709 = arith.constant 272 : index
        %swap3A_710 = tpu.vector_load %arg9[%swap3A_708, %swap3A_709] {strides = array<i32>} : memref<40x768xf32, #tpu.memory_space<vmem>>, vector<1x16xf32>,
        %swap3A_711 = vector.shape_cast %swap3A_710 : vector<1x16xf32> to vector<16xf32>
        %swap3A_712 = vector.shape_cast %get3A_707 : vector<16xf32> to vector<1x16xf32>
        tpu.vector_store %arg9[%swap3A_708, %swap3A_709], %swap3A_712 {add = true, strides = array<i32>} : memref<40x768xf32, #tpu.memory_space<vmem>>, vector<1x16xf32>,
        %get3A_713 = arith.index_cast %scan3A_551 : i32 to index
        %get3A_714 = arith.constant 288 : index
        %get3A_715 = tpu.vector_load %arg7[%get3A_713, %get3A_714] {strides = array<i32>} : memref<40x768xf32, #tpu.memory_space<vmem>>, vector<1x16xf32>,
        %get3A_716 = vector.shape_cast %get3A_715 : vector<1x16xf32> to vector<16xf32>
        %swap3A_717 = arith.index_cast %scan3A_551 : i32 to index
        %swap3A_718 = arith.constant 288 : index
        %swap3A_719 = tpu.vector_load %arg9[%swap3A_717, %swap3A_718] {strides = array<i32>} : memref<40x768xf32, #tpu.memory_space<vmem>>, vector<1x16xf32>,
        %swap3A_720 = vector.shape_cast %swap3A_719 : vector<1x16xf32> to vector<16xf32>
        %swap3A_721 = vector.shape_cast %get3A_716 : vector<16xf32> to vector<1x16xf32>
        tpu.vector_store %arg9[%swap3A_717, %swap3A_718], %swap3A_721 {add = true, strides = array<i32>} : memref<40x768xf32, #tpu.memory_space<vmem>>, vector<1x16xf32>,
        %get3A_722 = arith.index_cast %scan3A_551 : i32 to index
        %get3A_723 = arith.constant 304 : index
        %get3A_724 = tpu.vector_load %arg7[%get3A_722, %get3A_723] {strides = array<i32>} : memref<40x768xf32, #tpu.memory_space<vmem>>, vector<1x16xf32>,
        %get3A_725 = vector.shape_cast %get3A_724 : vector<1x16xf32> to vector<16xf32>
        %swap3A_726 = arith.index_cast %scan3A_551 : i32 to index
        %swap3A_727 = arith.constant 304 : index
        %swap3A_728 = tpu.vector_load %arg9[%swap3A_726, %swap3A_727] {strides = array<i32>} : memref<40x768xf32, #tpu.memory_space<vmem>>, vector<1x16xf32>,
        %swap3A_729 = vector.shape_cast %swap3A_728 : vector<1x16xf32> to vector<16xf32>
        %swap3A_730 = vector.shape_cast %get3A_725 : vector<16xf32> to vector<1x16xf32>
        tpu.vector_store %arg9[%swap3A_726, %swap3A_727], %swap3A_730 {add = true, strides = array<i32>} : memref<40x768xf32, #tpu.memory_space<vmem>>, vector<1x16xf32>,
        %get3A_731 = arith.index_cast %scan3A_551 : i32 to index
        %get3A_732 = arith.constant 320 : index
        %get3A_733 = tpu.vector_load %arg7[%get3A_731, %get3A_732] {strides = array<i32>} : memref<40x768xf32, #tpu.memory_space<vmem>>, vector<1x16xf32>,
        %get3A_734 = vector.shape_cast %get3A_733 : vector<1x16xf32> to vector<16xf32>
        %swap3A_735 = arith.index_cast %scan3A_551 : i32 to index
        %swap3A_736 = arith.constant 320 : index
        %swap3A_737 = tpu.vector_load %arg9[%swap3A_735, %swap3A_736] {strides = array<i32>} : memref<40x768xf32, #tpu.memory_space<vmem>>, vector<1x16xf32>,
        %swap3A_738 = vector.shape_cast %swap3A_737 : vector<1x16xf32> to vector<16xf32>
        %swap3A_739 = vector.shape_cast %get3A_734 : vector<16xf32> to vector<1x16xf32>
        tpu.vector_store %arg9[%swap3A_735, %swap3A_736], %swap3A_739 {add = true, strides = array<i32>} : memref<40x768xf32, #tpu.memory_space<vmem>>, vector<1x16xf32>,
        %get3A_740 = arith.index_cast %scan3A_551 : i32 to index
        %get3A_741 = arith.constant 336 : index
        %get3A_742 = tpu.vector_load %arg7[%get3A_740, %get3A_741] {strides = array<i32>} : memref<40x768xf32, #tpu.memory_space<vmem>>, vector<1x16xf32>,
        %get3A_743 = vector.shape_cast %get3A_742 : vector<1x16xf32> to vector<16xf32>
        %swap3A_744 = arith.index_cast %scan3A_551 : i32 to index
        %swap3A_745 = arith.constant 336 : index
        %swap3A_746 = tpu.vector_load %arg9[%swap3A_744, %swap3A_745] {strides = array<i32>} : memref<40x768xf32, #tpu.memory_space<vmem>>, vector<1x16xf32>,
        %swap3A_747 = vector.shape_cast %swap3A_746 : vector<1x16xf32> to vector<16xf32>
        %swap3A_748 = vector.shape_cast %get3A_743 : vector<16xf32> to vector<1x16xf32>
        tpu.vector_store %arg9[%swap3A_744, %swap3A_745], %swap3A_748 {add = true, strides = array<i32>} : memref<40x768xf32, #tpu.memory_space<vmem>>, vector<1x16xf32>,
        %get3A_749 = arith.index_cast %scan3A_551 : i32 to index
        %get3A_750 = arith.constant 352 : index
        %get3A_751 = tpu.vector_load %arg7[%get3A_749, %get3A_750] {strides = array<i32>} : memref<40x768xf32, #tpu.memory_space<vmem>>, vector<1x16xf32>,
        %get3A_752 = vector.shape_cast %get3A_751 : vector<1x16xf32> to vector<16xf32>
        %swap3A_753 = arith.index_cast %scan3A_551 : i32 to index
        %swap3A_754 = arith.constant 352 : index
        %swap3A_755 = tpu.vector_load %arg9[%swap3A_753, %swap3A_754] {strides = array<i32>} : memref<40x768xf32, #tpu.memory_space<vmem>>, vector<1x16xf32>,
        %swap3A_756 = vector.shape_cast %swap3A_755 : vector<1x16xf32> to vector<16xf32>
        %swap3A_757 = vector.shape_cast %get3A_752 : vector<16xf32> to vector<1x16xf32>
        tpu.vector_store %arg9[%swap3A_753, %swap3A_754], %swap3A_757 {add = true, strides = array<i32>} : memref<40x768xf32, #tpu.memory_space<vmem>>, vector<1x16xf32>,
        %get3A_758 = arith.index_cast %scan3A_551 : i32 to index
        %get3A_759 = arith.constant 368 : index
        %get3A_760 = tpu.vector_load %arg7[%get3A_758, %get3A_759] {strides = array<i32>} : memref<40x768xf32, #tpu.memory_space<vmem>>, vector<1x16xf32>,
        %get3A_761 = vector.shape_cast %get3A_760 : vector<1x16xf32> to vector<16xf32>
        %swap3A_762 = arith.index_cast %scan3A_551 : i32 to index
        %swap3A_763 = arith.constant 368 : index
        %swap3A_764 = tpu.vector_load %arg9[%swap3A_762, %swap3A_763] {strides = array<i32>} : memref<40x768xf32, #tpu.memory_space<vmem>>, vector<1x16xf32>,
        %swap3A_765 = vector.shape_cast %swap3A_764 : vector<1x16xf32> to vector<16xf32>
        %swap3A_766 = vector.shape_cast %get3A_761 : vector<16xf32> to vector<1x16xf32>
        tpu.vector_store %arg9[%swap3A_762, %swap3A_763], %swap3A_766 {add = true, strides = array<i32>} : memref<40x768xf32, #tpu.memory_space<vmem>>, vector<1x16xf32>,
        %get3A_767 = arith.index_cast %scan3A_551 : i32 to index
        %get3A_768 = arith.constant 384 : index
        %get3A_769 = tpu.vector_load %arg7[%get3A_767, %get3A_768] {strides = array<i32>} : memref<40x768xf32, #tpu.memory_space<vmem>>, vector<1x16xf32>,
        %get3A_770 = vector.shape_cast %get3A_769 : vector<1x16xf32> to vector<16xf32>
        %swap3A_771 = arith.index_cast %scan3A_551 : i32 to index
        %swap3A_772 = arith.constant 384 : index
        %swap3A_773 = tpu.vector_load %arg9[%swap3A_771, %swap3A_772] {strides = array<i32>} : memref<40x768xf32, #tpu.memory_space<vmem>>, vector<1x16xf32>,
        %swap3A_774 = vector.shape_cast %swap3A_773 : vector<1x16xf32> to vector<16xf32>
        %swap3A_775 = vector.shape_cast %get3A_770 : vector<16xf32> to vector<1x16xf32>
        tpu.vector_store %arg9[%swap3A_771, %swap3A_772], %swap3A_775 {add = true, strides = array<i32>} : memref<40x768xf32, #tpu.memory_space<vmem>>, vector<1x16xf32>,
        %get3A_776 = arith.index_cast %scan3A_551 : i32 to index
        %get3A_777 = arith.constant 400 : index
        %get3A_778 = tpu.vector_load %arg7[%get3A_776, %get3A_777] {strides = array<i32>} : memref<40x768xf32, #tpu.memory_space<vmem>>, vector<1x16xf32>,
        %get3A_779 = vector.shape_cast %get3A_778 : vector<1x16xf32> to vector<16xf32>
        %swap3A_780 = arith.index_cast %scan3A_551 : i32 to index
        %swap3A_781 = arith.constant 400 : index
        %swap3A_782 = tpu.vector_load %arg9[%swap3A_780, %swap3A_781] {strides = array<i32>} : memref<40x768xf32, #tpu.memory_space<vmem>>, vector<1x16xf32>,
        %swap3A_783 = vector.shape_cast %swap3A_782 : vector<1x16xf32> to vector<16xf32>
        %swap3A_784 = vector.shape_cast %get3A_779 : vector<16xf32> to vector<1x16xf32>
        tpu.vector_store %arg9[%swap3A_780, %swap3A_781], %swap3A_784 {add = true, strides = array<i32>} : memref<40x768xf32, #tpu.memory_space<vmem>>, vector<1x16xf32>,
        %get3A_785 = arith.index_cast %scan3A_551 : i32 to index
        %get3A_786 = arith.constant 416 : index
        %get3A_787 = tpu.vector_load %arg7[%get3A_785, %get3A_786] {strides = array<i32>} : memref<40x768xf32, #tpu.memory_space<vmem>>, vector<1x16xf32>,
        %get3A_788 = vector.shape_cast %get3A_787 : vector<1x16xf32> to vector<16xf32>
        %swap3A_789 = arith.index_cast %scan3A_551 : i32 to index
        %swap3A_790 = arith.constant 416 : index
        %swap3A_791 = tpu.vector_load %arg9[%swap3A_789, %swap3A_790] {strides = array<i32>} : memref<40x768xf32, #tpu.memory_space<vmem>>, vector<1x16xf32>,
        %swap3A_792 = vector.shape_cast %swap3A_791 : vector<1x16xf32> to vector<16xf32>
        %swap3A_793 = vector.shape_cast %get3A_788 : vector<16xf32> to vector<1x16xf32>
        tpu.vector_store %arg9[%swap3A_789, %swap3A_790], %swap3A_793 {add = true, strides = array<i32>} : memref<40x768xf32, #tpu.memory_space<vmem>>, vector<1x16xf32>,
        %get3A_794 = arith.index_cast %scan3A_551 : i32 to index
        %get3A_795 = arith.constant 432 : index
        %get3A_796 = tpu.vector_load %arg7[%get3A_794, %get3A_795] {strides = array<i32>} : memref<40x768xf32, #tpu.memory_space<vmem>>, vector<1x16xf32>,
        %get3A_797 = vector.shape_cast %get3A_796 : vector<1x16xf32> to vector<16xf32>
        %swap3A_798 = arith.index_cast %scan3A_551 : i32 to index
        %swap3A_799 = arith.constant 432 : index
        %swap3A_800 = tpu.vector_load %arg9[%swap3A_798, %swap3A_799] {strides = array<i32>} : memref<40x768xf32, #tpu.memory_space<vmem>>, vector<1x16xf32>,
        %swap3A_801 = vector.shape_cast %swap3A_800 : vector<1x16xf32> to vector<16xf32>
        %swap3A_802 = vector.shape_cast %get3A_797 : vector<16xf32> to vector<1x16xf32>
        tpu.vector_store %arg9[%swap3A_798, %swap3A_799], %swap3A_802 {add = true, strides = array<i32>} : memref<40x768xf32, #tpu.memory_space<vmem>>, vector<1x16xf32>,
        %get3A_803 = arith.index_cast %scan3A_551 : i32 to index
        %get3A_804 = arith.constant 448 : index
        %get3A_805 = tpu.vector_load %arg7[%get3A_803, %get3A_804] {strides = array<i32>} : memref<40x768xf32, #tpu.memory_space<vmem>>, vector<1x16xf32>,
        %get3A_806 = vector.shape_cast %get3A_805 : vector<1x16xf32> to vector<16xf32>
        %swap3A_807 = arith.index_cast %scan3A_551 : i32 to index
        %swap3A_808 = arith.constant 448 : index
        %swap3A_809 = tpu.vector_load %arg9[%swap3A_807, %swap3A_808] {strides = array<i32>} : memref<40x768xf32, #tpu.memory_space<vmem>>, vector<1x16xf32>,
        %swap3A_810 = vector.shape_cast %swap3A_809 : vector<1x16xf32> to vector<16xf32>
        %swap3A_811 = vector.shape_cast %get3A_806 : vector<16xf32> to vector<1x16xf32>
        tpu.vector_store %arg9[%swap3A_807, %swap3A_808], %swap3A_811 {add = true, strides = array<i32>} : memref<40x768xf32, #tpu.memory_space<vmem>>, vector<1x16xf32>,
        %get3A_812 = arith.index_cast %scan3A_551 : i32 to index
        %get3A_813 = arith.constant 464 : index
        %get3A_814 = tpu.vector_load %arg7[%get3A_812, %get3A_813] {strides = array<i32>} : memref<40x768xf32, #tpu.memory_space<vmem>>, vector<1x16xf32>,
        %get3A_815 = vector.shape_cast %get3A_814 : vector<1x16xf32> to vector<16xf32>
        %swap3A_816 = arith.index_cast %scan3A_551 : i32 to index
        %swap3A_817 = arith.constant 464 : index
        %swap3A_818 = tpu.vector_load %arg9[%swap3A_816, %swap3A_817] {strides = array<i32>} : memref<40x768xf32, #tpu.memory_space<vmem>>, vector<1x16xf32>,
        %swap3A_819 = vector.shape_cast %swap3A_818 : vector<1x16xf32> to vector<16xf32>
        %swap3A_820 = vector.shape_cast %get3A_815 : vector<16xf32> to vector<1x16xf32>
        tpu.vector_store %arg9[%swap3A_816, %swap3A_817], %swap3A_820 {add = true, strides = array<i32>} : memref<40x768xf32, #tpu.memory_space<vmem>>, vector<1x16xf32>,
        %get3A_821 = arith.index_cast %scan3A_551 : i32 to index
        %get3A_822 = arith.constant 480 : index
        %get3A_823 = tpu.vector_load %arg7[%get3A_821, %get3A_822] {strides = array<i32>} : memref<40x768xf32, #tpu.memory_space<vmem>>, vector<1x16xf32>,
        %get3A_824 = vector.shape_cast %get3A_823 : vector<1x16xf32> to vector<16xf32>
        %swap3A_825 = arith.index_cast %scan3A_551 : i32 to index
        %swap3A_826 = arith.constant 480 : index
        %swap3A_827 = tpu.vector_load %arg9[%swap3A_825, %swap3A_826] {strides = array<i32>} : memref<40x768xf32, #tpu.memory_space<vmem>>, vector<1x16xf32>,
        %swap3A_828 = vector.shape_cast %swap3A_827 : vector<1x16xf32> to vector<16xf32>
        %swap3A_829 = vector.shape_cast %get3A_824 : vector<16xf32> to vector<1x16xf32>
        tpu.vector_store %arg9[%swap3A_825, %swap3A_826], %swap3A_829 {add = true, strides = array<i32>} : memref<40x768xf32, #tpu.memory_space<vmem>>, vector<1x16xf32>,
        %get3A_830 = arith.index_cast %scan3A_551 : i32 to index
        %get3A_831 = arith.constant 496 : index
        %get3A_832 = tpu.vector_load %arg7[%get3A_830, %get3A_831] {strides = array<i32>} : memref<40x768xf32, #tpu.memory_space<vmem>>, vector<1x16xf32>,
        %get3A_833 = vector.shape_cast %get3A_832 : vector<1x16xf32> to vector<16xf32>
        %swap3A_834 = arith.index_cast %scan3A_551 : i32 to index
        %swap3A_835 = arith.constant 496 : index
        %swap3A_836 = tpu.vector_load %arg9[%swap3A_834, %swap3A_835] {strides = array<i32>} : memref<40x768xf32, #tpu.memory_space<vmem>>, vector<1x16xf32>,
        %swap3A_837 = vector.shape_cast %swap3A_836 : vector<1x16xf32> to vector<16xf32>
        %swap3A_838 = vector.shape_cast %get3A_833 : vector<16xf32> to vector<1x16xf32>
        tpu.vector_store %arg9[%swap3A_834, %swap3A_835], %swap3A_838 {add = true, strides = array<i32>} : memref<40x768xf32, #tpu.memory_space<vmem>>, vector<1x16xf32>,
        %get3A_839 = arith.index_cast %scan3A_551 : i32 to index
        %get3A_840 = arith.constant 512 : index
        %get3A_841 = tpu.vector_load %arg7[%get3A_839, %get3A_840] {strides = array<i32>} : memref<40x768xf32, #tpu.memory_space<vmem>>, vector<1x16xf32>,
        %get3A_842 = vector.shape_cast %get3A_841 : vector<1x16xf32> to vector<16xf32>
        %swap3A_843 = arith.index_cast %scan3A_551 : i32 to index
        %swap3A_844 = arith.constant 512 : index
        %swap3A_845 = tpu.vector_load %arg9[%swap3A_843, %swap3A_844] {strides = array<i32>} : memref<40x768xf32, #tpu.memory_space<vmem>>, vector<1x16xf32>,
        %swap3A_846 = vector.shape_cast %swap3A_845 : vector<1x16xf32> to vector<16xf32>
        %swap3A_847 = vector.shape_cast %get3A_842 : vector<16xf32> to vector<1x16xf32>
        tpu.vector_store %arg9[%swap3A_843, %swap3A_844], %swap3A_847 {add = true, strides = array<i32>} : memref<40x768xf32, #tpu.memory_space<vmem>>, vector<1x16xf32>,
        %get3A_848 = arith.index_cast %scan3A_551 : i32 to index
        %get3A_849 = arith.constant 528 : index
        %get3A_850 = tpu.vector_load %arg7[%get3A_848, %get3A_849] {strides = array<i32>} : memref<40x768xf32, #tpu.memory_space<vmem>>, vector<1x16xf32>,
        %get3A_851 = vector.shape_cast %get3A_850 : vector<1x16xf32> to vector<16xf32>
        %swap3A_852 = arith.index_cast %scan3A_551 : i32 to index
        %swap3A_853 = arith.constant 528 : index
        %swap3A_854 = tpu.vector_load %arg9[%swap3A_852, %swap3A_853] {strides = array<i32>} : memref<40x768xf32, #tpu.memory_space<vmem>>, vector<1x16xf32>,
        %swap3A_855 = vector.shape_cast %swap3A_854 : vector<1x16xf32> to vector<16xf32>
        %swap3A_856 = vector.shape_cast %get3A_851 : vector<16xf32> to vector<1x16xf32>
        tpu.vector_store %arg9[%swap3A_852, %swap3A_853], %swap3A_856 {add = true, strides = array<i32>} : memref<40x768xf32, #tpu.memory_space<vmem>>, vector<1x16xf32>,
        %get3A_857 = arith.index_cast %scan3A_551 : i32 to index
        %get3A_858 = arith.constant 544 : index
        %get3A_859 = tpu.vector_load %arg7[%get3A_857, %get3A_858] {strides = array<i32>} : memref<40x768xf32, #tpu.memory_space<vmem>>, vector<1x16xf32>,
        %get3A_860 = vector.shape_cast %get3A_859 : vector<1x16xf32> to vector<16xf32>
        %swap3A_861 = arith.index_cast %scan3A_551 : i32 to index
        %swap3A_862 = arith.constant 544 : index
        %swap3A_863 = tpu.vector_load %arg9[%swap3A_861, %swap3A_862] {strides = array<i32>} : memref<40x768xf32, #tpu.memory_space<vmem>>, vector<1x16xf32>,
        %swap3A_864 = vector.shape_cast %swap3A_863 : vector<1x16xf32> to vector<16xf32>
        %swap3A_865 = vector.shape_cast %get3A_860 : vector<16xf32> to vector<1x16xf32>
        tpu.vector_store %arg9[%swap3A_861, %swap3A_862], %swap3A_865 {add = true, strides = array<i32>} : memref<40x768xf32, #tpu.memory_space<vmem>>, vector<1x16xf32>,
        %get3A_866 = arith.index_cast %scan3A_551 : i32 to index
        %get3A_867 = arith.constant 560 : index
        %get3A_868 = tpu.vector_load %arg7[%get3A_866, %get3A_867] {strides = array<i32>} : memref<40x768xf32, #tpu.memory_space<vmem>>, vector<1x16xf32>,
        %get3A_869 = vector.shape_cast %get3A_868 : vector<1x16xf32> to vector<16xf32>
        %swap3A_870 = arith.index_cast %scan3A_551 : i32 to index
        %swap3A_871 = arith.constant 560 : index
        %swap3A_872 = tpu.vector_load %arg9[%swap3A_870, %swap3A_871] {strides = array<i32>} : memref<40x768xf32, #tpu.memory_space<vmem>>, vector<1x16xf32>,
        %swap3A_873 = vector.shape_cast %swap3A_872 : vector<1x16xf32> to vector<16xf32>
        %swap3A_874 = vector.shape_cast %get3A_869 : vector<16xf32> to vector<1x16xf32>
        tpu.vector_store %arg9[%swap3A_870, %swap3A_871], %swap3A_874 {add = true, strides = array<i32>} : memref<40x768xf32, #tpu.memory_space<vmem>>, vector<1x16xf32>,
        %get3A_875 = arith.index_cast %scan3A_551 : i32 to index
        %get3A_876 = arith.constant 576 : index
        %get3A_877 = tpu.vector_load %arg7[%get3A_875, %get3A_876] {strides = array<i32>} : memref<40x768xf32, #tpu.memory_space<vmem>>, vector<1x16xf32>,
        %get3A_878 = vector.shape_cast %get3A_877 : vector<1x16xf32> to vector<16xf32>
        %swap3A_879 = arith.index_cast %scan3A_551 : i32 to index
        %swap3A_880 = arith.constant 576 : index
        %swap3A_881 = tpu.vector_load %arg9[%swap3A_879, %swap3A_880] {strides = array<i32>} : memref<40x768xf32, #tpu.memory_space<vmem>>, vector<1x16xf32>,
        %swap3A_882 = vector.shape_cast %swap3A_881 : vector<1x16xf32> to vector<16xf32>
        %swap3A_883 = vector.shape_cast %get3A_878 : vector<16xf32> to vector<1x16xf32>
        tpu.vector_store %arg9[%swap3A_879, %swap3A_880], %swap3A_883 {add = true, strides = array<i32>} : memref<40x768xf32, #tpu.memory_space<vmem>>, vector<1x16xf32>,
        %get3A_884 = arith.index_cast %scan3A_551 : i32 to index
        %get3A_885 = arith.constant 592 : index
        %get3A_886 = tpu.vector_load %arg7[%get3A_884, %get3A_885] {strides = array<i32>} : memref<40x768xf32, #tpu.memory_space<vmem>>, vector<1x16xf32>,
        %get3A_887 = vector.shape_cast %get3A_886 : vector<1x16xf32> to vector<16xf32>
        %swap3A_888 = arith.index_cast %scan3A_551 : i32 to index
        %swap3A_889 = arith.constant 592 : index
        %swap3A_890 = tpu.vector_load %arg9[%swap3A_888, %swap3A_889] {strides = array<i32>} : memref<40x768xf32, #tpu.memory_space<vmem>>, vector<1x16xf32>,
        %swap3A_891 = vector.shape_cast %swap3A_890 : vector<1x16xf32> to vector<16xf32>
        %swap3A_892 = vector.shape_cast %get3A_887 : vector<16xf32> to vector<1x16xf32>
        tpu.vector_store %arg9[%swap3A_888, %swap3A_889], %swap3A_892 {add = true, strides = array<i32>} : memref<40x768xf32, #tpu.memory_space<vmem>>, vector<1x16xf32>,
        %get3A_893 = arith.index_cast %scan3A_551 : i32 to index
        %get3A_894 = arith.constant 608 : index
        %get3A_895 = tpu.vector_load %arg7[%get3A_893, %get3A_894] {strides = array<i32>} : memref<40x768xf32, #tpu.memory_space<vmem>>, vector<1x16xf32>,
        %get3A_896 = vector.shape_cast %get3A_895 : vector<1x16xf32> to vector<16xf32>
        %swap3A_897 = arith.index_cast %scan3A_551 : i32 to index
        %swap3A_898 = arith.constant 608 : index
        %swap3A_899 = tpu.vector_load %arg9[%swap3A_897, %swap3A_898] {strides = array<i32>} : memref<40x768xf32, #tpu.memory_space<vmem>>, vector<1x16xf32>,
        %swap3A_900 = vector.shape_cast %swap3A_899 : vector<1x16xf32> to vector<16xf32>
        %swap3A_901 = vector.shape_cast %get3A_896 : vector<16xf32> to vector<1x16xf32>
        tpu.vector_store %arg9[%swap3A_897, %swap3A_898], %swap3A_901 {add = true, strides = array<i32>} : memref<40x768xf32, #tpu.memory_space<vmem>>, vector<1x16xf32>,
        %get3A_902 = arith.index_cast %scan3A_551 : i32 to index
        %get3A_903 = arith.constant 624 : index
        %get3A_904 = tpu.vector_load %arg7[%get3A_902, %get3A_903] {strides = array<i32>} : memref<40x768xf32, #tpu.memory_space<vmem>>, vector<1x16xf32>,
        %get3A_905 = vector.shape_cast %get3A_904 : vector<1x16xf32> to vector<16xf32>
        %swap3A_906 = arith.index_cast %scan3A_551 : i32 to index
        %swap3A_907 = arith.constant 624 : index
        %swap3A_908 = tpu.vector_load %arg9[%swap3A_906, %swap3A_907] {strides = array<i32>} : memref<40x768xf32, #tpu.memory_space<vmem>>, vector<1x16xf32>,
        %swap3A_909 = vector.shape_cast %swap3A_908 : vector<1x16xf32> to vector<16xf32>
        %swap3A_910 = vector.shape_cast %get3A_905 : vector<16xf32> to vector<1x16xf32>
        tpu.vector_store %arg9[%swap3A_906, %swap3A_907], %swap3A_910 {add = true, strides = array<i32>} : memref<40x768xf32, #tpu.memory_space<vmem>>, vector<1x16xf32>,
        %get3A_911 = arith.index_cast %scan3A_551 : i32 to index
        %get3A_912 = arith.constant 640 : index
        %get3A_913 = tpu.vector_load %arg7[%get3A_911, %get3A_912] {strides = array<i32>} : memref<40x768xf32, #tpu.memory_space<vmem>>, vector<1x16xf32>,
        %get3A_914 = vector.shape_cast %get3A_913 : vector<1x16xf32> to vector<16xf32>
        %swap3A_915 = arith.index_cast %scan3A_551 : i32 to index
        %swap3A_916 = arith.constant 640 : index
        %swap3A_917 = tpu.vector_load %arg9[%swap3A_915, %swap3A_916] {strides = array<i32>} : memref<40x768xf32, #tpu.memory_space<vmem>>, vector<1x16xf32>,
        %swap3A_918 = vector.shape_cast %swap3A_917 : vector<1x16xf32> to vector<16xf32>
        %swap3A_919 = vector.shape_cast %get3A_914 : vector<16xf32> to vector<1x16xf32>
        tpu.vector_store %arg9[%swap3A_915, %swap3A_916], %swap3A_919 {add = true, strides = array<i32>} : memref<40x768xf32, #tpu.memory_space<vmem>>, vector<1x16xf32>,
        %get3A_920 = arith.index_cast %scan3A_551 : i32 to index
        %get3A_921 = arith.constant 656 : index
        %get3A_922 = tpu.vector_load %arg7[%get3A_920, %get3A_921] {strides = array<i32>} : memref<40x768xf32, #tpu.memory_space<vmem>>, vector<1x16xf32>,
        %get3A_923 = vector.shape_cast %get3A_922 : vector<1x16xf32> to vector<16xf32>
        %swap3A_924 = arith.index_cast %scan3A_551 : i32 to index
        %swap3A_925 = arith.constant 656 : index
        %swap3A_926 = tpu.vector_load %arg9[%swap3A_924, %swap3A_925] {strides = array<i32>} : memref<40x768xf32, #tpu.memory_space<vmem>>, vector<1x16xf32>,
        %swap3A_927 = vector.shape_cast %swap3A_926 : vector<1x16xf32> to vector<16xf32>
        %swap3A_928 = vector.shape_cast %get3A_923 : vector<16xf32> to vector<1x16xf32>
        tpu.vector_store %arg9[%swap3A_924, %swap3A_925], %swap3A_928 {add = true, strides = array<i32>} : memref<40x768xf32, #tpu.memory_space<vmem>>, vector<1x16xf32>,
        %get3A_929 = arith.index_cast %scan3A_551 : i32 to index
        %get3A_930 = arith.constant 672 : index
        %get3A_931 = tpu.vector_load %arg7[%get3A_929, %get3A_930] {strides = array<i32>} : memref<40x768xf32, #tpu.memory_space<vmem>>, vector<1x16xf32>,
        %get3A_932 = vector.shape_cast %get3A_931 : vector<1x16xf32> to vector<16xf32>
        %swap3A_933 = arith.index_cast %scan3A_551 : i32 to index
        %swap3A_934 = arith.constant 672 : index
        %swap3A_935 = tpu.vector_load %arg9[%swap3A_933, %swap3A_934] {strides = array<i32>} : memref<40x768xf32, #tpu.memory_space<vmem>>, vector<1x16xf32>,
        %swap3A_936 = vector.shape_cast %swap3A_935 : vector<1x16xf32> to vector<16xf32>
        %swap3A_937 = vector.shape_cast %get3A_932 : vector<16xf32> to vector<1x16xf32>
        tpu.vector_store %arg9[%swap3A_933, %swap3A_934], %swap3A_937 {add = true, strides = array<i32>} : memref<40x768xf32, #tpu.memory_space<vmem>>, vector<1x16xf32>,
        %get3A_938 = arith.index_cast %scan3A_551 : i32 to index
        %get3A_939 = arith.constant 688 : index
        %get3A_940 = tpu.vector_load %arg7[%get3A_938, %get3A_939] {strides = array<i32>} : memref<40x768xf32, #tpu.memory_space<vmem>>, vector<1x16xf32>,
        %get3A_941 = vector.shape_cast %get3A_940 : vector<1x16xf32> to vector<16xf32>
        %swap3A_942 = arith.index_cast %scan3A_551 : i32 to index
        %swap3A_943 = arith.constant 688 : index
        %swap3A_944 = tpu.vector_load %arg9[%swap3A_942, %swap3A_943] {strides = array<i32>} : memref<40x768xf32, #tpu.memory_space<vmem>>, vector<1x16xf32>,
        %swap3A_945 = vector.shape_cast %swap3A_944 : vector<1x16xf32> to vector<16xf32>
        %swap3A_946 = vector.shape_cast %get3A_941 : vector<16xf32> to vector<1x16xf32>
        tpu.vector_store %arg9[%swap3A_942, %swap3A_943], %swap3A_946 {add = true, strides = array<i32>} : memref<40x768xf32, #tpu.memory_space<vmem>>, vector<1x16xf32>,
        %get3A_947 = arith.index_cast %scan3A_551 : i32 to index
        %get3A_948 = arith.constant 704 : index
        %get3A_949 = tpu.vector_load %arg7[%get3A_947, %get3A_948] {strides = array<i32>} : memref<40x768xf32, #tpu.memory_space<vmem>>, vector<1x16xf32>,
        %get3A_950 = vector.shape_cast %get3A_949 : vector<1x16xf32> to vector<16xf32>
        %swap3A_951 = arith.index_cast %scan3A_551 : i32 to index
        %swap3A_952 = arith.constant 704 : index
        %swap3A_953 = tpu.vector_load %arg9[%swap3A_951, %swap3A_952] {strides = array<i32>} : memref<40x768xf32, #tpu.memory_space<vmem>>, vector<1x16xf32>,
        %swap3A_954 = vector.shape_cast %swap3A_953 : vector<1x16xf32> to vector<16xf32>
        %swap3A_955 = vector.shape_cast %get3A_950 : vector<16xf32> to vector<1x16xf32>
        tpu.vector_store %arg9[%swap3A_951, %swap3A_952], %swap3A_955 {add = true, strides = array<i32>} : memref<40x768xf32, #tpu.memory_space<vmem>>, vector<1x16xf32>,
        %get3A_956 = arith.index_cast %scan3A_551 : i32 to index
        %get3A_957 = arith.constant 720 : index
        %get3A_958 = tpu.vector_load %arg7[%get3A_956, %get3A_957] {strides = array<i32>} : memref<40x768xf32, #tpu.memory_space<vmem>>, vector<1x16xf32>,
        %get3A_959 = vector.shape_cast %get3A_958 : vector<1x16xf32> to vector<16xf32>
        %swap3A_960 = arith.index_cast %scan3A_551 : i32 to index
        %swap3A_961 = arith.constant 720 : index
        %swap3A_962 = tpu.vector_load %arg9[%swap3A_960, %swap3A_961] {strides = array<i32>} : memref<40x768xf32, #tpu.memory_space<vmem>>, vector<1x16xf32>,
        %swap3A_963 = vector.shape_cast %swap3A_962 : vector<1x16xf32> to vector<16xf32>
        %swap3A_964 = vector.shape_cast %get3A_959 : vector<16xf32> to vector<1x16xf32>
        tpu.vector_store %arg9[%swap3A_960, %swap3A_961], %swap3A_964 {add = true, strides = array<i32>} : memref<40x768xf32, #tpu.memory_space<vmem>>, vector<1x16xf32>,
        %get3A_965 = arith.index_cast %scan3A_551 : i32 to index
        %get3A_966 = arith.constant 736 : index
        %get3A_967 = tpu.vector_load %arg7[%get3A_965, %get3A_966] {strides = array<i32>} : memref<40x768xf32, #tpu.memory_space<vmem>>, vector<1x16xf32>,
        %get3A_968 = vector.shape_cast %get3A_967 : vector<1x16xf32> to vector<16xf32>
        %swap3A_969 = arith.index_cast %scan3A_551 : i32 to index
        %swap3A_970 = arith.constant 736 : index
        %swap3A_971 = tpu.vector_load %arg9[%swap3A_969, %swap3A_970] {strides = array<i32>} : memref<40x768xf32, #tpu.memory_space<vmem>>, vector<1x16xf32>,
        %swap3A_972 = vector.shape_cast %swap3A_971 : vector<1x16xf32> to vector<16xf32>
        %swap3A_973 = vector.shape_cast %get3A_968 : vector<16xf32> to vector<1x16xf32>
        tpu.vector_store %arg9[%swap3A_969, %swap3A_970], %swap3A_973 {add = true, strides = array<i32>} : memref<40x768xf32, #tpu.memory_space<vmem>>, vector<1x16xf32>,
        %get3A_974 = arith.index_cast %scan3A_551 : i32 to index
        %get3A_975 = arith.constant 752 : index
        %get3A_976 = tpu.vector_load %arg7[%get3A_974, %get3A_975] {strides = array<i32>} : memref<40x768xf32, #tpu.memory_space<vmem>>, vector<1x16xf32>,
        %get3A_977 = vector.shape_cast %get3A_976 : vector<1x16xf32> to vector<16xf32>
        %swap3A_978 = arith.index_cast %scan3A_551 : i32 to index
        %swap3A_979 = arith.constant 752 : index
        %swap3A_980 = tpu.vector_load %arg9[%swap3A_978, %swap3A_979] {strides = array<i32>} : memref<40x768xf32, #tpu.memory_space<vmem>>, vector<1x16xf32>,
        %swap3A_981 = vector.shape_cast %swap3A_980 : vector<1x16xf32> to vector<16xf32>
        %swap3A_982 = vector.shape_cast %get3A_977 : vector<16xf32> to vector<1x16xf32>
        tpu.vector_store %arg9[%swap3A_978, %swap3A_979], %swap3A_982 {add = true, strides = array<i32>} : memref<40x768xf32, #tpu.memory_space<vmem>>, vector<1x16xf32>,
        %scan3A_983 = arith.constant 0 : i32
        scf.yield %scan3A_983 : i32
      }
      %scan3A_379 = arith.constant 40 : i32
      %jit3A_380 = arith.constant 32 : i32
      %div3A_381 = arith.divsi %add3A_287, %jit3A_380 : i32
      %sign3A_382 = arith.constant 0 : i32
      %sign3A_383 = arith.cmpi sgt, %add3A_287, %sign3A_382 : i32
      %sign3A_384 = arith.extui %sign3A_383 : i1 to i32
      %sign3A_385 = arith.constant 0 : i32
      %sign3A_386 = arith.cmpi slt, %add3A_287, %sign3A_385 : i32
      %sign3A_387 = arith.extui %sign3A_386 : i1 to i32
      %sign3A_388 = arith.subi %sign3A_384, %sign3A_387 : i32
      %sign3A_389 = arith.constant 0 : i32
      %sign3A_390 = arith.cmpi sgt, %jit3A_380, %sign3A_389 : i32
      %sign3A_391 = arith.extui %sign3A_390 : i1 to i32
      %sign3A_392 = arith.constant 0 : i32
      %sign3A_393 = arith.cmpi slt, %jit3A_380, %sign3A_392 : i32
      %sign3A_394 = arith.extui %sign3A_393 : i1 to i32
      %sign3A_395 = arith.subi %sign3A_391, %sign3A_394 : i32
      %ne3A_396 = arith.cmpi ne, %sign3A_388, %sign3A_395 : i32
      %rem3A_397 = arith.remsi %add3A_287, %jit3A_380 : i32
      %ne3A_398 = arith.constant 0 : i32
      %ne3A_399 = arith.cmpi ne, %rem3A_397, %ne3A_398 : i32
      %and3A_400 = arith.andi %ne3A_396, %ne3A_399 : i1
      %sub3A_401 = arith.constant 1 : i32
      %sub3A_402 = arith.subi %div3A_381, %sub3A_401 : i32
      %select_n3A_403 = arith.select %and3A_400, %sub3A_402, %div3A_381 : i32
      %mul3A_404 = arith.constant 32 : i32
      %mul3A_405 = arith.muli %select_n3A_403, %mul3A_404 : i32
      %sub3A_406 = arith.subi %add3A_287, %mul3A_405 : i32
      %mul3A_407 = arith.constant 200 : i32
      %mul3A_408 = arith.muli %sub3A_406, %mul3A_407 : i32
      %mul3A_409 = arith.constant 40 : i32
      %mul3A_410 = arith.muli %select_n3A_403, %mul3A_409 : i32
      %add3A_411 = arith.addi %mul3A_408, %mul3A_410 : i32
      %add3A_412 = arith.addi %mul3A_4, %add3A_411 : i32
      %dma_start3A_413 = arith.constant 0 : i32
      %dma_start3A_414 = tpu.memref_slice %arg5[%add3A_412, %dma_start3A_413] : memref<204800x768xf32, #tpu.memory_space<hbm>> -> memref<40x768xf32, #tpu.memory_space<hbm>>
      %dma_start3A_415 = arith.constant 0 : i32
      %dma_start3A_416 = tpu.memref_slice %arg5[%add3A_412, %dma_start3A_415] : memref<204800x768xf32, #tpu.memory_space<hbm>> -> memref<40x768xf32, #tpu.memory_space<hbm>>
      tpu.enqueue_dma source(%arg9 : memref<40x768xf32, #tpu.memory_space<vmem>>) target(%dma_start3A_416 : memref<40x768xf32, #tpu.memory_space<hbm>>) target_semaphore(%arg15 : memref<!tpu.dma_semaphore, #tpu.memory_space<semaphore_mem>>)
      %mul3A_417 = arith.constant 3 : i32
      %mul3A_418 = arith.muli %mul3A_417, %scan3A_151 : i32
      %add3A_419 = arith.constant 2 : i32
      %add3A_420 = arith.addi %mul3A_418, %add3A_419 : i32
      %jit3A_421 = arith.constant 32 : i32
      %div3A_422 = arith.divsi %add3A_420, %jit3A_421 : i32
      %sign3A_423 = arith.constant 0 : i32
      %sign3A_424 = arith.cmpi sgt, %add3A_420, %sign3A_423 : i32
      %sign3A_425 = arith.extui %sign3A_424 : i1 to i32
      %sign3A_426 = arith.constant 0 : i32
      %sign3A_427 = arith.cmpi slt, %add3A_420, %sign3A_426 : i32
      %sign3A_428 = arith.extui %sign3A_427 : i1 to i32
      %sign3A_429 = arith.subi %sign3A_425, %sign3A_428 : i32
      %sign3A_430 = arith.constant 0 : i32
      %sign3A_431 = arith.cmpi sgt, %jit3A_421, %sign3A_430 : i32
      %sign3A_432 = arith.extui %sign3A_431 : i1 to i32
      %sign3A_433 = arith.constant 0 : i32
      %sign3A_434 = arith.cmpi slt, %jit3A_421, %sign3A_433 : i32
      %sign3A_435 = arith.extui %sign3A_434 : i1 to i32
      %sign3A_436 = arith.subi %sign3A_432, %sign3A_435 : i32
      %ne3A_437 = arith.cmpi ne, %sign3A_429, %sign3A_436 : i32
      %rem3A_438 = arith.remsi %add3A_420, %jit3A_421 : i32
      %ne3A_439 = arith.constant 0 : i32
      %ne3A_440 = arith.cmpi ne, %rem3A_438, %ne3A_439 : i32
      %and3A_441 = arith.andi %ne3A_437, %ne3A_440 : i1
      %sub3A_442 = arith.constant 1 : i32
      %sub3A_443 = arith.subi %div3A_422, %sub3A_442 : i32
      %select_n3A_444 = arith.select %and3A_441, %sub3A_443, %div3A_422 : i32
      %mul3A_445 = arith.constant 32 : i32
      %mul3A_446 = arith.muli %select_n3A_444, %mul3A_445 : i32
      %sub3A_447 = arith.subi %add3A_420, %mul3A_446 : i32
      %mul3A_448 = arith.constant 200 : i32
      %mul3A_449 = arith.muli %sub3A_447, %mul3A_448 : i32
      %mul3A_450 = arith.constant 40 : i32
      %mul3A_451 = arith.muli %select_n3A_444, %mul3A_450 : i32
      %add3A_452 = arith.addi %mul3A_449, %mul3A_451 : i32
      %eq3A_453 = arith.constant 0 : i32
      %eq3A_454 = arith.cmpi eq, %sub3A_447, %eq3A_453 : i32
      %convert_element_type3A_455 = arith.extui %eq3A_454 : i1 to i32
      %cond3A_456 = arith.constant 0 : i32
      %cond3A_457 = arith.cmpi ne, %convert_element_type3A_455, %cond3A_456 : i32
      scf.if %cond3A_457 {
        %mul3A_551 = arith.constant 40 : i32
        %mul3A_552 = arith.muli %select_n3A_444, %mul3A_551 : i32
        "tpu.region"() ({
          %run_scoped3A = tpu.sem_alloc : memref<!tpu.dma_semaphore, #tpu.memory_space<semaphore_mem>>
          %dma_start3A_553 = arith.constant 0 : i32
          %dma_start3A_554 = tpu.memref_slice %arg4[%mul3A_552, %dma_start3A_553] : memref<512x768xf32, #tpu.memory_space<hbm>> -> memref<40x768xf32, #tpu.memory_space<hbm>>
          %dma_start3A_555 = arith.constant 0 : i32
          %dma_start3A_556 = tpu.memref_slice %arg4[%mul3A_552, %dma_start3A_555] : memref<512x768xf32, #tpu.memory_space<hbm>> -> memref<40x768xf32, #tpu.memory_space<hbm>>
          tpu.enqueue_dma source(%dma_start3A_556 : memref<40x768xf32, #tpu.memory_space<hbm>>) target(%arg7 : memref<40x768xf32, #tpu.memory_space<vmem>>) target_semaphore(%run_scoped3A : memref<!tpu.dma_semaphore, #tpu.memory_space<semaphore_mem>>)
          %dma_wait3A_557 = arith.constant 0 : i32
          %dma_wait3A_558 = tpu.memref_slice %arg4[%mul3A_552, %dma_wait3A_557] : memref<512x768xf32, #tpu.memory_space<hbm>> -> memref<40x768xf32, #tpu.memory_space<hbm>>
          %dma_wait3A_559 = arith.constant 0 : i32
          %dma_wait3A_560 = tpu.memref_slice %arg4[%mul3A_552, %dma_wait3A_559] : memref<512x768xf32, #tpu.memory_space<hbm>> -> memref<40x768xf32, #tpu.memory_space<hbm>>
          tpu.wait_dma2 semaphore(%run_scoped3A : memref<!tpu.dma_semaphore, #tpu.memory_space<semaphore_mem>>) src(%dma_wait3A_560 : memref<40x768xf32, #tpu.memory_space<hbm>>) dst(%arg7 : memref<40x768xf32, #tpu.memory_space<vmem>>)
          tpu.yield
        }) : () -> ()
      } else {
      }
      %ge3A_458 = arith.constant 1 : i32
      %ge3A_459 = arith.cmpi sge, %add3A_420, %ge3A_458 : i32
      %convert_element_type3A_460 = arith.extui %ge3A_459 : i1 to i32
      %cond3A_461 = arith.constant 0 : i32
      %cond3A_462 = arith.cmpi ne, %convert_element_type3A_460, %cond3A_461 : i32
      scf.if %cond3A_462 {
        %sub3A_551 = arith.constant 1 : i32
        %sub3A_552 = arith.subi %add3A_420, %sub3A_551 : i32
        %jit3A_553 = arith.constant 32 : i32
        %div3A_554 = arith.divsi %sub3A_552, %jit3A_553 : i32
        %sign3A_555 = arith.constant 0 : i32
        %sign3A_556 = arith.cmpi sgt, %sub3A_552, %sign3A_555 : i32
        %sign3A_557 = arith.extui %sign3A_556 : i1 to i32
        %sign3A_558 = arith.constant 0 : i32
        %sign3A_559 = arith.cmpi slt, %sub3A_552, %sign3A_558 : i32
        %sign3A_560 = arith.extui %sign3A_559 : i1 to i32
        %sign3A_561 = arith.subi %sign3A_557, %sign3A_560 : i32
        %sign3A_562 = arith.constant 0 : i32
        %sign3A_563 = arith.cmpi sgt, %jit3A_553, %sign3A_562 : i32
        %sign3A_564 = arith.extui %sign3A_563 : i1 to i32
        %sign3A_565 = arith.constant 0 : i32
        %sign3A_566 = arith.cmpi slt, %jit3A_553, %sign3A_565 : i32
        %sign3A_567 = arith.extui %sign3A_566 : i1 to i32
        %sign3A_568 = arith.subi %sign3A_564, %sign3A_567 : i32
        %ne3A_569 = arith.cmpi ne, %sign3A_561, %sign3A_568 : i32
        %rem3A_570 = arith.remsi %sub3A_552, %jit3A_553 : i32
        %ne3A_571 = arith.constant 0 : i32
        %ne3A_572 = arith.cmpi ne, %rem3A_570, %ne3A_571 : i32
        %and3A_573 = arith.andi %ne3A_569, %ne3A_572 : i1
        %sub3A_574 = arith.constant 1 : i32
        %sub3A_575 = arith.subi %div3A_554, %sub3A_574 : i32
        %select_n3A_576 = arith.select %and3A_573, %sub3A_575, %div3A_554 : i32
        %mul3A_577 = arith.constant 32 : i32
        %mul3A_578 = arith.muli %select_n3A_576, %mul3A_577 : i32
        %sub3A_579 = arith.subi %sub3A_552, %mul3A_578 : i32
        %mul3A_580 = arith.constant 200 : i32
        %mul3A_581 = arith.muli %sub3A_579, %mul3A_580 : i32
        %mul3A_582 = arith.constant 40 : i32
        %mul3A_583 = arith.muli %select_n3A_576, %mul3A_582 : i32
        %add3A_584 = arith.addi %mul3A_581, %mul3A_583 : i32
        %add3A_585 = arith.addi %mul3A_4, %add3A_584 : i32
        %dma_wait3A_586 = arith.constant 0 : i32
        %dma_wait3A_587 = tpu.memref_slice %arg5[%add3A_585, %dma_wait3A_586] : memref<204800x768xf32, #tpu.memory_space<hbm>> -> memref<40x768xf32, #tpu.memory_space<hbm>>
        %dma_wait3A_588 = arith.constant 0 : i32
        %dma_wait3A_589 = tpu.memref_slice %arg5[%add3A_585, %dma_wait3A_588] : memref<204800x768xf32, #tpu.memory_space<hbm>> -> memref<40x768xf32, #tpu.memory_space<hbm>>
        tpu.wait_dma2 semaphore(%arg15 : memref<!tpu.dma_semaphore, #tpu.memory_space<semaphore_mem>>) src(%arg9 : memref<40x768xf32, #tpu.memory_space<vmem>>) dst(%dma_wait3A_589 : memref<40x768xf32, #tpu.memory_space<hbm>>)
      } else {
      }
      %add3A_463 = arith.constant 2 : i32
      %add3A_464 = arith.addi %add3A_420, %add3A_463 : i32
      %lt3A_465 = arith.constant 160 : i32
      %lt3A_466 = arith.cmpi slt, %add3A_464, %lt3A_465 : i32
      %convert_element_type3A_467 = arith.extui %lt3A_466 : i1 to i32
      %cond3A_468 = arith.constant 0 : i32
      %cond3A_469 = arith.cmpi ne, %convert_element_type3A_467, %cond3A_468 : i32
      scf.if %cond3A_469 {
        %add3A_551 = arith.constant 2 : i32
        %add3A_552 = arith.addi %add3A_420, %add3A_551 : i32
        %jit3A_553 = arith.constant 32 : i32
        %div3A_554 = arith.divsi %add3A_552, %jit3A_553 : i32
        %sign3A_555 = arith.constant 0 : i32
        %sign3A_556 = arith.cmpi sgt, %add3A_552, %sign3A_555 : i32
        %sign3A_557 = arith.extui %sign3A_556 : i1 to i32
        %sign3A_558 = arith.constant 0 : i32
        %sign3A_559 = arith.cmpi slt, %add3A_552, %sign3A_558 : i32
        %sign3A_560 = arith.extui %sign3A_559 : i1 to i32
        %sign3A_561 = arith.subi %sign3A_557, %sign3A_560 : i32
        %sign3A_562 = arith.constant 0 : i32
        %sign3A_563 = arith.cmpi sgt, %jit3A_553, %sign3A_562 : i32
        %sign3A_564 = arith.extui %sign3A_563 : i1 to i32
        %sign3A_565 = arith.constant 0 : i32
        %sign3A_566 = arith.cmpi slt, %jit3A_553, %sign3A_565 : i32
        %sign3A_567 = arith.extui %sign3A_566 : i1 to i32
        %sign3A_568 = arith.subi %sign3A_564, %sign3A_567 : i32
        %ne3A_569 = arith.cmpi ne, %sign3A_561, %sign3A_568 : i32
        %rem3A_570 = arith.remsi %add3A_552, %jit3A_553 : i32
        %ne3A_571 = arith.constant 0 : i32
        %ne3A_572 = arith.cmpi ne, %rem3A_570, %ne3A_571 : i32
        %and3A_573 = arith.andi %ne3A_569, %ne3A_572 : i1
        %sub3A_574 = arith.constant 1 : i32
        %sub3A_575 = arith.subi %div3A_554, %sub3A_574 : i32
        %select_n3A_576 = arith.select %and3A_573, %sub3A_575, %div3A_554 : i32
        %mul3A_577 = arith.constant 32 : i32
        %mul3A_578 = arith.muli %select_n3A_576, %mul3A_577 : i32
        %sub3A_579 = arith.subi %add3A_552, %mul3A_578 : i32
        %mul3A_580 = arith.constant 200 : i32
        %mul3A_581 = arith.muli %sub3A_579, %mul3A_580 : i32
        %mul3A_582 = arith.constant 40 : i32
        %mul3A_583 = arith.muli %select_n3A_576, %mul3A_582 : i32
        %add3A_584 = arith.addi %mul3A_581, %mul3A_583 : i32
        %dma_start3A_585 = tpu.memref_slice %arg6[%add3A_584] : memref<6400xi32, #tpu.memory_space<vmem>> -> memref<40xi32, #tpu.memory_space<vmem>>
        %dma_start3A_586 = arith.constant 0 : i32
        %dma_start3A_587 = arith.constant 0 : i32
        %dma_start3A_588 = tpu.memref_slice %arg3[%dma_start3A_586, %dma_start3A_587] : memref<100000x768xf32, #tpu.memory_space<hbm>> -> memref<100000x768xf32, #tpu.memory_space<hbm>>
        tpu.enqueue_indirect_dma source(%dma_start3A_588 : memref<100000x768xf32, #tpu.memory_space<hbm>>) target(%arg9 : memref<40x768xf32, #tpu.memory_space<vmem>>) offsets(%dma_start3A_585 : memref<40xi32, #tpu.memory_space<vmem>>) semaphore(%arg12 : memref<!tpu.dma_semaphore, #tpu.memory_space<semaphore_mem>>)
      } else {
      }
      %jit3A_470 = arith.constant 32 : i32
      %div3A_471 = arith.divsi %add3A_420, %jit3A_470 : i32
      %sign3A_472 = arith.constant 0 : i32
      %sign3A_473 = arith.cmpi sgt, %add3A_420, %sign3A_472 : i32
      %sign3A_474 = arith.extui %sign3A_473 : i1 to i32
      %sign3A_475 = arith.constant 0 : i32
      %sign3A_476 = arith.cmpi slt, %add3A_420, %sign3A_475 : i32
      %sign3A_477 = arith.extui %sign3A_476 : i1 to i32
      %sign3A_478 = arith.subi %sign3A_474, %sign3A_477 : i32
      %sign3A_479 = arith.constant 0 : i32
      %sign3A_480 = arith.cmpi sgt, %jit3A_470, %sign3A_479 : i32
      %sign3A_481 = arith.extui %sign3A_480 : i1 to i32
      %sign3A_482 = arith.constant 0 : i32
      %sign3A_483 = arith.cmpi slt, %jit3A_470, %sign3A_482 : i32
      %sign3A_484 = arith.extui %sign3A_483 : i1 to i32
      %sign3A_485 = arith.subi %sign3A_481, %sign3A_484 : i32
      %ne3A_486 = arith.cmpi ne, %sign3A_478, %sign3A_485 : i32
      %rem3A_487 = arith.remsi %add3A_420, %jit3A_470 : i32
      %ne3A_488 = arith.constant 0 : i32
      %ne3A_489 = arith.cmpi ne, %rem3A_487, %ne3A_488 : i32
      %and3A_490 = arith.andi %ne3A_486, %ne3A_489 : i1
      %sub3A_491 = arith.constant 1 : i32
      %sub3A_492 = arith.subi %div3A_471, %sub3A_491 : i32
      %select_n3A_493 = arith.select %and3A_490, %sub3A_492, %div3A_471 : i32
      %mul3A_494 = arith.constant 32 : i32
      %mul3A_495 = arith.muli %select_n3A_493, %mul3A_494 : i32
      %sub3A_496 = arith.subi %add3A_420, %mul3A_495 : i32
      %mul3A_497 = arith.constant 200 : i32
      %mul3A_498 = arith.muli %sub3A_496, %mul3A_497 : i32
      %mul3A_499 = arith.constant 40 : i32
      %mul3A_500 = arith.muli %select_n3A_493, %mul3A_499 : i32
      %add3A_501 = arith.addi %mul3A_498, %mul3A_500 : i32
      %dma_wait3A_502 = tpu.memref_slice %arg6[%add3A_501] : memref<6400xi32, #tpu.memory_space<vmem>> -> memref<40xi32, #tpu.memory_space<vmem>>
      %dma_wait3A_503 = arith.constant 0 : i32
      %dma_wait3A_504 = arith.constant 0 : i32
      %dma_wait3A_505 = tpu.memref_slice %arg3[%dma_wait3A_503, %dma_wait3A_504] : memref<100000x768xf32, #tpu.memory_space<hbm>> -> memref<100000x768xf32, #tpu.memory_space<hbm>>
      tpu.wait_indirect_dma semaphore(%arg13 : memref<!tpu.dma_semaphore, #tpu.memory_space<semaphore_mem>>) src(%dma_wait3A_505 : memref<100000x768xf32, #tpu.memory_space<hbm>>) dst(%arg10 : memref<40x768xf32, #tpu.memory_space<vmem>>)
      %scan3A_506 = arith.constant 0 : i32
      %scan3A_507 = arith.constant 0 : i32
      %scan3A_508 = arith.constant 40 : i32
      %scan3A_509 = arith.addi %scan3A_507, %scan3A_508 : i32
      %scan3A_510 = arith.constant 1 : i32
      %scan3A_511 = scf.for %scan3A_551 = %scan3A_507 to %scan3A_509 step %scan3A_510 iter_args(%scan3A_552 = %scan3A_506) -> (i32)  : i32 {
        %get3A = arith.index_cast %scan3A_551 : i32 to index
        %get3A_553 = arith.constant 0 : index
        %get3A_554 = tpu.vector_load %arg7[%get3A, %get3A_553] {strides = array<i32>} : memref<40x768xf32, #tpu.memory_space<vmem>>, vector<1x16xf32>,
        %get3A_555 = vector.shape_cast %get3A_554 : vector<1x16xf32> to vector<16xf32>
        %swap3A = arith.index_cast %scan3A_551 : i32 to index
        %swap3A_556 = arith.constant 0 : index
        %swap3A_557 = tpu.vector_load %arg10[%swap3A, %swap3A_556] {strides = array<i32>} : memref<40x768xf32, #tpu.memory_space<vmem>>, vector<1x16xf32>,
        %swap3A_558 = vector.shape_cast %swap3A_557 : vector<1x16xf32> to vector<16xf32>
        %swap3A_559 = vector.shape_cast %get3A_555 : vector<16xf32> to vector<1x16xf32>
        tpu.vector_store %arg10[%swap3A, %swap3A_556], %swap3A_559 {add = true, strides = array<i32>} : memref<40x768xf32, #tpu.memory_space<vmem>>, vector<1x16xf32>,
        %get3A_560 = arith.index_cast %scan3A_551 : i32 to index
        %get3A_561 = arith.constant 16 : index
        %get3A_562 = tpu.vector_load %arg7[%get3A_560, %get3A_561] {strides = array<i32>} : memref<40x768xf32, #tpu.memory_space<vmem>>, vector<1x16xf32>,
        %get3A_563 = vector.shape_cast %get3A_562 : vector<1x16xf32> to vector<16xf32>
        %swap3A_564 = arith.index_cast %scan3A_551 : i32 to index
        %swap3A_565 = arith.constant 16 : index
        %swap3A_566 = tpu.vector_load %arg10[%swap3A_564, %swap3A_565] {strides = array<i32>} : memref<40x768xf32, #tpu.memory_space<vmem>>, vector<1x16xf32>,
        %swap3A_567 = vector.shape_cast %swap3A_566 : vector<1x16xf32> to vector<16xf32>
        %swap3A_568 = vector.shape_cast %get3A_563 : vector<16xf32> to vector<1x16xf32>
        tpu.vector_store %arg10[%swap3A_564, %swap3A_565], %swap3A_568 {add = true, strides = array<i32>} : memref<40x768xf32, #tpu.memory_space<vmem>>, vector<1x16xf32>,
        %get3A_569 = arith.index_cast %scan3A_551 : i32 to index
        %get3A_570 = arith.constant 32 : index
        %get3A_571 = tpu.vector_load %arg7[%get3A_569, %get3A_570] {strides = array<i32>} : memref<40x768xf32, #tpu.memory_space<vmem>>, vector<1x16xf32>,
        %get3A_572 = vector.shape_cast %get3A_571 : vector<1x16xf32> to vector<16xf32>
        %swap3A_573 = arith.index_cast %scan3A_551 : i32 to index
        %swap3A_574 = arith.constant 32 : index
        %swap3A_575 = tpu.vector_load %arg10[%swap3A_573, %swap3A_574] {strides = array<i32>} : memref<40x768xf32, #tpu.memory_space<vmem>>, vector<1x16xf32>,
        %swap3A_576 = vector.shape_cast %swap3A_575 : vector<1x16xf32> to vector<16xf32>
        %swap3A_577 = vector.shape_cast %get3A_572 : vector<16xf32> to vector<1x16xf32>
        tpu.vector_store %arg10[%swap3A_573, %swap3A_574], %swap3A_577 {add = true, strides = array<i32>} : memref<40x768xf32, #tpu.memory_space<vmem>>, vector<1x16xf32>,
        %get3A_578 = arith.index_cast %scan3A_551 : i32 to index
        %get3A_579 = arith.constant 48 : index
        %get3A_580 = tpu.vector_load %arg7[%get3A_578, %get3A_579] {strides = array<i32>} : memref<40x768xf32, #tpu.memory_space<vmem>>, vector<1x16xf32>,
        %get3A_581 = vector.shape_cast %get3A_580 : vector<1x16xf32> to vector<16xf32>
        %swap3A_582 = arith.index_cast %scan3A_551 : i32 to index
        %swap3A_583 = arith.constant 48 : index
        %swap3A_584 = tpu.vector_load %arg10[%swap3A_582, %swap3A_583] {strides = array<i32>} : memref<40x768xf32, #tpu.memory_space<vmem>>, vector<1x16xf32>,
        %swap3A_585 = vector.shape_cast %swap3A_584 : vector<1x16xf32> to vector<16xf32>
        %swap3A_586 = vector.shape_cast %get3A_581 : vector<16xf32> to vector<1x16xf32>
        tpu.vector_store %arg10[%swap3A_582, %swap3A_583], %swap3A_586 {add = true, strides = array<i32>} : memref<40x768xf32, #tpu.memory_space<vmem>>, vector<1x16xf32>,
        %get3A_587 = arith.index_cast %scan3A_551 : i32 to index
        %get3A_588 = arith.constant 64 : index
        %get3A_589 = tpu.vector_load %arg7[%get3A_587, %get3A_588] {strides = array<i32>} : memref<40x768xf32, #tpu.memory_space<vmem>>, vector<1x16xf32>,
        %get3A_590 = vector.shape_cast %get3A_589 : vector<1x16xf32> to vector<16xf32>
        %swap3A_591 = arith.index_cast %scan3A_551 : i32 to index
        %swap3A_592 = arith.constant 64 : index
        %swap3A_593 = tpu.vector_load %arg10[%swap3A_591, %swap3A_592] {strides = array<i32>} : memref<40x768xf32, #tpu.memory_space<vmem>>, vector<1x16xf32>,
        %swap3A_594 = vector.shape_cast %swap3A_593 : vector<1x16xf32> to vector<16xf32>
        %swap3A_595 = vector.shape_cast %get3A_590 : vector<16xf32> to vector<1x16xf32>
        tpu.vector_store %arg10[%swap3A_591, %swap3A_592], %swap3A_595 {add = true, strides = array<i32>} : memref<40x768xf32, #tpu.memory_space<vmem>>, vector<1x16xf32>,
        %get3A_596 = arith.index_cast %scan3A_551 : i32 to index
        %get3A_597 = arith.constant 80 : index
        %get3A_598 = tpu.vector_load %arg7[%get3A_596, %get3A_597] {strides = array<i32>} : memref<40x768xf32, #tpu.memory_space<vmem>>, vector<1x16xf32>,
        %get3A_599 = vector.shape_cast %get3A_598 : vector<1x16xf32> to vector<16xf32>
        %swap3A_600 = arith.index_cast %scan3A_551 : i32 to index
        %swap3A_601 = arith.constant 80 : index
        %swap3A_602 = tpu.vector_load %arg10[%swap3A_600, %swap3A_601] {strides = array<i32>} : memref<40x768xf32, #tpu.memory_space<vmem>>, vector<1x16xf32>,
        %swap3A_603 = vector.shape_cast %swap3A_602 : vector<1x16xf32> to vector<16xf32>
        %swap3A_604 = vector.shape_cast %get3A_599 : vector<16xf32> to vector<1x16xf32>
        tpu.vector_store %arg10[%swap3A_600, %swap3A_601], %swap3A_604 {add = true, strides = array<i32>} : memref<40x768xf32, #tpu.memory_space<vmem>>, vector<1x16xf32>,
        %get3A_605 = arith.index_cast %scan3A_551 : i32 to index
        %get3A_606 = arith.constant 96 : index
        %get3A_607 = tpu.vector_load %arg7[%get3A_605, %get3A_606] {strides = array<i32>} : memref<40x768xf32, #tpu.memory_space<vmem>>, vector<1x16xf32>,
        %get3A_608 = vector.shape_cast %get3A_607 : vector<1x16xf32> to vector<16xf32>
        %swap3A_609 = arith.index_cast %scan3A_551 : i32 to index
        %swap3A_610 = arith.constant 96 : index
        %swap3A_611 = tpu.vector_load %arg10[%swap3A_609, %swap3A_610] {strides = array<i32>} : memref<40x768xf32, #tpu.memory_space<vmem>>, vector<1x16xf32>,
        %swap3A_612 = vector.shape_cast %swap3A_611 : vector<1x16xf32> to vector<16xf32>
        %swap3A_613 = vector.shape_cast %get3A_608 : vector<16xf32> to vector<1x16xf32>
        tpu.vector_store %arg10[%swap3A_609, %swap3A_610], %swap3A_613 {add = true, strides = array<i32>} : memref<40x768xf32, #tpu.memory_space<vmem>>, vector<1x16xf32>,
        %get3A_614 = arith.index_cast %scan3A_551 : i32 to index
        %get3A_615 = arith.constant 112 : index
        %get3A_616 = tpu.vector_load %arg7[%get3A_614, %get3A_615] {strides = array<i32>} : memref<40x768xf32, #tpu.memory_space<vmem>>, vector<1x16xf32>,
        %get3A_617 = vector.shape_cast %get3A_616 : vector<1x16xf32> to vector<16xf32>
        %swap3A_618 = arith.index_cast %scan3A_551 : i32 to index
        %swap3A_619 = arith.constant 112 : index
        %swap3A_620 = tpu.vector_load %arg10[%swap3A_618, %swap3A_619] {strides = array<i32>} : memref<40x768xf32, #tpu.memory_space<vmem>>, vector<1x16xf32>,
        %swap3A_621 = vector.shape_cast %swap3A_620 : vector<1x16xf32> to vector<16xf32>
        %swap3A_622 = vector.shape_cast %get3A_617 : vector<16xf32> to vector<1x16xf32>
        tpu.vector_store %arg10[%swap3A_618, %swap3A_619], %swap3A_622 {add = true, strides = array<i32>} : memref<40x768xf32, #tpu.memory_space<vmem>>, vector<1x16xf32>,
        %get3A_623 = arith.index_cast %scan3A_551 : i32 to index
        %get3A_624 = arith.constant 128 : index
        %get3A_625 = tpu.vector_load %arg7[%get3A_623, %get3A_624] {strides = array<i32>} : memref<40x768xf32, #tpu.memory_space<vmem>>, vector<1x16xf32>,
        %get3A_626 = vector.shape_cast %get3A_625 : vector<1x16xf32> to vector<16xf32>
        %swap3A_627 = arith.index_cast %scan3A_551 : i32 to index
        %swap3A_628 = arith.constant 128 : index
        %swap3A_629 = tpu.vector_load %arg10[%swap3A_627, %swap3A_628] {strides = array<i32>} : memref<40x768xf32, #tpu.memory_space<vmem>>, vector<1x16xf32>,
        %swap3A_630 = vector.shape_cast %swap3A_629 : vector<1x16xf32> to vector<16xf32>
        %swap3A_631 = vector.shape_cast %get3A_626 : vector<16xf32> to vector<1x16xf32>
        tpu.vector_store %arg10[%swap3A_627, %swap3A_628], %swap3A_631 {add = true, strides = array<i32>} : memref<40x768xf32, #tpu.memory_space<vmem>>, vector<1x16xf32>,
        %get3A_632 = arith.index_cast %scan3A_551 : i32 to index
        %get3A_633 = arith.constant 144 : index
        %get3A_634 = tpu.vector_load %arg7[%get3A_632, %get3A_633] {strides = array<i32>} : memref<40x768xf32, #tpu.memory_space<vmem>>, vector<1x16xf32>,
        %get3A_635 = vector.shape_cast %get3A_634 : vector<1x16xf32> to vector<16xf32>
        %swap3A_636 = arith.index_cast %scan3A_551 : i32 to index
        %swap3A_637 = arith.constant 144 : index
        %swap3A_638 = tpu.vector_load %arg10[%swap3A_636, %swap3A_637] {strides = array<i32>} : memref<40x768xf32, #tpu.memory_space<vmem>>, vector<1x16xf32>,
        %swap3A_639 = vector.shape_cast %swap3A_638 : vector<1x16xf32> to vector<16xf32>
        %swap3A_640 = vector.shape_cast %get3A_635 : vector<16xf32> to vector<1x16xf32>
        tpu.vector_store %arg10[%swap3A_636, %swap3A_637], %swap3A_640 {add = true, strides = array<i32>} : memref<40x768xf32, #tpu.memory_space<vmem>>, vector<1x16xf32>,
        %get3A_641 = arith.index_cast %scan3A_551 : i32 to index
        %get3A_642 = arith.constant 160 : index
        %get3A_643 = tpu.vector_load %arg7[%get3A_641, %get3A_642] {strides = array<i32>} : memref<40x768xf32, #tpu.memory_space<vmem>>, vector<1x16xf32>,
        %get3A_644 = vector.shape_cast %get3A_643 : vector<1x16xf32> to vector<16xf32>
        %swap3A_645 = arith.index_cast %scan3A_551 : i32 to index
        %swap3A_646 = arith.constant 160 : index
        %swap3A_647 = tpu.vector_load %arg10[%swap3A_645, %swap3A_646] {strides = array<i32>} : memref<40x768xf32, #tpu.memory_space<vmem>>, vector<1x16xf32>,
        %swap3A_648 = vector.shape_cast %swap3A_647 : vector<1x16xf32> to vector<16xf32>
        %swap3A_649 = vector.shape_cast %get3A_644 : vector<16xf32> to vector<1x16xf32>
        tpu.vector_store %arg10[%swap3A_645, %swap3A_646], %swap3A_649 {add = true, strides = array<i32>} : memref<40x768xf32, #tpu.memory_space<vmem>>, vector<1x16xf32>,
        %get3A_650 = arith.index_cast %scan3A_551 : i32 to index
        %get3A_651 = arith.constant 176 : index
        %get3A_652 = tpu.vector_load %arg7[%get3A_650, %get3A_651] {strides = array<i32>} : memref<40x768xf32, #tpu.memory_space<vmem>>, vector<1x16xf32>,
        %get3A_653 = vector.shape_cast %get3A_652 : vector<1x16xf32> to vector<16xf32>
        %swap3A_654 = arith.index_cast %scan3A_551 : i32 to index
        %swap3A_655 = arith.constant 176 : index
        %swap3A_656 = tpu.vector_load %arg10[%swap3A_654, %swap3A_655] {strides = array<i32>} : memref<40x768xf32, #tpu.memory_space<vmem>>, vector<1x16xf32>,
        %swap3A_657 = vector.shape_cast %swap3A_656 : vector<1x16xf32> to vector<16xf32>
        %swap3A_658 = vector.shape_cast %get3A_653 : vector<16xf32> to vector<1x16xf32>
        tpu.vector_store %arg10[%swap3A_654, %swap3A_655], %swap3A_658 {add = true, strides = array<i32>} : memref<40x768xf32, #tpu.memory_space<vmem>>, vector<1x16xf32>,
        %get3A_659 = arith.index_cast %scan3A_551 : i32 to index
        %get3A_660 = arith.constant 192 : index
        %get3A_661 = tpu.vector_load %arg7[%get3A_659, %get3A_660] {strides = array<i32>} : memref<40x768xf32, #tpu.memory_space<vmem>>, vector<1x16xf32>,
        %get3A_662 = vector.shape_cast %get3A_661 : vector<1x16xf32> to vector<16xf32>
        %swap3A_663 = arith.index_cast %scan3A_551 : i32 to index
        %swap3A_664 = arith.constant 192 : index
        %swap3A_665 = tpu.vector_load %arg10[%swap3A_663, %swap3A_664] {strides = array<i32>} : memref<40x768xf32, #tpu.memory_space<vmem>>, vector<1x16xf32>,
        %swap3A_666 = vector.shape_cast %swap3A_665 : vector<1x16xf32> to vector<16xf32>
        %swap3A_667 = vector.shape_cast %get3A_662 : vector<16xf32> to vector<1x16xf32>
        tpu.vector_store %arg10[%swap3A_663, %swap3A_664], %swap3A_667 {add = true, strides = array<i32>} : memref<40x768xf32, #tpu.memory_space<vmem>>, vector<1x16xf32>,
        %get3A_668 = arith.index_cast %scan3A_551 : i32 to index
        %get3A_669 = arith.constant 208 : index
        %get3A_670 = tpu.vector_load %arg7[%get3A_668, %get3A_669] {strides = array<i32>} : memref<40x768xf32, #tpu.memory_space<vmem>>, vector<1x16xf32>,
        %get3A_671 = vector.shape_cast %get3A_670 : vector<1x16xf32> to vector<16xf32>
        %swap3A_672 = arith.index_cast %scan3A_551 : i32 to index
        %swap3A_673 = arith.constant 208 : index
        %swap3A_674 = tpu.vector_load %arg10[%swap3A_672, %swap3A_673] {strides = array<i32>} : memref<40x768xf32, #tpu.memory_space<vmem>>, vector<1x16xf32>,
        %swap3A_675 = vector.shape_cast %swap3A_674 : vector<1x16xf32> to vector<16xf32>
        %swap3A_676 = vector.shape_cast %get3A_671 : vector<16xf32> to vector<1x16xf32>
        tpu.vector_store %arg10[%swap3A_672, %swap3A_673], %swap3A_676 {add = true, strides = array<i32>} : memref<40x768xf32, #tpu.memory_space<vmem>>, vector<1x16xf32>,
        %get3A_677 = arith.index_cast %scan3A_551 : i32 to index
        %get3A_678 = arith.constant 224 : index
        %get3A_679 = tpu.vector_load %arg7[%get3A_677, %get3A_678] {strides = array<i32>} : memref<40x768xf32, #tpu.memory_space<vmem>>, vector<1x16xf32>,
        %get3A_680 = vector.shape_cast %get3A_679 : vector<1x16xf32> to vector<16xf32>
        %swap3A_681 = arith.index_cast %scan3A_551 : i32 to index
        %swap3A_682 = arith.constant 224 : index
        %swap3A_683 = tpu.vector_load %arg10[%swap3A_681, %swap3A_682] {strides = array<i32>} : memref<40x768xf32, #tpu.memory_space<vmem>>, vector<1x16xf32>,
        %swap3A_684 = vector.shape_cast %swap3A_683 : vector<1x16xf32> to vector<16xf32>
        %swap3A_685 = vector.shape_cast %get3A_680 : vector<16xf32> to vector<1x16xf32>
        tpu.vector_store %arg10[%swap3A_681, %swap3A_682], %swap3A_685 {add = true, strides = array<i32>} : memref<40x768xf32, #tpu.memory_space<vmem>>, vector<1x16xf32>,
        %get3A_686 = arith.index_cast %scan3A_551 : i32 to index
        %get3A_687 = arith.constant 240 : index
        %get3A_688 = tpu.vector_load %arg7[%get3A_686, %get3A_687] {strides = array<i32>} : memref<40x768xf32, #tpu.memory_space<vmem>>, vector<1x16xf32>,
        %get3A_689 = vector.shape_cast %get3A_688 : vector<1x16xf32> to vector<16xf32>
        %swap3A_690 = arith.index_cast %scan3A_551 : i32 to index
        %swap3A_691 = arith.constant 240 : index
        %swap3A_692 = tpu.vector_load %arg10[%swap3A_690, %swap3A_691] {strides = array<i32>} : memref<40x768xf32, #tpu.memory_space<vmem>>, vector<1x16xf32>,
        %swap3A_693 = vector.shape_cast %swap3A_692 : vector<1x16xf32> to vector<16xf32>
        %swap3A_694 = vector.shape_cast %get3A_689 : vector<16xf32> to vector<1x16xf32>
        tpu.vector_store %arg10[%swap3A_690, %swap3A_691], %swap3A_694 {add = true, strides = array<i32>} : memref<40x768xf32, #tpu.memory_space<vmem>>, vector<1x16xf32>,
        %get3A_695 = arith.index_cast %scan3A_551 : i32 to index
        %get3A_696 = arith.constant 256 : index
        %get3A_697 = tpu.vector_load %arg7[%get3A_695, %get3A_696] {strides = array<i32>} : memref<40x768xf32, #tpu.memory_space<vmem>>, vector<1x16xf32>,
        %get3A_698 = vector.shape_cast %get3A_697 : vector<1x16xf32> to vector<16xf32>
        %swap3A_699 = arith.index_cast %scan3A_551 : i32 to index
        %swap3A_700 = arith.constant 256 : index
        %swap3A_701 = tpu.vector_load %arg10[%swap3A_699, %swap3A_700] {strides = array<i32>} : memref<40x768xf32, #tpu.memory_space<vmem>>, vector<1x16xf32>,
        %swap3A_702 = vector.shape_cast %swap3A_701 : vector<1x16xf32> to vector<16xf32>
        %swap3A_703 = vector.shape_cast %get3A_698 : vector<16xf32> to vector<1x16xf32>
        tpu.vector_store %arg10[%swap3A_699, %swap3A_700], %swap3A_703 {add = true, strides = array<i32>} : memref<40x768xf32, #tpu.memory_space<vmem>>, vector<1x16xf32>,
        %get3A_704 = arith.index_cast %scan3A_551 : i32 to index
        %get3A_705 = arith.constant 272 : index
        %get3A_706 = tpu.vector_load %arg7[%get3A_704, %get3A_705] {strides = array<i32>} : memref<40x768xf32, #tpu.memory_space<vmem>>, vector<1x16xf32>,
        %get3A_707 = vector.shape_cast %get3A_706 : vector<1x16xf32> to vector<16xf32>
        %swap3A_708 = arith.index_cast %scan3A_551 : i32 to index
        %swap3A_709 = arith.constant 272 : index
        %swap3A_710 = tpu.vector_load %arg10[%swap3A_708, %swap3A_709] {strides = array<i32>} : memref<40x768xf32, #tpu.memory_space<vmem>>, vector<1x16xf32>,
        %swap3A_711 = vector.shape_cast %swap3A_710 : vector<1x16xf32> to vector<16xf32>
        %swap3A_712 = vector.shape_cast %get3A_707 : vector<16xf32> to vector<1x16xf32>
        tpu.vector_store %arg10[%swap3A_708, %swap3A_709], %swap3A_712 {add = true, strides = array<i32>} : memref<40x768xf32, #tpu.memory_space<vmem>>, vector<1x16xf32>,
        %get3A_713 = arith.index_cast %scan3A_551 : i32 to index
        %get3A_714 = arith.constant 288 : index
        %get3A_715 = tpu.vector_load %arg7[%get3A_713, %get3A_714] {strides = array<i32>} : memref<40x768xf32, #tpu.memory_space<vmem>>, vector<1x16xf32>,
        %get3A_716 = vector.shape_cast %get3A_715 : vector<1x16xf32> to vector<16xf32>
        %swap3A_717 = arith.index_cast %scan3A_551 : i32 to index
        %swap3A_718 = arith.constant 288 : index
        %swap3A_719 = tpu.vector_load %arg10[%swap3A_717, %swap3A_718] {strides = array<i32>} : memref<40x768xf32, #tpu.memory_space<vmem>>, vector<1x16xf32>,
        %swap3A_720 = vector.shape_cast %swap3A_719 : vector<1x16xf32> to vector<16xf32>
        %swap3A_721 = vector.shape_cast %get3A_716 : vector<16xf32> to vector<1x16xf32>
        tpu.vector_store %arg10[%swap3A_717, %swap3A_718], %swap3A_721 {add = true, strides = array<i32>} : memref<40x768xf32, #tpu.memory_space<vmem>>, vector<1x16xf32>,
        %get3A_722 = arith.index_cast %scan3A_551 : i32 to index
        %get3A_723 = arith.constant 304 : index
        %get3A_724 = tpu.vector_load %arg7[%get3A_722, %get3A_723] {strides = array<i32>} : memref<40x768xf32, #tpu.memory_space<vmem>>, vector<1x16xf32>,
        %get3A_725 = vector.shape_cast %get3A_724 : vector<1x16xf32> to vector<16xf32>
        %swap3A_726 = arith.index_cast %scan3A_551 : i32 to index
        %swap3A_727 = arith.constant 304 : index
        %swap3A_728 = tpu.vector_load %arg10[%swap3A_726, %swap3A_727] {strides = array<i32>} : memref<40x768xf32, #tpu.memory_space<vmem>>, vector<1x16xf32>,
        %swap3A_729 = vector.shape_cast %swap3A_728 : vector<1x16xf32> to vector<16xf32>
        %swap3A_730 = vector.shape_cast %get3A_725 : vector<16xf32> to vector<1x16xf32>
        tpu.vector_store %arg10[%swap3A_726, %swap3A_727], %swap3A_730 {add = true, strides = array<i32>} : memref<40x768xf32, #tpu.memory_space<vmem>>, vector<1x16xf32>,
        %get3A_731 = arith.index_cast %scan3A_551 : i32 to index
        %get3A_732 = arith.constant 320 : index
        %get3A_733 = tpu.vector_load %arg7[%get3A_731, %get3A_732] {strides = array<i32>} : memref<40x768xf32, #tpu.memory_space<vmem>>, vector<1x16xf32>,
        %get3A_734 = vector.shape_cast %get3A_733 : vector<1x16xf32> to vector<16xf32>
        %swap3A_735 = arith.index_cast %scan3A_551 : i32 to index
        %swap3A_736 = arith.constant 320 : index
        %swap3A_737 = tpu.vector_load %arg10[%swap3A_735, %swap3A_736] {strides = array<i32>} : memref<40x768xf32, #tpu.memory_space<vmem>>, vector<1x16xf32>,
        %swap3A_738 = vector.shape_cast %swap3A_737 : vector<1x16xf32> to vector<16xf32>
        %swap3A_739 = vector.shape_cast %get3A_734 : vector<16xf32> to vector<1x16xf32>
        tpu.vector_store %arg10[%swap3A_735, %swap3A_736], %swap3A_739 {add = true, strides = array<i32>} : memref<40x768xf32, #tpu.memory_space<vmem>>, vector<1x16xf32>,
        %get3A_740 = arith.index_cast %scan3A_551 : i32 to index
        %get3A_741 = arith.constant 336 : index
        %get3A_742 = tpu.vector_load %arg7[%get3A_740, %get3A_741] {strides = array<i32>} : memref<40x768xf32, #tpu.memory_space<vmem>>, vector<1x16xf32>,
        %get3A_743 = vector.shape_cast %get3A_742 : vector<1x16xf32> to vector<16xf32>
        %swap3A_744 = arith.index_cast %scan3A_551 : i32 to index
        %swap3A_745 = arith.constant 336 : index
        %swap3A_746 = tpu.vector_load %arg10[%swap3A_744, %swap3A_745] {strides = array<i32>} : memref<40x768xf32, #tpu.memory_space<vmem>>, vector<1x16xf32>,
        %swap3A_747 = vector.shape_cast %swap3A_746 : vector<1x16xf32> to vector<16xf32>
        %swap3A_748 = vector.shape_cast %get3A_743 : vector<16xf32> to vector<1x16xf32>
        tpu.vector_store %arg10[%swap3A_744, %swap3A_745], %swap3A_748 {add = true, strides = array<i32>} : memref<40x768xf32, #tpu.memory_space<vmem>>, vector<1x16xf32>,
        %get3A_749 = arith.index_cast %scan3A_551 : i32 to index
        %get3A_750 = arith.constant 352 : index
        %get3A_751 = tpu.vector_load %arg7[%get3A_749, %get3A_750] {strides = array<i32>} : memref<40x768xf32, #tpu.memory_space<vmem>>, vector<1x16xf32>,
        %get3A_752 = vector.shape_cast %get3A_751 : vector<1x16xf32> to vector<16xf32>
        %swap3A_753 = arith.index_cast %scan3A_551 : i32 to index
        %swap3A_754 = arith.constant 352 : index
        %swap3A_755 = tpu.vector_load %arg10[%swap3A_753, %swap3A_754] {strides = array<i32>} : memref<40x768xf32, #tpu.memory_space<vmem>>, vector<1x16xf32>,
        %swap3A_756 = vector.shape_cast %swap3A_755 : vector<1x16xf32> to vector<16xf32>
        %swap3A_757 = vector.shape_cast %get3A_752 : vector<16xf32> to vector<1x16xf32>
        tpu.vector_store %arg10[%swap3A_753, %swap3A_754], %swap3A_757 {add = true, strides = array<i32>} : memref<40x768xf32, #tpu.memory_space<vmem>>, vector<1x16xf32>,
        %get3A_758 = arith.index_cast %scan3A_551 : i32 to index
        %get3A_759 = arith.constant 368 : index
        %get3A_760 = tpu.vector_load %arg7[%get3A_758, %get3A_759] {strides = array<i32>} : memref<40x768xf32, #tpu.memory_space<vmem>>, vector<1x16xf32>,
        %get3A_761 = vector.shape_cast %get3A_760 : vector<1x16xf32> to vector<16xf32>
        %swap3A_762 = arith.index_cast %scan3A_551 : i32 to index
        %swap3A_763 = arith.constant 368 : index
        %swap3A_764 = tpu.vector_load %arg10[%swap3A_762, %swap3A_763] {strides = array<i32>} : memref<40x768xf32, #tpu.memory_space<vmem>>, vector<1x16xf32>,
        %swap3A_765 = vector.shape_cast %swap3A_764 : vector<1x16xf32> to vector<16xf32>
        %swap3A_766 = vector.shape_cast %get3A_761 : vector<16xf32> to vector<1x16xf32>
        tpu.vector_store %arg10[%swap3A_762, %swap3A_763], %swap3A_766 {add = true, strides = array<i32>} : memref<40x768xf32, #tpu.memory_space<vmem>>, vector<1x16xf32>,
        %get3A_767 = arith.index_cast %scan3A_551 : i32 to index
        %get3A_768 = arith.constant 384 : index
        %get3A_769 = tpu.vector_load %arg7[%get3A_767, %get3A_768] {strides = array<i32>} : memref<40x768xf32, #tpu.memory_space<vmem>>, vector<1x16xf32>,
        %get3A_770 = vector.shape_cast %get3A_769 : vector<1x16xf32> to vector<16xf32>
        %swap3A_771 = arith.index_cast %scan3A_551 : i32 to index
        %swap3A_772 = arith.constant 384 : index
        %swap3A_773 = tpu.vector_load %arg10[%swap3A_771, %swap3A_772] {strides = array<i32>} : memref<40x768xf32, #tpu.memory_space<vmem>>, vector<1x16xf32>,
        %swap3A_774 = vector.shape_cast %swap3A_773 : vector<1x16xf32> to vector<16xf32>
        %swap3A_775 = vector.shape_cast %get3A_770 : vector<16xf32> to vector<1x16xf32>
        tpu.vector_store %arg10[%swap3A_771, %swap3A_772], %swap3A_775 {add = true, strides = array<i32>} : memref<40x768xf32, #tpu.memory_space<vmem>>, vector<1x16xf32>,
        %get3A_776 = arith.index_cast %scan3A_551 : i32 to index
        %get3A_777 = arith.constant 400 : index
        %get3A_778 = tpu.vector_load %arg7[%get3A_776, %get3A_777] {strides = array<i32>} : memref<40x768xf32, #tpu.memory_space<vmem>>, vector<1x16xf32>,
        %get3A_779 = vector.shape_cast %get3A_778 : vector<1x16xf32> to vector<16xf32>
        %swap3A_780 = arith.index_cast %scan3A_551 : i32 to index
        %swap3A_781 = arith.constant 400 : index
        %swap3A_782 = tpu.vector_load %arg10[%swap3A_780, %swap3A_781] {strides = array<i32>} : memref<40x768xf32, #tpu.memory_space<vmem>>, vector<1x16xf32>,
        %swap3A_783 = vector.shape_cast %swap3A_782 : vector<1x16xf32> to vector<16xf32>
        %swap3A_784 = vector.shape_cast %get3A_779 : vector<16xf32> to vector<1x16xf32>
        tpu.vector_store %arg10[%swap3A_780, %swap3A_781], %swap3A_784 {add = true, strides = array<i32>} : memref<40x768xf32, #tpu.memory_space<vmem>>, vector<1x16xf32>,
        %get3A_785 = arith.index_cast %scan3A_551 : i32 to index
        %get3A_786 = arith.constant 416 : index
        %get3A_787 = tpu.vector_load %arg7[%get3A_785, %get3A_786] {strides = array<i32>} : memref<40x768xf32, #tpu.memory_space<vmem>>, vector<1x16xf32>,
        %get3A_788 = vector.shape_cast %get3A_787 : vector<1x16xf32> to vector<16xf32>
        %swap3A_789 = arith.index_cast %scan3A_551 : i32 to index
        %swap3A_790 = arith.constant 416 : index
        %swap3A_791 = tpu.vector_load %arg10[%swap3A_789, %swap3A_790] {strides = array<i32>} : memref<40x768xf32, #tpu.memory_space<vmem>>, vector<1x16xf32>,
        %swap3A_792 = vector.shape_cast %swap3A_791 : vector<1x16xf32> to vector<16xf32>
        %swap3A_793 = vector.shape_cast %get3A_788 : vector<16xf32> to vector<1x16xf32>
        tpu.vector_store %arg10[%swap3A_789, %swap3A_790], %swap3A_793 {add = true, strides = array<i32>} : memref<40x768xf32, #tpu.memory_space<vmem>>, vector<1x16xf32>,
        %get3A_794 = arith.index_cast %scan3A_551 : i32 to index
        %get3A_795 = arith.constant 432 : index
        %get3A_796 = tpu.vector_load %arg7[%get3A_794, %get3A_795] {strides = array<i32>} : memref<40x768xf32, #tpu.memory_space<vmem>>, vector<1x16xf32>,
        %get3A_797 = vector.shape_cast %get3A_796 : vector<1x16xf32> to vector<16xf32>
        %swap3A_798 = arith.index_cast %scan3A_551 : i32 to index
        %swap3A_799 = arith.constant 432 : index
        %swap3A_800 = tpu.vector_load %arg10[%swap3A_798, %swap3A_799] {strides = array<i32>} : memref<40x768xf32, #tpu.memory_space<vmem>>, vector<1x16xf32>,
        %swap3A_801 = vector.shape_cast %swap3A_800 : vector<1x16xf32> to vector<16xf32>
        %swap3A_802 = vector.shape_cast %get3A_797 : vector<16xf32> to vector<1x16xf32>
        tpu.vector_store %arg10[%swap3A_798, %swap3A_799], %swap3A_802 {add = true, strides = array<i32>} : memref<40x768xf32, #tpu.memory_space<vmem>>, vector<1x16xf32>,
        %get3A_803 = arith.index_cast %scan3A_551 : i32 to index
        %get3A_804 = arith.constant 448 : index
        %get3A_805 = tpu.vector_load %arg7[%get3A_803, %get3A_804] {strides = array<i32>} : memref<40x768xf32, #tpu.memory_space<vmem>>, vector<1x16xf32>,
        %get3A_806 = vector.shape_cast %get3A_805 : vector<1x16xf32> to vector<16xf32>
        %swap3A_807 = arith.index_cast %scan3A_551 : i32 to index
        %swap3A_808 = arith.constant 448 : index
        %swap3A_809 = tpu.vector_load %arg10[%swap3A_807, %swap3A_808] {strides = array<i32>} : memref<40x768xf32, #tpu.memory_space<vmem>>, vector<1x16xf32>,
        %swap3A_810 = vector.shape_cast %swap3A_809 : vector<1x16xf32> to vector<16xf32>
        %swap3A_811 = vector.shape_cast %get3A_806 : vector<16xf32> to vector<1x16xf32>
        tpu.vector_store %arg10[%swap3A_807, %swap3A_808], %swap3A_811 {add = true, strides = array<i32>} : memref<40x768xf32, #tpu.memory_space<vmem>>, vector<1x16xf32>,
        %get3A_812 = arith.index_cast %scan3A_551 : i32 to index
        %get3A_813 = arith.constant 464 : index
        %get3A_814 = tpu.vector_load %arg7[%get3A_812, %get3A_813] {strides = array<i32>} : memref<40x768xf32, #tpu.memory_space<vmem>>, vector<1x16xf32>,
        %get3A_815 = vector.shape_cast %get3A_814 : vector<1x16xf32> to vector<16xf32>
        %swap3A_816 = arith.index_cast %scan3A_551 : i32 to index
        %swap3A_817 = arith.constant 464 : index
        %swap3A_818 = tpu.vector_load %arg10[%swap3A_816, %swap3A_817] {strides = array<i32>} : memref<40x768xf32, #tpu.memory_space<vmem>>, vector<1x16xf32>,
        %swap3A_819 = vector.shape_cast %swap3A_818 : vector<1x16xf32> to vector<16xf32>
        %swap3A_820 = vector.shape_cast %get3A_815 : vector<16xf32> to vector<1x16xf32>
        tpu.vector_store %arg10[%swap3A_816, %swap3A_817], %swap3A_820 {add = true, strides = array<i32>} : memref<40x768xf32, #tpu.memory_space<vmem>>, vector<1x16xf32>,
        %get3A_821 = arith.index_cast %scan3A_551 : i32 to index
        %get3A_822 = arith.constant 480 : index
        %get3A_823 = tpu.vector_load %arg7[%get3A_821, %get3A_822] {strides = array<i32>} : memref<40x768xf32, #tpu.memory_space<vmem>>, vector<1x16xf32>,
        %get3A_824 = vector.shape_cast %get3A_823 : vector<1x16xf32> to vector<16xf32>
        %swap3A_825 = arith.index_cast %scan3A_551 : i32 to index
        %swap3A_826 = arith.constant 480 : index
        %swap3A_827 = tpu.vector_load %arg10[%swap3A_825, %swap3A_826] {strides = array<i32>} : memref<40x768xf32, #tpu.memory_space<vmem>>, vector<1x16xf32>,
        %swap3A_828 = vector.shape_cast %swap3A_827 : vector<1x16xf32> to vector<16xf32>
        %swap3A_829 = vector.shape_cast %get3A_824 : vector<16xf32> to vector<1x16xf32>
        tpu.vector_store %arg10[%swap3A_825, %swap3A_826], %swap3A_829 {add = true, strides = array<i32>} : memref<40x768xf32, #tpu.memory_space<vmem>>, vector<1x16xf32>,
        %get3A_830 = arith.index_cast %scan3A_551 : i32 to index
        %get3A_831 = arith.constant 496 : index
        %get3A_832 = tpu.vector_load %arg7[%get3A_830, %get3A_831] {strides = array<i32>} : memref<40x768xf32, #tpu.memory_space<vmem>>, vector<1x16xf32>,
        %get3A_833 = vector.shape_cast %get3A_832 : vector<1x16xf32> to vector<16xf32>
        %swap3A_834 = arith.index_cast %scan3A_551 : i32 to index
        %swap3A_835 = arith.constant 496 : index
        %swap3A_836 = tpu.vector_load %arg10[%swap3A_834, %swap3A_835] {strides = array<i32>} : memref<40x768xf32, #tpu.memory_space<vmem>>, vector<1x16xf32>,
        %swap3A_837 = vector.shape_cast %swap3A_836 : vector<1x16xf32> to vector<16xf32>
        %swap3A_838 = vector.shape_cast %get3A_833 : vector<16xf32> to vector<1x16xf32>
        tpu.vector_store %arg10[%swap3A_834, %swap3A_835], %swap3A_838 {add = true, strides = array<i32>} : memref<40x768xf32, #tpu.memory_space<vmem>>, vector<1x16xf32>,
        %get3A_839 = arith.index_cast %scan3A_551 : i32 to index
        %get3A_840 = arith.constant 512 : index
        %get3A_841 = tpu.vector_load %arg7[%get3A_839, %get3A_840] {strides = array<i32>} : memref<40x768xf32, #tpu.memory_space<vmem>>, vector<1x16xf32>,
        %get3A_842 = vector.shape_cast %get3A_841 : vector<1x16xf32> to vector<16xf32>
        %swap3A_843 = arith.index_cast %scan3A_551 : i32 to index
        %swap3A_844 = arith.constant 512 : index
        %swap3A_845 = tpu.vector_load %arg10[%swap3A_843, %swap3A_844] {strides = array<i32>} : memref<40x768xf32, #tpu.memory_space<vmem>>, vector<1x16xf32>,
        %swap3A_846 = vector.shape_cast %swap3A_845 : vector<1x16xf32> to vector<16xf32>
        %swap3A_847 = vector.shape_cast %get3A_842 : vector<16xf32> to vector<1x16xf32>
        tpu.vector_store %arg10[%swap3A_843, %swap3A_844], %swap3A_847 {add = true, strides = array<i32>} : memref<40x768xf32, #tpu.memory_space<vmem>>, vector<1x16xf32>,
        %get3A_848 = arith.index_cast %scan3A_551 : i32 to index
        %get3A_849 = arith.constant 528 : index
        %get3A_850 = tpu.vector_load %arg7[%get3A_848, %get3A_849] {strides = array<i32>} : memref<40x768xf32, #tpu.memory_space<vmem>>, vector<1x16xf32>,
        %get3A_851 = vector.shape_cast %get3A_850 : vector<1x16xf32> to vector<16xf32>
        %swap3A_852 = arith.index_cast %scan3A_551 : i32 to index
        %swap3A_853 = arith.constant 528 : index
        %swap3A_854 = tpu.vector_load %arg10[%swap3A_852, %swap3A_853] {strides = array<i32>} : memref<40x768xf32, #tpu.memory_space<vmem>>, vector<1x16xf32>,
        %swap3A_855 = vector.shape_cast %swap3A_854 : vector<1x16xf32> to vector<16xf32>
        %swap3A_856 = vector.shape_cast %get3A_851 : vector<16xf32> to vector<1x16xf32>
        tpu.vector_store %arg10[%swap3A_852, %swap3A_853], %swap3A_856 {add = true, strides = array<i32>} : memref<40x768xf32, #tpu.memory_space<vmem>>, vector<1x16xf32>,
        %get3A_857 = arith.index_cast %scan3A_551 : i32 to index
        %get3A_858 = arith.constant 544 : index
        %get3A_859 = tpu.vector_load %arg7[%get3A_857, %get3A_858] {strides = array<i32>} : memref<40x768xf32, #tpu.memory_space<vmem>>, vector<1x16xf32>,
        %get3A_860 = vector.shape_cast %get3A_859 : vector<1x16xf32> to vector<16xf32>
        %swap3A_861 = arith.index_cast %scan3A_551 : i32 to index
        %swap3A_862 = arith.constant 544 : index
        %swap3A_863 = tpu.vector_load %arg10[%swap3A_861, %swap3A_862] {strides = array<i32>} : memref<40x768xf32, #tpu.memory_space<vmem>>, vector<1x16xf32>,
        %swap3A_864 = vector.shape_cast %swap3A_863 : vector<1x16xf32> to vector<16xf32>
        %swap3A_865 = vector.shape_cast %get3A_860 : vector<16xf32> to vector<1x16xf32>
        tpu.vector_store %arg10[%swap3A_861, %swap3A_862], %swap3A_865 {add = true, strides = array<i32>} : memref<40x768xf32, #tpu.memory_space<vmem>>, vector<1x16xf32>,
        %get3A_866 = arith.index_cast %scan3A_551 : i32 to index
        %get3A_867 = arith.constant 560 : index
        %get3A_868 = tpu.vector_load %arg7[%get3A_866, %get3A_867] {strides = array<i32>} : memref<40x768xf32, #tpu.memory_space<vmem>>, vector<1x16xf32>,
        %get3A_869 = vector.shape_cast %get3A_868 : vector<1x16xf32> to vector<16xf32>
        %swap3A_870 = arith.index_cast %scan3A_551 : i32 to index
        %swap3A_871 = arith.constant 560 : index
        %swap3A_872 = tpu.vector_load %arg10[%swap3A_870, %swap3A_871] {strides = array<i32>} : memref<40x768xf32, #tpu.memory_space<vmem>>, vector<1x16xf32>,
        %swap3A_873 = vector.shape_cast %swap3A_872 : vector<1x16xf32> to vector<16xf32>
        %swap3A_874 = vector.shape_cast %get3A_869 : vector<16xf32> to vector<1x16xf32>
        tpu.vector_store %arg10[%swap3A_870, %swap3A_871], %swap3A_874 {add = true, strides = array<i32>} : memref<40x768xf32, #tpu.memory_space<vmem>>, vector<1x16xf32>,
        %get3A_875 = arith.index_cast %scan3A_551 : i32 to index
        %get3A_876 = arith.constant 576 : index
        %get3A_877 = tpu.vector_load %arg7[%get3A_875, %get3A_876] {strides = array<i32>} : memref<40x768xf32, #tpu.memory_space<vmem>>, vector<1x16xf32>,
        %get3A_878 = vector.shape_cast %get3A_877 : vector<1x16xf32> to vector<16xf32>
        %swap3A_879 = arith.index_cast %scan3A_551 : i32 to index
        %swap3A_880 = arith.constant 576 : index
        %swap3A_881 = tpu.vector_load %arg10[%swap3A_879, %swap3A_880] {strides = array<i32>} : memref<40x768xf32, #tpu.memory_space<vmem>>, vector<1x16xf32>,
        %swap3A_882 = vector.shape_cast %swap3A_881 : vector<1x16xf32> to vector<16xf32>
        %swap3A_883 = vector.shape_cast %get3A_878 : vector<16xf32> to vector<1x16xf32>
        tpu.vector_store %arg10[%swap3A_879, %swap3A_880], %swap3A_883 {add = true, strides = array<i32>} : memref<40x768xf32, #tpu.memory_space<vmem>>, vector<1x16xf32>,
        %get3A_884 = arith.index_cast %scan3A_551 : i32 to index
        %get3A_885 = arith.constant 592 : index
        %get3A_886 = tpu.vector_load %arg7[%get3A_884, %get3A_885] {strides = array<i32>} : memref<40x768xf32, #tpu.memory_space<vmem>>, vector<1x16xf32>,
        %get3A_887 = vector.shape_cast %get3A_886 : vector<1x16xf32> to vector<16xf32>
        %swap3A_888 = arith.index_cast %scan3A_551 : i32 to index
        %swap3A_889 = arith.constant 592 : index
        %swap3A_890 = tpu.vector_load %arg10[%swap3A_888, %swap3A_889] {strides = array<i32>} : memref<40x768xf32, #tpu.memory_space<vmem>>, vector<1x16xf32>,
        %swap3A_891 = vector.shape_cast %swap3A_890 : vector<1x16xf32> to vector<16xf32>
        %swap3A_892 = vector.shape_cast %get3A_887 : vector<16xf32> to vector<1x16xf32>
        tpu.vector_store %arg10[%swap3A_888, %swap3A_889], %swap3A_892 {add = true, strides = array<i32>} : memref<40x768xf32, #tpu.memory_space<vmem>>, vector<1x16xf32>,
        %get3A_893 = arith.index_cast %scan3A_551 : i32 to index
        %get3A_894 = arith.constant 608 : index
        %get3A_895 = tpu.vector_load %arg7[%get3A_893, %get3A_894] {strides = array<i32>} : memref<40x768xf32, #tpu.memory_space<vmem>>, vector<1x16xf32>,
        %get3A_896 = vector.shape_cast %get3A_895 : vector<1x16xf32> to vector<16xf32>
        %swap3A_897 = arith.index_cast %scan3A_551 : i32 to index
        %swap3A_898 = arith.constant 608 : index
        %swap3A_899 = tpu.vector_load %arg10[%swap3A_897, %swap3A_898] {strides = array<i32>} : memref<40x768xf32, #tpu.memory_space<vmem>>, vector<1x16xf32>,
        %swap3A_900 = vector.shape_cast %swap3A_899 : vector<1x16xf32> to vector<16xf32>
        %swap3A_901 = vector.shape_cast %get3A_896 : vector<16xf32> to vector<1x16xf32>
        tpu.vector_store %arg10[%swap3A_897, %swap3A_898], %swap3A_901 {add = true, strides = array<i32>} : memref<40x768xf32, #tpu.memory_space<vmem>>, vector<1x16xf32>,
        %get3A_902 = arith.index_cast %scan3A_551 : i32 to index
        %get3A_903 = arith.constant 624 : index
        %get3A_904 = tpu.vector_load %arg7[%get3A_902, %get3A_903] {strides = array<i32>} : memref<40x768xf32, #tpu.memory_space<vmem>>, vector<1x16xf32>,
        %get3A_905 = vector.shape_cast %get3A_904 : vector<1x16xf32> to vector<16xf32>
        %swap3A_906 = arith.index_cast %scan3A_551 : i32 to index
        %swap3A_907 = arith.constant 624 : index
        %swap3A_908 = tpu.vector_load %arg10[%swap3A_906, %swap3A_907] {strides = array<i32>} : memref<40x768xf32, #tpu.memory_space<vmem>>, vector<1x16xf32>,
        %swap3A_909 = vector.shape_cast %swap3A_908 : vector<1x16xf32> to vector<16xf32>
        %swap3A_910 = vector.shape_cast %get3A_905 : vector<16xf32> to vector<1x16xf32>
        tpu.vector_store %arg10[%swap3A_906, %swap3A_907], %swap3A_910 {add = true, strides = array<i32>} : memref<40x768xf32, #tpu.memory_space<vmem>>, vector<1x16xf32>,
        %get3A_911 = arith.index_cast %scan3A_551 : i32 to index
        %get3A_912 = arith.constant 640 : index
        %get3A_913 = tpu.vector_load %arg7[%get3A_911, %get3A_912] {strides = array<i32>} : memref<40x768xf32, #tpu.memory_space<vmem>>, vector<1x16xf32>,
        %get3A_914 = vector.shape_cast %get3A_913 : vector<1x16xf32> to vector<16xf32>
        %swap3A_915 = arith.index_cast %scan3A_551 : i32 to index
        %swap3A_916 = arith.constant 640 : index
        %swap3A_917 = tpu.vector_load %arg10[%swap3A_915, %swap3A_916] {strides = array<i32>} : memref<40x768xf32, #tpu.memory_space<vmem>>, vector<1x16xf32>,
        %swap3A_918 = vector.shape_cast %swap3A_917 : vector<1x16xf32> to vector<16xf32>
        %swap3A_919 = vector.shape_cast %get3A_914 : vector<16xf32> to vector<1x16xf32>
        tpu.vector_store %arg10[%swap3A_915, %swap3A_916], %swap3A_919 {add = true, strides = array<i32>} : memref<40x768xf32, #tpu.memory_space<vmem>>, vector<1x16xf32>,
        %get3A_920 = arith.index_cast %scan3A_551 : i32 to index
        %get3A_921 = arith.constant 656 : index
        %get3A_922 = tpu.vector_load %arg7[%get3A_920, %get3A_921] {strides = array<i32>} : memref<40x768xf32, #tpu.memory_space<vmem>>, vector<1x16xf32>,
        %get3A_923 = vector.shape_cast %get3A_922 : vector<1x16xf32> to vector<16xf32>
        %swap3A_924 = arith.index_cast %scan3A_551 : i32 to index
        %swap3A_925 = arith.constant 656 : index
        %swap3A_926 = tpu.vector_load %arg10[%swap3A_924, %swap3A_925] {strides = array<i32>} : memref<40x768xf32, #tpu.memory_space<vmem>>, vector<1x16xf32>,
        %swap3A_927 = vector.shape_cast %swap3A_926 : vector<1x16xf32> to vector<16xf32>
        %swap3A_928 = vector.shape_cast %get3A_923 : vector<16xf32> to vector<1x16xf32>
        tpu.vector_store %arg10[%swap3A_924, %swap3A_925], %swap3A_928 {add = true, strides = array<i32>} : memref<40x768xf32, #tpu.memory_space<vmem>>, vector<1x16xf32>,
        %get3A_929 = arith.index_cast %scan3A_551 : i32 to index
        %get3A_930 = arith.constant 672 : index
        %get3A_931 = tpu.vector_load %arg7[%get3A_929, %get3A_930] {strides = array<i32>} : memref<40x768xf32, #tpu.memory_space<vmem>>, vector<1x16xf32>,
        %get3A_932 = vector.shape_cast %get3A_931 : vector<1x16xf32> to vector<16xf32>
        %swap3A_933 = arith.index_cast %scan3A_551 : i32 to index
        %swap3A_934 = arith.constant 672 : index
        %swap3A_935 = tpu.vector_load %arg10[%swap3A_933, %swap3A_934] {strides = array<i32>} : memref<40x768xf32, #tpu.memory_space<vmem>>, vector<1x16xf32>,
        %swap3A_936 = vector.shape_cast %swap3A_935 : vector<1x16xf32> to vector<16xf32>
        %swap3A_937 = vector.shape_cast %get3A_932 : vector<16xf32> to vector<1x16xf32>
        tpu.vector_store %arg10[%swap3A_933, %swap3A_934], %swap3A_937 {add = true, strides = array<i32>} : memref<40x768xf32, #tpu.memory_space<vmem>>, vector<1x16xf32>,
        %get3A_938 = arith.index_cast %scan3A_551 : i32 to index
        %get3A_939 = arith.constant 688 : index
        %get3A_940 = tpu.vector_load %arg7[%get3A_938, %get3A_939] {strides = array<i32>} : memref<40x768xf32, #tpu.memory_space<vmem>>, vector<1x16xf32>,
        %get3A_941 = vector.shape_cast %get3A_940 : vector<1x16xf32> to vector<16xf32>
        %swap3A_942 = arith.index_cast %scan3A_551 : i32 to index
        %swap3A_943 = arith.constant 688 : index
        %swap3A_944 = tpu.vector_load %arg10[%swap3A_942, %swap3A_943] {strides = array<i32>} : memref<40x768xf32, #tpu.memory_space<vmem>>, vector<1x16xf32>,
        %swap3A_945 = vector.shape_cast %swap3A_944 : vector<1x16xf32> to vector<16xf32>
        %swap3A_946 = vector.shape_cast %get3A_941 : vector<16xf32> to vector<1x16xf32>
        tpu.vector_store %arg10[%swap3A_942, %swap3A_943], %swap3A_946 {add = true, strides = array<i32>} : memref<40x768xf32, #tpu.memory_space<vmem>>, vector<1x16xf32>,
        %get3A_947 = arith.index_cast %scan3A_551 : i32 to index
        %get3A_948 = arith.constant 704 : index
        %get3A_949 = tpu.vector_load %arg7[%get3A_947, %get3A_948] {strides = array<i32>} : memref<40x768xf32, #tpu.memory_space<vmem>>, vector<1x16xf32>,
        %get3A_950 = vector.shape_cast %get3A_949 : vector<1x16xf32> to vector<16xf32>
        %swap3A_951 = arith.index_cast %scan3A_551 : i32 to index
        %swap3A_952 = arith.constant 704 : index
        %swap3A_953 = tpu.vector_load %arg10[%swap3A_951, %swap3A_952] {strides = array<i32>} : memref<40x768xf32, #tpu.memory_space<vmem>>, vector<1x16xf32>,
        %swap3A_954 = vector.shape_cast %swap3A_953 : vector<1x16xf32> to vector<16xf32>
        %swap3A_955 = vector.shape_cast %get3A_950 : vector<16xf32> to vector<1x16xf32>
        tpu.vector_store %arg10[%swap3A_951, %swap3A_952], %swap3A_955 {add = true, strides = array<i32>} : memref<40x768xf32, #tpu.memory_space<vmem>>, vector<1x16xf32>,
        %get3A_956 = arith.index_cast %scan3A_551 : i32 to index
        %get3A_957 = arith.constant 720 : index
        %get3A_958 = tpu.vector_load %arg7[%get3A_956, %get3A_957] {strides = array<i32>} : memref<40x768xf32, #tpu.memory_space<vmem>>, vector<1x16xf32>,
        %get3A_959 = vector.shape_cast %get3A_958 : vector<1x16xf32> to vector<16xf32>
        %swap3A_960 = arith.index_cast %scan3A_551 : i32 to index
        %swap3A_961 = arith.constant 720 : index
        %swap3A_962 = tpu.vector_load %arg10[%swap3A_960, %swap3A_961] {strides = array<i32>} : memref<40x768xf32, #tpu.memory_space<vmem>>, vector<1x16xf32>,
        %swap3A_963 = vector.shape_cast %swap3A_962 : vector<1x16xf32> to vector<16xf32>
        %swap3A_964 = vector.shape_cast %get3A_959 : vector<16xf32> to vector<1x16xf32>
        tpu.vector_store %arg10[%swap3A_960, %swap3A_961], %swap3A_964 {add = true, strides = array<i32>} : memref<40x768xf32, #tpu.memory_space<vmem>>, vector<1x16xf32>,
        %get3A_965 = arith.index_cast %scan3A_551 : i32 to index
        %get3A_966 = arith.constant 736 : index
        %get3A_967 = tpu.vector_load %arg7[%get3A_965, %get3A_966] {strides = array<i32>} : memref<40x768xf32, #tpu.memory_space<vmem>>, vector<1x16xf32>,
        %get3A_968 = vector.shape_cast %get3A_967 : vector<1x16xf32> to vector<16xf32>
        %swap3A_969 = arith.index_cast %scan3A_551 : i32 to index
        %swap3A_970 = arith.constant 736 : index
        %swap3A_971 = tpu.vector_load %arg10[%swap3A_969, %swap3A_970] {strides = array<i32>} : memref<40x768xf32, #tpu.memory_space<vmem>>, vector<1x16xf32>,
        %swap3A_972 = vector.shape_cast %swap3A_971 : vector<1x16xf32> to vector<16xf32>
        %swap3A_973 = vector.shape_cast %get3A_968 : vector<16xf32> to vector<1x16xf32>
        tpu.vector_store %arg10[%swap3A_969, %swap3A_970], %swap3A_973 {add = true, strides = array<i32>} : memref<40x768xf32, #tpu.memory_space<vmem>>, vector<1x16xf32>,
        %get3A_974 = arith.index_cast %scan3A_551 : i32 to index
        %get3A_975 = arith.constant 752 : index
        %get3A_976 = tpu.vector_load %arg7[%get3A_974, %get3A_975] {strides = array<i32>} : memref<40x768xf32, #tpu.memory_space<vmem>>, vector<1x16xf32>,
        %get3A_977 = vector.shape_cast %get3A_976 : vector<1x16xf32> to vector<16xf32>
        %swap3A_978 = arith.index_cast %scan3A_551 : i32 to index
        %swap3A_979 = arith.constant 752 : index
        %swap3A_980 = tpu.vector_load %arg10[%swap3A_978, %swap3A_979] {strides = array<i32>} : memref<40x768xf32, #tpu.memory_space<vmem>>, vector<1x16xf32>,
        %swap3A_981 = vector.shape_cast %swap3A_980 : vector<1x16xf32> to vector<16xf32>
        %swap3A_982 = vector.shape_cast %get3A_977 : vector<16xf32> to vector<1x16xf32>
        tpu.vector_store %arg10[%swap3A_978, %swap3A_979], %swap3A_982 {add = true, strides = array<i32>} : memref<40x768xf32, #tpu.memory_space<vmem>>, vector<1x16xf32>,
        %scan3A_983 = arith.constant 0 : i32
        scf.yield %scan3A_983 : i32
      }
      %scan3A_512 = arith.constant 40 : i32
      %jit3A_513 = arith.constant 32 : i32
      %div3A_514 = arith.divsi %add3A_420, %jit3A_513 : i32
      %sign3A_515 = arith.constant 0 : i32
      %sign3A_516 = arith.cmpi sgt, %add3A_420, %sign3A_515 : i32
      %sign3A_517 = arith.extui %sign3A_516 : i1 to i32
      %sign3A_518 = arith.constant 0 : i32
      %sign3A_519 = arith.cmpi slt, %add3A_420, %sign3A_518 : i32
      %sign3A_520 = arith.extui %sign3A_519 : i1 to i32
      %sign3A_521 = arith.subi %sign3A_517, %sign3A_520 : i32
      %sign3A_522 = arith.constant 0 : i32
      %sign3A_523 = arith.cmpi sgt, %jit3A_513, %sign3A_522 : i32
      %sign3A_524 = arith.extui %sign3A_523 : i1 to i32
      %sign3A_525 = arith.constant 0 : i32
      %sign3A_526 = arith.cmpi slt, %jit3A_513, %sign3A_525 : i32
      %sign3A_527 = arith.extui %sign3A_526 : i1 to i32
      %sign3A_528 = arith.subi %sign3A_524, %sign3A_527 : i32
      %ne3A_529 = arith.cmpi ne, %sign3A_521, %sign3A_528 : i32
      %rem3A_530 = arith.remsi %add3A_420, %jit3A_513 : i32
      %ne3A_531 = arith.constant 0 : i32
      %ne3A_532 = arith.cmpi ne, %rem3A_530, %ne3A_531 : i32
      %and3A_533 = arith.andi %ne3A_529, %ne3A_532 : i1
      %sub3A_534 = arith.constant 1 : i32
      %sub3A_535 = arith.subi %div3A_514, %sub3A_534 : i32
      %select_n3A_536 = arith.select %and3A_533, %sub3A_535, %div3A_514 : i32
      %mul3A_537 = arith.constant 32 : i32
      %mul3A_538 = arith.muli %select_n3A_536, %mul3A_537 : i32
      %sub3A_539 = arith.subi %add3A_420, %mul3A_538 : i32
      %mul3A_540 = arith.constant 200 : i32
      %mul3A_541 = arith.muli %sub3A_539, %mul3A_540 : i32
      %mul3A_542 = arith.constant 40 : i32
      %mul3A_543 = arith.muli %select_n3A_536, %mul3A_542 : i32
      %add3A_544 = arith.addi %mul3A_541, %mul3A_543 : i32
      %add3A_545 = arith.addi %mul3A_4, %add3A_544 : i32
      %dma_start3A_546 = arith.constant 0 : i32
      %dma_start3A_547 = tpu.memref_slice %arg5[%add3A_545, %dma_start3A_546] : memref<204800x768xf32, #tpu.memory_space<hbm>> -> memref<40x768xf32, #tpu.memory_space<hbm>>
      %dma_start3A_548 = arith.constant 0 : i32
      %dma_start3A_549 = tpu.memref_slice %arg5[%add3A_545, %dma_start3A_548] : memref<204800x768xf32, #tpu.memory_space<hbm>> -> memref<40x768xf32, #tpu.memory_space<hbm>>
      tpu.enqueue_dma source(%arg10 : memref<40x768xf32, #tpu.memory_space<vmem>>) target(%dma_start3A_549 : memref<40x768xf32, #tpu.memory_space<hbm>>) target_semaphore(%arg16 : memref<!tpu.dma_semaphore, #tpu.memory_space<semaphore_mem>>)
      %scan3A_550 = arith.constant 0 : i32
      scf.yield %scan3A_550 : i32
    }
    %scan3A_19 = arith.constant 53 : i32
    %jit3A = arith.constant 159 : i32
    %jit3A_20 = arith.constant 32 : i32
    %div3A = arith.divsi %jit3A, %jit3A_20 : i32
    %sign3A = arith.constant 0 : i32
    %sign3A_21 = arith.cmpi sgt, %jit3A, %sign3A : i32
    %sign3A_22 = arith.extui %sign3A_21 : i1 to i32
    %sign3A_23 = arith.constant 0 : i32
    %sign3A_24 = arith.cmpi slt, %jit3A, %sign3A_23 : i32
    %sign3A_25 = arith.extui %sign3A_24 : i1 to i32
    %sign3A_26 = arith.subi %sign3A_22, %sign3A_25 : i32
    %sign3A_27 = arith.constant 0 : i32
    %sign3A_28 = arith.cmpi sgt, %jit3A_20, %sign3A_27 : i32
    %sign3A_29 = arith.extui %sign3A_28 : i1 to i32
    %sign3A_30 = arith.constant 0 : i32
    %sign3A_31 = arith.cmpi slt, %jit3A_20, %sign3A_30 : i32
    %sign3A_32 = arith.extui %sign3A_31 : i1 to i32
    %sign3A_33 = arith.subi %sign3A_29, %sign3A_32 : i32
    %ne3A = arith.cmpi ne, %sign3A_26, %sign3A_33 : i32
    %rem3A = arith.remsi %jit3A, %jit3A_20 : i32
    %ne3A_34 = arith.constant 0 : i32
    %ne3A_35 = arith.cmpi ne, %rem3A, %ne3A_34 : i32
    %and3A = arith.andi %ne3A, %ne3A_35 : i1
    %sub3A = arith.constant 1 : i32
    %sub3A_36 = arith.subi %div3A, %sub3A : i32
    %select_n3A = arith.select %and3A, %sub3A_36, %div3A : i32
    %mul3A_37 = arith.constant 32 : i32
    %mul3A_38 = arith.muli %select_n3A, %mul3A_37 : i32
    %sub3A_39 = arith.constant 159 : i32
    %sub3A_40 = arith.subi %sub3A_39, %mul3A_38 : i32
    %mul3A_41 = arith.constant 200 : i32
    %mul3A_42 = arith.muli %sub3A_40, %mul3A_41 : i32
    %mul3A_43 = arith.constant 40 : i32
    %mul3A_44 = arith.muli %select_n3A, %mul3A_43 : i32
    %add3A_45 = arith.addi %mul3A_42, %mul3A_44 : i32
    %eq3A = arith.constant 0 : i32
    %eq3A_46 = arith.cmpi eq, %sub3A_40, %eq3A : i32
    %convert_element_type3A = arith.extui %eq3A_46 : i1 to i32
    %cond3A = arith.constant 0 : i32
    %cond3A_47 = arith.cmpi ne, %convert_element_type3A, %cond3A : i32
    scf.if %cond3A_47 {
      %mul3A_151 = arith.constant 40 : i32
      %mul3A_152 = arith.muli %select_n3A, %mul3A_151 : i32
      "tpu.region"() ({
        %run_scoped3A = tpu.sem_alloc : memref<!tpu.dma_semaphore, #tpu.memory_space<semaphore_mem>>
        %dma_start3A_153 = arith.constant 0 : i32
        %dma_start3A_154 = tpu.memref_slice %arg4[%mul3A_152, %dma_start3A_153] : memref<512x768xf32, #tpu.memory_space<hbm>> -> memref<40x768xf32, #tpu.memory_space<hbm>>
        %dma_start3A_155 = arith.constant 0 : i32
        %dma_start3A_156 = tpu.memref_slice %arg4[%mul3A_152, %dma_start3A_155] : memref<512x768xf32, #tpu.memory_space<hbm>> -> memref<40x768xf32, #tpu.memory_space<hbm>>
        tpu.enqueue_dma source(%dma_start3A_156 : memref<40x768xf32, #tpu.memory_space<hbm>>) target(%arg7 : memref<40x768xf32, #tpu.memory_space<vmem>>) target_semaphore(%run_scoped3A : memref<!tpu.dma_semaphore, #tpu.memory_space<semaphore_mem>>)
        %dma_wait3A_157 = arith.constant 0 : i32
        %dma_wait3A_158 = tpu.memref_slice %arg4[%mul3A_152, %dma_wait3A_157] : memref<512x768xf32, #tpu.memory_space<hbm>> -> memref<40x768xf32, #tpu.memory_space<hbm>>
        %dma_wait3A_159 = arith.constant 0 : i32
        %dma_wait3A_160 = tpu.memref_slice %arg4[%mul3A_152, %dma_wait3A_159] : memref<512x768xf32, #tpu.memory_space<hbm>> -> memref<40x768xf32, #tpu.memory_space<hbm>>
        tpu.wait_dma2 semaphore(%run_scoped3A : memref<!tpu.dma_semaphore, #tpu.memory_space<semaphore_mem>>) src(%dma_wait3A_160 : memref<40x768xf32, #tpu.memory_space<hbm>>) dst(%arg7 : memref<40x768xf32, #tpu.memory_space<vmem>>)
        tpu.yield
      }) : () -> ()
    } else {
    }
    %ge3A = arith.constant 159 : i32
    %ge3A_48 = arith.constant 1 : i32
    %ge3A_49 = arith.cmpi sge, %ge3A, %ge3A_48 : i32
    %convert_element_type3A_50 = arith.extui %ge3A_49 : i1 to i32
    %cond3A_51 = arith.constant 159 : i32
    %cond3A_52 = arith.constant 0 : i32
    %cond3A_53 = arith.cmpi ne, %convert_element_type3A_50, %cond3A_52 : i32
    scf.if %cond3A_53 {
      %sub3A_151 = arith.constant 1 : i32
      %sub3A_152 = arith.subi %cond3A_51, %sub3A_151 : i32
      %jit3A_153 = arith.constant 32 : i32
      %div3A_154 = arith.divsi %sub3A_152, %jit3A_153 : i32
      %sign3A_155 = arith.constant 0 : i32
      %sign3A_156 = arith.cmpi sgt, %sub3A_152, %sign3A_155 : i32
      %sign3A_157 = arith.extui %sign3A_156 : i1 to i32
      %sign3A_158 = arith.constant 0 : i32
      %sign3A_159 = arith.cmpi slt, %sub3A_152, %sign3A_158 : i32
      %sign3A_160 = arith.extui %sign3A_159 : i1 to i32
      %sign3A_161 = arith.subi %sign3A_157, %sign3A_160 : i32
      %sign3A_162 = arith.constant 0 : i32
      %sign3A_163 = arith.cmpi sgt, %jit3A_153, %sign3A_162 : i32
      %sign3A_164 = arith.extui %sign3A_163 : i1 to i32
      %sign3A_165 = arith.constant 0 : i32
      %sign3A_166 = arith.cmpi slt, %jit3A_153, %sign3A_165 : i32
      %sign3A_167 = arith.extui %sign3A_166 : i1 to i32
      %sign3A_168 = arith.subi %sign3A_164, %sign3A_167 : i32
      %ne3A_169 = arith.cmpi ne, %sign3A_161, %sign3A_168 : i32
      %rem3A_170 = arith.remsi %sub3A_152, %jit3A_153 : i32
      %ne3A_171 = arith.constant 0 : i32
      %ne3A_172 = arith.cmpi ne, %rem3A_170, %ne3A_171 : i32
      %and3A_173 = arith.andi %ne3A_169, %ne3A_172 : i1
      %sub3A_174 = arith.constant 1 : i32
      %sub3A_175 = arith.subi %div3A_154, %sub3A_174 : i32
      %select_n3A_176 = arith.select %and3A_173, %sub3A_175, %div3A_154 : i32
      %mul3A_177 = arith.constant 32 : i32
      %mul3A_178 = arith.muli %select_n3A_176, %mul3A_177 : i32
      %sub3A_179 = arith.subi %sub3A_152, %mul3A_178 : i32
      %mul3A_180 = arith.constant 200 : i32
      %mul3A_181 = arith.muli %sub3A_179, %mul3A_180 : i32
      %mul3A_182 = arith.constant 40 : i32
      %mul3A_183 = arith.muli %select_n3A_176, %mul3A_182 : i32
      %add3A_184 = arith.addi %mul3A_181, %mul3A_183 : i32
      %add3A_185 = arith.addi %mul3A_4, %add3A_184 : i32
      %dma_wait3A_186 = arith.constant 0 : i32
      %dma_wait3A_187 = tpu.memref_slice %arg5[%add3A_185, %dma_wait3A_186] : memref<204800x768xf32, #tpu.memory_space<hbm>> -> memref<40x768xf32, #tpu.memory_space<hbm>>
      %dma_wait3A_188 = arith.constant 0 : i32
      %dma_wait3A_189 = tpu.memref_slice %arg5[%add3A_185, %dma_wait3A_188] : memref<204800x768xf32, #tpu.memory_space<hbm>> -> memref<40x768xf32, #tpu.memory_space<hbm>>
      tpu.wait_dma2 semaphore(%arg16 : memref<!tpu.dma_semaphore, #tpu.memory_space<semaphore_mem>>) src(%arg10 : memref<40x768xf32, #tpu.memory_space<vmem>>) dst(%dma_wait3A_189 : memref<40x768xf32, #tpu.memory_space<hbm>>)
    } else {
    }
    %add3A_54 = arith.constant 159 : i32
    %add3A_55 = arith.constant 2 : i32
    %add3A_56 = arith.addi %add3A_54, %add3A_55 : i32
    %lt3A = arith.constant 160 : i32
    %lt3A_57 = arith.cmpi slt, %add3A_56, %lt3A : i32
    %convert_element_type3A_58 = arith.extui %lt3A_57 : i1 to i32
    %cond3A_59 = arith.constant 159 : i32
    %cond3A_60 = arith.constant 0 : i32
    %cond3A_61 = arith.cmpi ne, %convert_element_type3A_58, %cond3A_60 : i32
    scf.if %cond3A_61 {
      %add3A_151 = arith.constant 2 : i32
      %add3A_152 = arith.addi %cond3A_59, %add3A_151 : i32
      %jit3A_153 = arith.constant 32 : i32
      %div3A_154 = arith.divsi %add3A_152, %jit3A_153 : i32
      %sign3A_155 = arith.constant 0 : i32
      %sign3A_156 = arith.cmpi sgt, %add3A_152, %sign3A_155 : i32
      %sign3A_157 = arith.extui %sign3A_156 : i1 to i32
      %sign3A_158 = arith.constant 0 : i32
      %sign3A_159 = arith.cmpi slt, %add3A_152, %sign3A_158 : i32
      %sign3A_160 = arith.extui %sign3A_159 : i1 to i32
      %sign3A_161 = arith.subi %sign3A_157, %sign3A_160 : i32
      %sign3A_162 = arith.constant 0 : i32
      %sign3A_163 = arith.cmpi sgt, %jit3A_153, %sign3A_162 : i32
      %sign3A_164 = arith.extui %sign3A_163 : i1 to i32
      %sign3A_165 = arith.constant 0 : i32
      %sign3A_166 = arith.cmpi slt, %jit3A_153, %sign3A_165 : i32
      %sign3A_167 = arith.extui %sign3A_166 : i1 to i32
      %sign3A_168 = arith.subi %sign3A_164, %sign3A_167 : i32
      %ne3A_169 = arith.cmpi ne, %sign3A_161, %sign3A_168 : i32
      %rem3A_170 = arith.remsi %add3A_152, %jit3A_153 : i32
      %ne3A_171 = arith.constant 0 : i32
      %ne3A_172 = arith.cmpi ne, %rem3A_170, %ne3A_171 : i32
      %and3A_173 = arith.andi %ne3A_169, %ne3A_172 : i1
      %sub3A_174 = arith.constant 1 : i32
      %sub3A_175 = arith.subi %div3A_154, %sub3A_174 : i32
      %select_n3A_176 = arith.select %and3A_173, %sub3A_175, %div3A_154 : i32
      %mul3A_177 = arith.constant 32 : i32
      %mul3A_178 = arith.muli %select_n3A_176, %mul3A_177 : i32
      %sub3A_179 = arith.subi %add3A_152, %mul3A_178 : i32
      %mul3A_180 = arith.constant 200 : i32
      %mul3A_181 = arith.muli %sub3A_179, %mul3A_180 : i32
      %mul3A_182 = arith.constant 40 : i32
      %mul3A_183 = arith.muli %select_n3A_176, %mul3A_182 : i32
      %add3A_184 = arith.addi %mul3A_181, %mul3A_183 : i32
      %dma_start3A_185 = tpu.memref_slice %arg6[%add3A_184] : memref<6400xi32, #tpu.memory_space<vmem>> -> memref<40xi32, #tpu.memory_space<vmem>>
      %dma_start3A_186 = arith.constant 0 : i32
      %dma_start3A_187 = arith.constant 0 : i32
      %dma_start3A_188 = tpu.memref_slice %arg3[%dma_start3A_186, %dma_start3A_187] : memref<100000x768xf32, #tpu.memory_space<hbm>> -> memref<100000x768xf32, #tpu.memory_space<hbm>>
      tpu.enqueue_indirect_dma source(%dma_start3A_188 : memref<100000x768xf32, #tpu.memory_space<hbm>>) target(%arg10 : memref<40x768xf32, #tpu.memory_space<vmem>>) offsets(%dma_start3A_185 : memref<40xi32, #tpu.memory_space<vmem>>) semaphore(%arg13 : memref<!tpu.dma_semaphore, #tpu.memory_space<semaphore_mem>>)
    } else {
    }
    %jit3A_62 = arith.constant 159 : i32
    %jit3A_63 = arith.constant 32 : i32
    %div3A_64 = arith.divsi %jit3A_62, %jit3A_63 : i32
    %sign3A_65 = arith.constant 0 : i32
    %sign3A_66 = arith.cmpi sgt, %jit3A_62, %sign3A_65 : i32
    %sign3A_67 = arith.extui %sign3A_66 : i1 to i32
    %sign3A_68 = arith.constant 0 : i32
    %sign3A_69 = arith.cmpi slt, %jit3A_62, %sign3A_68 : i32
    %sign3A_70 = arith.extui %sign3A_69 : i1 to i32
    %sign3A_71 = arith.subi %sign3A_67, %sign3A_70 : i32
    %sign3A_72 = arith.constant 0 : i32
    %sign3A_73 = arith.cmpi sgt, %jit3A_63, %sign3A_72 : i32
    %sign3A_74 = arith.extui %sign3A_73 : i1 to i32
    %sign3A_75 = arith.constant 0 : i32
    %sign3A_76 = arith.cmpi slt, %jit3A_63, %sign3A_75 : i32
    %sign3A_77 = arith.extui %sign3A_76 : i1 to i32
    %sign3A_78 = arith.subi %sign3A_74, %sign3A_77 : i32
    %ne3A_79 = arith.cmpi ne, %sign3A_71, %sign3A_78 : i32
    %rem3A_80 = arith.remsi %jit3A_62, %jit3A_63 : i32
    %ne3A_81 = arith.constant 0 : i32
    %ne3A_82 = arith.cmpi ne, %rem3A_80, %ne3A_81 : i32
    %and3A_83 = arith.andi %ne3A_79, %ne3A_82 : i1
    %sub3A_84 = arith.constant 1 : i32
    %sub3A_85 = arith.subi %div3A_64, %sub3A_84 : i32
    %select_n3A_86 = arith.select %and3A_83, %sub3A_85, %div3A_64 : i32
    %mul3A_87 = arith.constant 32 : i32
    %mul3A_88 = arith.muli %select_n3A_86, %mul3A_87 : i32
    %sub3A_89 = arith.constant 159 : i32
    %sub3A_90 = arith.subi %sub3A_89, %mul3A_88 : i32
    %mul3A_91 = arith.constant 200 : i32
    %mul3A_92 = arith.muli %sub3A_90, %mul3A_91 : i32
    %mul3A_93 = arith.constant 40 : i32
    %mul3A_94 = arith.muli %select_n3A_86, %mul3A_93 : i32
    %add3A_95 = arith.addi %mul3A_92, %mul3A_94 : i32
    %dma_wait3A = tpu.memref_slice %arg6[%add3A_95] : memref<6400xi32, #tpu.memory_space<vmem>> -> memref<40xi32, #tpu.memory_space<vmem>>
    %dma_wait3A_96 = arith.constant 0 : i32
    %dma_wait3A_97 = arith.constant 0 : i32
    %dma_wait3A_98 = tpu.memref_slice %arg3[%dma_wait3A_96, %dma_wait3A_97] : memref<100000x768xf32, #tpu.memory_space<hbm>> -> memref<100000x768xf32, #tpu.memory_space<hbm>>
    tpu.wait_indirect_dma semaphore(%arg11 : memref<!tpu.dma_semaphore, #tpu.memory_space<semaphore_mem>>) src(%dma_wait3A_98 : memref<100000x768xf32, #tpu.memory_space<hbm>>) dst(%arg8 : memref<40x768xf32, #tpu.memory_space<vmem>>)
    %scan3A_99 = arith.constant 0 : i32
    %scan3A_100 = arith.constant 0 : i32
    %scan3A_101 = arith.constant 40 : i32
    %scan3A_102 = arith.addi %scan3A_100, %scan3A_101 : i32
    %scan3A_103 = arith.constant 1 : i32
    %scan3A_104 = scf.for %scan3A_151 = %scan3A_100 to %scan3A_102 step %scan3A_103 iter_args(%scan3A_152 = %scan3A_99) -> (i32)  : i32 {
      %get3A = arith.index_cast %scan3A_151 : i32 to index
      %get3A_153 = arith.constant 0 : index
      %get3A_154 = tpu.vector_load %arg7[%get3A, %get3A_153] {strides = array<i32>} : memref<40x768xf32, #tpu.memory_space<vmem>>, vector<1x16xf32>,
      %get3A_155 = vector.shape_cast %get3A_154 : vector<1x16xf32> to vector<16xf32>
      %swap3A = arith.index_cast %scan3A_151 : i32 to index
      %swap3A_156 = arith.constant 0 : index
      %swap3A_157 = tpu.vector_load %arg8[%swap3A, %swap3A_156] {strides = array<i32>} : memref<40x768xf32, #tpu.memory_space<vmem>>, vector<1x16xf32>,
      %swap3A_158 = vector.shape_cast %swap3A_157 : vector<1x16xf32> to vector<16xf32>
      %swap3A_159 = vector.shape_cast %get3A_155 : vector<16xf32> to vector<1x16xf32>
      tpu.vector_store %arg8[%swap3A, %swap3A_156], %swap3A_159 {add = true, strides = array<i32>} : memref<40x768xf32, #tpu.memory_space<vmem>>, vector<1x16xf32>,
      %get3A_160 = arith.index_cast %scan3A_151 : i32 to index
      %get3A_161 = arith.constant 16 : index
      %get3A_162 = tpu.vector_load %arg7[%get3A_160, %get3A_161] {strides = array<i32>} : memref<40x768xf32, #tpu.memory_space<vmem>>, vector<1x16xf32>,
      %get3A_163 = vector.shape_cast %get3A_162 : vector<1x16xf32> to vector<16xf32>
      %swap3A_164 = arith.index_cast %scan3A_151 : i32 to index
      %swap3A_165 = arith.constant 16 : index
      %swap3A_166 = tpu.vector_load %arg8[%swap3A_164, %swap3A_165] {strides = array<i32>} : memref<40x768xf32, #tpu.memory_space<vmem>>, vector<1x16xf32>,
      %swap3A_167 = vector.shape_cast %swap3A_166 : vector<1x16xf32> to vector<16xf32>
      %swap3A_168 = vector.shape_cast %get3A_163 : vector<16xf32> to vector<1x16xf32>
      tpu.vector_store %arg8[%swap3A_164, %swap3A_165], %swap3A_168 {add = true, strides = array<i32>} : memref<40x768xf32, #tpu.memory_space<vmem>>, vector<1x16xf32>,
      %get3A_169 = arith.index_cast %scan3A_151 : i32 to index
      %get3A_170 = arith.constant 32 : index
      %get3A_171 = tpu.vector_load %arg7[%get3A_169, %get3A_170] {strides = array<i32>} : memref<40x768xf32, #tpu.memory_space<vmem>>, vector<1x16xf32>,
      %get3A_172 = vector.shape_cast %get3A_171 : vector<1x16xf32> to vector<16xf32>
      %swap3A_173 = arith.index_cast %scan3A_151 : i32 to index
      %swap3A_174 = arith.constant 32 : index
      %swap3A_175 = tpu.vector_load %arg8[%swap3A_173, %swap3A_174] {strides = array<i32>} : memref<40x768xf32, #tpu.memory_space<vmem>>, vector<1x16xf32>,
      %swap3A_176 = vector.shape_cast %swap3A_175 : vector<1x16xf32> to vector<16xf32>
      %swap3A_177 = vector.shape_cast %get3A_172 : vector<16xf32> to vector<1x16xf32>
      tpu.vector_store %arg8[%swap3A_173, %swap3A_174], %swap3A_177 {add = true, strides = array<i32>} : memref<40x768xf32, #tpu.memory_space<vmem>>, vector<1x16xf32>,
      %get3A_178 = arith.index_cast %scan3A_151 : i32 to index
      %get3A_179 = arith.constant 48 : index
      %get3A_180 = tpu.vector_load %arg7[%get3A_178, %get3A_179] {strides = array<i32>} : memref<40x768xf32, #tpu.memory_space<vmem>>, vector<1x16xf32>,
      %get3A_181 = vector.shape_cast %get3A_180 : vector<1x16xf32> to vector<16xf32>
      %swap3A_182 = arith.index_cast %scan3A_151 : i32 to index
      %swap3A_183 = arith.constant 48 : index
      %swap3A_184 = tpu.vector_load %arg8[%swap3A_182, %swap3A_183] {strides = array<i32>} : memref<40x768xf32, #tpu.memory_space<vmem>>, vector<1x16xf32>,
      %swap3A_185 = vector.shape_cast %swap3A_184 : vector<1x16xf32> to vector<16xf32>
      %swap3A_186 = vector.shape_cast %get3A_181 : vector<16xf32> to vector<1x16xf32>
      tpu.vector_store %arg8[%swap3A_182, %swap3A_183], %swap3A_186 {add = true, strides = array<i32>} : memref<40x768xf32, #tpu.memory_space<vmem>>, vector<1x16xf32>,
      %get3A_187 = arith.index_cast %scan3A_151 : i32 to index
      %get3A_188 = arith.constant 64 : index
      %get3A_189 = tpu.vector_load %arg7[%get3A_187, %get3A_188] {strides = array<i32>} : memref<40x768xf32, #tpu.memory_space<vmem>>, vector<1x16xf32>,
      %get3A_190 = vector.shape_cast %get3A_189 : vector<1x16xf32> to vector<16xf32>
      %swap3A_191 = arith.index_cast %scan3A_151 : i32 to index
      %swap3A_192 = arith.constant 64 : index
      %swap3A_193 = tpu.vector_load %arg8[%swap3A_191, %swap3A_192] {strides = array<i32>} : memref<40x768xf32, #tpu.memory_space<vmem>>, vector<1x16xf32>,
      %swap3A_194 = vector.shape_cast %swap3A_193 : vector<1x16xf32> to vector<16xf32>
      %swap3A_195 = vector.shape_cast %get3A_190 : vector<16xf32> to vector<1x16xf32>
      tpu.vector_store %arg8[%swap3A_191, %swap3A_192], %swap3A_195 {add = true, strides = array<i32>} : memref<40x768xf32, #tpu.memory_space<vmem>>, vector<1x16xf32>,
      %get3A_196 = arith.index_cast %scan3A_151 : i32 to index
      %get3A_197 = arith.constant 80 : index
      %get3A_198 = tpu.vector_load %arg7[%get3A_196, %get3A_197] {strides = array<i32>} : memref<40x768xf32, #tpu.memory_space<vmem>>, vector<1x16xf32>,
      %get3A_199 = vector.shape_cast %get3A_198 : vector<1x16xf32> to vector<16xf32>
      %swap3A_200 = arith.index_cast %scan3A_151 : i32 to index
      %swap3A_201 = arith.constant 80 : index
      %swap3A_202 = tpu.vector_load %arg8[%swap3A_200, %swap3A_201] {strides = array<i32>} : memref<40x768xf32, #tpu.memory_space<vmem>>, vector<1x16xf32>,
      %swap3A_203 = vector.shape_cast %swap3A_202 : vector<1x16xf32> to vector<16xf32>
      %swap3A_204 = vector.shape_cast %get3A_199 : vector<16xf32> to vector<1x16xf32>
      tpu.vector_store %arg8[%swap3A_200, %swap3A_201], %swap3A_204 {add = true, strides = array<i32>} : memref<40x768xf32, #tpu.memory_space<vmem>>, vector<1x16xf32>,
      %get3A_205 = arith.index_cast %scan3A_151 : i32 to index
      %get3A_206 = arith.constant 96 : index
      %get3A_207 = tpu.vector_load %arg7[%get3A_205, %get3A_206] {strides = array<i32>} : memref<40x768xf32, #tpu.memory_space<vmem>>, vector<1x16xf32>,
      %get3A_208 = vector.shape_cast %get3A_207 : vector<1x16xf32> to vector<16xf32>
      %swap3A_209 = arith.index_cast %scan3A_151 : i32 to index
      %swap3A_210 = arith.constant 96 : index
      %swap3A_211 = tpu.vector_load %arg8[%swap3A_209, %swap3A_210] {strides = array<i32>} : memref<40x768xf32, #tpu.memory_space<vmem>>, vector<1x16xf32>,
      %swap3A_212 = vector.shape_cast %swap3A_211 : vector<1x16xf32> to vector<16xf32>
      %swap3A_213 = vector.shape_cast %get3A_208 : vector<16xf32> to vector<1x16xf32>
      tpu.vector_store %arg8[%swap3A_209, %swap3A_210], %swap3A_213 {add = true, strides = array<i32>} : memref<40x768xf32, #tpu.memory_space<vmem>>, vector<1x16xf32>,
      %get3A_214 = arith.index_cast %scan3A_151 : i32 to index
      %get3A_215 = arith.constant 112 : index
      %get3A_216 = tpu.vector_load %arg7[%get3A_214, %get3A_215] {strides = array<i32>} : memref<40x768xf32, #tpu.memory_space<vmem>>, vector<1x16xf32>,
      %get3A_217 = vector.shape_cast %get3A_216 : vector<1x16xf32> to vector<16xf32>
      %swap3A_218 = arith.index_cast %scan3A_151 : i32 to index
      %swap3A_219 = arith.constant 112 : index
      %swap3A_220 = tpu.vector_load %arg8[%swap3A_218, %swap3A_219] {strides = array<i32>} : memref<40x768xf32, #tpu.memory_space<vmem>>, vector<1x16xf32>,
      %swap3A_221 = vector.shape_cast %swap3A_220 : vector<1x16xf32> to vector<16xf32>
      %swap3A_222 = vector.shape_cast %get3A_217 : vector<16xf32> to vector<1x16xf32>
      tpu.vector_store %arg8[%swap3A_218, %swap3A_219], %swap3A_222 {add = true, strides = array<i32>} : memref<40x768xf32, #tpu.memory_space<vmem>>, vector<1x16xf32>,
      %get3A_223 = arith.index_cast %scan3A_151 : i32 to index
      %get3A_224 = arith.constant 128 : index
      %get3A_225 = tpu.vector_load %arg7[%get3A_223, %get3A_224] {strides = array<i32>} : memref<40x768xf32, #tpu.memory_space<vmem>>, vector<1x16xf32>,
      %get3A_226 = vector.shape_cast %get3A_225 : vector<1x16xf32> to vector<16xf32>
      %swap3A_227 = arith.index_cast %scan3A_151 : i32 to index
      %swap3A_228 = arith.constant 128 : index
      %swap3A_229 = tpu.vector_load %arg8[%swap3A_227, %swap3A_228] {strides = array<i32>} : memref<40x768xf32, #tpu.memory_space<vmem>>, vector<1x16xf32>,
      %swap3A_230 = vector.shape_cast %swap3A_229 : vector<1x16xf32> to vector<16xf32>
      %swap3A_231 = vector.shape_cast %get3A_226 : vector<16xf32> to vector<1x16xf32>
      tpu.vector_store %arg8[%swap3A_227, %swap3A_228], %swap3A_231 {add = true, strides = array<i32>} : memref<40x768xf32, #tpu.memory_space<vmem>>, vector<1x16xf32>,
      %get3A_232 = arith.index_cast %scan3A_151 : i32 to index
      %get3A_233 = arith.constant 144 : index
      %get3A_234 = tpu.vector_load %arg7[%get3A_232, %get3A_233] {strides = array<i32>} : memref<40x768xf32, #tpu.memory_space<vmem>>, vector<1x16xf32>,
      %get3A_235 = vector.shape_cast %get3A_234 : vector<1x16xf32> to vector<16xf32>
      %swap3A_236 = arith.index_cast %scan3A_151 : i32 to index
      %swap3A_237 = arith.constant 144 : index
      %swap3A_238 = tpu.vector_load %arg8[%swap3A_236, %swap3A_237] {strides = array<i32>} : memref<40x768xf32, #tpu.memory_space<vmem>>, vector<1x16xf32>,
      %swap3A_239 = vector.shape_cast %swap3A_238 : vector<1x16xf32> to vector<16xf32>
      %swap3A_240 = vector.shape_cast %get3A_235 : vector<16xf32> to vector<1x16xf32>
      tpu.vector_store %arg8[%swap3A_236, %swap3A_237], %swap3A_240 {add = true, strides = array<i32>} : memref<40x768xf32, #tpu.memory_space<vmem>>, vector<1x16xf32>,
      %get3A_241 = arith.index_cast %scan3A_151 : i32 to index
      %get3A_242 = arith.constant 160 : index
      %get3A_243 = tpu.vector_load %arg7[%get3A_241, %get3A_242] {strides = array<i32>} : memref<40x768xf32, #tpu.memory_space<vmem>>, vector<1x16xf32>,
      %get3A_244 = vector.shape_cast %get3A_243 : vector<1x16xf32> to vector<16xf32>
      %swap3A_245 = arith.index_cast %scan3A_151 : i32 to index
      %swap3A_246 = arith.constant 160 : index
      %swap3A_247 = tpu.vector_load %arg8[%swap3A_245, %swap3A_246] {strides = array<i32>} : memref<40x768xf32, #tpu.memory_space<vmem>>, vector<1x16xf32>,
      %swap3A_248 = vector.shape_cast %swap3A_247 : vector<1x16xf32> to vector<16xf32>
      %swap3A_249 = vector.shape_cast %get3A_244 : vector<16xf32> to vector<1x16xf32>
      tpu.vector_store %arg8[%swap3A_245, %swap3A_246], %swap3A_249 {add = true, strides = array<i32>} : memref<40x768xf32, #tpu.memory_space<vmem>>, vector<1x16xf32>,
      %get3A_250 = arith.index_cast %scan3A_151 : i32 to index
      %get3A_251 = arith.constant 176 : index
      %get3A_252 = tpu.vector_load %arg7[%get3A_250, %get3A_251] {strides = array<i32>} : memref<40x768xf32, #tpu.memory_space<vmem>>, vector<1x16xf32>,
      %get3A_253 = vector.shape_cast %get3A_252 : vector<1x16xf32> to vector<16xf32>
      %swap3A_254 = arith.index_cast %scan3A_151 : i32 to index
      %swap3A_255 = arith.constant 176 : index
      %swap3A_256 = tpu.vector_load %arg8[%swap3A_254, %swap3A_255] {strides = array<i32>} : memref<40x768xf32, #tpu.memory_space<vmem>>, vector<1x16xf32>,
      %swap3A_257 = vector.shape_cast %swap3A_256 : vector<1x16xf32> to vector<16xf32>
      %swap3A_258 = vector.shape_cast %get3A_253 : vector<16xf32> to vector<1x16xf32>
      tpu.vector_store %arg8[%swap3A_254, %swap3A_255], %swap3A_258 {add = true, strides = array<i32>} : memref<40x768xf32, #tpu.memory_space<vmem>>, vector<1x16xf32>,
      %get3A_259 = arith.index_cast %scan3A_151 : i32 to index
      %get3A_260 = arith.constant 192 : index
      %get3A_261 = tpu.vector_load %arg7[%get3A_259, %get3A_260] {strides = array<i32>} : memref<40x768xf32, #tpu.memory_space<vmem>>, vector<1x16xf32>,
      %get3A_262 = vector.shape_cast %get3A_261 : vector<1x16xf32> to vector<16xf32>
      %swap3A_263 = arith.index_cast %scan3A_151 : i32 to index
      %swap3A_264 = arith.constant 192 : index
      %swap3A_265 = tpu.vector_load %arg8[%swap3A_263, %swap3A_264] {strides = array<i32>} : memref<40x768xf32, #tpu.memory_space<vmem>>, vector<1x16xf32>,
      %swap3A_266 = vector.shape_cast %swap3A_265 : vector<1x16xf32> to vector<16xf32>
      %swap3A_267 = vector.shape_cast %get3A_262 : vector<16xf32> to vector<1x16xf32>
      tpu.vector_store %arg8[%swap3A_263, %swap3A_264], %swap3A_267 {add = true, strides = array<i32>} : memref<40x768xf32, #tpu.memory_space<vmem>>, vector<1x16xf32>,
      %get3A_268 = arith.index_cast %scan3A_151 : i32 to index
      %get3A_269 = arith.constant 208 : index
      %get3A_270 = tpu.vector_load %arg7[%get3A_268, %get3A_269] {strides = array<i32>} : memref<40x768xf32, #tpu.memory_space<vmem>>, vector<1x16xf32>,
      %get3A_271 = vector.shape_cast %get3A_270 : vector<1x16xf32> to vector<16xf32>
      %swap3A_272 = arith.index_cast %scan3A_151 : i32 to index
      %swap3A_273 = arith.constant 208 : index
      %swap3A_274 = tpu.vector_load %arg8[%swap3A_272, %swap3A_273] {strides = array<i32>} : memref<40x768xf32, #tpu.memory_space<vmem>>, vector<1x16xf32>,
      %swap3A_275 = vector.shape_cast %swap3A_274 : vector<1x16xf32> to vector<16xf32>
      %swap3A_276 = vector.shape_cast %get3A_271 : vector<16xf32> to vector<1x16xf32>
      tpu.vector_store %arg8[%swap3A_272, %swap3A_273], %swap3A_276 {add = true, strides = array<i32>} : memref<40x768xf32, #tpu.memory_space<vmem>>, vector<1x16xf32>,
      %get3A_277 = arith.index_cast %scan3A_151 : i32 to index
      %get3A_278 = arith.constant 224 : index
      %get3A_279 = tpu.vector_load %arg7[%get3A_277, %get3A_278] {strides = array<i32>} : memref<40x768xf32, #tpu.memory_space<vmem>>, vector<1x16xf32>,
      %get3A_280 = vector.shape_cast %get3A_279 : vector<1x16xf32> to vector<16xf32>
      %swap3A_281 = arith.index_cast %scan3A_151 : i32 to index
      %swap3A_282 = arith.constant 224 : index
      %swap3A_283 = tpu.vector_load %arg8[%swap3A_281, %swap3A_282] {strides = array<i32>} : memref<40x768xf32, #tpu.memory_space<vmem>>, vector<1x16xf32>,
      %swap3A_284 = vector.shape_cast %swap3A_283 : vector<1x16xf32> to vector<16xf32>
      %swap3A_285 = vector.shape_cast %get3A_280 : vector<16xf32> to vector<1x16xf32>
      tpu.vector_store %arg8[%swap3A_281, %swap3A_282], %swap3A_285 {add = true, strides = array<i32>} : memref<40x768xf32, #tpu.memory_space<vmem>>, vector<1x16xf32>,
      %get3A_286 = arith.index_cast %scan3A_151 : i32 to index
      %get3A_287 = arith.constant 240 : index
      %get3A_288 = tpu.vector_load %arg7[%get3A_286, %get3A_287] {strides = array<i32>} : memref<40x768xf32, #tpu.memory_space<vmem>>, vector<1x16xf32>,
      %get3A_289 = vector.shape_cast %get3A_288 : vector<1x16xf32> to vector<16xf32>
      %swap3A_290 = arith.index_cast %scan3A_151 : i32 to index
      %swap3A_291 = arith.constant 240 : index
      %swap3A_292 = tpu.vector_load %arg8[%swap3A_290, %swap3A_291] {strides = array<i32>} : memref<40x768xf32, #tpu.memory_space<vmem>>, vector<1x16xf32>,
      %swap3A_293 = vector.shape_cast %swap3A_292 : vector<1x16xf32> to vector<16xf32>
      %swap3A_294 = vector.shape_cast %get3A_289 : vector<16xf32> to vector<1x16xf32>
      tpu.vector_store %arg8[%swap3A_290, %swap3A_291], %swap3A_294 {add = true, strides = array<i32>} : memref<40x768xf32, #tpu.memory_space<vmem>>, vector<1x16xf32>,
      %get3A_295 = arith.index_cast %scan3A_151 : i32 to index
      %get3A_296 = arith.constant 256 : index
      %get3A_297 = tpu.vector_load %arg7[%get3A_295, %get3A_296] {strides = array<i32>} : memref<40x768xf32, #tpu.memory_space<vmem>>, vector<1x16xf32>,
      %get3A_298 = vector.shape_cast %get3A_297 : vector<1x16xf32> to vector<16xf32>
      %swap3A_299 = arith.index_cast %scan3A_151 : i32 to index
      %swap3A_300 = arith.constant 256 : index
      %swap3A_301 = tpu.vector_load %arg8[%swap3A_299, %swap3A_300] {strides = array<i32>} : memref<40x768xf32, #tpu.memory_space<vmem>>, vector<1x16xf32>,
      %swap3A_302 = vector.shape_cast %swap3A_301 : vector<1x16xf32> to vector<16xf32>
      %swap3A_303 = vector.shape_cast %get3A_298 : vector<16xf32> to vector<1x16xf32>
      tpu.vector_store %arg8[%swap3A_299, %swap3A_300], %swap3A_303 {add = true, strides = array<i32>} : memref<40x768xf32, #tpu.memory_space<vmem>>, vector<1x16xf32>,
      %get3A_304 = arith.index_cast %scan3A_151 : i32 to index
      %get3A_305 = arith.constant 272 : index
      %get3A_306 = tpu.vector_load %arg7[%get3A_304, %get3A_305] {strides = array<i32>} : memref<40x768xf32, #tpu.memory_space<vmem>>, vector<1x16xf32>,
      %get3A_307 = vector.shape_cast %get3A_306 : vector<1x16xf32> to vector<16xf32>
      %swap3A_308 = arith.index_cast %scan3A_151 : i32 to index
      %swap3A_309 = arith.constant 272 : index
      %swap3A_310 = tpu.vector_load %arg8[%swap3A_308, %swap3A_309] {strides = array<i32>} : memref<40x768xf32, #tpu.memory_space<vmem>>, vector<1x16xf32>,
      %swap3A_311 = vector.shape_cast %swap3A_310 : vector<1x16xf32> to vector<16xf32>
      %swap3A_312 = vector.shape_cast %get3A_307 : vector<16xf32> to vector<1x16xf32>
      tpu.vector_store %arg8[%swap3A_308, %swap3A_309], %swap3A_312 {add = true, strides = array<i32>} : memref<40x768xf32, #tpu.memory_space<vmem>>, vector<1x16xf32>,
      %get3A_313 = arith.index_cast %scan3A_151 : i32 to index
      %get3A_314 = arith.constant 288 : index
      %get3A_315 = tpu.vector_load %arg7[%get3A_313, %get3A_314] {strides = array<i32>} : memref<40x768xf32, #tpu.memory_space<vmem>>, vector<1x16xf32>,
      %get3A_316 = vector.shape_cast %get3A_315 : vector<1x16xf32> to vector<16xf32>
      %swap3A_317 = arith.index_cast %scan3A_151 : i32 to index
      %swap3A_318 = arith.constant 288 : index
      %swap3A_319 = tpu.vector_load %arg8[%swap3A_317, %swap3A_318] {strides = array<i32>} : memref<40x768xf32, #tpu.memory_space<vmem>>, vector<1x16xf32>,
      %swap3A_320 = vector.shape_cast %swap3A_319 : vector<1x16xf32> to vector<16xf32>
      %swap3A_321 = vector.shape_cast %get3A_316 : vector<16xf32> to vector<1x16xf32>
      tpu.vector_store %arg8[%swap3A_317, %swap3A_318], %swap3A_321 {add = true, strides = array<i32>} : memref<40x768xf32, #tpu.memory_space<vmem>>, vector<1x16xf32>,
      %get3A_322 = arith.index_cast %scan3A_151 : i32 to index
      %get3A_323 = arith.constant 304 : index
      %get3A_324 = tpu.vector_load %arg7[%get3A_322, %get3A_323] {strides = array<i32>} : memref<40x768xf32, #tpu.memory_space<vmem>>, vector<1x16xf32>,
      %get3A_325 = vector.shape_cast %get3A_324 : vector<1x16xf32> to vector<16xf32>
      %swap3A_326 = arith.index_cast %scan3A_151 : i32 to index
      %swap3A_327 = arith.constant 304 : index
      %swap3A_328 = tpu.vector_load %arg8[%swap3A_326, %swap3A_327] {strides = array<i32>} : memref<40x768xf32, #tpu.memory_space<vmem>>, vector<1x16xf32>,
      %swap3A_329 = vector.shape_cast %swap3A_328 : vector<1x16xf32> to vector<16xf32>
      %swap3A_330 = vector.shape_cast %get3A_325 : vector<16xf32> to vector<1x16xf32>
      tpu.vector_store %arg8[%swap3A_326, %swap3A_327], %swap3A_330 {add = true, strides = array<i32>} : memref<40x768xf32, #tpu.memory_space<vmem>>, vector<1x16xf32>,
      %get3A_331 = arith.index_cast %scan3A_151 : i32 to index
      %get3A_332 = arith.constant 320 : index
      %get3A_333 = tpu.vector_load %arg7[%get3A_331, %get3A_332] {strides = array<i32>} : memref<40x768xf32, #tpu.memory_space<vmem>>, vector<1x16xf32>,
      %get3A_334 = vector.shape_cast %get3A_333 : vector<1x16xf32> to vector<16xf32>
      %swap3A_335 = arith.index_cast %scan3A_151 : i32 to index
      %swap3A_336 = arith.constant 320 : index
      %swap3A_337 = tpu.vector_load %arg8[%swap3A_335, %swap3A_336] {strides = array<i32>} : memref<40x768xf32, #tpu.memory_space<vmem>>, vector<1x16xf32>,
      %swap3A_338 = vector.shape_cast %swap3A_337 : vector<1x16xf32> to vector<16xf32>
      %swap3A_339 = vector.shape_cast %get3A_334 : vector<16xf32> to vector<1x16xf32>
      tpu.vector_store %arg8[%swap3A_335, %swap3A_336], %swap3A_339 {add = true, strides = array<i32>} : memref<40x768xf32, #tpu.memory_space<vmem>>, vector<1x16xf32>,
      %get3A_340 = arith.index_cast %scan3A_151 : i32 to index
      %get3A_341 = arith.constant 336 : index
      %get3A_342 = tpu.vector_load %arg7[%get3A_340, %get3A_341] {strides = array<i32>} : memref<40x768xf32, #tpu.memory_space<vmem>>, vector<1x16xf32>,
      %get3A_343 = vector.shape_cast %get3A_342 : vector<1x16xf32> to vector<16xf32>
      %swap3A_344 = arith.index_cast %scan3A_151 : i32 to index
      %swap3A_345 = arith.constant 336 : index
      %swap3A_346 = tpu.vector_load %arg8[%swap3A_344, %swap3A_345] {strides = array<i32>} : memref<40x768xf32, #tpu.memory_space<vmem>>, vector<1x16xf32>,
      %swap3A_347 = vector.shape_cast %swap3A_346 : vector<1x16xf32> to vector<16xf32>
      %swap3A_348 = vector.shape_cast %get3A_343 : vector<16xf32> to vector<1x16xf32>
      tpu.vector_store %arg8[%swap3A_344, %swap3A_345], %swap3A_348 {add = true, strides = array<i32>} : memref<40x768xf32, #tpu.memory_space<vmem>>, vector<1x16xf32>,
      %get3A_349 = arith.index_cast %scan3A_151 : i32 to index
      %get3A_350 = arith.constant 352 : index
      %get3A_351 = tpu.vector_load %arg7[%get3A_349, %get3A_350] {strides = array<i32>} : memref<40x768xf32, #tpu.memory_space<vmem>>, vector<1x16xf32>,
      %get3A_352 = vector.shape_cast %get3A_351 : vector<1x16xf32> to vector<16xf32>
      %swap3A_353 = arith.index_cast %scan3A_151 : i32 to index
      %swap3A_354 = arith.constant 352 : index
      %swap3A_355 = tpu.vector_load %arg8[%swap3A_353, %swap3A_354] {strides = array<i32>} : memref<40x768xf32, #tpu.memory_space<vmem>>, vector<1x16xf32>,
      %swap3A_356 = vector.shape_cast %swap3A_355 : vector<1x16xf32> to vector<16xf32>
      %swap3A_357 = vector.shape_cast %get3A_352 : vector<16xf32> to vector<1x16xf32>
      tpu.vector_store %arg8[%swap3A_353, %swap3A_354], %swap3A_357 {add = true, strides = array<i32>} : memref<40x768xf32, #tpu.memory_space<vmem>>, vector<1x16xf32>,
      %get3A_358 = arith.index_cast %scan3A_151 : i32 to index
      %get3A_359 = arith.constant 368 : index
      %get3A_360 = tpu.vector_load %arg7[%get3A_358, %get3A_359] {strides = array<i32>} : memref<40x768xf32, #tpu.memory_space<vmem>>, vector<1x16xf32>,
      %get3A_361 = vector.shape_cast %get3A_360 : vector<1x16xf32> to vector<16xf32>
      %swap3A_362 = arith.index_cast %scan3A_151 : i32 to index
      %swap3A_363 = arith.constant 368 : index
      %swap3A_364 = tpu.vector_load %arg8[%swap3A_362, %swap3A_363] {strides = array<i32>} : memref<40x768xf32, #tpu.memory_space<vmem>>, vector<1x16xf32>,
      %swap3A_365 = vector.shape_cast %swap3A_364 : vector<1x16xf32> to vector<16xf32>
      %swap3A_366 = vector.shape_cast %get3A_361 : vector<16xf32> to vector<1x16xf32>
      tpu.vector_store %arg8[%swap3A_362, %swap3A_363], %swap3A_366 {add = true, strides = array<i32>} : memref<40x768xf32, #tpu.memory_space<vmem>>, vector<1x16xf32>,
      %get3A_367 = arith.index_cast %scan3A_151 : i32 to index
      %get3A_368 = arith.constant 384 : index
      %get3A_369 = tpu.vector_load %arg7[%get3A_367, %get3A_368] {strides = array<i32>} : memref<40x768xf32, #tpu.memory_space<vmem>>, vector<1x16xf32>,
      %get3A_370 = vector.shape_cast %get3A_369 : vector<1x16xf32> to vector<16xf32>
      %swap3A_371 = arith.index_cast %scan3A_151 : i32 to index
      %swap3A_372 = arith.constant 384 : index
      %swap3A_373 = tpu.vector_load %arg8[%swap3A_371, %swap3A_372] {strides = array<i32>} : memref<40x768xf32, #tpu.memory_space<vmem>>, vector<1x16xf32>,
      %swap3A_374 = vector.shape_cast %swap3A_373 : vector<1x16xf32> to vector<16xf32>
      %swap3A_375 = vector.shape_cast %get3A_370 : vector<16xf32> to vector<1x16xf32>
      tpu.vector_store %arg8[%swap3A_371, %swap3A_372], %swap3A_375 {add = true, strides = array<i32>} : memref<40x768xf32, #tpu.memory_space<vmem>>, vector<1x16xf32>,
      %get3A_376 = arith.index_cast %scan3A_151 : i32 to index
      %get3A_377 = arith.constant 400 : index
      %get3A_378 = tpu.vector_load %arg7[%get3A_376, %get3A_377] {strides = array<i32>} : memref<40x768xf32, #tpu.memory_space<vmem>>, vector<1x16xf32>,
      %get3A_379 = vector.shape_cast %get3A_378 : vector<1x16xf32> to vector<16xf32>
      %swap3A_380 = arith.index_cast %scan3A_151 : i32 to index
      %swap3A_381 = arith.constant 400 : index
      %swap3A_382 = tpu.vector_load %arg8[%swap3A_380, %swap3A_381] {strides = array<i32>} : memref<40x768xf32, #tpu.memory_space<vmem>>, vector<1x16xf32>,
      %swap3A_383 = vector.shape_cast %swap3A_382 : vector<1x16xf32> to vector<16xf32>
      %swap3A_384 = vector.shape_cast %get3A_379 : vector<16xf32> to vector<1x16xf32>
      tpu.vector_store %arg8[%swap3A_380, %swap3A_381], %swap3A_384 {add = true, strides = array<i32>} : memref<40x768xf32, #tpu.memory_space<vmem>>, vector<1x16xf32>,
      %get3A_385 = arith.index_cast %scan3A_151 : i32 to index
      %get3A_386 = arith.constant 416 : index
      %get3A_387 = tpu.vector_load %arg7[%get3A_385, %get3A_386] {strides = array<i32>} : memref<40x768xf32, #tpu.memory_space<vmem>>, vector<1x16xf32>,
      %get3A_388 = vector.shape_cast %get3A_387 : vector<1x16xf32> to vector<16xf32>
      %swap3A_389 = arith.index_cast %scan3A_151 : i32 to index
      %swap3A_390 = arith.constant 416 : index
      %swap3A_391 = tpu.vector_load %arg8[%swap3A_389, %swap3A_390] {strides = array<i32>} : memref<40x768xf32, #tpu.memory_space<vmem>>, vector<1x16xf32>,
      %swap3A_392 = vector.shape_cast %swap3A_391 : vector<1x16xf32> to vector<16xf32>
      %swap3A_393 = vector.shape_cast %get3A_388 : vector<16xf32> to vector<1x16xf32>
      tpu.vector_store %arg8[%swap3A_389, %swap3A_390], %swap3A_393 {add = true, strides = array<i32>} : memref<40x768xf32, #tpu.memory_space<vmem>>, vector<1x16xf32>,
      %get3A_394 = arith.index_cast %scan3A_151 : i32 to index
      %get3A_395 = arith.constant 432 : index
      %get3A_396 = tpu.vector_load %arg7[%get3A_394, %get3A_395] {strides = array<i32>} : memref<40x768xf32, #tpu.memory_space<vmem>>, vector<1x16xf32>,
      %get3A_397 = vector.shape_cast %get3A_396 : vector<1x16xf32> to vector<16xf32>
      %swap3A_398 = arith.index_cast %scan3A_151 : i32 to index
      %swap3A_399 = arith.constant 432 : index
      %swap3A_400 = tpu.vector_load %arg8[%swap3A_398, %swap3A_399] {strides = array<i32>} : memref<40x768xf32, #tpu.memory_space<vmem>>, vector<1x16xf32>,
      %swap3A_401 = vector.shape_cast %swap3A_400 : vector<1x16xf32> to vector<16xf32>
      %swap3A_402 = vector.shape_cast %get3A_397 : vector<16xf32> to vector<1x16xf32>
      tpu.vector_store %arg8[%swap3A_398, %swap3A_399], %swap3A_402 {add = true, strides = array<i32>} : memref<40x768xf32, #tpu.memory_space<vmem>>, vector<1x16xf32>,
      %get3A_403 = arith.index_cast %scan3A_151 : i32 to index
      %get3A_404 = arith.constant 448 : index
      %get3A_405 = tpu.vector_load %arg7[%get3A_403, %get3A_404] {strides = array<i32>} : memref<40x768xf32, #tpu.memory_space<vmem>>, vector<1x16xf32>,
      %get3A_406 = vector.shape_cast %get3A_405 : vector<1x16xf32> to vector<16xf32>
      %swap3A_407 = arith.index_cast %scan3A_151 : i32 to index
      %swap3A_408 = arith.constant 448 : index
      %swap3A_409 = tpu.vector_load %arg8[%swap3A_407, %swap3A_408] {strides = array<i32>} : memref<40x768xf32, #tpu.memory_space<vmem>>, vector<1x16xf32>,
      %swap3A_410 = vector.shape_cast %swap3A_409 : vector<1x16xf32> to vector<16xf32>
      %swap3A_411 = vector.shape_cast %get3A_406 : vector<16xf32> to vector<1x16xf32>
      tpu.vector_store %arg8[%swap3A_407, %swap3A_408], %swap3A_411 {add = true, strides = array<i32>} : memref<40x768xf32, #tpu.memory_space<vmem>>, vector<1x16xf32>,
      %get3A_412 = arith.index_cast %scan3A_151 : i32 to index
      %get3A_413 = arith.constant 464 : index
      %get3A_414 = tpu.vector_load %arg7[%get3A_412, %get3A_413] {strides = array<i32>} : memref<40x768xf32, #tpu.memory_space<vmem>>, vector<1x16xf32>,
      %get3A_415 = vector.shape_cast %get3A_414 : vector<1x16xf32> to vector<16xf32>
      %swap3A_416 = arith.index_cast %scan3A_151 : i32 to index
      %swap3A_417 = arith.constant 464 : index
      %swap3A_418 = tpu.vector_load %arg8[%swap3A_416, %swap3A_417] {strides = array<i32>} : memref<40x768xf32, #tpu.memory_space<vmem>>, vector<1x16xf32>,
      %swap3A_419 = vector.shape_cast %swap3A_418 : vector<1x16xf32> to vector<16xf32>
      %swap3A_420 = vector.shape_cast %get3A_415 : vector<16xf32> to vector<1x16xf32>
      tpu.vector_store %arg8[%swap3A_416, %swap3A_417], %swap3A_420 {add = true, strides = array<i32>} : memref<40x768xf32, #tpu.memory_space<vmem>>, vector<1x16xf32>,
      %get3A_421 = arith.index_cast %scan3A_151 : i32 to index
      %get3A_422 = arith.constant 480 : index
      %get3A_423 = tpu.vector_load %arg7[%get3A_421, %get3A_422] {strides = array<i32>} : memref<40x768xf32, #tpu.memory_space<vmem>>, vector<1x16xf32>,
      %get3A_424 = vector.shape_cast %get3A_423 : vector<1x16xf32> to vector<16xf32>
      %swap3A_425 = arith.index_cast %scan3A_151 : i32 to index
      %swap3A_426 = arith.constant 480 : index
      %swap3A_427 = tpu.vector_load %arg8[%swap3A_425, %swap3A_426] {strides = array<i32>} : memref<40x768xf32, #tpu.memory_space<vmem>>, vector<1x16xf32>,
      %swap3A_428 = vector.shape_cast %swap3A_427 : vector<1x16xf32> to vector<16xf32>
      %swap3A_429 = vector.shape_cast %get3A_424 : vector<16xf32> to vector<1x16xf32>
      tpu.vector_store %arg8[%swap3A_425, %swap3A_426], %swap3A_429 {add = true, strides = array<i32>} : memref<40x768xf32, #tpu.memory_space<vmem>>, vector<1x16xf32>,
      %get3A_430 = arith.index_cast %scan3A_151 : i32 to index
      %get3A_431 = arith.constant 496 : index
      %get3A_432 = tpu.vector_load %arg7[%get3A_430, %get3A_431] {strides = array<i32>} : memref<40x768xf32, #tpu.memory_space<vmem>>, vector<1x16xf32>,
      %get3A_433 = vector.shape_cast %get3A_432 : vector<1x16xf32> to vector<16xf32>
      %swap3A_434 = arith.index_cast %scan3A_151 : i32 to index
      %swap3A_435 = arith.constant 496 : index
      %swap3A_436 = tpu.vector_load %arg8[%swap3A_434, %swap3A_435] {strides = array<i32>} : memref<40x768xf32, #tpu.memory_space<vmem>>, vector<1x16xf32>,
      %swap3A_437 = vector.shape_cast %swap3A_436 : vector<1x16xf32> to vector<16xf32>
      %swap3A_438 = vector.shape_cast %get3A_433 : vector<16xf32> to vector<1x16xf32>
      tpu.vector_store %arg8[%swap3A_434, %swap3A_435], %swap3A_438 {add = true, strides = array<i32>} : memref<40x768xf32, #tpu.memory_space<vmem>>, vector<1x16xf32>,
      %get3A_439 = arith.index_cast %scan3A_151 : i32 to index
      %get3A_440 = arith.constant 512 : index
      %get3A_441 = tpu.vector_load %arg7[%get3A_439, %get3A_440] {strides = array<i32>} : memref<40x768xf32, #tpu.memory_space<vmem>>, vector<1x16xf32>,
      %get3A_442 = vector.shape_cast %get3A_441 : vector<1x16xf32> to vector<16xf32>
      %swap3A_443 = arith.index_cast %scan3A_151 : i32 to index
      %swap3A_444 = arith.constant 512 : index
      %swap3A_445 = tpu.vector_load %arg8[%swap3A_443, %swap3A_444] {strides = array<i32>} : memref<40x768xf32, #tpu.memory_space<vmem>>, vector<1x16xf32>,
      %swap3A_446 = vector.shape_cast %swap3A_445 : vector<1x16xf32> to vector<16xf32>
      %swap3A_447 = vector.shape_cast %get3A_442 : vector<16xf32> to vector<1x16xf32>
      tpu.vector_store %arg8[%swap3A_443, %swap3A_444], %swap3A_447 {add = true, strides = array<i32>} : memref<40x768xf32, #tpu.memory_space<vmem>>, vector<1x16xf32>,
      %get3A_448 = arith.index_cast %scan3A_151 : i32 to index
      %get3A_449 = arith.constant 528 : index
      %get3A_450 = tpu.vector_load %arg7[%get3A_448, %get3A_449] {strides = array<i32>} : memref<40x768xf32, #tpu.memory_space<vmem>>, vector<1x16xf32>,
      %get3A_451 = vector.shape_cast %get3A_450 : vector<1x16xf32> to vector<16xf32>
      %swap3A_452 = arith.index_cast %scan3A_151 : i32 to index
      %swap3A_453 = arith.constant 528 : index
      %swap3A_454 = tpu.vector_load %arg8[%swap3A_452, %swap3A_453] {strides = array<i32>} : memref<40x768xf32, #tpu.memory_space<vmem>>, vector<1x16xf32>,
      %swap3A_455 = vector.shape_cast %swap3A_454 : vector<1x16xf32> to vector<16xf32>
      %swap3A_456 = vector.shape_cast %get3A_451 : vector<16xf32> to vector<1x16xf32>
      tpu.vector_store %arg8[%swap3A_452, %swap3A_453], %swap3A_456 {add = true, strides = array<i32>} : memref<40x768xf32, #tpu.memory_space<vmem>>, vector<1x16xf32>,
      %get3A_457 = arith.index_cast %scan3A_151 : i32 to index
      %get3A_458 = arith.constant 544 : index
      %get3A_459 = tpu.vector_load %arg7[%get3A_457, %get3A_458] {strides = array<i32>} : memref<40x768xf32, #tpu.memory_space<vmem>>, vector<1x16xf32>,
      %get3A_460 = vector.shape_cast %get3A_459 : vector<1x16xf32> to vector<16xf32>
      %swap3A_461 = arith.index_cast %scan3A_151 : i32 to index
      %swap3A_462 = arith.constant 544 : index
      %swap3A_463 = tpu.vector_load %arg8[%swap3A_461, %swap3A_462] {strides = array<i32>} : memref<40x768xf32, #tpu.memory_space<vmem>>, vector<1x16xf32>,
      %swap3A_464 = vector.shape_cast %swap3A_463 : vector<1x16xf32> to vector<16xf32>
      %swap3A_465 = vector.shape_cast %get3A_460 : vector<16xf32> to vector<1x16xf32>
      tpu.vector_store %arg8[%swap3A_461, %swap3A_462], %swap3A_465 {add = true, strides = array<i32>} : memref<40x768xf32, #tpu.memory_space<vmem>>, vector<1x16xf32>,
      %get3A_466 = arith.index_cast %scan3A_151 : i32 to index
      %get3A_467 = arith.constant 560 : index
      %get3A_468 = tpu.vector_load %arg7[%get3A_466, %get3A_467] {strides = array<i32>} : memref<40x768xf32, #tpu.memory_space<vmem>>, vector<1x16xf32>,
      %get3A_469 = vector.shape_cast %get3A_468 : vector<1x16xf32> to vector<16xf32>
      %swap3A_470 = arith.index_cast %scan3A_151 : i32 to index
      %swap3A_471 = arith.constant 560 : index
      %swap3A_472 = tpu.vector_load %arg8[%swap3A_470, %swap3A_471] {strides = array<i32>} : memref<40x768xf32, #tpu.memory_space<vmem>>, vector<1x16xf32>,
      %swap3A_473 = vector.shape_cast %swap3A_472 : vector<1x16xf32> to vector<16xf32>
      %swap3A_474 = vector.shape_cast %get3A_469 : vector<16xf32> to vector<1x16xf32>
      tpu.vector_store %arg8[%swap3A_470, %swap3A_471], %swap3A_474 {add = true, strides = array<i32>} : memref<40x768xf32, #tpu.memory_space<vmem>>, vector<1x16xf32>,
      %get3A_475 = arith.index_cast %scan3A_151 : i32 to index
      %get3A_476 = arith.constant 576 : index
      %get3A_477 = tpu.vector_load %arg7[%get3A_475, %get3A_476] {strides = array<i32>} : memref<40x768xf32, #tpu.memory_space<vmem>>, vector<1x16xf32>,
      %get3A_478 = vector.shape_cast %get3A_477 : vector<1x16xf32> to vector<16xf32>
      %swap3A_479 = arith.index_cast %scan3A_151 : i32 to index
      %swap3A_480 = arith.constant 576 : index
      %swap3A_481 = tpu.vector_load %arg8[%swap3A_479, %swap3A_480] {strides = array<i32>} : memref<40x768xf32, #tpu.memory_space<vmem>>, vector<1x16xf32>,
      %swap3A_482 = vector.shape_cast %swap3A_481 : vector<1x16xf32> to vector<16xf32>
      %swap3A_483 = vector.shape_cast %get3A_478 : vector<16xf32> to vector<1x16xf32>
      tpu.vector_store %arg8[%swap3A_479, %swap3A_480], %swap3A_483 {add = true, strides = array<i32>} : memref<40x768xf32, #tpu.memory_space<vmem>>, vector<1x16xf32>,
      %get3A_484 = arith.index_cast %scan3A_151 : i32 to index
      %get3A_485 = arith.constant 592 : index
      %get3A_486 = tpu.vector_load %arg7[%get3A_484, %get3A_485] {strides = array<i32>} : memref<40x768xf32, #tpu.memory_space<vmem>>, vector<1x16xf32>,
      %get3A_487 = vector.shape_cast %get3A_486 : vector<1x16xf32> to vector<16xf32>
      %swap3A_488 = arith.index_cast %scan3A_151 : i32 to index
      %swap3A_489 = arith.constant 592 : index
      %swap3A_490 = tpu.vector_load %arg8[%swap3A_488, %swap3A_489] {strides = array<i32>} : memref<40x768xf32, #tpu.memory_space<vmem>>, vector<1x16xf32>,
      %swap3A_491 = vector.shape_cast %swap3A_490 : vector<1x16xf32> to vector<16xf32>
      %swap3A_492 = vector.shape_cast %get3A_487 : vector<16xf32> to vector<1x16xf32>
      tpu.vector_store %arg8[%swap3A_488, %swap3A_489], %swap3A_492 {add = true, strides = array<i32>} : memref<40x768xf32, #tpu.memory_space<vmem>>, vector<1x16xf32>,
      %get3A_493 = arith.index_cast %scan3A_151 : i32 to index
      %get3A_494 = arith.constant 608 : index
      %get3A_495 = tpu.vector_load %arg7[%get3A_493, %get3A_494] {strides = array<i32>} : memref<40x768xf32, #tpu.memory_space<vmem>>, vector<1x16xf32>,
      %get3A_496 = vector.shape_cast %get3A_495 : vector<1x16xf32> to vector<16xf32>
      %swap3A_497 = arith.index_cast %scan3A_151 : i32 to index
      %swap3A_498 = arith.constant 608 : index
      %swap3A_499 = tpu.vector_load %arg8[%swap3A_497, %swap3A_498] {strides = array<i32>} : memref<40x768xf32, #tpu.memory_space<vmem>>, vector<1x16xf32>,
      %swap3A_500 = vector.shape_cast %swap3A_499 : vector<1x16xf32> to vector<16xf32>
      %swap3A_501 = vector.shape_cast %get3A_496 : vector<16xf32> to vector<1x16xf32>
      tpu.vector_store %arg8[%swap3A_497, %swap3A_498], %swap3A_501 {add = true, strides = array<i32>} : memref<40x768xf32, #tpu.memory_space<vmem>>, vector<1x16xf32>,
      %get3A_502 = arith.index_cast %scan3A_151 : i32 to index
      %get3A_503 = arith.constant 624 : index
      %get3A_504 = tpu.vector_load %arg7[%get3A_502, %get3A_503] {strides = array<i32>} : memref<40x768xf32, #tpu.memory_space<vmem>>, vector<1x16xf32>,
      %get3A_505 = vector.shape_cast %get3A_504 : vector<1x16xf32> to vector<16xf32>
      %swap3A_506 = arith.index_cast %scan3A_151 : i32 to index
      %swap3A_507 = arith.constant 624 : index
      %swap3A_508 = tpu.vector_load %arg8[%swap3A_506, %swap3A_507] {strides = array<i32>} : memref<40x768xf32, #tpu.memory_space<vmem>>, vector<1x16xf32>,
      %swap3A_509 = vector.shape_cast %swap3A_508 : vector<1x16xf32> to vector<16xf32>
      %swap3A_510 = vector.shape_cast %get3A_505 : vector<16xf32> to vector<1x16xf32>
      tpu.vector_store %arg8[%swap3A_506, %swap3A_507], %swap3A_510 {add = true, strides = array<i32>} : memref<40x768xf32, #tpu.memory_space<vmem>>, vector<1x16xf32>,
      %get3A_511 = arith.index_cast %scan3A_151 : i32 to index
      %get3A_512 = arith.constant 640 : index
      %get3A_513 = tpu.vector_load %arg7[%get3A_511, %get3A_512] {strides = array<i32>} : memref<40x768xf32, #tpu.memory_space<vmem>>, vector<1x16xf32>,
      %get3A_514 = vector.shape_cast %get3A_513 : vector<1x16xf32> to vector<16xf32>
      %swap3A_515 = arith.index_cast %scan3A_151 : i32 to index
      %swap3A_516 = arith.constant 640 : index
      %swap3A_517 = tpu.vector_load %arg8[%swap3A_515, %swap3A_516] {strides = array<i32>} : memref<40x768xf32, #tpu.memory_space<vmem>>, vector<1x16xf32>,
      %swap3A_518 = vector.shape_cast %swap3A_517 : vector<1x16xf32> to vector<16xf32>
      %swap3A_519 = vector.shape_cast %get3A_514 : vector<16xf32> to vector<1x16xf32>
      tpu.vector_store %arg8[%swap3A_515, %swap3A_516], %swap3A_519 {add = true, strides = array<i32>} : memref<40x768xf32, #tpu.memory_space<vmem>>, vector<1x16xf32>,
      %get3A_520 = arith.index_cast %scan3A_151 : i32 to index
      %get3A_521 = arith.constant 656 : index
      %get3A_522 = tpu.vector_load %arg7[%get3A_520, %get3A_521] {strides = array<i32>} : memref<40x768xf32, #tpu.memory_space<vmem>>, vector<1x16xf32>,
      %get3A_523 = vector.shape_cast %get3A_522 : vector<1x16xf32> to vector<16xf32>
      %swap3A_524 = arith.index_cast %scan3A_151 : i32 to index
      %swap3A_525 = arith.constant 656 : index
      %swap3A_526 = tpu.vector_load %arg8[%swap3A_524, %swap3A_525] {strides = array<i32>} : memref<40x768xf32, #tpu.memory_space<vmem>>, vector<1x16xf32>,
      %swap3A_527 = vector.shape_cast %swap3A_526 : vector<1x16xf32> to vector<16xf32>
      %swap3A_528 = vector.shape_cast %get3A_523 : vector<16xf32> to vector<1x16xf32>
      tpu.vector_store %arg8[%swap3A_524, %swap3A_525], %swap3A_528 {add = true, strides = array<i32>} : memref<40x768xf32, #tpu.memory_space<vmem>>, vector<1x16xf32>,
      %get3A_529 = arith.index_cast %scan3A_151 : i32 to index
      %get3A_530 = arith.constant 672 : index
      %get3A_531 = tpu.vector_load %arg7[%get3A_529, %get3A_530] {strides = array<i32>} : memref<40x768xf32, #tpu.memory_space<vmem>>, vector<1x16xf32>,
      %get3A_532 = vector.shape_cast %get3A_531 : vector<1x16xf32> to vector<16xf32>
      %swap3A_533 = arith.index_cast %scan3A_151 : i32 to index
      %swap3A_534 = arith.constant 672 : index
      %swap3A_535 = tpu.vector_load %arg8[%swap3A_533, %swap3A_534] {strides = array<i32>} : memref<40x768xf32, #tpu.memory_space<vmem>>, vector<1x16xf32>,
      %swap3A_536 = vector.shape_cast %swap3A_535 : vector<1x16xf32> to vector<16xf32>
      %swap3A_537 = vector.shape_cast %get3A_532 : vector<16xf32> to vector<1x16xf32>
      tpu.vector_store %arg8[%swap3A_533, %swap3A_534], %swap3A_537 {add = true, strides = array<i32>} : memref<40x768xf32, #tpu.memory_space<vmem>>, vector<1x16xf32>,
      %get3A_538 = arith.index_cast %scan3A_151 : i32 to index
      %get3A_539 = arith.constant 688 : index
      %get3A_540 = tpu.vector_load %arg7[%get3A_538, %get3A_539] {strides = array<i32>} : memref<40x768xf32, #tpu.memory_space<vmem>>, vector<1x16xf32>,
      %get3A_541 = vector.shape_cast %get3A_540 : vector<1x16xf32> to vector<16xf32>
      %swap3A_542 = arith.index_cast %scan3A_151 : i32 to index
      %swap3A_543 = arith.constant 688 : index
      %swap3A_544 = tpu.vector_load %arg8[%swap3A_542, %swap3A_543] {strides = array<i32>} : memref<40x768xf32, #tpu.memory_space<vmem>>, vector<1x16xf32>,
      %swap3A_545 = vector.shape_cast %swap3A_544 : vector<1x16xf32> to vector<16xf32>
      %swap3A_546 = vector.shape_cast %get3A_541 : vector<16xf32> to vector<1x16xf32>
      tpu.vector_store %arg8[%swap3A_542, %swap3A_543], %swap3A_546 {add = true, strides = array<i32>} : memref<40x768xf32, #tpu.memory_space<vmem>>, vector<1x16xf32>,
      %get3A_547 = arith.index_cast %scan3A_151 : i32 to index
      %get3A_548 = arith.constant 704 : index
      %get3A_549 = tpu.vector_load %arg7[%get3A_547, %get3A_548] {strides = array<i32>} : memref<40x768xf32, #tpu.memory_space<vmem>>, vector<1x16xf32>,
      %get3A_550 = vector.shape_cast %get3A_549 : vector<1x16xf32> to vector<16xf32>
      %swap3A_551 = arith.index_cast %scan3A_151 : i32 to index
      %swap3A_552 = arith.constant 704 : index
      %swap3A_553 = tpu.vector_load %arg8[%swap3A_551, %swap3A_552] {strides = array<i32>} : memref<40x768xf32, #tpu.memory_space<vmem>>, vector<1x16xf32>,
      %swap3A_554 = vector.shape_cast %swap3A_553 : vector<1x16xf32> to vector<16xf32>
      %swap3A_555 = vector.shape_cast %get3A_550 : vector<16xf32> to vector<1x16xf32>
      tpu.vector_store %arg8[%swap3A_551, %swap3A_552], %swap3A_555 {add = true, strides = array<i32>} : memref<40x768xf32, #tpu.memory_space<vmem>>, vector<1x16xf32>,
      %get3A_556 = arith.index_cast %scan3A_151 : i32 to index
      %get3A_557 = arith.constant 720 : index
      %get3A_558 = tpu.vector_load %arg7[%get3A_556, %get3A_557] {strides = array<i32>} : memref<40x768xf32, #tpu.memory_space<vmem>>, vector<1x16xf32>,
      %get3A_559 = vector.shape_cast %get3A_558 : vector<1x16xf32> to vector<16xf32>
      %swap3A_560 = arith.index_cast %scan3A_151 : i32 to index
      %swap3A_561 = arith.constant 720 : index
      %swap3A_562 = tpu.vector_load %arg8[%swap3A_560, %swap3A_561] {strides = array<i32>} : memref<40x768xf32, #tpu.memory_space<vmem>>, vector<1x16xf32>,
      %swap3A_563 = vector.shape_cast %swap3A_562 : vector<1x16xf32> to vector<16xf32>
      %swap3A_564 = vector.shape_cast %get3A_559 : vector<16xf32> to vector<1x16xf32>
      tpu.vector_store %arg8[%swap3A_560, %swap3A_561], %swap3A_564 {add = true, strides = array<i32>} : memref<40x768xf32, #tpu.memory_space<vmem>>, vector<1x16xf32>,
      %get3A_565 = arith.index_cast %scan3A_151 : i32 to index
      %get3A_566 = arith.constant 736 : index
      %get3A_567 = tpu.vector_load %arg7[%get3A_565, %get3A_566] {strides = array<i32>} : memref<40x768xf32, #tpu.memory_space<vmem>>, vector<1x16xf32>,
      %get3A_568 = vector.shape_cast %get3A_567 : vector<1x16xf32> to vector<16xf32>
      %swap3A_569 = arith.index_cast %scan3A_151 : i32 to index
      %swap3A_570 = arith.constant 736 : index
      %swap3A_571 = tpu.vector_load %arg8[%swap3A_569, %swap3A_570] {strides = array<i32>} : memref<40x768xf32, #tpu.memory_space<vmem>>, vector<1x16xf32>,
      %swap3A_572 = vector.shape_cast %swap3A_571 : vector<1x16xf32> to vector<16xf32>
      %swap3A_573 = vector.shape_cast %get3A_568 : vector<16xf32> to vector<1x16xf32>
      tpu.vector_store %arg8[%swap3A_569, %swap3A_570], %swap3A_573 {add = true, strides = array<i32>} : memref<40x768xf32, #tpu.memory_space<vmem>>, vector<1x16xf32>,
      %get3A_574 = arith.index_cast %scan3A_151 : i32 to index
      %get3A_575 = arith.constant 752 : index
      %get3A_576 = tpu.vector_load %arg7[%get3A_574, %get3A_575] {strides = array<i32>} : memref<40x768xf32, #tpu.memory_space<vmem>>, vector<1x16xf32>,
      %get3A_577 = vector.shape_cast %get3A_576 : vector<1x16xf32> to vector<16xf32>
      %swap3A_578 = arith.index_cast %scan3A_151 : i32 to index
      %swap3A_579 = arith.constant 752 : index
      %swap3A_580 = tpu.vector_load %arg8[%swap3A_578, %swap3A_579] {strides = array<i32>} : memref<40x768xf32, #tpu.memory_space<vmem>>, vector<1x16xf32>,
      %swap3A_581 = vector.shape_cast %swap3A_580 : vector<1x16xf32> to vector<16xf32>
      %swap3A_582 = vector.shape_cast %get3A_577 : vector<16xf32> to vector<1x16xf32>
      tpu.vector_store %arg8[%swap3A_578, %swap3A_579], %swap3A_582 {add = true, strides = array<i32>} : memref<40x768xf32, #tpu.memory_space<vmem>>, vector<1x16xf32>,
      %scan3A_583 = arith.constant 0 : i32
      scf.yield %scan3A_583 : i32
    }
    %scan3A_105 = arith.constant 40 : i32
    %jit3A_106 = arith.constant 159 : i32
    %jit3A_107 = arith.constant 32 : i32
    %div3A_108 = arith.divsi %jit3A_106, %jit3A_107 : i32
    %sign3A_109 = arith.constant 0 : i32
    %sign3A_110 = arith.cmpi sgt, %jit3A_106, %sign3A_109 : i32
    %sign3A_111 = arith.extui %sign3A_110 : i1 to i32
    %sign3A_112 = arith.constant 0 : i32
    %sign3A_113 = arith.cmpi slt, %jit3A_106, %sign3A_112 : i32
    %sign3A_114 = arith.extui %sign3A_113 : i1 to i32
    %sign3A_115 = arith.subi %sign3A_111, %sign3A_114 : i32
    %sign3A_116 = arith.constant 0 : i32
    %sign3A_117 = arith.cmpi sgt, %jit3A_107, %sign3A_116 : i32
    %sign3A_118 = arith.extui %sign3A_117 : i1 to i32
    %sign3A_119 = arith.constant 0 : i32
    %sign3A_120 = arith.cmpi slt, %jit3A_107, %sign3A_119 : i32
    %sign3A_121 = arith.extui %sign3A_120 : i1 to i32
    %sign3A_122 = arith.subi %sign3A_118, %sign3A_121 : i32
    %ne3A_123 = arith.cmpi ne, %sign3A_115, %sign3A_122 : i32
    %rem3A_124 = arith.remsi %jit3A_106, %jit3A_107 : i32
    %ne3A_125 = arith.constant 0 : i32
    %ne3A_126 = arith.cmpi ne, %rem3A_124, %ne3A_125 : i32
    %and3A_127 = arith.andi %ne3A_123, %ne3A_126 : i1
    %sub3A_128 = arith.constant 1 : i32
    %sub3A_129 = arith.subi %div3A_108, %sub3A_128 : i32
    %select_n3A_130 = arith.select %and3A_127, %sub3A_129, %div3A_108 : i32
    %mul3A_131 = arith.constant 32 : i32
    %mul3A_132 = arith.muli %select_n3A_130, %mul3A_131 : i32
    %sub3A_133 = arith.constant 159 : i32
    %sub3A_134 = arith.subi %sub3A_133, %mul3A_132 : i32
    %mul3A_135 = arith.constant 200 : i32
    %mul3A_136 = arith.muli %sub3A_134, %mul3A_135 : i32
    %mul3A_137 = arith.constant 40 : i32
    %mul3A_138 = arith.muli %select_n3A_130, %mul3A_137 : i32
    %add3A_139 = arith.addi %mul3A_136, %mul3A_138 : i32
    %add3A_140 = arith.addi %mul3A_4, %add3A_139 : i32
    %dma_start3A_141 = arith.constant 0 : i32
    %dma_start3A_142 = tpu.memref_slice %arg5[%add3A_140, %dma_start3A_141] : memref<204800x768xf32, #tpu.memory_space<hbm>> -> memref<40x768xf32, #tpu.memory_space<hbm>>
    %dma_start3A_143 = arith.constant 0 : i32
    %dma_start3A_144 = tpu.memref_slice %arg5[%add3A_140, %dma_start3A_143] : memref<204800x768xf32, #tpu.memory_space<hbm>> -> memref<40x768xf32, #tpu.memory_space<hbm>>
    tpu.enqueue_dma source(%arg8 : memref<40x768xf32, #tpu.memory_space<vmem>>) target(%dma_start3A_144 : memref<40x768xf32, #tpu.memory_space<hbm>>) target_semaphore(%arg14 : memref<!tpu.dma_semaphore, #tpu.memory_space<semaphore_mem>>)
    %add3A_145 = arith.constant 6360 : i32
    %add3A_146 = arith.addi %mul3A_4, %add3A_145 : i32
    %dma_wait3A_147 = arith.constant 0 : i32
    %dma_wait3A_148 = tpu.memref_slice %arg5[%add3A_146, %dma_wait3A_147] : memref<204800x768xf32, #tpu.memory_space<hbm>> -> memref<40x768xf32, #tpu.memory_space<hbm>>
    %dma_wait3A_149 = arith.constant 0 : i32
    %dma_wait3A_150 = tpu.memref_slice %arg5[%add3A_146, %dma_wait3A_149] : memref<204800x768xf32, #tpu.memory_space<hbm>> -> memref<40x768xf32, #tpu.memory_space<hbm>>
    tpu.wait_dma2 semaphore(%arg14 : memref<!tpu.dma_semaphore, #tpu.memory_space<semaphore_mem>>) src(%arg8 : memref<40x768xf32, #tpu.memory_space<vmem>>) dst(%dma_wait3A_150 : memref<40x768xf32, #tpu.memory_space<hbm>>)
    return
  }
}

</mosaic_0001>

<sc_bundles>
// kernel: kernel.3.cloned.1.call-start
scs
__scs_entry_jumppad:
0x0: {  	(pc) =	sbr.rel $0x88, $3  }
0x1: {  	(tag) =	ssettag $0x0;
	lr =	simm.s32 $0x1  }
0x2: {  	[smem:$0x3F9E] =	sst lr;
	_ =	strace $0xD0000000  }
0x3: {  	_ = 	snop  }
0x4: {  	_ = 	snop  }
0x5: {  	_ = 	snop  }
0x6: {  	_ = 	snop  }
0x7: {  	_ = 	snop  }
__scs_overlays_trampoline_lowered:
0x8: {  	[smem:$0x3FAD] =	sst s0  }
0x9: {  	[smem:$0x3FAE] =	sst s1  }
0xa: {  	[smem:$0x3FAF] =	sst s2  }
0xb: {  	[smem:$0x3FB0] =	sst s3  }
0xc: {  	[smem:$0x3FB1] =	sst s4  }
0xd: {  	[smem:$0x3FB2] =	sst s5  }
0xe: {  	[smem:$0x3FB3] =	sst s6  }
0xf: {  	[smem:$0x3FB4] =	sst s7  }
0x10: {  	[smem:$0x3FB5] =	sst s8  }
0x11: {  	[smem:$0x3FB6] =	sst s9;
	s0 =	simm.s32 @!p0 $0x0  }
0x12: {  	s1 =	sld [smem:$0x3F9C];
	s0 =	simm.s32 @p0 $0x1  }
0x13: {  	[smem:$0x3FB7] =	sst s0;
	s0 =	simm.s32 @!p1 $0x0  }
0x14: {  	s2 =	sld [smem:$0x3F9B];
	s0 =	simm.s32 @p1 $0x1  }
0x15: {  	[smem:$0x3FB8] =	sst s0;
	s0 =	simm.s32 @!p2 $0x0  }
0x16: {  	s3 =	sld [smem:$0x3FDB];
	s0 =	simm.s32 @p2 $0x1  }
0x17: {  	s4 =	simm.s32 $0x1BF5;
	[smem:$0x3FBA] =	sst s0  }
0x18: {  	s0 =	sld [smem:$0x3F9D];
	_ =	swait.ge [sflag:s4], $0x0  }
0x19: {  	s7 =	sld [smem:$0x3F9E]  }
0x1a: {  	s8 =	sadd.s32 $0xFFFFE003, lr  }
0x1b: {  	s9 =	sadd.s32 $0xFFFFFEF7, lr;
	s5 =	simm.s32 $0xFFFFFFFF;
	p2 =	slt.u32 s8, $0xFFFFF086  }
0x1c: {  	p1 =	slt.u32 s9, $0xF7A;
	s5 =	simm.s32 @!p2 $0x0  }
0x1d: {  	s5 =	simm.s32 @p1 $0x1;
	p0 =	seq.s32 s7, s2  }
0x1e: {  	s7 =	smul.u32 @!p0 $0xF7A, s2;
	p2 =	seq.s32 @!p0 s5, $0x0  }
0x1f: {  	s9 =	smul.u32 $0xF7A, s1;
	s8 =	simm.s32 @!p0 $0x1BF5;
	p2 =	por !p2, p0  }
0x20: {  	[sflag:s8] =	ssyncset.s32 @!p0 $0xFFFFF086;
	s6 =	sadd.s32 @!p0 s3, s7;
	s7 =	simm.s32 @!p0 $0x108  }
0x21: {  	s3 =	sadd.s32 s3, s9;
	s6 =	sadd.s32 @!p0 $0x88, s6;
	s7 =	simm.s32 @p2 $0x1082  }
0x22: {  	[simem:s7], [sflag:s8] =	dma.local @!p0 [hbm:s6], $0xF7A  }
0x23: {  	s9 =	sor.u32 $0xD0000000, s2;
	s6 =	simm.s32 $0x108;
	_ =	swait.ge @!p0 [sflag:s8], $0x0  }
0x24: {  	s3 =	sadd.s32 $0x88, s3;
	s6 =	simm.s32 @!p1 $0x1082;
	[sflag:s4] =	ssyncset.s32 $0xFFFFF086  }
0x25: {  	[simem:s6], [sflag:s4] =	dma.local [hbm:s3], $0xF7A  }
0x26: {  	[smem:$0x3F9E] =	sst s1;
	(tag) =	ssettag s2;
	_ =	strace s9  }
0x27: {  	s1 =	sld [smem:$0x3FAE]  }
0x28: {  	s2 =	sld [smem:$0x3FAF]  }
0x29: {  	s4 =	sld [smem:$0x3FB1]  }
0x2a: {  	p0 =	seq.s32 s5, $0x0;
	s5 =	sld [smem:$0x3FB2]  }
0x2b: {  	s6 =	sld [smem:$0x3FB3]  }
0x2c: {  	s7 =	sld [smem:$0x3FB4]  }
0x2d: {  	s3 =	simm.s32 $0x108;
	s8 =	sld [smem:$0x3FB5]  }
0x2e: {  	s3 =	simm.s32 @!p0 $0x1082;
	s9 =	sld [smem:$0x3FB6]  }
0x2f: {  	lr =	sadd.s32 s0, s3;
	s0 =	sld [smem:$0x3FAD]  }
0x30: {  	s3 =	sld [smem:$0x3FB0]  }
0x31: {  	[smem:$0x3FB9] =	sst s10  }
0x32: {  	s10 =	sld [smem:$0x3FB7];
	_ =	sdelay $0x3  }
0x33: {  	p0 =	seq.s32 s10, $0x1;
	s10 =	sld [smem:$0x3FB9];
	_ =	sdelay $0x3  }
0x34: {  	[smem:$0x3FB9] =	sst s10  }
0x35: {  	s10 =	sld [smem:$0x3FB8];
	_ =	sdelay $0x3  }
0x36: {  	p1 =	seq.s32 s10, $0x1;
	s10 =	sld [smem:$0x3FB9];
	_ =	sdelay $0x3  }
0x37: {  	[smem:$0x3FB9] =	sst s10  }
0x38: {  	s10 =	sld [smem:$0x3FBA]  }
0x39: {  	_ = 	snop;
	(pc) =	sbr.ind lr, $3  }
0x3a: {  	_ = 	snop  }
0x3b: {  	_ = 	snop  }
0x3c: {  	p2 =	seq.s32 s10, $0x1;
	s10 =	sld [smem:$0x3FB9]  }
0x3d: {  	_ =	shalt  }
0x3e: {  	_ =	shalt  }
0x3f: {  	_ =	shalt  }
0x40: {  	_ =	shalt  }
0x41: {  	_ =	shalt  }
0x42: {  	_ =	shalt  }
0x43: {  	_ =	shalt  }
0x44: {  	_ =	shalt  }
0x45: {  	_ =	shalt  }
0x46: {  	_ =	shalt  }
0x47: {  	_ =	shalt  }
0x48: {  	_ =	shalt  }
0x49: {  	_ =	shalt  }
0x4a: {  	_ =	shalt  }
0x4b: {  	_ =	shalt  }
0x4c: {  	_ =	shalt  }
0x4d: {  	_ =	shalt  }
0x4e: {  	_ =	shalt  }
0x4f: {  	_ =	shalt  }
0x50: {  	_ =	shalt  }
0x51: {  	_ =	shalt  }
0x52: {  	_ =	shalt  }
0x53: {  	_ =	shalt  }
0x54: {  	_ =	shalt  }
0x55: {  	_ =	shalt  }
0x56: {  	_ =	shalt  }
0x57: {  	_ =	shalt  }
0x58: {  	_ =	shalt  }
0x59: {  	_ =	shalt  }
0x5a: {  	_ =	shalt  }
0x5b: {  	_ =	shalt  }
0x5c: {  	_ =	shalt  }
0x5d: {  	_ =	shalt  }
0x5e: {  	_ =	shalt  }
0x5f: {  	_ =	shalt  }
0x60: {  	_ =	shalt  }
0x61: {  	_ =	shalt  }
0x62: {  	_ =	shalt  }
0x63: {  	_ =	shalt  }
0x64: {  	_ =	shalt  }
0x65: {  	_ =	shalt  }
0x66: {  	_ =	shalt  }
0x67: {  	_ =	shalt  }
0x68: {  	_ =	shalt  }
0x69: {  	_ =	shalt  }
0x6a: {  	_ =	shalt  }
0x6b: {  	_ =	shalt  }
0x6c: {  	_ =	shalt  }
0x6d: {  	_ =	shalt  }
0x6e: {  	_ =	shalt  }
0x6f: {  	_ =	shalt  }
0x70: {  	_ =	shalt  }
0x71: {  	_ =	shalt  }
0x72: {  	_ =	shalt  }
0x73: {  	_ =	shalt  }
0x74: {  	_ =	shalt  }
0x75: {  	_ =	shalt  }
0x76: {  	_ =	shalt  }
0x77: {  	_ =	shalt  }
0x78: {  	_ =	shalt  }
0x79: {  	_ =	shalt  }
0x7a: {  	_ =	shalt  }
0x7b: {  	_ =	shalt  }
0x7c: {  	_ =	shalt  }
0x7d: {  	_ =	shalt  }
0x7e: {  	_ =	shalt  }
0x7f: {  	_ =	shalt  }
0x80: {  	_ =	shalt  }
0x81: {  	_ =	shalt  }
0x82: {  	_ =	shalt  }
0x83: {  	_ =	shalt  }
0x84: {  	_ =	shalt  }
0x85: {  	_ =	shalt  }
0x86: {  	_ =	shalt  }
0x87: {  	_ =	shalt  }
.Lfunc_end0:
.L_simem_size_0:
called_computation_lowered:
.L_overlay_start_0:
0x88: {  	s2 =	sld [smem:$0x3FD9]  }
0x89: {  	s3 =	sld [smem:$0x3FFE];
	_ =	sdelay $0x1  }
0x8a: {  	s1 =	srdreg.scid  }
0x8b: {  	s0 =	sand.u32 $0x1, s1  }
0x8c: {  	s17 =	sshll.u32 s0, $0xA;
	s2 =	sadd.s32 s3, s2  }
0x8d: {  	s2 =	sadd.s32 s2, s17  }
0x8e: {  	[smem:$0x3FC5] =	sst s2  }
0x8f: {  	_ = 	snop  }
0x90: {  	s2 =	sld [smem:$0x3FC8]  }
0x91: {  	s18 =	sld [smem:$0x3FC7]  }
0x92: {  	s4 =	sld [smem:$0x3FD0];
	(tm) =	ssettm $0x1  }
0x93: {  	s5 =	sld [smem:$0x3FFB];
	_ =	sdelay $0x3  }
0x94: {  	_ =	strace s5  }
0x95: {  	s5 =	sld [smem:$0x3FFC];
	_ =	sdelay $0x3  }
0x96: {  	_ =	strace s5  }
0x97: {  	s5 =	sld [smem:$0x3FFD];
	_ =	sdelay $0x3  }
0x98: {  	_ =	strace s5  }
0x99: {  	_ =	strace $0x8FFFFFFF  }
0x9a: {  	s19 =	sld [smem:$0x3FDB];
	_ =	sdelay $0x1  }
0x9b: {  	s6 =	simm.s32 $_scs_section_size  }
0x9c: {  	s7 =	simm.s32 $_size__tile_overlayer_lowered;
	s8 =	simm.s32 $_tile_overlayer_lowered  }
0x9d: {  	s22 =	simm.s32 $0x1BFF;
	s21 =	sshll.u32 s8, $0x1;
	s5 =	sadd.s32 s6, s19  }
0x9e: {  	s9 =	simm.s32 $0x0;
	s20 =	sshll.u32 s7, $0x1;
	s7 =	sadd.s32 s21, s5  }
0x9f: {  	[timem:s9], [sflag:s22] =	dma.local [hbm:s7], s20  }
0xa0: {  	_ =	swait.ge [sflag:s22], s20  }
0xa1: {  	s6 =	ssub.s32 $0x0, s20;
	[sflag:s22] =	ssyncset.done $0x0  }
0xa2: {  	[sflag:s22] =	ssyncadd.s32 s6;
	_ =	sdelay $0x1  }
0xa3: {  	s23 =	simm.s32 $0x1B8B  }
0xa4: {  	_ =	swait.ge [sflag:s23], $0x1  }
0xa5: {  	[sflag:s23] =	ssyncset.done $0x0  }
0xa6: {  	s25 =	simm.s32 $0x1B8E;
	s24 =	sld [smem:$0x3FFE];
	[sflag:s23] =	ssyncadd.s32 $0xFFFFFFFF  }
0xa7: {  	s26 =	simm.s32 $execute0_lowered;
	[smem:$0x3FD2] =	sst s25  }
0xa8: {  	s7 =	sshll.u32 s26, $0x1;
	_ =	strace $0x80000046;
	[dreg:$0x1] =	wrdreg $0xFFFFFFFF  }
0xa9: {  	s28 =	simm.s32 $_size_execute0_lowered;
	s5 =	sadd.s32 s5, s7;
	[dreg:$0x0] =	wrdreg $0x0  }
0xaa: {  	s7 =	sshll.u32 s28, $0x1;
	[dreg:$0x2] =	wrdreg s5  }
0xab: {  	[dreg:$0x3] =	wrdreg s7  }
0xac: {  	[dreg:$0x4] =	wrdreg $0xC0  }
0xad: {  	_ =	task [dreg:s9], $0x5FFFF  }
0xae: {  	[dreg:$0x1] =	wrdreg $0xFFFFFFFF  }
0xaf: {  	[dreg:$0x0] =	wrdreg $0x60  }
0xb0: {  	[dreg:$0x2] =	wrdreg s24  }
0xb1: {  	[dreg:$0x3] =	wrdreg s2  }
0xb2: {  	[dreg:$0x4] =	wrdreg s18  }
0xb3: {  	[dreg:$0x5] =	wrdreg s4  }
0xb4: {  	[dreg:$0x6] =	wrdreg $0x9  }
0xb5: {  	_ =	task.clear_ibuf [dreg:s9], $0x7FFFF;
	_ =	strace $0x90000046  }
0xb6: {  	s29 =	simm.s32 $0x9;
	_ =	strace $0x80000048  }
0xb7: {  	_ =	swait.ge [sflag:s29], $0x1  }
0xb8: {  	[sflag:s29] =	ssyncadd.s32 $0xFFFFFFFF  }
0xb9: {  	_ =	strace $0x90000048  }
0xba: {  	_ =	sfence  }
0xbb: {  	s30 =	sld [smem:$0x0];
	_ =	sdelay $0x2  }
0xbc: {  	s31 =	sshll.u32 s1, $0xD;
	s1 =	sshrl.u32 s1, $0x2  }
0xbd: {  	s3 =	sand.u32 $0x4000, s31;
	s1 =	sadd.s32 s1, s30  }
0xbe: {  	s0 =	sor.u32 s3, s0;
	s1 =	sshll.u32 s1, $0x11  }
0xbf: {  	s0 =	sor.u32 s1, s0  }
0xc0: {  	s0 =	sadd.s32 $0x8F2B, s0  }
0xc1: {  	[sflag:s0] =	ssyncadd.remote.s32 $0x1  }
0xc2: {  	_ =	sfence.sel $0xFFFF  }
0xc3: {  	[dreg:$0x0] =	wrdreg $0xFFFFFFFF;
	(pc) =	sbr.abs _section_cstart, $3  }
0xc4: {  	[dreg:$0x1] =	wrdreg $0xFFFFFFFF  }
0xc5: {  	_ =	task.clear_ibuf [dreg:s9], $0x2FFFF;
	_ =	strace $0x9FFFFFFF  }
0xc6: {  	(tm) =	ssettm $0x7FFFFFFF  }
0xc7: {  	_ =	shalt  }
tec
execute0_lowered:
.L_overlay_start_1:
0x0: {  	(tag) =	ssettag $0x1  }
0x1: {  	s0 =	rddreg [dreg:$0x0];
	s2 =	srdreg.scid  }
0x2: {  	s3 =	stileid.u32;
	s1 =	rddreg [dreg:$0x1]  }
0x3: {  	s6 =	simm.s32 $0x0;
	s13 =	simm.s32 $0x9100;
	s23 =	simm.s32 $0xE100  }
0x4: {  	s28 =	simm.s32 $0x10100;
	s29 =	simm.s32 $0x10900;
	s11 =	simm.s32 $0x18100  }
0x5: {  	s12 =	simm.s32 $0x1;
	s30 =	simm.s32 $0x4;
	s31 =	simm.s32 $0x2  }
0x6: {  	s2 =	sand.u32 $0x1, s2;
	s4 =	sshll.u32 s3, $0x1;
	s3 =	rddreg [dreg:$0x2]  }
0x7: {  	s10 =	simm.s32 $0x0;
	[smem:$0x7FF] =	sst s6;
	s5 =	sor.u32 s2, s4  }
0x8: {  	s9 =	sadd.s32 $0x200, s1;
	s2 =	ssub.s32 $0x2, s2;
	s5 =	smul.u32 $0x1900, s5  }
0x9: {  	s4 =	rddreg [dreg:$0x3];
	_ =	strace $0x80000047;
	s24 =	sshrl.u32 s2, $0x1  }
0xa: {  	s2 =	ssub.s32 s2, s24;
	s24 =	simm.s32 $0xE900;
	s7 =	sadd.s32 $0x18D8, s5  }
0xb: {  	s8 =	sshrl.u32 s5, $0x3;
	s26 =	smax.u32 s2, $0x1;
	s7 =	sshrl.u32 s7, $0x3  }
0xc: {  	s2 =	simm.s32 $0x5;
	s0 =	sadd.s32 s8, s0;
	s7 =	smul.u32 $0x300, s7  }
0xd: {  	v2 =	vlaneseq.u32;
	s8 =	sadd.s32 $0x100, s1;
	[dreg:$0x7] =	wrdreg s26;
	s0 =	sadd.s32 $0x400, s0  }
0xe: {  	vm0 =	vmmov $0xffff;
	v1 =	vshrl.u32 v2, $0x3;
	s26 =	simm.s32 $0xF900;
	[dreg:$0x5] =	wrdreg s0;
	s25 =	sadd.s32 s4, s7  }
0xf: {  	v0 =	vand.u32 $0x7, v2;
	v2 =	vor.u32 $0x8, v2;
	v1 =	vmul.u32 $0x8, v1;
	s0 =	simm.s32 $0x3;
	[dreg:$0x6] =	wrdreg s25;
	s25 =	simm.s32 $0xF100  }
.LBB2_1:
0x10: {  	[dreg:$0x8] =	wrdreg s10  }
0x11: {  	s7 =	rddreg [dreg:$0x5];
	s19 =	simm.s32 $0x7  }
0x12: {  	[tilespmem:s6], [sflag:$0x7] =	stream.linear.gather [hbm4b:s7+s6], $0x1900, $0x38;
	[tilespmem:$0x1F900] =	vst v63  }
0x13: {  	_ =	swait.ge [sflag:s19], $0x1900  }
0x14: {  	[sflag:s19] =	ssyncset.done $0x0  }
0x15: {  	[sflag:s19] =	ssyncadd.s32 $0xFFFFE700  }
0x16: {  	v3 =	vld [tilespmem:$0x0];
	_ =	sdelay $0x4  }
0x17: {  	v4 =	vshrl.u32 v3, $0x3  }
0x18: {  	v4 =	vmul.u32 $0x30, v4  }
0x19: {  	v3 =	vand.u32 $0x7, v3  }
0x1a: {  	v3 =	vor.u32 v3, v4  }
0x1b: {  	v4 =	vperm.xlane v3, v0;
	_ =	sdelay $0x1  }
0x1c: {  	v4 =	vadd.s32 v1, v4;
	_ =	sdelay $0x3  }
0x1d: {  	v3 =	vperm.xlane v3, v2  }
0x1e: {  	[tilespmem:s13], [sflag:$0x1] =	stream.indirect_vreg.gather [hbm4b:s1+s6], $0x80, v4, vm0, $0xb8;
	[tilespmem:$0x1F900] =	vst v63  }
0x1f: {  	s20 =	simm.s32 $0x9900;
	v3 =	vadd.s32 v1, v3  }
0x20: {  	[tilespmem:s20], [sflag:$0x1] =	stream.indirect_vreg.gather [hbm4b:s8+s6], $0x80, v4, vm0, $0xb8;
	[tilespmem:$0x1F900] =	vst v63  }
0x21: {  	s21 =	simm.s32 $0xA100  }
0x22: {  	[tilespmem:s21], [sflag:$0x1] =	stream.indirect_vreg.gather [hbm4b:s9+s6], $0x80, v4, vm0, $0xb8;
	[tilespmem:$0x1F900] =	vst v63  }
0x23: {  	s22 =	simm.s32 $0xA900  }
0x24: {  	[tilespmem:s22], [sflag:$0x1] =	stream.indirect_vreg.gather [hbm4b:s1+s6], $0x80, v3, vm0, $0xb8;
	[tilespmem:$0x1F900] =	vst v63  }
0x25: {  	s10 =	simm.s32 $0xB100  }
0x26: {  	[tilespmem:s10], [sflag:$0x1] =	stream.indirect_vreg.gather [hbm4b:s8+s6], $0x80, v3, vm0, $0xb8;
	[tilespmem:$0x1F900] =	vst v63  }
0x27: {  	s14 =	simm.s32 $0xB900  }
0x28: {  	[tilespmem:s14], [sflag:$0x1] =	stream.indirect_vreg.gather [hbm4b:s9+s6], $0x80, v3, vm0, $0xb8;
	[tilespmem:$0x1F900] =	vst v63  }
0x29: {  	v3 =	vld [tilespmem:$0x10];
	_ =	sdelay $0x4  }
0x2a: {  	v59 =	vshrl.u32 v3, $0x3  }
0x2b: {  	v4 =	vmul.u32 $0x30, v59  }
0x2c: {  	v3 =	vand.u32 $0x7, v3  }
0x2d: {  	v3 =	vor.u32 v3, v4  }
0x2e: {  	v4 =	vperm.xlane v3, v0;
	_ =	sdelay $0x1  }
0x2f: {  	v4 =	vadd.s32 v1, v4;
	_ =	sdelay $0x3  }
0x30: {  	s15 =	simm.s32 $0xC100;
	v3 =	vperm.xlane v3, v2  }
0x31: {  	[tilespmem:s15], [sflag:$0x1] =	stream.indirect_vreg.gather [hbm4b:s1+s6], $0x80, v4, vm0, $0xb8;
	[tilespmem:$0x1F900] =	vst v63  }
0x32: {  	s16 =	simm.s32 $0xC900;
	v3 =	vadd.s32 v1, v3  }
0x33: {  	[tilespmem:s16], [sflag:$0x1] =	stream.indirect_vreg.gather [hbm4b:s8+s6], $0x80, v4, vm0, $0xb8;
	[tilespmem:$0x1F900] =	vst v63  }
0x34: {  	s17 =	simm.s32 $0xD100  }
0x35: {  	[tilespmem:s17], [sflag:$0x1] =	stream.indirect_vreg.gather [hbm4b:s9+s6], $0x80, v4, vm0, $0xb8;
	[tilespmem:$0x1F900] =	vst v63  }
0x36: {  	s18 =	simm.s32 $0xD900  }
0x37: {  	[tilespmem:s18], [sflag:$0x1] =	stream.indirect_vreg.gather [hbm4b:s1+s6], $0x80, v3, vm0, $0xb8;
	[tilespmem:$0x1F900] =	vst v63  }
0x38: {  	_ = 	snop  }
0x39: {  	[tilespmem:s23], [sflag:$0x1] =	stream.indirect_vreg.gather [hbm4b:s8+s6], $0x80, v3, vm0, $0xb8;
	[tilespmem:$0x1F900] =	vst v63  }
0x3a: {  	_ = 	snop  }
0x3b: {  	[tilespmem:s24], [sflag:$0x1] =	stream.indirect_vreg.gather [hbm4b:s9+s6], $0x80, v3, vm0, $0xb8;
	[tilespmem:$0x1F900] =	vst v63  }
0x3c: {  	v3 =	vld.msk [tilespmem:$0x20], $0xff;
	_ =	sdelay $0x4  }
0x3d: {  	v60 =	vshrl.u32 v3, $0x3  }
0x3e: {  	v4 =	vmul.u32 $0x30, v60  }
0x3f: {  	v3 =	vand.u32 $0x7, v3  }
0x40: {  	v3 =	vor.u32 v3, v4  }
0x41: {  	v3 =	vperm.xlane v3, v0;
	_ =	sdelay $0x1  }
0x42: {  	v3 =	vadd.s32 v1, v3;
	_ =	sdelay $0x4  }
0x43: {  	[tilespmem:s25], [sflag:$0x1] =	stream.indirect_vreg.gather [hbm4b:s1+s6], $0x80, v3, vm0, $0xb8;
	[tilespmem:$0x1F900] =	vst v63  }
0x44: {  	_ = 	snop  }
0x45: {  	[tilespmem:s26], [sflag:$0x1] =	stream.indirect_vreg.gather [hbm4b:s8+s6], $0x80, v3, vm0, $0xb8;
	[tilespmem:$0x1F900] =	vst v63  }
0x46: {  	_ = 	snop  }
0x47: {  	[tilespmem:s28], [sflag:$0x1] =	stream.indirect_vreg.gather [hbm4b:s9+s6], $0x80, v3, vm0, $0xb8;
	[tilespmem:$0x1F900] =	vst v63  }
0x48: {  	v3 =	vld [tilespmem:$0xC8];
	_ =	sdelay $0x4  }
0x49: {  	v61 =	vshrl.u32 v3, $0x3  }
0x4a: {  	v4 =	vmul.u32 $0x30, v61  }
0x4b: {  	v3 =	vand.u32 $0x7, v3  }
0x4c: {  	v3 =	vor.u32 v3, v4  }
0x4d: {  	v4 =	vperm.xlane v3, v0;
	_ =	sdelay $0x1  }
0x4e: {  	v4 =	vadd.s32 v1, v4;
	_ =	sdelay $0x3  }
0x4f: {  	v3 =	vperm.xlane v3, v2  }
0x50: {  	[tilespmem:s29], [sflag:$0x2] =	stream.indirect_vreg.gather [hbm4b:s1+s6], $0x80, v4, vm0, $0xb8;
	[tilespmem:$0x1F900] =	vst v63  }
0x51: {  	s19 =	simm.s32 $0x11100;
	v3 =	vadd.s32 v1, v3  }
0x52: {  	[tilespmem:s19], [sflag:$0x2] =	stream.indirect_vreg.gather [hbm4b:s8+s6], $0x80, v4, vm0, $0xb8;
	[tilespmem:$0x1F900] =	vst v63  }
0x53: {  	s20 =	simm.s32 $0x11900  }
0x54: {  	[tilespmem:s20], [sflag:$0x2] =	stream.indirect_vreg.gather [hbm4b:s9+s6], $0x80, v4, vm0, $0xb8;
	[tilespmem:$0x1F900] =	vst v63  }
0x55: {  	s21 =	simm.s32 $0x12100  }
0x56: {  	[tilespmem:s21], [sflag:$0x2] =	stream.indirect_vreg.gather [hbm4b:s1+s6], $0x80, v3, vm0, $0xb8;
	[tilespmem:$0x1F900] =	vst v63  }
0x57: {  	s22 =	simm.s32 $0x12900  }
0x58: {  	[tilespmem:s22], [sflag:$0x2] =	stream.indirect_vreg.gather [hbm4b:s8+s6], $0x80, v3, vm0, $0xb8;
	[tilespmem:$0x1F900] =	vst v63  }
0x59: {  	s10 =	simm.s32 $0x13100  }
0x5a: {  	[tilespmem:s10], [sflag:$0x2] =	stream.indirect_vreg.gather [hbm4b:s9+s6], $0x80, v3, vm0, $0xb8;
	[tilespmem:$0x1F900] =	vst v63  }
0x5b: {  	v3 =	vld [tilespmem:$0xD8];
	_ =	sdelay $0x4  }
0x5c: {  	v62 =	vshrl.u32 v3, $0x3  }
0x5d: {  	v4 =	vmul.u32 $0x30, v62  }
0x5e: {  	v3 =	vand.u32 $0x7, v3  }
0x5f: {  	v3 =	vor.u32 v3, v4  }
0x60: {  	v4 =	vperm.xlane v3, v0;
	_ =	sdelay $0x1  }
0x61: {  	v4 =	vadd.s32 v1, v4;
	_ =	sdelay $0x3  }
0x62: {  	s14 =	simm.s32 $0x13900;
	v3 =	vperm.xlane v3, v2  }
0x63: {  	[tilespmem:s14], [sflag:$0x2] =	stream.indirect_vreg.gather [hbm4b:s1+s6], $0x80, v4, vm0, $0xb8;
	[tilespmem:$0x1F900] =	vst v63  }
0x64: {  	s15 =	simm.s32 $0x14100;
	v3 =	vadd.s32 v1, v3  }
0x65: {  	[tilespmem:s15], [sflag:$0x2] =	stream.indirect_vreg.gather [hbm4b:s8+s6], $0x80, v4, vm0, $0xb8;
	[tilespmem:$0x1F900] =	vst v63  }
0x66: {  	s16 =	simm.s32 $0x14900  }
0x67: {  	[tilespmem:s16], [sflag:$0x2] =	stream.indirect_vreg.gather [hbm4b:s9+s6], $0x80, v4, vm0, $0xb8;
	[tilespmem:$0x1F900] =	vst v63  }
0x68: {  	s17 =	simm.s32 $0x15100  }
0x69: {  	[tilespmem:s17], [sflag:$0x2] =	stream.indirect_vreg.gather [hbm4b:s1+s6], $0x80, v3, vm0, $0xb8;
	[tilespmem:$0x1F900] =	vst v63  }
0x6a: {  	s18 =	simm.s32 $0x15900  }
0x6b: {  	[tilespmem:s18], [sflag:$0x2] =	stream.indirect_vreg.gather [hbm4b:s8+s6], $0x80, v3, vm0, $0xb8;
	[tilespmem:$0x1F900] =	vst v63  }
0x6c: {  	s19 =	simm.s32 $0x16100  }
0x6d: {  	[tilespmem:s19], [sflag:$0x2] =	stream.indirect_vreg.gather [hbm4b:s9+s6], $0x80, v3, vm0, $0xb8;
	[tilespmem:$0x1F900] =	vst v63  }
0x6e: {  	v3 =	vld.msk [tilespmem:$0xE8], $0xff;
	_ =	sdelay $0x4  }
0x6f: {  	v63 =	vshrl.u32 v3, $0x3  }
0x70: {  	v4 =	vmul.u32 $0x30, v63  }
0x71: {  	v3 =	vand.u32 $0x7, v3  }
0x72: {  	v3 =	vor.u32 v3, v4  }
0x73: {  	v3 =	vperm.xlane v3, v0;
	_ =	sdelay $0x1  }
0x74: {  	v3 =	vadd.s32 v1, v3;
	_ =	sdelay $0x3  }
0x75: {  	s20 =	simm.s32 $0x16900  }
0x76: {  	[tilespmem:s20], [sflag:$0x2] =	stream.indirect_vreg.gather [hbm4b:s1+s6], $0x80, v3, vm0, $0xb8;
	[tilespmem:$0x1F900] =	vst v63  }
0x77: {  	s21 =	simm.s32 $0x17100  }
0x78: {  	[tilespmem:s21], [sflag:$0x2] =	stream.indirect_vreg.gather [hbm4b:s8+s6], $0x80, v3, vm0, $0xb8;
	[tilespmem:$0x1F900] =	vst v63  }
0x79: {  	s7 =	simm.s32 $0x0;
	s22 =	simm.s32 $0x17900  }
0x7a: {  	[tilespmem:s22], [sflag:$0x2] =	stream.indirect_vreg.gather [hbm4b:s9+s6], $0x80, v3, vm0, $0xb8;
	[tilespmem:$0x1F900] =	vst v63  }
.LBB2_2:
0x7b: {  	s15 =	smul.u32 $0x3, s7;
	_ =	sdelay $0x1  }
0x7c: {  	s16 =	sand.u32 $0x1F, s15  }
0x7d: {  	s17 =	sshrl.u32 s15, $0x5;
	p0 =	sne.s32 s16, $0x0  }
0x7e: {  	s10 =	smul.u32 @!p0 $0xF00, s17;
	_ =	sdelay $0x1  }
0x7f: {  	s14 =	simm.s32 @!p0 $0x0;
	s18 =	simm.s32 @!p0 $0x1900;
	s10 =	sadd.s32 @!p0 s3, s10  }
0x80: {  	[tilespmem:s18], [sflag:$0x7] =	stream.linear.gather @!p0 [hbm4b:s10+s14], $0x7800, $0x38;
	[tilespmem:$0x1F900] =	vst v63  }
0x81: {  	s21 =	sadd.s32 $0x2, s15;
	s18 =	simm.s32 @!p0 $0x7  }
0x82: {  	p1 =	seq.s32 s7, $0x0;
	s10 =	sand.u32 $0x1F, s21;
	_ =	swait.ge @!p0 [sflag:s18], $0x7800  }
0x83: {  	s14 =	sshrl.u32 s21, $0x5;
	s19 =	smul.u32 $0x320, s10;
	[sflag:s18] =	ssyncset.done @!p0 $0x0  }
0x84: {  	s20 =	smul.u32 $0xA0, s14;
	[sflag:s18] =	ssyncadd.s32 @!p0 $0xFFFF8800;
	s18 =	simm.s32 @!p1 $0x6  }
0x85: {  	_ =	swait.ge @!p1 [sflag:s18], $0x7800  }
0x86: {  	s19 =	sshrl.u32 s19, $0x2;
	s20 =	sshra.s32 s20, $0x2;
	[sflag:s18] =	ssyncset.done @!p1 $0x0  }
0x87: {  	s19 =	sadd.s32 s20, s19;
	[sflag:s18] =	ssyncadd.s32 @!p1 $0xFFFF8800  }
0x88: {  	v3 =	vld [tilespmem:s19+$0x0];
	_ =	sdelay $0x4  }
0x89: {  	v4 =	vshrl.u32 v3, $0x3  }
0x8a: {  	v4 =	vmul.u32 $0x30, v4  }
0x8b: {  	v3 =	vand.u32 $0x7, v3  }
0x8c: {  	v3 =	vor.u32 v3, v4  }
0x8d: {  	v4 =	vperm.xlane v3, v0;
	_ =	sdelay $0x1  }
0x8e: {  	v4 =	vadd.s32 v1, v4;
	_ =	sdelay $0x3  }
0x8f: {  	s18 =	simm.s32 $0x0;
	v3 =	vperm.xlane v3, v2  }
0x90: {  	[tilespmem:s11], [sflag:$0x3] =	stream.indirect_vreg.gather [hbm4b:s1+s18], $0x80, v4, vm0, $0xb8;
	[tilespmem:$0x1F900] =	vst v63  }
0x91: {  	s22 =	simm.s32 $0x18900;
	v3 =	vadd.s32 v1, v3  }
0x92: {  	[tilespmem:s22], [sflag:$0x3] =	stream.indirect_vreg.gather [hbm4b:s8+s18], $0x80, v4, vm0, $0xb8;
	[tilespmem:$0x1F900] =	vst v63  }
0x93: {  	s21 =	simm.s32 $0x19100  }
0x94: {  	[tilespmem:s21], [sflag:$0x3] =	stream.indirect_vreg.gather [hbm4b:s9+s18], $0x80, v4, vm0, $0xb8;
	[tilespmem:$0x1F900] =	vst v63  }
0x95: {  	s22 =	simm.s32 $0x19900  }
0x96: {  	[tilespmem:s22], [sflag:$0x3] =	stream.indirect_vreg.gather [hbm4b:s1+s18], $0x80, v3, vm0, $0xb8;
	[tilespmem:$0x1F900] =	vst v63  }
0x97: {  	s21 =	simm.s32 $0x1A100  }
0x98: {  	[tilespmem:s21], [sflag:$0x3] =	stream.indirect_vreg.gather [hbm4b:s8+s18], $0x80, v3, vm0, $0xb8;
	[tilespmem:$0x1F900] =	vst v63  }
0x99: {  	s22 =	simm.s32 $0x1A900  }
0x9a: {  	[tilespmem:s22], [sflag:$0x3] =	stream.indirect_vreg.gather [hbm4b:s9+s18], $0x80, v3, vm0, $0xb8;
	[tilespmem:$0x1F900] =	vst v63  }
0x9b: {  	v3 =	vld [tilespmem:s19+$0x10];
	_ =	sdelay $0x4  }
0x9c: {  	v4 =	vshrl.u32 v3, $0x3  }
0x9d: {  	v4 =	vmul.u32 $0x30, v4  }
0x9e: {  	v3 =	vand.u32 $0x7, v3  }
0x9f: {  	v3 =	vor.u32 v3, v4  }
0xa0: {  	v4 =	vperm.xlane v3, v0;
	_ =	sdelay $0x1  }
0xa1: {  	v4 =	vadd.s32 v1, v4;
	_ =	sdelay $0x3  }
0xa2: {  	s21 =	simm.s32 $0x1B100;
	v3 =	vperm.xlane v3, v2  }
0xa3: {  	[tilespmem:s21], [sflag:$0x3] =	stream.indirect_vreg.gather [hbm4b:s1+s18], $0x80, v4, vm0, $0xb8;
	[tilespmem:$0x1F900] =	vst v63  }
0xa4: {  	s22 =	simm.s32 $0x1B900;
	v3 =	vadd.s32 v1, v3  }
0xa5: {  	[tilespmem:s22], [sflag:$0x3] =	stream.indirect_vreg.gather [hbm4b:s8+s18], $0x80, v4, vm0, $0xb8;
	[tilespmem:$0x1F900] =	vst v63  }
0xa6: {  	s21 =	simm.s32 $0x1C100  }
0xa7: {  	[tilespmem:s21], [sflag:$0x3] =	stream.indirect_vreg.gather [hbm4b:s9+s18], $0x80, v4, vm0, $0xb8;
	[tilespmem:$0x1F900] =	vst v63  }
0xa8: {  	s22 =	simm.s32 $0x1C900  }
0xa9: {  	[tilespmem:s22], [sflag:$0x3] =	stream.indirect_vreg.gather [hbm4b:s1+s18], $0x80, v3, vm0, $0xb8;
	[tilespmem:$0x1F900] =	vst v63  }
0xaa: {  	s21 =	simm.s32 $0x1D100  }
0xab: {  	[tilespmem:s21], [sflag:$0x3] =	stream.indirect_vreg.gather [hbm4b:s8+s18], $0x80, v3, vm0, $0xb8;
	[tilespmem:$0x1F900] =	vst v63  }
0xac: {  	s22 =	simm.s32 $0x1D900  }
0xad: {  	[tilespmem:s22], [sflag:$0x3] =	stream.indirect_vreg.gather [hbm4b:s9+s18], $0x80, v3, vm0, $0xb8;
	[tilespmem:$0x1F900] =	vst v63  }
0xae: {  	v3 =	vld.msk [tilespmem:s19+$0x20], $0xff;
	_ =	sdelay $0x4  }
0xaf: {  	v4 =	vshrl.u32 v3, $0x3  }
0xb0: {  	v4 =	vmul.u32 $0x30, v4  }
0xb1: {  	v3 =	vand.u32 $0x7, v3  }
0xb2: {  	v3 =	vor.u32 v3, v4  }
0xb3: {  	v3 =	vperm.xlane v3, v0;
	_ =	sdelay $0x1  }
0xb4: {  	v3 =	vadd.s32 v1, v3;
	_ =	sdelay $0x3  }
0xb5: {  	s21 =	simm.s32 $0x1E100  }
0xb6: {  	[tilespmem:s21], [sflag:$0x3] =	stream.indirect_vreg.gather [hbm4b:s1+s18], $0x80, v3, vm0, $0xb8;
	[tilespmem:$0x1F900] =	vst v63  }
0xb7: {  	s22 =	simm.s32 $0x1E900  }
0xb8: {  	[tilespmem:s22], [sflag:$0x3] =	stream.indirect_vreg.gather [hbm4b:s8+s18], $0x80, v3, vm0, $0xb8;
	[tilespmem:$0x1F900] =	vst v63  }
0xb9: {  	s20 =	simm.s32 $0x1F100;
	s21 =	simm.s32 $0x0  }
0xba: {  	[tilespmem:s20], [sflag:$0x3] =	stream.indirect_vreg.gather [hbm4b:s9+s18], $0x80, v3, vm0, $0xb8;
	[tilespmem:$0x1F900] =	vst v63  }
0xbb: {  	s19 =	smul.u32 $0x1800, s21;
	_ =	swait.ge [sflag:s12], $0x7800  }
0xbc: {  	s22 =	sand.u32 $0x380, s18;
	[sflag:s12] =	ssyncset.done $0x0  }
0xbd: {  	s19 =	sor.u32 s22, s19;
	[sflag:s12] =	ssyncadd.s32 $0xFFFF8800  }
0xbe: {  	v3 =	vld [tilespmem:s19+$0x2D70]  }
0xbf: {  	v6 =	vld [tilespmem:s19+$0x1900]  }
0xc0: {  	v7 =	vld [tilespmem:s19+$0x1910]  }
0xc1: {  	v8 =	vld [tilespmem:s19+$0x1920]  }
0xc2: {  	v9 =	vld [tilespmem:s19+$0x1930]  }
0xc3: {  	v10 =	vld [tilespmem:s19+$0x1940]  }
0xc4: {  	v11 =	vld [tilespmem:s19+$0x1950]  }
0xc5: {  	v12 =	vld [tilespmem:s19+$0x1960]  }
0xc6: {  	v13 =	vld [tilespmem:s19+$0x1970]  }
0xc7: {  	v14 =	vld [tilespmem:s19+$0x1D00]  }
0xc8: {  	v15 =	vld [tilespmem:s19+$0x1D10]  }
0xc9: {  	v16 =	vld [tilespmem:s19+$0x1D20]  }
0xca: {  	v17 =	vld [tilespmem:s19+$0x1D30]  }
0xcb: {  	v18 =	vld [tilespmem:s19+$0x1D40]  }
0xcc: {  	v19 =	vld [tilespmem:s19+$0x1D50]  }
0xcd: {  	v20 =	vld [tilespmem:s19+$0x1D60]  }
0xce: {  	v21 =	vld [tilespmem:s19+$0x1D70]  }
0xcf: {  	v22 =	vld [tilespmem:s19+$0x2100]  }
0xd0: {  	v23 =	vld [tilespmem:s19+$0x2110]  }
0xd1: {  	v24 =	vld [tilespmem:s19+$0x2120]  }
0xd2: {  	v25 =	vld [tilespmem:s19+$0x2130]  }
0xd3: {  	v26 =	vld [tilespmem:s19+$0x2140]  }
0xd4: {  	v27 =	vld [tilespmem:s19+$0x2150]  }
0xd5: {  	v28 =	vld [tilespmem:s19+$0x2160]  }
0xd6: {  	v29 =	vld [tilespmem:s19+$0x2170]  }
0xd7: {  	v30 =	vld [tilespmem:s19+$0x2500]  }
0xd8: {  	v31 =	vld [tilespmem:s19+$0x2510]  }
0xd9: {  	v32 =	vld [tilespmem:s19+$0x2520]  }
0xda: {  	v33 =	vld [tilespmem:s19+$0x2530]  }
0xdb: {  	v34 =	vld [tilespmem:s19+$0x2540]  }
0xdc: {  	v35 =	vld [tilespmem:s19+$0x2550]  }
0xdd: {  	v36 =	vld [tilespmem:s19+$0x2560]  }
0xde: {  	v37 =	vld [tilespmem:s19+$0x2570]  }
0xdf: {  	v38 =	vld [tilespmem:s19+$0x2900]  }
0xe0: {  	v39 =	vld [tilespmem:s19+$0x2910]  }
0xe1: {  	v40 =	vld [tilespmem:s19+$0x2920]  }
0xe2: {  	v41 =	vld [tilespmem:s19+$0x2930]  }
0xe3: {  	v42 =	vld [tilespmem:s19+$0x2940]  }
0xe4: {  	v43 =	vld [tilespmem:s19+$0x2950]  }
0xe5: {  	v44 =	vld [tilespmem:s19+$0x2960]  }
0xe6: {  	v45 =	vld [tilespmem:s19+$0x2970]  }
0xe7: {  	v46 =	vld [tilespmem:s19+$0x2D00]  }
0xe8: {  	v47 =	vld [tilespmem:s19+$0x2D10]  }
0xe9: {  	v48 =	vld [tilespmem:s19+$0x2D20]  }
0xea: {  	v49 =	vld [tilespmem:s19+$0x2D30]  }
0xeb: {  	v5 =	vld [tilespmem:s19+$0x2D40]  }
0xec: {  	v4 =	vld [tilespmem:s19+$0x2D50]  }
0xed: {  	[tilespmem:s19+$0xA570] =	vst.add.f32.msk $0xffff, v3  }
0xee: {  	v3 =	vld [tilespmem:s19+$0x2D60]  }
0xef: {  	[tilespmem:s19+$0x9100] =	vst.add.f32.msk $0xffff, v6  }
0xf0: {  	[tilespmem:s19+$0x9110] =	vst.add.f32.msk $0xffff, v7  }
0xf1: {  	[tilespmem:s19+$0x9120] =	vst.add.f32.msk $0xffff, v8  }
0xf2: {  	[tilespmem:s19+$0x9130] =	vst.add.f32.msk $0xffff, v9  }
0xf3: {  	[tilespmem:s19+$0x9140] =	vst.add.f32.msk $0xffff, v10  }
0xf4: {  	[tilespmem:s19+$0x9150] =	vst.add.f32.msk $0xffff, v11  }
0xf5: {  	[tilespmem:s19+$0x9160] =	vst.add.f32.msk $0xffff, v12  }
0xf6: {  	[tilespmem:s19+$0x9170] =	vst.add.f32.msk $0xffff, v13  }
0xf7: {  	[tilespmem:s19+$0x9500] =	vst.add.f32.msk $0xffff, v14  }
0xf8: {  	[tilespmem:s19+$0x9510] =	vst.add.f32.msk $0xffff, v15  }
0xf9: {  	[tilespmem:s19+$0x9520] =	vst.add.f32.msk $0xffff, v16  }
0xfa: {  	[tilespmem:s19+$0x9530] =	vst.add.f32.msk $0xffff, v17  }
0xfb: {  	[tilespmem:s19+$0x9540] =	vst.add.f32.msk $0xffff, v18  }
0xfc: {  	[tilespmem:s19+$0x9550] =	vst.add.f32.msk $0xffff, v19  }
0xfd: {  	[tilespmem:s19+$0x9560] =	vst.add.f32.msk $0xffff, v20  }
0xfe: {  	[tilespmem:s19+$0x9570] =	vst.add.f32.msk $0xffff, v21  }
0xff: {  	[tilespmem:s19+$0x9900] =	vst.add.f32.msk $0xffff, v22  }
0x100: {  	[tilespmem:s19+$0x9910] =	vst.add.f32.msk $0xffff, v23  }
0x101: {  	[tilespmem:s19+$0x9920] =	vst.add.f32.msk $0xffff, v24  }
0x102: {  	[tilespmem:s19+$0x9930] =	vst.add.f32.msk $0xffff, v25  }
0x103: {  	[tilespmem:s19+$0x9940] =	vst.add.f32.msk $0xffff, v26  }
0x104: {  	[tilespmem:s19+$0x9950] =	vst.add.f32.msk $0xffff, v27  }
0x105: {  	[tilespmem:s19+$0x9960] =	vst.add.f32.msk $0xffff, v28  }
0x106: {  	[tilespmem:s19+$0x9970] =	vst.add.f32.msk $0xffff, v29  }
0x107: {  	[tilespmem:s19+$0x9D00] =	vst.add.f32.msk $0xffff, v30  }
0x108: {  	[tilespmem:s19+$0x9D10] =	vst.add.f32.msk $0xffff, v31  }
0x109: {  	[tilespmem:s19+$0x9D20] =	vst.add.f32.msk $0xffff, v32  }
0x10a: {  	[tilespmem:s19+$0x9D30] =	vst.add.f32.msk $0xffff, v33  }
0x10b: {  	[tilespmem:s19+$0x9D40] =	vst.add.f32.msk $0xffff, v34  }
0x10c: {  	[tilespmem:s19+$0x9D50] =	vst.add.f32.msk $0xffff, v35  }
0x10d: {  	[tilespmem:s19+$0x9D60] =	vst.add.f32.msk $0xffff, v36  }
0x10e: {  	[tilespmem:s19+$0x9D70] =	vst.add.f32.msk $0xffff, v37  }
0x10f: {  	[tilespmem:s19+$0xA100] =	vst.add.f32.msk $0xffff, v38  }
0x110: {  	[tilespmem:s19+$0xA110] =	vst.add.f32.msk $0xffff, v39  }
0x111: {  	[tilespmem:s19+$0xA120] =	vst.add.f32.msk $0xffff, v40  }
0x112: {  	[tilespmem:s19+$0xA130] =	vst.add.f32.msk $0xffff, v41  }
0x113: {  	[tilespmem:s19+$0xA140] =	vst.add.f32.msk $0xffff, v42  }
0x114: {  	[tilespmem:s19+$0xA150] =	vst.add.f32.msk $0xffff, v43  }
0x115: {  	[tilespmem:s19+$0xA160] =	vst.add.f32.msk $0xffff, v44  }
0x116: {  	[tilespmem:s19+$0xA170] =	vst.add.f32.msk $0xffff, v45  }
0x117: {  	[tilespmem:s19+$0xA500] =	vst.add.f32.msk $0xffff, v46  }
0x118: {  	[tilespmem:s19+$0xA510] =	vst.add.f32.msk $0xffff, v47  }
0x119: {  	[tilespmem:s19+$0xA520] =	vst.add.f32.msk $0xffff, v48  }
0x11a: {  	s21 =	simm.s32 $0x0;
	s20 =	simm.s32 $0x2;
	[tilespmem:s19+$0xA530] =	vst.add.f32.msk $0xffff, v49  }
.LBB2_3:
0x11b: {  	p0 =	sne.s32 s20, $0x27;
	s21 =	smul.u32 $0x1800, s21;
	[tilespmem:s19+$0xA540] =	vst.add.f32.msk $0xffff, v5;
	s18 =	sadd.s32 $0x80, s18  }
0x11c: {  	s22 =	sand.u32 $0x380, s18;
	[tilespmem:s19+$0xA550] =	vst.add.f32.msk $0xffff, v4  }
0x11d: {  	[tilespmem:s19+$0xA560] =	vst.add.f32.msk $0xffff, v3;
	s19 =	sor.u32 s22, s21  }
0x11e: {  	v3 =	vld [tilespmem:s19+$0x2D70]  }
0x11f: {  	v6 =	vld [tilespmem:s19+$0x1900]  }
0x120: {  	v7 =	vld [tilespmem:s19+$0x1910]  }
0x121: {  	v8 =	vld [tilespmem:s19+$0x1920]  }
0x122: {  	v9 =	vld [tilespmem:s19+$0x1930]  }
0x123: {  	[tilespmem:s19+$0xA570] =	vst.add.f32.msk $0xffff, v3  }
0x124: {  	v10 =	vld [tilespmem:s19+$0x1940]  }
0x125: {  	v11 =	vld [tilespmem:s19+$0x1950]  }
0x126: {  	v12 =	vld [tilespmem:s19+$0x1960]  }
0x127: {  	v13 =	vld [tilespmem:s19+$0x1970]  }
0x128: {  	v14 =	vld [tilespmem:s19+$0x1D00]  }
0x129: {  	v15 =	vld [tilespmem:s19+$0x1D10]  }
0x12a: {  	v16 =	vld [tilespmem:s19+$0x1D20]  }
0x12b: {  	v17 =	vld [tilespmem:s19+$0x1D30]  }
0x12c: {  	v18 =	vld [tilespmem:s19+$0x1D40]  }
0x12d: {  	v19 =	vld [tilespmem:s19+$0x1D50]  }
0x12e: {  	v20 =	vld [tilespmem:s19+$0x1D60]  }
0x12f: {  	v21 =	vld [tilespmem:s19+$0x1D70]  }
0x130: {  	v22 =	vld [tilespmem:s19+$0x2100]  }
0x131: {  	v23 =	vld [tilespmem:s19+$0x2110]  }
0x132: {  	v24 =	vld [tilespmem:s19+$0x2120]  }
0x133: {  	v25 =	vld [tilespmem:s19+$0x2130]  }
0x134: {  	v26 =	vld [tilespmem:s19+$0x2140]  }
0x135: {  	v27 =	vld [tilespmem:s19+$0x2150]  }
0x136: {  	v28 =	vld [tilespmem:s19+$0x2160]  }
0x137: {  	v29 =	vld [tilespmem:s19+$0x2170]  }
0x138: {  	v30 =	vld [tilespmem:s19+$0x2500]  }
0x139: {  	v31 =	vld [tilespmem:s19+$0x2510]  }
0x13a: {  	v32 =	vld [tilespmem:s19+$0x2520]  }
0x13b: {  	v33 =	vld [tilespmem:s19+$0x2530]  }
0x13c: {  	v34 =	vld [tilespmem:s19+$0x2540]  }
0x13d: {  	v35 =	vld [tilespmem:s19+$0x2550]  }
0x13e: {  	v36 =	vld [tilespmem:s19+$0x2560]  }
0x13f: {  	v37 =	vld [tilespmem:s19+$0x2570]  }
0x140: {  	v38 =	vld [tilespmem:s19+$0x2900]  }
0x141: {  	v39 =	vld [tilespmem:s19+$0x2910]  }
0x142: {  	v40 =	vld [tilespmem:s19+$0x2920]  }
0x143: {  	v41 =	vld [tilespmem:s19+$0x2930]  }
0x144: {  	v42 =	vld [tilespmem:s19+$0x2940]  }
0x145: {  	v43 =	vld [tilespmem:s19+$0x2950]  }
0x146: {  	v44 =	vld [tilespmem:s19+$0x2960]  }
0x147: {  	v45 =	vld [tilespmem:s19+$0x2970]  }
0x148: {  	v46 =	vld [tilespmem:s19+$0x2D00]  }
0x149: {  	v47 =	vld [tilespmem:s19+$0x2D10]  }
0x14a: {  	v48 =	vld [tilespmem:s19+$0x2D20]  }
0x14b: {  	v49 =	vld [tilespmem:s19+$0x2D30]  }
0x14c: {  	v5 =	vld [tilespmem:s19+$0x2D40]  }
0x14d: {  	v4 =	vld [tilespmem:s19+$0x2D50]  }
0x14e: {  	v3 =	vld [tilespmem:s19+$0x2D60]  }
0x14f: {  	[tilespmem:s19+$0x9100] =	vst.add.f32.msk $0xffff, v6  }
0x150: {  	[tilespmem:s19+$0x9110] =	vst.add.f32.msk $0xffff, v7  }
0x151: {  	[tilespmem:s19+$0x9120] =	vst.add.f32.msk $0xffff, v8  }
0x152: {  	[tilespmem:s19+$0x9130] =	vst.add.f32.msk $0xffff, v9  }
0x153: {  	[tilespmem:s19+$0x9140] =	vst.add.f32.msk $0xffff, v10  }
0x154: {  	[tilespmem:s19+$0x9150] =	vst.add.f32.msk $0xffff, v11  }
0x155: {  	[tilespmem:s19+$0x9160] =	vst.add.f32.msk $0xffff, v12  }
0x156: {  	[tilespmem:s19+$0x9170] =	vst.add.f32.msk $0xffff, v13  }
0x157: {  	[tilespmem:s19+$0x9500] =	vst.add.f32.msk $0xffff, v14  }
0x158: {  	[tilespmem:s19+$0x9510] =	vst.add.f32.msk $0xffff, v15  }
0x159: {  	[tilespmem:s19+$0x9520] =	vst.add.f32.msk $0xffff, v16  }
0x15a: {  	[tilespmem:s19+$0x9530] =	vst.add.f32.msk $0xffff, v17  }
0x15b: {  	[tilespmem:s19+$0x9540] =	vst.add.f32.msk $0xffff, v18  }
0x15c: {  	[tilespmem:s19+$0x9550] =	vst.add.f32.msk $0xffff, v19  }
0x15d: {  	[tilespmem:s19+$0x9560] =	vst.add.f32.msk $0xffff, v20  }
0x15e: {  	[tilespmem:s19+$0x9570] =	vst.add.f32.msk $0xffff, v21  }
0x15f: {  	[tilespmem:s19+$0x9900] =	vst.add.f32.msk $0xffff, v22  }
0x160: {  	[tilespmem:s19+$0x9910] =	vst.add.f32.msk $0xffff, v23  }
0x161: {  	[tilespmem:s19+$0x9920] =	vst.add.f32.msk $0xffff, v24  }
0x162: {  	[tilespmem:s19+$0x9930] =	vst.add.f32.msk $0xffff, v25  }
0x163: {  	[tilespmem:s19+$0x9940] =	vst.add.f32.msk $0xffff, v26  }
0x164: {  	[tilespmem:s19+$0x9950] =	vst.add.f32.msk $0xffff, v27  }
0x165: {  	[tilespmem:s19+$0x9960] =	vst.add.f32.msk $0xffff, v28  }
0x166: {  	[tilespmem:s19+$0x9970] =	vst.add.f32.msk $0xffff, v29  }
0x167: {  	[tilespmem:s19+$0x9D00] =	vst.add.f32.msk $0xffff, v30  }
0x168: {  	[tilespmem:s19+$0x9D10] =	vst.add.f32.msk $0xffff, v31  }
0x169: {  	[tilespmem:s19+$0x9D20] =	vst.add.f32.msk $0xffff, v32  }
0x16a: {  	[tilespmem:s19+$0x9D30] =	vst.add.f32.msk $0xffff, v33  }
0x16b: {  	[tilespmem:s19+$0x9D40] =	vst.add.f32.msk $0xffff, v34  }
0x16c: {  	[tilespmem:s19+$0x9D50] =	vst.add.f32.msk $0xffff, v35  }
0x16d: {  	[tilespmem:s19+$0x9D60] =	vst.add.f32.msk $0xffff, v36  }
0x16e: {  	[tilespmem:s19+$0x9D70] =	vst.add.f32.msk $0xffff, v37  }
0x16f: {  	[tilespmem:s19+$0xA100] =	vst.add.f32.msk $0xffff, v38  }
0x170: {  	[tilespmem:s19+$0xA110] =	vst.add.f32.msk $0xffff, v39  }
0x171: {  	[tilespmem:s19+$0xA120] =	vst.add.f32.msk $0xffff, v40  }
0x172: {  	[tilespmem:s19+$0xA130] =	vst.add.f32.msk $0xffff, v41  }
0x173: {  	[tilespmem:s19+$0xA140] =	vst.add.f32.msk $0xffff, v42  }
0x174: {  	[tilespmem:s19+$0xA150] =	vst.add.f32.msk $0xffff, v43  }
0x175: {  	[tilespmem:s19+$0xA160] =	vst.add.f32.msk $0xffff, v44  }
.Ltmp0:
0x176: {  	[tilespmem:s19+$0xA170] =	vst.add.f32.msk $0xffff, v45;
	(pc) =	sbr.rel @p0 .LBB2_3-.Ltmp0, $4  }
0x177: {  	[tilespmem:s19+$0xA500] =	vst.add.f32.msk $0xffff, v46  }
0x178: {  	[tilespmem:s19+$0xA510] =	vst.add.f32.msk $0xffff, v47  }
0x179: {  	[tilespmem:s19+$0xA520] =	vst.add.f32.msk $0xffff, v48  }
0x17a: {  	s21 =	sshrl.u32 s20, $0x3;
	s20 =	sadd.s32 $0x1, s20;
	[tilespmem:s19+$0xA530] =	vst.add.f32.msk $0xffff, v49  }
0x17b: {  	s20 =	smul.u32 $0x1800, s21;
	[tilespmem:s19+$0xA540] =	vst.add.f32.msk $0xffff, v5;
	s18 =	sadd.s32 $0x80, s18  }
0x17c: {  	[tilespmem:s19+$0xA550] =	vst.add.f32.msk $0xffff, v4;
	s18 =	sand.u32 $0x380, s18  }
0x17d: {  	[tilespmem:s19+$0xA560] =	vst.add.f32.msk $0xffff, v3;
	s18 =	sor.u32 s18, s20  }
0x17e: {  	v3 =	vld [tilespmem:s18+$0x2D70]  }
0x17f: {  	v4 =	vld [tilespmem:s18+$0x1900]  }
0x180: {  	v5 =	vld [tilespmem:s18+$0x1910]  }
0x181: {  	v6 =	vld [tilespmem:s18+$0x1920]  }
0x182: {  	v7 =	vld [tilespmem:s18+$0x1930]  }
0x183: {  	v8 =	vld [tilespmem:s18+$0x1950]  }
0x184: {  	v9 =	vld [tilespmem:s18+$0x1960]  }
0x185: {  	v10 =	vld [tilespmem:s18+$0x1970]  }
0x186: {  	v11 =	vld [tilespmem:s18+$0x1D00]  }
0x187: {  	v12 =	vld [tilespmem:s18+$0x1D10]  }
0x188: {  	v13 =	vld [tilespmem:s18+$0x1D20]  }
0x189: {  	v14 =	vld [tilespmem:s18+$0x1D30]  }
0x18a: {  	v15 =	vld [tilespmem:s18+$0x1D40]  }
0x18b: {  	v16 =	vld [tilespmem:s18+$0x1D50]  }
0x18c: {  	v17 =	vld [tilespmem:s18+$0x1D60]  }
0x18d: {  	v18 =	vld [tilespmem:s18+$0x1D70]  }
0x18e: {  	v19 =	vld [tilespmem:s18+$0x2100]  }
0x18f: {  	v20 =	vld [tilespmem:s18+$0x2110]  }
0x190: {  	v21 =	vld [tilespmem:s18+$0x2120]  }
0x191: {  	v22 =	vld [tilespmem:s18+$0x2130]  }
0x192: {  	v23 =	vld [tilespmem:s18+$0x2140]  }
0x193: {  	v24 =	vld [tilespmem:s18+$0x2150]  }
0x194: {  	v25 =	vld [tilespmem:s18+$0x2160]  }
0x195: {  	v26 =	vld [tilespmem:s18+$0x2170]  }
0x196: {  	v27 =	vld [tilespmem:s18+$0x2500]  }
0x197: {  	v28 =	vld [tilespmem:s18+$0x2510]  }
0x198: {  	v29 =	vld [tilespmem:s18+$0x2520]  }
0x199: {  	v30 =	vld [tilespmem:s18+$0x2530]  }
0x19a: {  	v31 =	vld [tilespmem:s18+$0x2540]  }
0x19b: {  	v32 =	vld [tilespmem:s18+$0x2550]  }
0x19c: {  	v33 =	vld [tilespmem:s18+$0x2560]  }
0x19d: {  	v34 =	vld [tilespmem:s18+$0x2570]  }
0x19e: {  	v35 =	vld [tilespmem:s18+$0x2900]  }
0x19f: {  	v36 =	vld [tilespmem:s18+$0x2910]  }
0x1a0: {  	v37 =	vld [tilespmem:s18+$0x2920]  }
0x1a1: {  	v38 =	vld [tilespmem:s18+$0x2930]  }
0x1a2: {  	v39 =	vld [tilespmem:s18+$0x2940]  }
0x1a3: {  	v40 =	vld [tilespmem:s18+$0x2950]  }
0x1a4: {  	v41 =	vld [tilespmem:s18+$0x2960]  }
0x1a5: {  	v42 =	vld [tilespmem:s18+$0x2970]  }
0x1a6: {  	v43 =	vld [tilespmem:s18+$0x2D00]  }
0x1a7: {  	v44 =	vld [tilespmem:s18+$0x2D10]  }
0x1a8: {  	v45 =	vld [tilespmem:s18+$0x2D20]  }
0x1a9: {  	v46 =	vld [tilespmem:s18+$0x2D30]  }
0x1aa: {  	v47 =	vld [tilespmem:s18+$0x2D40]  }
0x1ab: {  	v48 =	vld [tilespmem:s18+$0x2D50]  }
0x1ac: {  	v49 =	vld [tilespmem:s18+$0x2D60]  }
0x1ad: {  	[tilespmem:s18+$0xA570] =	vst.add.f32.msk $0xffff, v3  }
0x1ae: {  	v3 =	vld [tilespmem:s18+$0x1940]  }
0x1af: {  	[tilespmem:s18+$0x9100] =	vst.add.f32.msk $0xffff, v4  }
0x1b0: {  	[tilespmem:s18+$0x9110] =	vst.add.f32.msk $0xffff, v5  }
0x1b1: {  	[tilespmem:s18+$0x9120] =	vst.add.f32.msk $0xffff, v6  }
0x1b2: {  	[tilespmem:s18+$0x9130] =	vst.add.f32.msk $0xffff, v7  }
0x1b3: {  	[tilespmem:s18+$0x9150] =	vst.add.f32.msk $0xffff, v8  }
0x1b4: {  	[tilespmem:s18+$0x9160] =	vst.add.f32.msk $0xffff, v9  }
0x1b5: {  	[tilespmem:s18+$0x9170] =	vst.add.f32.msk $0xffff, v10  }
0x1b6: {  	[tilespmem:s18+$0x9500] =	vst.add.f32.msk $0xffff, v11  }
0x1b7: {  	[tilespmem:s18+$0x9510] =	vst.add.f32.msk $0xffff, v12  }
0x1b8: {  	[tilespmem:s18+$0x9520] =	vst.add.f32.msk $0xffff, v13  }
0x1b9: {  	[tilespmem:s18+$0x9530] =	vst.add.f32.msk $0xffff, v14  }
0x1ba: {  	[tilespmem:s18+$0x9540] =	vst.add.f32.msk $0xffff, v15  }
0x1bb: {  	[tilespmem:s18+$0x9550] =	vst.add.f32.msk $0xffff, v16  }
0x1bc: {  	[tilespmem:s18+$0x9560] =	vst.add.f32.msk $0xffff, v17  }
0x1bd: {  	[tilespmem:s18+$0x9570] =	vst.add.f32.msk $0xffff, v18  }
0x1be: {  	[tilespmem:s18+$0x9900] =	vst.add.f32.msk $0xffff, v19  }
0x1bf: {  	[tilespmem:s18+$0x9910] =	vst.add.f32.msk $0xffff, v20  }
0x1c0: {  	[tilespmem:s18+$0x9920] =	vst.add.f32.msk $0xffff, v21  }
0x1c1: {  	[tilespmem:s18+$0x9930] =	vst.add.f32.msk $0xffff, v22  }
0x1c2: {  	[tilespmem:s18+$0x9940] =	vst.add.f32.msk $0xffff, v23  }
0x1c3: {  	[tilespmem:s18+$0x9950] =	vst.add.f32.msk $0xffff, v24  }
0x1c4: {  	[tilespmem:s18+$0x9960] =	vst.add.f32.msk $0xffff, v25  }
0x1c5: {  	[tilespmem:s18+$0x9970] =	vst.add.f32.msk $0xffff, v26  }
0x1c6: {  	[tilespmem:s18+$0x9D00] =	vst.add.f32.msk $0xffff, v27  }
0x1c7: {  	[tilespmem:s18+$0x9D10] =	vst.add.f32.msk $0xffff, v28  }
0x1c8: {  	[tilespmem:s18+$0x9D20] =	vst.add.f32.msk $0xffff, v29  }
0x1c9: {  	[tilespmem:s18+$0x9D30] =	vst.add.f32.msk $0xffff, v30  }
0x1ca: {  	[tilespmem:s18+$0x9D40] =	vst.add.f32.msk $0xffff, v31  }
0x1cb: {  	[tilespmem:s18+$0x9D50] =	vst.add.f32.msk $0xffff, v32  }
0x1cc: {  	[tilespmem:s18+$0x9D60] =	vst.add.f32.msk $0xffff, v33  }
0x1cd: {  	[tilespmem:s18+$0x9D70] =	vst.add.f32.msk $0xffff, v34  }
0x1ce: {  	[tilespmem:s18+$0xA100] =	vst.add.f32.msk $0xffff, v35  }
0x1cf: {  	[tilespmem:s18+$0xA110] =	vst.add.f32.msk $0xffff, v36  }
0x1d0: {  	[tilespmem:s18+$0xA120] =	vst.add.f32.msk $0xffff, v37  }
0x1d1: {  	[tilespmem:s18+$0xA130] =	vst.add.f32.msk $0xffff, v38  }
0x1d2: {  	[tilespmem:s18+$0xA140] =	vst.add.f32.msk $0xffff, v39  }
0x1d3: {  	[tilespmem:s18+$0xA150] =	vst.add.f32.msk $0xffff, v40  }
0x1d4: {  	[tilespmem:s18+$0xA160] =	vst.add.f32.msk $0xffff, v41  }
0x1d5: {  	[tilespmem:s18+$0xA170] =	vst.add.f32.msk $0xffff, v42  }
0x1d6: {  	s17 =	smul.u32 $0x28, s17;
	[tilespmem:s18+$0xA500] =	vst.add.f32.msk $0xffff, v43  }
0x1d7: {  	s16 =	smul.u32 $0xC8, s16;
	[tilespmem:s18+$0xA510] =	vst.add.f32.msk $0xffff, v44  }
0x1d8: {  	s17 =	sadd.s32 s5, s17;
	[tilespmem:s18+$0xA520] =	vst.add.f32.msk $0xffff, v45  }
0x1d9: {  	s16 =	sadd.s32 s16, s17;
	[tilespmem:s18+$0xA530] =	vst.add.f32.msk $0xffff, v46  }
0x1da: {  	s21 =	sadd.s32 $0x1, s15;
	s16 =	sshrl.u32 s16, $0x3;
	[tilespmem:s18+$0xA540] =	vst.add.f32.msk $0xffff, v47  }
0x1db: {  	s22 =	smul.u32 $0x300, s16;
	s16 =	sand.u32 $0x1F, s21;
	[tilespmem:s18+$0xA550] =	vst.add.f32.msk $0xffff, v48  }
0x1dc: {  	s17 =	sshrl.u32 s21, $0x5;
	p0 =	sne.s32 s16, $0x0;
	[tilespmem:s18+$0xA560] =	vst.add.f32.msk $0xffff, v49  }
0x1dd: {  	s20 =	sadd.s32 s4, s22;
	s19 =	smul.u32 @!p0 $0xF00, s17;
	[tilespmem:s18+$0x9140] =	vst.add.f32.msk $0xffff, v3  }
0x1de: {  	[hbm4b:s20+s6] =	stream.linear.scatter [tilespmem:s13], [sflag:$0x4], $0x7800, $0x38;
	[tilespmem:$0x1F900] =	vst v63  }
0x1df: {  	s18 =	sadd.s32 @!p0 s3, s19;
	s19 =	simm.s32 @!p0 $0x0;
	s20 =	simm.s32 @!p0 $0x1900  }
0x1e0: {  	[tilespmem:s20], [sflag:$0x7] =	stream.linear.gather @!p0 [hbm4b:s18+s19], $0x7800, $0x38;
	[tilespmem:$0x1F900] =	vst v63  }
0x1e1: {  	s21 =	sadd.s32 $0x3, s15;
	s18 =	simm.s32 @!p0 $0x7  }
0x1e2: {  	s22 =	sand.u32 $0x1F, s21;
	_ =	swait.ge @!p0 [sflag:s18], $0x7800  }
0x1e3: {  	s19 =	sshrl.u32 s21, $0x5;
	s20 =	smul.u32 $0x320, s22;
	[sflag:s18] =	ssyncset.done @!p0 $0x0  }
0x1e4: {  	s19 =	smul.u32 $0xA0, s19;
	[sflag:s18] =	ssyncadd.s32 @!p0 $0xFFFF8800  }
0x1e5: {  	_ =	swait.ge [sflag:s30], $0x7800  }
0x1e6: {  	s21 =	sshrl.u32 s20, $0x2;
	s18 =	sshra.s32 s19, $0x2;
	[sflag:s30] =	ssyncset.done $0x0  }
0x1e7: {  	s19 =	sadd.s32 s18, s21;
	[sflag:s30] =	ssyncadd.s32 $0xFFFF8800  }
0x1e8: {  	v3 =	vld [tilespmem:s19+$0x0];
	_ =	sdelay $0x4  }
0x1e9: {  	v4 =	vshrl.u32 v3, $0x3  }
0x1ea: {  	v4 =	vmul.u32 $0x30, v4  }
0x1eb: {  	v3 =	vand.u32 $0x7, v3  }
0x1ec: {  	v3 =	vor.u32 v3, v4  }
0x1ed: {  	v4 =	vperm.xlane v3, v0;
	_ =	sdelay $0x1  }
0x1ee: {  	v4 =	vadd.s32 v1, v4;
	_ =	sdelay $0x3  }
0x1ef: {  	s18 =	simm.s32 $0x0;
	v3 =	vperm.xlane v3, v2  }
0x1f0: {  	[tilespmem:s13], [sflag:$0x1] =	stream.indirect_vreg.gather [hbm4b:s1+s18], $0x80, v4, vm0, $0xb8;
	[tilespmem:$0x1F900] =	vst v63  }
0x1f1: {  	s22 =	simm.s32 $0x9900;
	v3 =	vadd.s32 v1, v3  }
0x1f2: {  	[tilespmem:s22], [sflag:$0x1] =	stream.indirect_vreg.gather [hbm4b:s8+s18], $0x80, v4, vm0, $0xb8;
	[tilespmem:$0x1F900] =	vst v63  }
0x1f3: {  	s21 =	simm.s32 $0xA100  }
0x1f4: {  	[tilespmem:s21], [sflag:$0x1] =	stream.indirect_vreg.gather [hbm4b:s9+s18], $0x80, v4, vm0, $0xb8;
	[tilespmem:$0x1F900] =	vst v63  }
0x1f5: {  	s22 =	simm.s32 $0xA900  }
0x1f6: {  	[tilespmem:s22], [sflag:$0x1] =	stream.indirect_vreg.gather [hbm4b:s1+s18], $0x80, v3, vm0, $0xb8;
	[tilespmem:$0x1F900] =	vst v63  }
0x1f7: {  	s21 =	simm.s32 $0xB100  }
0x1f8: {  	[tilespmem:s21], [sflag:$0x1] =	stream.indirect_vreg.gather [hbm4b:s8+s18], $0x80, v3, vm0, $0xb8;
	[tilespmem:$0x1F900] =	vst v63  }
0x1f9: {  	s22 =	simm.s32 $0xB900  }
0x1fa: {  	[tilespmem:s22], [sflag:$0x1] =	stream.indirect_vreg.gather [hbm4b:s9+s18], $0x80, v3, vm0, $0xb8;
	[tilespmem:$0x1F900] =	vst v63  }
0x1fb: {  	v3 =	vld [tilespmem:s19+$0x10];
	_ =	sdelay $0x4  }
0x1fc: {  	v4 =	vshrl.u32 v3, $0x3  }
0x1fd: {  	v4 =	vmul.u32 $0x30, v4  }
0x1fe: {  	v3 =	vand.u32 $0x7, v3  }
0x1ff: {  	v3 =	vor.u32 v3, v4  }
0x200: {  	v4 =	vperm.xlane v3, v0;
	_ =	sdelay $0x1  }
0x201: {  	v4 =	vadd.s32 v1, v4;
	_ =	sdelay $0x3  }
0x202: {  	s21 =	simm.s32 $0xC100;
	v3 =	vperm.xlane v3, v2  }
0x203: {  	[tilespmem:s21], [sflag:$0x1] =	stream.indirect_vreg.gather [hbm4b:s1+s18], $0x80, v4, vm0, $0xb8;
	[tilespmem:$0x1F900] =	vst v63  }
0x204: {  	s22 =	simm.s32 $0xC900;
	v3 =	vadd.s32 v1, v3  }
0x205: {  	[tilespmem:s22], [sflag:$0x1] =	stream.indirect_vreg.gather [hbm4b:s8+s18], $0x80, v4, vm0, $0xb8;
	[tilespmem:$0x1F900] =	vst v63  }
0x206: {  	s21 =	simm.s32 $0xD100  }
0x207: {  	[tilespmem:s21], [sflag:$0x1] =	stream.indirect_vreg.gather [hbm4b:s9+s18], $0x80, v4, vm0, $0xb8;
	[tilespmem:$0x1F900] =	vst v63  }
0x208: {  	s22 =	simm.s32 $0xD900  }
0x209: {  	[tilespmem:s22], [sflag:$0x1] =	stream.indirect_vreg.gather [hbm4b:s1+s18], $0x80, v3, vm0, $0xb8;
	[tilespmem:$0x1F900] =	vst v63  }
0x20a: {  	_ = 	snop  }
0x20b: {  	[tilespmem:s23], [sflag:$0x1] =	stream.indirect_vreg.gather [hbm4b:s8+s18], $0x80, v3, vm0, $0xb8;
	[tilespmem:$0x1F900] =	vst v63  }
0x20c: {  	_ = 	snop  }
0x20d: {  	[tilespmem:s24], [sflag:$0x1] =	stream.indirect_vreg.gather [hbm4b:s9+s18], $0x80, v3, vm0, $0xb8;
	[tilespmem:$0x1F900] =	vst v63  }
0x20e: {  	v3 =	vld.msk [tilespmem:s19+$0x20], $0xff;
	_ =	sdelay $0x4  }
0x20f: {  	v4 =	vshrl.u32 v3, $0x3  }
0x210: {  	v4 =	vmul.u32 $0x30, v4  }
0x211: {  	v3 =	vand.u32 $0x7, v3  }
0x212: {  	v3 =	vor.u32 v3, v4  }
0x213: {  	v3 =	vperm.xlane v3, v0;
	_ =	sdelay $0x1  }
0x214: {  	v3 =	vadd.s32 v1, v3;
	_ =	sdelay $0x4  }
0x215: {  	[tilespmem:s25], [sflag:$0x1] =	stream.indirect_vreg.gather [hbm4b:s1+s18], $0x80, v3, vm0, $0xb8;
	[tilespmem:$0x1F900] =	vst v63  }
0x216: {  	_ = 	snop  }
0x217: {  	[tilespmem:s26], [sflag:$0x1] =	stream.indirect_vreg.gather [hbm4b:s8+s18], $0x80, v3, vm0, $0xb8;
	[tilespmem:$0x1F900] =	vst v63  }
0x218: {  	s21 =	simm.s32 $0x0  }
0x219: {  	[tilespmem:s28], [sflag:$0x1] =	stream.indirect_vreg.gather [hbm4b:s9+s18], $0x80, v3, vm0, $0xb8;
	[tilespmem:$0x1F900] =	vst v63  }
0x21a: {  	s19 =	smul.u32 $0x1800, s21;
	_ =	swait.ge [sflag:s31], $0x7800  }
0x21b: {  	s22 =	sand.u32 $0x380, s18;
	[sflag:s31] =	ssyncset.done $0x0  }
0x21c: {  	s19 =	sor.u32 s22, s19;
	[sflag:s31] =	ssyncadd.s32 $0xFFFF8800  }
0x21d: {  	v3 =	vld [tilespmem:s19+$0x2D70]  }
0x21e: {  	v6 =	vld [tilespmem:s19+$0x1900]  }
0x21f: {  	v7 =	vld [tilespmem:s19+$0x1910]  }
0x220: {  	v8 =	vld [tilespmem:s19+$0x1920]  }
0x221: {  	v9 =	vld [tilespmem:s19+$0x1930]  }
0x222: {  	v10 =	vld [tilespmem:s19+$0x1940]  }
0x223: {  	v11 =	vld [tilespmem:s19+$0x1950]  }
0x224: {  	v12 =	vld [tilespmem:s19+$0x1960]  }
0x225: {  	v13 =	vld [tilespmem:s19+$0x1970]  }
0x226: {  	v14 =	vld [tilespmem:s19+$0x1D00]  }
0x227: {  	v15 =	vld [tilespmem:s19+$0x1D10]  }
0x228: {  	v16 =	vld [tilespmem:s19+$0x1D20]  }
0x229: {  	v17 =	vld [tilespmem:s19+$0x1D30]  }
0x22a: {  	v18 =	vld [tilespmem:s19+$0x1D40]  }
0x22b: {  	v19 =	vld [tilespmem:s19+$0x1D50]  }
0x22c: {  	v20 =	vld [tilespmem:s19+$0x1D60]  }
0x22d: {  	v21 =	vld [tilespmem:s19+$0x1D70]  }
0x22e: {  	v22 =	vld [tilespmem:s19+$0x2100]  }
0x22f: {  	v23 =	vld [tilespmem:s19+$0x2110]  }
0x230: {  	v24 =	vld [tilespmem:s19+$0x2120]  }
0x231: {  	v25 =	vld [tilespmem:s19+$0x2130]  }
0x232: {  	v26 =	vld [tilespmem:s19+$0x2140]  }
0x233: {  	v27 =	vld [tilespmem:s19+$0x2150]  }
0x234: {  	v28 =	vld [tilespmem:s19+$0x2160]  }
0x235: {  	v29 =	vld [tilespmem:s19+$0x2170]  }
0x236: {  	v30 =	vld [tilespmem:s19+$0x2500]  }
0x237: {  	v31 =	vld [tilespmem:s19+$0x2510]  }
0x238: {  	v32 =	vld [tilespmem:s19+$0x2520]  }
0x239: {  	v33 =	vld [tilespmem:s19+$0x2530]  }
0x23a: {  	v34 =	vld [tilespmem:s19+$0x2540]  }
0x23b: {  	v35 =	vld [tilespmem:s19+$0x2550]  }
0x23c: {  	v36 =	vld [tilespmem:s19+$0x2560]  }
0x23d: {  	v37 =	vld [tilespmem:s19+$0x2570]  }
0x23e: {  	v52 =	vld [tilespmem:s19+$0x2900]  }
0x23f: {  	v53 =	vld [tilespmem:s19+$0x2910]  }
0x240: {  	v54 =	vld [tilespmem:s19+$0x2920]  }
0x241: {  	v55 =	vld [tilespmem:s19+$0x2930]  }
0x242: {  	v56 =	vld [tilespmem:s19+$0x2940]  }
0x243: {  	v57 =	vld [tilespmem:s19+$0x2950]  }
0x244: {  	v58 =	vld [tilespmem:s19+$0x2960]  }
0x245: {  	v59 =	vld [tilespmem:s19+$0x2970]  }
0x246: {  	v60 =	vld [tilespmem:s19+$0x2D00]  }
0x247: {  	v61 =	vld [tilespmem:s19+$0x2D10]  }
0x248: {  	v62 =	vld [tilespmem:s19+$0x2D20]  }
0x249: {  	v63 =	vld [tilespmem:s19+$0x2D30]  }
0x24a: {  	v5 =	vld [tilespmem:s19+$0x2D40]  }
0x24b: {  	v4 =	vld [tilespmem:s19+$0x2D50]  }
0x24c: {  	[tilespmem:s19+$0x11D70] =	vst.add.f32.msk $0xffff, v3  }
0x24d: {  	v3 =	vld [tilespmem:s19+$0x2D60]  }
0x24e: {  	[tilespmem:s19+$0x10900] =	vst.add.f32.msk $0xffff, v6  }
0x24f: {  	[tilespmem:s19+$0x10910] =	vst.add.f32.msk $0xffff, v7  }
0x250: {  	[tilespmem:s19+$0x10920] =	vst.add.f32.msk $0xffff, v8  }
0x251: {  	[tilespmem:s19+$0x10930] =	vst.add.f32.msk $0xffff, v9  }
0x252: {  	[tilespmem:s19+$0x10940] =	vst.add.f32.msk $0xffff, v10  }
0x253: {  	[tilespmem:s19+$0x10950] =	vst.add.f32.msk $0xffff, v11  }
0x254: {  	[tilespmem:s19+$0x10960] =	vst.add.f32.msk $0xffff, v12  }
0x255: {  	[tilespmem:s19+$0x10970] =	vst.add.f32.msk $0xffff, v13  }
0x256: {  	[tilespmem:s19+$0x10D00] =	vst.add.f32.msk $0xffff, v14  }
0x257: {  	[tilespmem:s19+$0x10D10] =	vst.add.f32.msk $0xffff, v15  }
0x258: {  	[tilespmem:s19+$0x10D20] =	vst.add.f32.msk $0xffff, v16  }
0x259: {  	[tilespmem:s19+$0x10D30] =	vst.add.f32.msk $0xffff, v17  }
0x25a: {  	[tilespmem:s19+$0x10D40] =	vst.add.f32.msk $0xffff, v18  }
0x25b: {  	[tilespmem:s19+$0x10D50] =	vst.add.f32.msk $0xffff, v19  }
0x25c: {  	[tilespmem:s19+$0x10D60] =	vst.add.f32.msk $0xffff, v20  }
0x25d: {  	[tilespmem:s19+$0x10D70] =	vst.add.f32.msk $0xffff, v21  }
0x25e: {  	[tilespmem:s19+$0x11100] =	vst.add.f32.msk $0xffff, v22  }
0x25f: {  	[tilespmem:s19+$0x11110] =	vst.add.f32.msk $0xffff, v23  }
0x260: {  	[tilespmem:s19+$0x11120] =	vst.add.f32.msk $0xffff, v24  }
0x261: {  	[tilespmem:s19+$0x11130] =	vst.add.f32.msk $0xffff, v25  }
0x262: {  	[tilespmem:s19+$0x11140] =	vst.add.f32.msk $0xffff, v26  }
0x263: {  	[tilespmem:s19+$0x11150] =	vst.add.f32.msk $0xffff, v27  }
0x264: {  	[tilespmem:s19+$0x11160] =	vst.add.f32.msk $0xffff, v28  }
0x265: {  	[tilespmem:s19+$0x11170] =	vst.add.f32.msk $0xffff, v29  }
0x266: {  	[tilespmem:s19+$0x11500] =	vst.add.f32.msk $0xffff, v30  }
0x267: {  	[tilespmem:s19+$0x11510] =	vst.add.f32.msk $0xffff, v31  }
0x268: {  	[tilespmem:s19+$0x11520] =	vst.add.f32.msk $0xffff, v32  }
0x269: {  	[tilespmem:s19+$0x11530] =	vst.add.f32.msk $0xffff, v33  }
0x26a: {  	[tilespmem:s19+$0x11540] =	vst.add.f32.msk $0xffff, v34  }
0x26b: {  	[tilespmem:s19+$0x11550] =	vst.add.f32.msk $0xffff, v35  }
0x26c: {  	[tilespmem:s19+$0x11560] =	vst.add.f32.msk $0xffff, v36  }
0x26d: {  	[tilespmem:s19+$0x11570] =	vst.add.f32.msk $0xffff, v37  }
0x26e: {  	[tilespmem:s19+$0x11900] =	vst.add.f32.msk $0xffff, v52  }
0x26f: {  	[tilespmem:s19+$0x11910] =	vst.add.f32.msk $0xffff, v53  }
0x270: {  	[tilespmem:s19+$0x11920] =	vst.add.f32.msk $0xffff, v54  }
0x271: {  	[tilespmem:s19+$0x11930] =	vst.add.f32.msk $0xffff, v55  }
0x272: {  	[tilespmem:s19+$0x11940] =	vst.add.f32.msk $0xffff, v56  }
0x273: {  	[tilespmem:s19+$0x11950] =	vst.add.f32.msk $0xffff, v57  }
0x274: {  	[tilespmem:s19+$0x11960] =	vst.add.f32.msk $0xffff, v58  }
0x275: {  	[tilespmem:s19+$0x11970] =	vst.add.f32.msk $0xffff, v59  }
0x276: {  	[tilespmem:s19+$0x11D00] =	vst.add.f32.msk $0xffff, v60  }
0x277: {  	[tilespmem:s19+$0x11D10] =	vst.add.f32.msk $0xffff, v61  }
0x278: {  	[tilespmem:s19+$0x11D20] =	vst.add.f32.msk $0xffff, v62  }
0x279: {  	s20 =	simm.s32 $0x2;
	s21 =	simm.s32 $0x0;
	[tilespmem:s19+$0x11D30] =	vst.add.f32.msk $0xffff, v63  }
.LBB2_5:
0x27a: {  	p0 =	sne.s32 s20, $0x27;
	s21 =	smul.u32 $0x1800, s21;
	[tilespmem:s19+$0x11D40] =	vst.add.f32.msk $0xffff, v5;
	s18 =	sadd.s32 $0x80, s18  }
0x27b: {  	s22 =	sand.u32 $0x380, s18;
	[tilespmem:s19+$0x11D50] =	vst.add.f32.msk $0xffff, v4  }
0x27c: {  	[tilespmem:s19+$0x11D60] =	vst.add.f32.msk $0xffff, v3;
	s19 =	sor.u32 s22, s21  }
0x27d: {  	v3 =	vld [tilespmem:s19+$0x2D70]  }
0x27e: {  	v6 =	vld [tilespmem:s19+$0x1900]  }
0x27f: {  	v7 =	vld [tilespmem:s19+$0x1910]  }
0x280: {  	v8 =	vld [tilespmem:s19+$0x1920]  }
0x281: {  	v9 =	vld [tilespmem:s19+$0x1930]  }
0x282: {  	[tilespmem:s19+$0x11D70] =	vst.add.f32.msk $0xffff, v3  }
0x283: {  	v10 =	vld [tilespmem:s19+$0x1940]  }
0x284: {  	v11 =	vld [tilespmem:s19+$0x1950]  }
0x285: {  	v12 =	vld [tilespmem:s19+$0x1960]  }
0x286: {  	v13 =	vld [tilespmem:s19+$0x1970]  }
0x287: {  	v14 =	vld [tilespmem:s19+$0x1D00]  }
0x288: {  	v15 =	vld [tilespmem:s19+$0x1D10]  }
0x289: {  	v16 =	vld [tilespmem:s19+$0x1D20]  }
0x28a: {  	v17 =	vld [tilespmem:s19+$0x1D30]  }
0x28b: {  	v18 =	vld [tilespmem:s19+$0x1D40]  }
0x28c: {  	v19 =	vld [tilespmem:s19+$0x1D50]  }
0x28d: {  	v20 =	vld [tilespmem:s19+$0x1D60]  }
0x28e: {  	v21 =	vld [tilespmem:s19+$0x1D70]  }
0x28f: {  	v22 =	vld [tilespmem:s19+$0x2100]  }
0x290: {  	v23 =	vld [tilespmem:s19+$0x2110]  }
0x291: {  	v24 =	vld [tilespmem:s19+$0x2120]  }
0x292: {  	v25 =	vld [tilespmem:s19+$0x2130]  }
0x293: {  	v26 =	vld [tilespmem:s19+$0x2140]  }
0x294: {  	v27 =	vld [tilespmem:s19+$0x2150]  }
0x295: {  	v28 =	vld [tilespmem:s19+$0x2160]  }
0x296: {  	v29 =	vld [tilespmem:s19+$0x2170]  }
0x297: {  	v30 =	vld [tilespmem:s19+$0x2500]  }
0x298: {  	v31 =	vld [tilespmem:s19+$0x2510]  }
0x299: {  	v32 =	vld [tilespmem:s19+$0x2520]  }
0x29a: {  	v33 =	vld [tilespmem:s19+$0x2530]  }
0x29b: {  	v34 =	vld [tilespmem:s19+$0x2540]  }
0x29c: {  	v35 =	vld [tilespmem:s19+$0x2550]  }
0x29d: {  	v36 =	vld [tilespmem:s19+$0x2560]  }
0x29e: {  	v37 =	vld [tilespmem:s19+$0x2570]  }
0x29f: {  	v38 =	vld [tilespmem:s19+$0x2900]  }
0x2a0: {  	v39 =	vld [tilespmem:s19+$0x2910]  }
0x2a1: {  	v40 =	vld [tilespmem:s19+$0x2920]  }
0x2a2: {  	v41 =	vld [tilespmem:s19+$0x2930]  }
0x2a3: {  	v42 =	vld [tilespmem:s19+$0x2940]  }
0x2a4: {  	v43 =	vld [tilespmem:s19+$0x2950]  }
0x2a5: {  	v44 =	vld [tilespmem:s19+$0x2960]  }
0x2a6: {  	v45 =	vld [tilespmem:s19+$0x2970]  }
0x2a7: {  	v46 =	vld [tilespmem:s19+$0x2D00]  }
0x2a8: {  	v47 =	vld [tilespmem:s19+$0x2D10]  }
0x2a9: {  	v48 =	vld [tilespmem:s19+$0x2D20]  }
0x2aa: {  	v49 =	vld [tilespmem:s19+$0x2D30]  }
0x2ab: {  	v5 =	vld [tilespmem:s19+$0x2D40]  }
0x2ac: {  	v4 =	vld [tilespmem:s19+$0x2D50]  }
0x2ad: {  	v3 =	vld [tilespmem:s19+$0x2D60]  }
0x2ae: {  	[tilespmem:s19+$0x10900] =	vst.add.f32.msk $0xffff, v6  }
0x2af: {  	[tilespmem:s19+$0x10910] =	vst.add.f32.msk $0xffff, v7  }
0x2b0: {  	[tilespmem:s19+$0x10920] =	vst.add.f32.msk $0xffff, v8  }
0x2b1: {  	[tilespmem:s19+$0x10930] =	vst.add.f32.msk $0xffff, v9  }
0x2b2: {  	[tilespmem:s19+$0x10940] =	vst.add.f32.msk $0xffff, v10  }
0x2b3: {  	[tilespmem:s19+$0x10950] =	vst.add.f32.msk $0xffff, v11  }
0x2b4: {  	[tilespmem:s19+$0x10960] =	vst.add.f32.msk $0xffff, v12  }
0x2b5: {  	[tilespmem:s19+$0x10970] =	vst.add.f32.msk $0xffff, v13  }
0x2b6: {  	[tilespmem:s19+$0x10D00] =	vst.add.f32.msk $0xffff, v14  }
0x2b7: {  	[tilespmem:s19+$0x10D10] =	vst.add.f32.msk $0xffff, v15  }
0x2b8: {  	[tilespmem:s19+$0x10D20] =	vst.add.f32.msk $0xffff, v16  }
0x2b9: {  	[tilespmem:s19+$0x10D30] =	vst.add.f32.msk $0xffff, v17  }
0x2ba: {  	[tilespmem:s19+$0x10D40] =	vst.add.f32.msk $0xffff, v18  }
0x2bb: {  	[tilespmem:s19+$0x10D50] =	vst.add.f32.msk $0xffff, v19  }
0x2bc: {  	[tilespmem:s19+$0x10D60] =	vst.add.f32.msk $0xffff, v20  }
0x2bd: {  	[tilespmem:s19+$0x10D70] =	vst.add.f32.msk $0xffff, v21  }
0x2be: {  	[tilespmem:s19+$0x11100] =	vst.add.f32.msk $0xffff, v22  }
0x2bf: {  	[tilespmem:s19+$0x11110] =	vst.add.f32.msk $0xffff, v23  }
0x2c0: {  	[tilespmem:s19+$0x11120] =	vst.add.f32.msk $0xffff, v24  }
0x2c1: {  	[tilespmem:s19+$0x11130] =	vst.add.f32.msk $0xffff, v25  }
0x2c2: {  	[tilespmem:s19+$0x11140] =	vst.add.f32.msk $0xffff, v26  }
0x2c3: {  	[tilespmem:s19+$0x11150] =	vst.add.f32.msk $0xffff, v27  }
0x2c4: {  	[tilespmem:s19+$0x11160] =	vst.add.f32.msk $0xffff, v28  }
0x2c5: {  	[tilespmem:s19+$0x11170] =	vst.add.f32.msk $0xffff, v29  }
0x2c6: {  	[tilespmem:s19+$0x11500] =	vst.add.f32.msk $0xffff, v30  }
0x2c7: {  	[tilespmem:s19+$0x11510] =	vst.add.f32.msk $0xffff, v31  }
0x2c8: {  	[tilespmem:s19+$0x11520] =	vst.add.f32.msk $0xffff, v32  }
0x2c9: {  	[tilespmem:s19+$0x11530] =	vst.add.f32.msk $0xffff, v33  }
0x2ca: {  	[tilespmem:s19+$0x11540] =	vst.add.f32.msk $0xffff, v34  }
0x2cb: {  	[tilespmem:s19+$0x11550] =	vst.add.f32.msk $0xffff, v35  }
0x2cc: {  	[tilespmem:s19+$0x11560] =	vst.add.f32.msk $0xffff, v36  }
0x2cd: {  	[tilespmem:s19+$0x11570] =	vst.add.f32.msk $0xffff, v37  }
0x2ce: {  	[tilespmem:s19+$0x11900] =	vst.add.f32.msk $0xffff, v38  }
0x2cf: {  	[tilespmem:s19+$0x11910] =	vst.add.f32.msk $0xffff, v39  }
0x2d0: {  	[tilespmem:s19+$0x11920] =	vst.add.f32.msk $0xffff, v40  }
0x2d1: {  	[tilespmem:s19+$0x11930] =	vst.add.f32.msk $0xffff, v41  }
0x2d2: {  	[tilespmem:s19+$0x11940] =	vst.add.f32.msk $0xffff, v42  }
0x2d3: {  	[tilespmem:s19+$0x11950] =	vst.add.f32.msk $0xffff, v43  }
0x2d4: {  	[tilespmem:s19+$0x11960] =	vst.add.f32.msk $0xffff, v44  }
.Ltmp1:
0x2d5: {  	[tilespmem:s19+$0x11970] =	vst.add.f32.msk $0xffff, v45;
	(pc) =	sbr.rel @p0 .LBB2_5-.Ltmp1, $4  }
0x2d6: {  	[tilespmem:s19+$0x11D00] =	vst.add.f32.msk $0xffff, v46  }
0x2d7: {  	[tilespmem:s19+$0x11D10] =	vst.add.f32.msk $0xffff, v47  }
0x2d8: {  	[tilespmem:s19+$0x11D20] =	vst.add.f32.msk $0xffff, v48  }
0x2d9: {  	s21 =	sshrl.u32 s20, $0x3;
	s20 =	sadd.s32 $0x1, s20;
	[tilespmem:s19+$0x11D30] =	vst.add.f32.msk $0xffff, v49  }
0x2da: {  	s20 =	smul.u32 $0x1800, s21;
	[tilespmem:s19+$0x11D40] =	vst.add.f32.msk $0xffff, v5;
	s18 =	sadd.s32 $0x80, s18  }
0x2db: {  	[tilespmem:s19+$0x11D50] =	vst.add.f32.msk $0xffff, v4;
	s18 =	sand.u32 $0x380, s18  }
0x2dc: {  	[tilespmem:s19+$0x11D60] =	vst.add.f32.msk $0xffff, v3;
	s18 =	sor.u32 s18, s20  }
0x2dd: {  	v3 =	vld [tilespmem:s18+$0x2D70]  }
0x2de: {  	v4 =	vld [tilespmem:s18+$0x1900]  }
0x2df: {  	v5 =	vld [tilespmem:s18+$0x1910]  }
0x2e0: {  	v6 =	vld [tilespmem:s18+$0x1920]  }
0x2e1: {  	v7 =	vld [tilespmem:s18+$0x1930]  }
0x2e2: {  	v8 =	vld [tilespmem:s18+$0x1950]  }
0x2e3: {  	v9 =	vld [tilespmem:s18+$0x1960]  }
0x2e4: {  	v10 =	vld [tilespmem:s18+$0x1970]  }
0x2e5: {  	v11 =	vld [tilespmem:s18+$0x1D00]  }
0x2e6: {  	v12 =	vld [tilespmem:s18+$0x1D10]  }
0x2e7: {  	v13 =	vld [tilespmem:s18+$0x1D20]  }
0x2e8: {  	v14 =	vld [tilespmem:s18+$0x1D30]  }
0x2e9: {  	v15 =	vld [tilespmem:s18+$0x1D40]  }
0x2ea: {  	v16 =	vld [tilespmem:s18+$0x1D50]  }
0x2eb: {  	v17 =	vld [tilespmem:s18+$0x1D60]  }
0x2ec: {  	v18 =	vld [tilespmem:s18+$0x1D70]  }
0x2ed: {  	v19 =	vld [tilespmem:s18+$0x2100]  }
0x2ee: {  	v20 =	vld [tilespmem:s18+$0x2110]  }
0x2ef: {  	v21 =	vld [tilespmem:s18+$0x2120]  }
0x2f0: {  	v22 =	vld [tilespmem:s18+$0x2130]  }
0x2f1: {  	v23 =	vld [tilespmem:s18+$0x2140]  }
0x2f2: {  	v24 =	vld [tilespmem:s18+$0x2150]  }
0x2f3: {  	v25 =	vld [tilespmem:s18+$0x2160]  }
0x2f4: {  	v26 =	vld [tilespmem:s18+$0x2170]  }
0x2f5: {  	v27 =	vld [tilespmem:s18+$0x2500]  }
0x2f6: {  	v28 =	vld [tilespmem:s18+$0x2510]  }
0x2f7: {  	v29 =	vld [tilespmem:s18+$0x2520]  }
0x2f8: {  	v30 =	vld [tilespmem:s18+$0x2530]  }
0x2f9: {  	v31 =	vld [tilespmem:s18+$0x2540]  }
0x2fa: {  	v32 =	vld [tilespmem:s18+$0x2550]  }
0x2fb: {  	v33 =	vld [tilespmem:s18+$0x2560]  }
0x2fc: {  	v34 =	vld [tilespmem:s18+$0x2570]  }
0x2fd: {  	v35 =	vld [tilespmem:s18+$0x2900]  }
0x2fe: {  	v36 =	vld [tilespmem:s18+$0x2910]  }
0x2ff: {  	v37 =	vld [tilespmem:s18+$0x2920]  }
0x300: {  	v38 =	vld [tilespmem:s18+$0x2930]  }
0x301: {  	v39 =	vld [tilespmem:s18+$0x2940]  }
0x302: {  	v40 =	vld [tilespmem:s18+$0x2950]  }
0x303: {  	v41 =	vld [tilespmem:s18+$0x2960]  }
0x304: {  	v42 =	vld [tilespmem:s18+$0x2970]  }
0x305: {  	v43 =	vld [tilespmem:s18+$0x2D00]  }
0x306: {  	v44 =	vld [tilespmem:s18+$0x2D10]  }
0x307: {  	v45 =	vld [tilespmem:s18+$0x2D20]  }
0x308: {  	v46 =	vld [tilespmem:s18+$0x2D30]  }
0x309: {  	v47 =	vld [tilespmem:s18+$0x2D40]  }
0x30a: {  	v48 =	vld [tilespmem:s18+$0x2D50]  }
0x30b: {  	v49 =	vld [tilespmem:s18+$0x2D60]  }
0x30c: {  	[tilespmem:s18+$0x11D70] =	vst.add.f32.msk $0xffff, v3  }
0x30d: {  	v3 =	vld [tilespmem:s18+$0x1940]  }
0x30e: {  	[tilespmem:s18+$0x10900] =	vst.add.f32.msk $0xffff, v4  }
0x30f: {  	[tilespmem:s18+$0x10910] =	vst.add.f32.msk $0xffff, v5  }
0x310: {  	[tilespmem:s18+$0x10920] =	vst.add.f32.msk $0xffff, v6  }
0x311: {  	[tilespmem:s18+$0x10930] =	vst.add.f32.msk $0xffff, v7  }
0x312: {  	[tilespmem:s18+$0x10950] =	vst.add.f32.msk $0xffff, v8  }
0x313: {  	[tilespmem:s18+$0x10960] =	vst.add.f32.msk $0xffff, v9  }
0x314: {  	[tilespmem:s18+$0x10970] =	vst.add.f32.msk $0xffff, v10  }
0x315: {  	[tilespmem:s18+$0x10D00] =	vst.add.f32.msk $0xffff, v11  }
0x316: {  	[tilespmem:s18+$0x10D10] =	vst.add.f32.msk $0xffff, v12  }
0x317: {  	[tilespmem:s18+$0x10D20] =	vst.add.f32.msk $0xffff, v13  }
0x318: {  	[tilespmem:s18+$0x10D30] =	vst.add.f32.msk $0xffff, v14  }
0x319: {  	[tilespmem:s18+$0x10D40] =	vst.add.f32.msk $0xffff, v15  }
0x31a: {  	[tilespmem:s18+$0x10D50] =	vst.add.f32.msk $0xffff, v16  }
0x31b: {  	[tilespmem:s18+$0x10D60] =	vst.add.f32.msk $0xffff, v17  }
0x31c: {  	[tilespmem:s18+$0x10D70] =	vst.add.f32.msk $0xffff, v18  }
0x31d: {  	[tilespmem:s18+$0x11100] =	vst.add.f32.msk $0xffff, v19  }
0x31e: {  	[tilespmem:s18+$0x11110] =	vst.add.f32.msk $0xffff, v20  }
0x31f: {  	[tilespmem:s18+$0x11120] =	vst.add.f32.msk $0xffff, v21  }
0x320: {  	[tilespmem:s18+$0x11130] =	vst.add.f32.msk $0xffff, v22  }
0x321: {  	[tilespmem:s18+$0x11140] =	vst.add.f32.msk $0xffff, v23  }
0x322: {  	[tilespmem:s18+$0x11150] =	vst.add.f32.msk $0xffff, v24  }
0x323: {  	[tilespmem:s18+$0x11160] =	vst.add.f32.msk $0xffff, v25  }
0x324: {  	[tilespmem:s18+$0x11170] =	vst.add.f32.msk $0xffff, v26  }
0x325: {  	[tilespmem:s18+$0x11500] =	vst.add.f32.msk $0xffff, v27  }
0x326: {  	[tilespmem:s18+$0x11510] =	vst.add.f32.msk $0xffff, v28  }
0x327: {  	[tilespmem:s18+$0x11520] =	vst.add.f32.msk $0xffff, v29  }
0x328: {  	[tilespmem:s18+$0x11530] =	vst.add.f32.msk $0xffff, v30  }
0x329: {  	[tilespmem:s18+$0x11540] =	vst.add.f32.msk $0xffff, v31  }
0x32a: {  	[tilespmem:s18+$0x11550] =	vst.add.f32.msk $0xffff, v32  }
0x32b: {  	[tilespmem:s18+$0x11560] =	vst.add.f32.msk $0xffff, v33  }
0x32c: {  	[tilespmem:s18+$0x11570] =	vst.add.f32.msk $0xffff, v34  }
0x32d: {  	[tilespmem:s18+$0x11900] =	vst.add.f32.msk $0xffff, v35  }
0x32e: {  	[tilespmem:s18+$0x11910] =	vst.add.f32.msk $0xffff, v36  }
0x32f: {  	[tilespmem:s18+$0x11920] =	vst.add.f32.msk $0xffff, v37  }
0x330: {  	[tilespmem:s18+$0x11930] =	vst.add.f32.msk $0xffff, v38  }
0x331: {  	[tilespmem:s18+$0x11940] =	vst.add.f32.msk $0xffff, v39  }
0x332: {  	[tilespmem:s18+$0x11950] =	vst.add.f32.msk $0xffff, v40  }
0x333: {  	[tilespmem:s18+$0x11960] =	vst.add.f32.msk $0xffff, v41  }
0x334: {  	[tilespmem:s18+$0x11970] =	vst.add.f32.msk $0xffff, v42  }
0x335: {  	s17 =	smul.u32 $0x28, s17;
	[tilespmem:s18+$0x11D00] =	vst.add.f32.msk $0xffff, v43  }
0x336: {  	s16 =	smul.u32 $0xC8, s16;
	[tilespmem:s18+$0x11D10] =	vst.add.f32.msk $0xffff, v44  }
0x337: {  	s17 =	sadd.s32 s5, s17;
	[tilespmem:s18+$0x11D20] =	vst.add.f32.msk $0xffff, v45  }
0x338: {  	s16 =	sadd.s32 s16, s17;
	[tilespmem:s18+$0x11D30] =	vst.add.f32.msk $0xffff, v46  }
0x339: {  	s16 =	sshrl.u32 s16, $0x3;
	[tilespmem:s18+$0x11D40] =	vst.add.f32.msk $0xffff, v47  }
0x33a: {  	s16 =	smul.u32 $0x300, s16;
	[tilespmem:s18+$0x11D50] =	vst.add.f32.msk $0xffff, v48  }
0x33b: {  	p0 =	sne.s32 s10, $0x0;
	[tilespmem:s18+$0x11D60] =	vst.add.f32.msk $0xffff, v49  }
0x33c: {  	s17 =	smul.u32 @!p0 $0xF00, s14;
	s16 =	sadd.s32 s4, s16;
	[tilespmem:s18+$0x10940] =	vst.add.f32.msk $0xffff, v3  }
0x33d: {  	[hbm4b:s16+s6] =	stream.linear.scatter [tilespmem:s29], [sflag:$0x5], $0x7800, $0x38;
	[tilespmem:$0x1F900] =	vst v63  }
0x33e: {  	s18 =	simm.s32 @!p0 $0x1900;
	s16 =	sadd.s32 @!p0 s3, s17;
	s17 =	simm.s32 @!p0 $0x0  }
0x33f: {  	[tilespmem:s18], [sflag:$0x7] =	stream.linear.gather @!p0 [hbm4b:s16+s17], $0x7800, $0x38;
	[tilespmem:$0x1F900] =	vst v63  }
0x340: {  	s16 =	simm.s32 @!p0 $0x7  }
0x341: {  	_ =	swait.ge @!p0 [sflag:s16], $0x7800  }
0x342: {  	[sflag:s16] =	ssyncset.done @!p0 $0x0  }
0x343: {  	[sflag:s16] =	ssyncadd.s32 @!p0 $0xFFFF8800;
	p0 =	seq.s32 s7, $0x34  }
.Ltmp2:
0x344: {  	_ = 	snop;
	(pc) =	sbr.rel @p0 .LBB2_8-.Ltmp2, $4  }
0x345: {  	_ = 	snop  }
0x346: {  	_ =	swait.ge [sflag:s2], $0x7800  }
0x347: {  	[sflag:s2] =	ssyncset.done $0x0  }
0x348: {  	[sflag:s2] =	ssyncadd.s32 $0xFFFF8800  }
0x349: {  	s15 =	sadd.s32 $0x4, s15  }
0x34a: {  	s16 =	sand.u32 $0x1F, s15  }
0x34b: {  	s15 =	sshrl.u32 s15, $0x5;
	s16 =	smul.u32 $0x320, s16  }
0x34c: {  	s15 =	smul.u32 $0xA0, s15;
	_ =	sdelay $0x1  }
0x34d: {  	s16 =	sshrl.u32 s16, $0x2;
	s15 =	sshra.s32 s15, $0x2  }
0x34e: {  	s15 =	sadd.s32 s15, s16  }
0x34f: {  	v3 =	vld [tilespmem:s15+$0x0];
	_ =	sdelay $0x4  }
0x350: {  	v4 =	vshrl.u32 v3, $0x3  }
0x351: {  	v4 =	vmul.u32 $0x30, v4  }
0x352: {  	v3 =	vand.u32 $0x7, v3  }
0x353: {  	v3 =	vor.u32 v3, v4  }
0x354: {  	v4 =	vperm.xlane v3, v0;
	_ =	sdelay $0x1  }
0x355: {  	v4 =	vadd.s32 v1, v4;
	_ =	sdelay $0x3  }
0x356: {  	v3 =	vperm.xlane v3, v2  }
0x357: {  	[tilespmem:s29], [sflag:$0x2] =	stream.indirect_vreg.gather [hbm4b:s1+s6], $0x80, v4, vm0, $0xb8;
	[tilespmem:$0x1F900] =	vst v63  }
0x358: {  	s21 =	simm.s32 $0x11100;
	v3 =	vadd.s32 v1, v3  }
0x359: {  	[tilespmem:s21], [sflag:$0x2] =	stream.indirect_vreg.gather [hbm4b:s8+s6], $0x80, v4, vm0, $0xb8;
	[tilespmem:$0x1F900] =	vst v63  }
0x35a: {  	s22 =	simm.s32 $0x11900  }
0x35b: {  	[tilespmem:s22], [sflag:$0x2] =	stream.indirect_vreg.gather [hbm4b:s9+s6], $0x80, v4, vm0, $0xb8;
	[tilespmem:$0x1F900] =	vst v63  }
0x35c: {  	s17 =	simm.s32 $0x12100  }
0x35d: {  	[tilespmem:s17], [sflag:$0x2] =	stream.indirect_vreg.gather [hbm4b:s1+s6], $0x80, v3, vm0, $0xb8;
	[tilespmem:$0x1F900] =	vst v63  }
0x35e: {  	s18 =	simm.s32 $0x12900  }
0x35f: {  	[tilespmem:s18], [sflag:$0x2] =	stream.indirect_vreg.gather [hbm4b:s8+s6], $0x80, v3, vm0, $0xb8;
	[tilespmem:$0x1F900] =	vst v63  }
0x360: {  	s19 =	simm.s32 $0x13100  }
0x361: {  	[tilespmem:s19], [sflag:$0x2] =	stream.indirect_vreg.gather [hbm4b:s9+s6], $0x80, v3, vm0, $0xb8;
	[tilespmem:$0x1F900] =	vst v63  }
0x362: {  	v3 =	vld [tilespmem:s15+$0x10];
	_ =	sdelay $0x4  }
0x363: {  	v62 =	vshrl.u32 v3, $0x3  }
0x364: {  	v4 =	vmul.u32 $0x30, v62  }
0x365: {  	v3 =	vand.u32 $0x7, v3  }
0x366: {  	v3 =	vor.u32 v3, v4  }
0x367: {  	v4 =	vperm.xlane v3, v0;
	_ =	sdelay $0x1  }
0x368: {  	v4 =	vadd.s32 v1, v4;
	_ =	sdelay $0x3  }
0x369: {  	s20 =	simm.s32 $0x13900;
	v3 =	vperm.xlane v3, v2  }
0x36a: {  	[tilespmem:s20], [sflag:$0x2] =	stream.indirect_vreg.gather [hbm4b:s1+s6], $0x80, v4, vm0, $0xb8;
	[tilespmem:$0x1F900] =	vst v63  }
0x36b: {  	s21 =	simm.s32 $0x14100;
	v3 =	vadd.s32 v1, v3  }
0x36c: {  	[tilespmem:s21], [sflag:$0x2] =	stream.indirect_vreg.gather [hbm4b:s8+s6], $0x80, v4, vm0, $0xb8;
	[tilespmem:$0x1F900] =	vst v63  }
0x36d: {  	s22 =	simm.s32 $0x14900  }
0x36e: {  	[tilespmem:s22], [sflag:$0x2] =	stream.indirect_vreg.gather [hbm4b:s9+s6], $0x80, v4, vm0, $0xb8;
	[tilespmem:$0x1F900] =	vst v63  }
0x36f: {  	s17 =	simm.s32 $0x15100  }
0x370: {  	[tilespmem:s17], [sflag:$0x2] =	stream.indirect_vreg.gather [hbm4b:s1+s6], $0x80, v3, vm0, $0xb8;
	[tilespmem:$0x1F900] =	vst v63  }
0x371: {  	s18 =	simm.s32 $0x15900  }
0x372: {  	[tilespmem:s18], [sflag:$0x2] =	stream.indirect_vreg.gather [hbm4b:s8+s6], $0x80, v3, vm0, $0xb8;
	[tilespmem:$0x1F900] =	vst v63  }
0x373: {  	s19 =	simm.s32 $0x16100  }
0x374: {  	[tilespmem:s19], [sflag:$0x2] =	stream.indirect_vreg.gather [hbm4b:s9+s6], $0x80, v3, vm0, $0xb8;
	[tilespmem:$0x1F900] =	vst v63  }
0x375: {  	v3 =	vld.msk [tilespmem:s15+$0x20], $0xff;
	_ =	sdelay $0x4  }
0x376: {  	v63 =	vshrl.u32 v3, $0x3  }
0x377: {  	v4 =	vmul.u32 $0x30, v63  }
0x378: {  	v3 =	vand.u32 $0x7, v3  }
0x379: {  	v3 =	vor.u32 v3, v4  }
0x37a: {  	v3 =	vperm.xlane v3, v0;
	_ =	sdelay $0x1  }
0x37b: {  	v3 =	vadd.s32 v1, v3;
	_ =	sdelay $0x3  }
0x37c: {  	s20 =	simm.s32 $0x16900  }
0x37d: {  	[tilespmem:s20], [sflag:$0x2] =	stream.indirect_vreg.gather [hbm4b:s1+s6], $0x80, v3, vm0, $0xb8;
	[tilespmem:$0x1F900] =	vst v63  }
0x37e: {  	s21 =	simm.s32 $0x17100  }
0x37f: {  	[tilespmem:s21], [sflag:$0x2] =	stream.indirect_vreg.gather [hbm4b:s8+s6], $0x80, v3, vm0, $0xb8;
	[tilespmem:$0x1F900] =	vst v63  }
0x380: {  	s22 =	simm.s32 $0x17900  }
0x381: {  	[tilespmem:s22], [sflag:$0x2] =	stream.indirect_vreg.gather [hbm4b:s9+s6], $0x80, v3, vm0, $0xb8;
	[tilespmem:$0x1F900] =	vst v63  }
.LBB2_8:
0x382: {  	s16 =	simm.s32 $0x0  }
0x383: {  	_ =	swait.ge [sflag:s0], $0x7800;
	s15 =	simm.s32 $0x0;
	s16 =	smul.u32 $0x1800, s16  }
0x384: {  	[sflag:s0] =	ssyncset.done $0x0;
	s17 =	sand.u32 $0x380, s15  }
0x385: {  	[sflag:s0] =	ssyncadd.s32 $0xFFFF8800;
	s16 =	sor.u32 s17, s16  }
0x386: {  	v3 =	vld [tilespmem:s16+$0x2D70]  }
0x387: {  	v6 =	vld [tilespmem:s16+$0x1900]  }
0x388: {  	v7 =	vld [tilespmem:s16+$0x1910]  }
0x389: {  	v8 =	vld [tilespmem:s16+$0x1920]  }
0x38a: {  	v9 =	vld [tilespmem:s16+$0x1930]  }
0x38b: {  	v10 =	vld [tilespmem:s16+$0x1940]  }
0x38c: {  	v11 =	vld [tilespmem:s16+$0x1950]  }
0x38d: {  	v12 =	vld [tilespmem:s16+$0x1960]  }
0x38e: {  	v13 =	vld [tilespmem:s16+$0x1970]  }
0x38f: {  	v14 =	vld [tilespmem:s16+$0x1D00]  }
0x390: {  	v15 =	vld [tilespmem:s16+$0x1D10]  }
0x391: {  	v16 =	vld [tilespmem:s16+$0x1D20]  }
0x392: {  	v17 =	vld [tilespmem:s16+$0x1D30]  }
0x393: {  	v18 =	vld [tilespmem:s16+$0x1D40]  }
0x394: {  	v19 =	vld [tilespmem:s16+$0x1D50]  }
0x395: {  	v20 =	vld [tilespmem:s16+$0x1D60]  }
0x396: {  	v21 =	vld [tilespmem:s16+$0x1D70]  }
0x397: {  	v22 =	vld [tilespmem:s16+$0x2100]  }
0x398: {  	v23 =	vld [tilespmem:s16+$0x2110]  }
0x399: {  	v24 =	vld [tilespmem:s16+$0x2120]  }
0x39a: {  	v25 =	vld [tilespmem:s16+$0x2130]  }
0x39b: {  	v26 =	vld [tilespmem:s16+$0x2140]  }
0x39c: {  	v27 =	vld [tilespmem:s16+$0x2150]  }
0x39d: {  	v28 =	vld [tilespmem:s16+$0x2160]  }
0x39e: {  	v29 =	vld [tilespmem:s16+$0x2170]  }
0x39f: {  	v30 =	vld [tilespmem:s16+$0x2500]  }
0x3a0: {  	v31 =	vld [tilespmem:s16+$0x2510]  }
0x3a1: {  	v32 =	vld [tilespmem:s16+$0x2520]  }
0x3a2: {  	v33 =	vld [tilespmem:s16+$0x2530]  }
0x3a3: {  	v34 =	vld [tilespmem:s16+$0x2540]  }
0x3a4: {  	v35 =	vld [tilespmem:s16+$0x2550]  }
0x3a5: {  	v36 =	vld [tilespmem:s16+$0x2560]  }
0x3a6: {  	v37 =	vld [tilespmem:s16+$0x2570]  }
0x3a7: {  	v38 =	vld [tilespmem:s16+$0x2900]  }
0x3a8: {  	v39 =	vld [tilespmem:s16+$0x2910]  }
0x3a9: {  	v40 =	vld [tilespmem:s16+$0x2920]  }
0x3aa: {  	v41 =	vld [tilespmem:s16+$0x2930]  }
0x3ab: {  	v42 =	vld [tilespmem:s16+$0x2940]  }
0x3ac: {  	v43 =	vld [tilespmem:s16+$0x2950]  }
0x3ad: {  	v44 =	vld [tilespmem:s16+$0x2960]  }
0x3ae: {  	v45 =	vld [tilespmem:s16+$0x2970]  }
0x3af: {  	v46 =	vld [tilespmem:s16+$0x2D00]  }
0x3b0: {  	v47 =	vld [tilespmem:s16+$0x2D10]  }
0x3b1: {  	v48 =	vld [tilespmem:s16+$0x2D20]  }
0x3b2: {  	v49 =	vld [tilespmem:s16+$0x2D30]  }
0x3b3: {  	v5 =	vld [tilespmem:s16+$0x2D40]  }
0x3b4: {  	v4 =	vld [tilespmem:s16+$0x2D50]  }
0x3b5: {  	[tilespmem:s16+$0x19570] =	vst.add.f32.msk $0xffff, v3  }
0x3b6: {  	v3 =	vld [tilespmem:s16+$0x2D60]  }
0x3b7: {  	[tilespmem:s16+$0x18100] =	vst.add.f32.msk $0xffff, v6  }
0x3b8: {  	[tilespmem:s16+$0x18110] =	vst.add.f32.msk $0xffff, v7  }
0x3b9: {  	[tilespmem:s16+$0x18120] =	vst.add.f32.msk $0xffff, v8  }
0x3ba: {  	[tilespmem:s16+$0x18130] =	vst.add.f32.msk $0xffff, v9  }
0x3bb: {  	[tilespmem:s16+$0x18140] =	vst.add.f32.msk $0xffff, v10  }
0x3bc: {  	[tilespmem:s16+$0x18150] =	vst.add.f32.msk $0xffff, v11  }
0x3bd: {  	[tilespmem:s16+$0x18160] =	vst.add.f32.msk $0xffff, v12  }
0x3be: {  	[tilespmem:s16+$0x18170] =	vst.add.f32.msk $0xffff, v13  }
0x3bf: {  	[tilespmem:s16+$0x18500] =	vst.add.f32.msk $0xffff, v14  }
0x3c0: {  	[tilespmem:s16+$0x18510] =	vst.add.f32.msk $0xffff, v15  }
0x3c1: {  	[tilespmem:s16+$0x18520] =	vst.add.f32.msk $0xffff, v16  }
0x3c2: {  	[tilespmem:s16+$0x18530] =	vst.add.f32.msk $0xffff, v17  }
0x3c3: {  	[tilespmem:s16+$0x18540] =	vst.add.f32.msk $0xffff, v18  }
0x3c4: {  	[tilespmem:s16+$0x18550] =	vst.add.f32.msk $0xffff, v19  }
0x3c5: {  	[tilespmem:s16+$0x18560] =	vst.add.f32.msk $0xffff, v20  }
0x3c6: {  	[tilespmem:s16+$0x18570] =	vst.add.f32.msk $0xffff, v21  }
0x3c7: {  	[tilespmem:s16+$0x18900] =	vst.add.f32.msk $0xffff, v22  }
0x3c8: {  	[tilespmem:s16+$0x18910] =	vst.add.f32.msk $0xffff, v23  }
0x3c9: {  	[tilespmem:s16+$0x18920] =	vst.add.f32.msk $0xffff, v24  }
0x3ca: {  	[tilespmem:s16+$0x18930] =	vst.add.f32.msk $0xffff, v25  }
0x3cb: {  	[tilespmem:s16+$0x18940] =	vst.add.f32.msk $0xffff, v26  }
0x3cc: {  	[tilespmem:s16+$0x18950] =	vst.add.f32.msk $0xffff, v27  }
0x3cd: {  	[tilespmem:s16+$0x18960] =	vst.add.f32.msk $0xffff, v28  }
0x3ce: {  	[tilespmem:s16+$0x18970] =	vst.add.f32.msk $0xffff, v29  }
0x3cf: {  	[tilespmem:s16+$0x18D00] =	vst.add.f32.msk $0xffff, v30  }
0x3d0: {  	[tilespmem:s16+$0x18D10] =	vst.add.f32.msk $0xffff, v31  }
0x3d1: {  	[tilespmem:s16+$0x18D20] =	vst.add.f32.msk $0xffff, v32  }
0x3d2: {  	[tilespmem:s16+$0x18D30] =	vst.add.f32.msk $0xffff, v33  }
0x3d3: {  	[tilespmem:s16+$0x18D40] =	vst.add.f32.msk $0xffff, v34  }
0x3d4: {  	[tilespmem:s16+$0x18D50] =	vst.add.f32.msk $0xffff, v35  }
0x3d5: {  	[tilespmem:s16+$0x18D60] =	vst.add.f32.msk $0xffff, v36  }
0x3d6: {  	[tilespmem:s16+$0x18D70] =	vst.add.f32.msk $0xffff, v37  }
0x3d7: {  	[tilespmem:s16+$0x19100] =	vst.add.f32.msk $0xffff, v38  }
0x3d8: {  	[tilespmem:s16+$0x19110] =	vst.add.f32.msk $0xffff, v39  }
0x3d9: {  	[tilespmem:s16+$0x19120] =	vst.add.f32.msk $0xffff, v40  }
0x3da: {  	[tilespmem:s16+$0x19130] =	vst.add.f32.msk $0xffff, v41  }
0x3db: {  	[tilespmem:s16+$0x19140] =	vst.add.f32.msk $0xffff, v42  }
0x3dc: {  	[tilespmem:s16+$0x19150] =	vst.add.f32.msk $0xffff, v43  }
0x3dd: {  	[tilespmem:s16+$0x19160] =	vst.add.f32.msk $0xffff, v44  }
0x3de: {  	[tilespmem:s16+$0x19170] =	vst.add.f32.msk $0xffff, v45  }
0x3df: {  	[tilespmem:s16+$0x19500] =	vst.add.f32.msk $0xffff, v46  }
0x3e0: {  	[tilespmem:s16+$0x19510] =	vst.add.f32.msk $0xffff, v47  }
0x3e1: {  	[tilespmem:s16+$0x19520] =	vst.add.f32.msk $0xffff, v48  }
0x3e2: {  	s18 =	simm.s32 $0x0;
	s17 =	simm.s32 $0x2;
	[tilespmem:s16+$0x19530] =	vst.add.f32.msk $0xffff, v49  }
.LBB2_9:
0x3e3: {  	p0 =	sne.s32 s17, $0x27;
	s18 =	smul.u32 $0x1800, s18;
	[tilespmem:s16+$0x19540] =	vst.add.f32.msk $0xffff, v5;
	s15 =	sadd.s32 $0x80, s15  }
0x3e4: {  	s19 =	sand.u32 $0x380, s15;
	[tilespmem:s16+$0x19550] =	vst.add.f32.msk $0xffff, v4  }
0x3e5: {  	[tilespmem:s16+$0x19560] =	vst.add.f32.msk $0xffff, v3;
	s16 =	sor.u32 s19, s18  }
0x3e6: {  	v3 =	vld [tilespmem:s16+$0x2D70]  }
0x3e7: {  	v6 =	vld [tilespmem:s16+$0x1900]  }
0x3e8: {  	v7 =	vld [tilespmem:s16+$0x1910]  }
0x3e9: {  	v8 =	vld [tilespmem:s16+$0x1920]  }
0x3ea: {  	v9 =	vld [tilespmem:s16+$0x1930]  }
0x3eb: {  	[tilespmem:s16+$0x19570] =	vst.add.f32.msk $0xffff, v3  }
0x3ec: {  	v10 =	vld [tilespmem:s16+$0x1940]  }
0x3ed: {  	v11 =	vld [tilespmem:s16+$0x1950]  }
0x3ee: {  	v12 =	vld [tilespmem:s16+$0x1960]  }
0x3ef: {  	v13 =	vld [tilespmem:s16+$0x1970]  }
0x3f0: {  	v14 =	vld [tilespmem:s16+$0x1D00]  }
0x3f1: {  	v15 =	vld [tilespmem:s16+$0x1D10]  }
0x3f2: {  	v16 =	vld [tilespmem:s16+$0x1D20]  }
0x3f3: {  	v17 =	vld [tilespmem:s16+$0x1D30]  }
0x3f4: {  	v18 =	vld [tilespmem:s16+$0x1D40]  }
0x3f5: {  	v19 =	vld [tilespmem:s16+$0x1D50]  }
0x3f6: {  	v20 =	vld [tilespmem:s16+$0x1D60]  }
0x3f7: {  	v21 =	vld [tilespmem:s16+$0x1D70]  }
0x3f8: {  	v22 =	vld [tilespmem:s16+$0x2100]  }
0x3f9: {  	v23 =	vld [tilespmem:s16+$0x2110]  }
0x3fa: {  	v24 =	vld [tilespmem:s16+$0x2120]  }
0x3fb: {  	v25 =	vld [tilespmem:s16+$0x2130]  }
0x3fc: {  	v26 =	vld [tilespmem:s16+$0x2140]  }
0x3fd: {  	v27 =	vld [tilespmem:s16+$0x2150]  }
0x3fe: {  	v28 =	vld [tilespmem:s16+$0x2160]  }
0x3ff: {  	v29 =	vld [tilespmem:s16+$0x2170]  }
0x400: {  	v30 =	vld [tilespmem:s16+$0x2500]  }
0x401: {  	v31 =	vld [tilespmem:s16+$0x2510]  }
0x402: {  	v32 =	vld [tilespmem:s16+$0x2520]  }
0x403: {  	v33 =	vld [tilespmem:s16+$0x2530]  }
0x404: {  	v34 =	vld [tilespmem:s16+$0x2540]  }
0x405: {  	v35 =	vld [tilespmem:s16+$0x2550]  }
0x406: {  	v36 =	vld [tilespmem:s16+$0x2560]  }
0x407: {  	v37 =	vld [tilespmem:s16+$0x2570]  }
0x408: {  	v38 =	vld [tilespmem:s16+$0x2900]  }
0x409: {  	v39 =	vld [tilespmem:s16+$0x2910]  }
0x40a: {  	v40 =	vld [tilespmem:s16+$0x2920]  }
0x40b: {  	v41 =	vld [tilespmem:s16+$0x2930]  }
0x40c: {  	v42 =	vld [tilespmem:s16+$0x2940]  }
0x40d: {  	v43 =	vld [tilespmem:s16+$0x2950]  }
0x40e: {  	v44 =	vld [tilespmem:s16+$0x2960]  }
0x40f: {  	v45 =	vld [tilespmem:s16+$0x2970]  }
0x410: {  	v46 =	vld [tilespmem:s16+$0x2D00]  }
0x411: {  	v47 =	vld [tilespmem:s16+$0x2D10]  }
0x412: {  	v48 =	vld [tilespmem:s16+$0x2D20]  }
0x413: {  	v49 =	vld [tilespmem:s16+$0x2D30]  }
0x414: {  	v5 =	vld [tilespmem:s16+$0x2D40]  }
0x415: {  	v4 =	vld [tilespmem:s16+$0x2D50]  }
0x416: {  	v3 =	vld [tilespmem:s16+$0x2D60]  }
0x417: {  	[tilespmem:s16+$0x18100] =	vst.add.f32.msk $0xffff, v6  }
0x418: {  	[tilespmem:s16+$0x18110] =	vst.add.f32.msk $0xffff, v7  }
0x419: {  	[tilespmem:s16+$0x18120] =	vst.add.f32.msk $0xffff, v8  }
0x41a: {  	[tilespmem:s16+$0x18130] =	vst.add.f32.msk $0xffff, v9  }
0x41b: {  	[tilespmem:s16+$0x18140] =	vst.add.f32.msk $0xffff, v10  }
0x41c: {  	[tilespmem:s16+$0x18150] =	vst.add.f32.msk $0xffff, v11  }
0x41d: {  	[tilespmem:s16+$0x18160] =	vst.add.f32.msk $0xffff, v12  }
0x41e: {  	[tilespmem:s16+$0x18170] =	vst.add.f32.msk $0xffff, v13  }
0x41f: {  	[tilespmem:s16+$0x18500] =	vst.add.f32.msk $0xffff, v14  }
0x420: {  	[tilespmem:s16+$0x18510] =	vst.add.f32.msk $0xffff, v15  }
0x421: {  	[tilespmem:s16+$0x18520] =	vst.add.f32.msk $0xffff, v16  }
0x422: {  	[tilespmem:s16+$0x18530] =	vst.add.f32.msk $0xffff, v17  }
0x423: {  	[tilespmem:s16+$0x18540] =	vst.add.f32.msk $0xffff, v18  }
0x424: {  	[tilespmem:s16+$0x18550] =	vst.add.f32.msk $0xffff, v19  }
0x425: {  	[tilespmem:s16+$0x18560] =	vst.add.f32.msk $0xffff, v20  }
0x426: {  	[tilespmem:s16+$0x18570] =	vst.add.f32.msk $0xffff, v21  }
0x427: {  	[tilespmem:s16+$0x18900] =	vst.add.f32.msk $0xffff, v22  }
0x428: {  	[tilespmem:s16+$0x18910] =	vst.add.f32.msk $0xffff, v23  }
0x429: {  	[tilespmem:s16+$0x18920] =	vst.add.f32.msk $0xffff, v24  }
0x42a: {  	[tilespmem:s16+$0x18930] =	vst.add.f32.msk $0xffff, v25  }
0x42b: {  	[tilespmem:s16+$0x18940] =	vst.add.f32.msk $0xffff, v26  }
0x42c: {  	[tilespmem:s16+$0x18950] =	vst.add.f32.msk $0xffff, v27  }
0x42d: {  	[tilespmem:s16+$0x18960] =	vst.add.f32.msk $0xffff, v28  }
0x42e: {  	[tilespmem:s16+$0x18970] =	vst.add.f32.msk $0xffff, v29  }
0x42f: {  	[tilespmem:s16+$0x18D00] =	vst.add.f32.msk $0xffff, v30  }
0x430: {  	[tilespmem:s16+$0x18D10] =	vst.add.f32.msk $0xffff, v31  }
0x431: {  	[tilespmem:s16+$0x18D20] =	vst.add.f32.msk $0xffff, v32  }
0x432: {  	[tilespmem:s16+$0x18D30] =	vst.add.f32.msk $0xffff, v33  }
0x433: {  	[tilespmem:s16+$0x18D40] =	vst.add.f32.msk $0xffff, v34  }
0x434: {  	[tilespmem:s16+$0x18D50] =	vst.add.f32.msk $0xffff, v35  }
0x435: {  	[tilespmem:s16+$0x18D60] =	vst.add.f32.msk $0xffff, v36  }
0x436: {  	[tilespmem:s16+$0x18D70] =	vst.add.f32.msk $0xffff, v37  }
0x437: {  	[tilespmem:s16+$0x19100] =	vst.add.f32.msk $0xffff, v38  }
0x438: {  	[tilespmem:s16+$0x19110] =	vst.add.f32.msk $0xffff, v39  }
0x439: {  	[tilespmem:s16+$0x19120] =	vst.add.f32.msk $0xffff, v40  }
0x43a: {  	[tilespmem:s16+$0x19130] =	vst.add.f32.msk $0xffff, v41  }
0x43b: {  	[tilespmem:s16+$0x19140] =	vst.add.f32.msk $0xffff, v42  }
0x43c: {  	[tilespmem:s16+$0x19150] =	vst.add.f32.msk $0xffff, v43  }
0x43d: {  	[tilespmem:s16+$0x19160] =	vst.add.f32.msk $0xffff, v44  }
.Ltmp3:
0x43e: {  	[tilespmem:s16+$0x19170] =	vst.add.f32.msk $0xffff, v45;
	(pc) =	sbr.rel @p0 .LBB2_9-.Ltmp3, $4  }
0x43f: {  	[tilespmem:s16+$0x19500] =	vst.add.f32.msk $0xffff, v46  }
0x440: {  	[tilespmem:s16+$0x19510] =	vst.add.f32.msk $0xffff, v47  }
0x441: {  	[tilespmem:s16+$0x19520] =	vst.add.f32.msk $0xffff, v48  }
0x442: {  	s18 =	sshrl.u32 s17, $0x3;
	s17 =	sadd.s32 $0x1, s17;
	[tilespmem:s16+$0x19530] =	vst.add.f32.msk $0xffff, v49  }
0x443: {  	s17 =	smul.u32 $0x1800, s18;
	[tilespmem:s16+$0x19540] =	vst.add.f32.msk $0xffff, v5;
	s15 =	sadd.s32 $0x80, s15  }
0x444: {  	[tilespmem:s16+$0x19550] =	vst.add.f32.msk $0xffff, v4;
	s15 =	sand.u32 $0x380, s15  }
0x445: {  	[tilespmem:s16+$0x19560] =	vst.add.f32.msk $0xffff, v3;
	s15 =	sor.u32 s15, s17  }
0x446: {  	v3 =	vld [tilespmem:s15+$0x2D70]  }
0x447: {  	v4 =	vld [tilespmem:s15+$0x1900]  }
0x448: {  	v5 =	vld [tilespmem:s15+$0x1910]  }
0x449: {  	v6 =	vld [tilespmem:s15+$0x1920]  }
0x44a: {  	v7 =	vld [tilespmem:s15+$0x1930]  }
0x44b: {  	v8 =	vld [tilespmem:s15+$0x1950]  }
0x44c: {  	v9 =	vld [tilespmem:s15+$0x1960]  }
0x44d: {  	v10 =	vld [tilespmem:s15+$0x1970]  }
0x44e: {  	v11 =	vld [tilespmem:s15+$0x1D00]  }
0x44f: {  	v12 =	vld [tilespmem:s15+$0x1D10]  }
0x450: {  	v13 =	vld [tilespmem:s15+$0x1D20]  }
0x451: {  	v14 =	vld [tilespmem:s15+$0x1D30]  }
0x452: {  	v15 =	vld [tilespmem:s15+$0x1D40]  }
0x453: {  	v16 =	vld [tilespmem:s15+$0x1D50]  }
0x454: {  	v17 =	vld [tilespmem:s15+$0x1D60]  }
0x455: {  	v18 =	vld [tilespmem:s15+$0x1D70]  }
0x456: {  	v19 =	vld [tilespmem:s15+$0x2100]  }
0x457: {  	v20 =	vld [tilespmem:s15+$0x2110]  }
0x458: {  	v21 =	vld [tilespmem:s15+$0x2120]  }
0x459: {  	v22 =	vld [tilespmem:s15+$0x2130]  }
0x45a: {  	v23 =	vld [tilespmem:s15+$0x2140]  }
0x45b: {  	v24 =	vld [tilespmem:s15+$0x2150]  }
0x45c: {  	v25 =	vld [tilespmem:s15+$0x2160]  }
0x45d: {  	v26 =	vld [tilespmem:s15+$0x2170]  }
0x45e: {  	v27 =	vld [tilespmem:s15+$0x2500]  }
0x45f: {  	v28 =	vld [tilespmem:s15+$0x2510]  }
0x460: {  	v29 =	vld [tilespmem:s15+$0x2520]  }
0x461: {  	v30 =	vld [tilespmem:s15+$0x2530]  }
0x462: {  	v31 =	vld [tilespmem:s15+$0x2540]  }
0x463: {  	v32 =	vld [tilespmem:s15+$0x2550]  }
0x464: {  	v33 =	vld [tilespmem:s15+$0x2560]  }
0x465: {  	v34 =	vld [tilespmem:s15+$0x2570]  }
0x466: {  	v35 =	vld [tilespmem:s15+$0x2900]  }
0x467: {  	v36 =	vld [tilespmem:s15+$0x2910]  }
0x468: {  	v37 =	vld [tilespmem:s15+$0x2920]  }
0x469: {  	v38 =	vld [tilespmem:s15+$0x2930]  }
0x46a: {  	v39 =	vld [tilespmem:s15+$0x2940]  }
0x46b: {  	v40 =	vld [tilespmem:s15+$0x2950]  }
0x46c: {  	v41 =	vld [tilespmem:s15+$0x2960]  }
0x46d: {  	v42 =	vld [tilespmem:s15+$0x2970]  }
0x46e: {  	v43 =	vld [tilespmem:s15+$0x2D00]  }
0x46f: {  	v44 =	vld [tilespmem:s15+$0x2D10]  }
0x470: {  	v45 =	vld [tilespmem:s15+$0x2D20]  }
0x471: {  	v46 =	vld [tilespmem:s15+$0x2D30]  }
0x472: {  	v47 =	vld [tilespmem:s15+$0x2D40]  }
0x473: {  	v48 =	vld [tilespmem:s15+$0x2D50]  }
0x474: {  	v49 =	vld [tilespmem:s15+$0x2D60]  }
0x475: {  	[tilespmem:s15+$0x19570] =	vst.add.f32.msk $0xffff, v3  }
0x476: {  	v3 =	vld [tilespmem:s15+$0x1940]  }
0x477: {  	[tilespmem:s15+$0x18100] =	vst.add.f32.msk $0xffff, v4  }
0x478: {  	[tilespmem:s15+$0x18110] =	vst.add.f32.msk $0xffff, v5  }
0x479: {  	[tilespmem:s15+$0x18120] =	vst.add.f32.msk $0xffff, v6  }
0x47a: {  	[tilespmem:s15+$0x18130] =	vst.add.f32.msk $0xffff, v7  }
0x47b: {  	[tilespmem:s15+$0x18150] =	vst.add.f32.msk $0xffff, v8  }
0x47c: {  	[tilespmem:s15+$0x18160] =	vst.add.f32.msk $0xffff, v9  }
0x47d: {  	[tilespmem:s15+$0x18170] =	vst.add.f32.msk $0xffff, v10  }
0x47e: {  	[tilespmem:s15+$0x18500] =	vst.add.f32.msk $0xffff, v11  }
0x47f: {  	[tilespmem:s15+$0x18510] =	vst.add.f32.msk $0xffff, v12  }
0x480: {  	[tilespmem:s15+$0x18520] =	vst.add.f32.msk $0xffff, v13  }
0x481: {  	[tilespmem:s15+$0x18530] =	vst.add.f32.msk $0xffff, v14  }
0x482: {  	[tilespmem:s15+$0x18540] =	vst.add.f32.msk $0xffff, v15  }
0x483: {  	[tilespmem:s15+$0x18550] =	vst.add.f32.msk $0xffff, v16  }
0x484: {  	[tilespmem:s15+$0x18560] =	vst.add.f32.msk $0xffff, v17  }
0x485: {  	[tilespmem:s15+$0x18570] =	vst.add.f32.msk $0xffff, v18  }
0x486: {  	[tilespmem:s15+$0x18900] =	vst.add.f32.msk $0xffff, v19  }
0x487: {  	[tilespmem:s15+$0x18910] =	vst.add.f32.msk $0xffff, v20  }
0x488: {  	[tilespmem:s15+$0x18920] =	vst.add.f32.msk $0xffff, v21  }
0x489: {  	[tilespmem:s15+$0x18930] =	vst.add.f32.msk $0xffff, v22  }
0x48a: {  	[tilespmem:s15+$0x18940] =	vst.add.f32.msk $0xffff, v23  }
0x48b: {  	[tilespmem:s15+$0x18950] =	vst.add.f32.msk $0xffff, v24  }
0x48c: {  	[tilespmem:s15+$0x18960] =	vst.add.f32.msk $0xffff, v25  }
0x48d: {  	[tilespmem:s15+$0x18970] =	vst.add.f32.msk $0xffff, v26  }
0x48e: {  	[tilespmem:s15+$0x18D00] =	vst.add.f32.msk $0xffff, v27  }
0x48f: {  	[tilespmem:s15+$0x18D10] =	vst.add.f32.msk $0xffff, v28  }
0x490: {  	[tilespmem:s15+$0x18D20] =	vst.add.f32.msk $0xffff, v29  }
0x491: {  	[tilespmem:s15+$0x18D30] =	vst.add.f32.msk $0xffff, v30  }
0x492: {  	[tilespmem:s15+$0x18D40] =	vst.add.f32.msk $0xffff, v31  }
0x493: {  	[tilespmem:s15+$0x18D50] =	vst.add.f32.msk $0xffff, v32  }
0x494: {  	[tilespmem:s15+$0x18D60] =	vst.add.f32.msk $0xffff, v33  }
0x495: {  	[tilespmem:s15+$0x18D70] =	vst.add.f32.msk $0xffff, v34  }
0x496: {  	[tilespmem:s15+$0x19100] =	vst.add.f32.msk $0xffff, v35  }
0x497: {  	[tilespmem:s15+$0x19110] =	vst.add.f32.msk $0xffff, v36  }
0x498: {  	[tilespmem:s15+$0x19120] =	vst.add.f32.msk $0xffff, v37  }
0x499: {  	[tilespmem:s15+$0x19130] =	vst.add.f32.msk $0xffff, v38  }
0x49a: {  	[tilespmem:s15+$0x19140] =	vst.add.f32.msk $0xffff, v39  }
0x49b: {  	[tilespmem:s15+$0x19150] =	vst.add.f32.msk $0xffff, v40  }
0x49c: {  	[tilespmem:s15+$0x19160] =	vst.add.f32.msk $0xffff, v41  }
0x49d: {  	[tilespmem:s15+$0x19170] =	vst.add.f32.msk $0xffff, v42  }
0x49e: {  	s14 =	smul.u32 $0x28, s14;
	[tilespmem:s15+$0x19500] =	vst.add.f32.msk $0xffff, v43  }
0x49f: {  	s10 =	smul.u32 $0xC8, s10;
	[tilespmem:s15+$0x19510] =	vst.add.f32.msk $0xffff, v44  }
0x4a0: {  	s7 =	sadd.s32 $0x1, s7;
	s14 =	sadd.s32 s5, s14;
	[tilespmem:s15+$0x19520] =	vst.add.f32.msk $0xffff, v45  }
0x4a1: {  	p0 =	sne.s32 s7, $0x35;
	s10 =	sadd.s32 s10, s14;
	[tilespmem:s15+$0x19530] =	vst.add.f32.msk $0xffff, v46  }
.Ltmp4:
0x4a2: {  	s10 =	sshrl.u32 s10, $0x3;
	[tilespmem:s15+$0x19540] =	vst.add.f32.msk $0xffff, v47;
	(pc) =	sbr.rel @p0 .LBB2_2-.Ltmp4, $4  }
0x4a3: {  	s10 =	smul.u32 $0x300, s10;
	[tilespmem:s15+$0x19550] =	vst.add.f32.msk $0xffff, v48  }
0x4a4: {  	[tilespmem:s15+$0x19560] =	vst.add.f32.msk $0xffff, v49  }
0x4a5: {  	s10 =	sadd.s32 s4, s10;
	[tilespmem:s15+$0x18140] =	vst.add.f32.msk $0xffff, v3  }
0x4a6: {  	[hbm4b:s10+s6] =	stream.linear.scatter [tilespmem:s11], [sflag:$0x6], $0x7800, $0x38;
	[tilespmem:$0x1F900] =	vst v63  }
0x4a7: {  	s7 =	simm.s32 $0x6  }
0x4a8: {  	_ =	swait.ge [sflag:s7], $0x7800  }
0x4a9: {  	[sflag:s7] =	ssyncset.done $0x0  }
0x4aa: {  	s10 =	simm.s32 $0x0;
	[sflag:s7] =	ssyncadd.s32 $0xFFFF8800  }
0x4ab: {  	s10 =	smul.u32 $0x1800, s10;
	s7 =	simm.s32 $0x0;
	_ =	swait.ge [sflag:s12], $0x7800  }
0x4ac: {  	s14 =	sand.u32 $0x380, s7;
	[sflag:s12] =	ssyncset.done $0x0  }
0x4ad: {  	s10 =	sor.u32 s14, s10;
	[sflag:s12] =	ssyncadd.s32 $0xFFFF8800  }
0x4ae: {  	v3 =	vld [tilespmem:s10+$0x2D70]  }
0x4af: {  	v6 =	vld [tilespmem:s10+$0x1900]  }
0x4b0: {  	v7 =	vld [tilespmem:s10+$0x1910]  }
0x4b1: {  	v8 =	vld [tilespmem:s10+$0x1920]  }
0x4b2: {  	v9 =	vld [tilespmem:s10+$0x1930]  }
0x4b3: {  	v10 =	vld [tilespmem:s10+$0x1940]  }
0x4b4: {  	v11 =	vld [tilespmem:s10+$0x1950]  }
0x4b5: {  	v12 =	vld [tilespmem:s10+$0x1960]  }
0x4b6: {  	v13 =	vld [tilespmem:s10+$0x1970]  }
0x4b7: {  	v14 =	vld [tilespmem:s10+$0x1D00]  }
0x4b8: {  	v15 =	vld [tilespmem:s10+$0x1D10]  }
0x4b9: {  	v16 =	vld [tilespmem:s10+$0x1D20]  }
0x4ba: {  	v17 =	vld [tilespmem:s10+$0x1D30]  }
0x4bb: {  	v18 =	vld [tilespmem:s10+$0x1D40]  }
0x4bc: {  	v19 =	vld [tilespmem:s10+$0x1D50]  }
0x4bd: {  	v20 =	vld [tilespmem:s10+$0x1D60]  }
0x4be: {  	v21 =	vld [tilespmem:s10+$0x1D70]  }
0x4bf: {  	v22 =	vld [tilespmem:s10+$0x2100]  }
0x4c0: {  	v23 =	vld [tilespmem:s10+$0x2110]  }
0x4c1: {  	v24 =	vld [tilespmem:s10+$0x2120]  }
0x4c2: {  	v25 =	vld [tilespmem:s10+$0x2130]  }
0x4c3: {  	v26 =	vld [tilespmem:s10+$0x2140]  }
0x4c4: {  	v27 =	vld [tilespmem:s10+$0x2150]  }
0x4c5: {  	v28 =	vld [tilespmem:s10+$0x2160]  }
0x4c6: {  	v29 =	vld [tilespmem:s10+$0x2170]  }
0x4c7: {  	v30 =	vld [tilespmem:s10+$0x2500]  }
0x4c8: {  	v31 =	vld [tilespmem:s10+$0x2510]  }
0x4c9: {  	v32 =	vld [tilespmem:s10+$0x2520]  }
0x4ca: {  	v33 =	vld [tilespmem:s10+$0x2530]  }
0x4cb: {  	v34 =	vld [tilespmem:s10+$0x2540]  }
0x4cc: {  	v35 =	vld [tilespmem:s10+$0x2550]  }
0x4cd: {  	v36 =	vld [tilespmem:s10+$0x2560]  }
0x4ce: {  	v37 =	vld [tilespmem:s10+$0x2570]  }
0x4cf: {  	v38 =	vld [tilespmem:s10+$0x2900]  }
0x4d0: {  	v39 =	vld [tilespmem:s10+$0x2910]  }
0x4d1: {  	v40 =	vld [tilespmem:s10+$0x2920]  }
0x4d2: {  	v41 =	vld [tilespmem:s10+$0x2930]  }
0x4d3: {  	v42 =	vld [tilespmem:s10+$0x2940]  }
0x4d4: {  	v43 =	vld [tilespmem:s10+$0x2950]  }
0x4d5: {  	v44 =	vld [tilespmem:s10+$0x2960]  }
0x4d6: {  	v45 =	vld [tilespmem:s10+$0x2970]  }
0x4d7: {  	v46 =	vld [tilespmem:s10+$0x2D00]  }
0x4d8: {  	v47 =	vld [tilespmem:s10+$0x2D10]  }
0x4d9: {  	v48 =	vld [tilespmem:s10+$0x2D20]  }
0x4da: {  	v49 =	vld [tilespmem:s10+$0x2D30]  }
0x4db: {  	v5 =	vld [tilespmem:s10+$0x2D40]  }
0x4dc: {  	v4 =	vld [tilespmem:s10+$0x2D50]  }
0x4dd: {  	[tilespmem:s10+$0xA570] =	vst.add.f32.msk $0xffff, v3  }
0x4de: {  	v3 =	vld [tilespmem:s10+$0x2D60]  }
0x4df: {  	[tilespmem:s10+$0x9100] =	vst.add.f32.msk $0xffff, v6  }
0x4e0: {  	[tilespmem:s10+$0x9110] =	vst.add.f32.msk $0xffff, v7  }
0x4e1: {  	[tilespmem:s10+$0x9120] =	vst.add.f32.msk $0xffff, v8  }
0x4e2: {  	[tilespmem:s10+$0x9130] =	vst.add.f32.msk $0xffff, v9  }
0x4e3: {  	[tilespmem:s10+$0x9140] =	vst.add.f32.msk $0xffff, v10  }
0x4e4: {  	[tilespmem:s10+$0x9150] =	vst.add.f32.msk $0xffff, v11  }
0x4e5: {  	[tilespmem:s10+$0x9160] =	vst.add.f32.msk $0xffff, v12  }
0x4e6: {  	[tilespmem:s10+$0x9170] =	vst.add.f32.msk $0xffff, v13  }
0x4e7: {  	[tilespmem:s10+$0x9500] =	vst.add.f32.msk $0xffff, v14  }
0x4e8: {  	[tilespmem:s10+$0x9510] =	vst.add.f32.msk $0xffff, v15  }
0x4e9: {  	[tilespmem:s10+$0x9520] =	vst.add.f32.msk $0xffff, v16  }
0x4ea: {  	[tilespmem:s10+$0x9530] =	vst.add.f32.msk $0xffff, v17  }
0x4eb: {  	[tilespmem:s10+$0x9540] =	vst.add.f32.msk $0xffff, v18  }
0x4ec: {  	[tilespmem:s10+$0x9550] =	vst.add.f32.msk $0xffff, v19  }
0x4ed: {  	[tilespmem:s10+$0x9560] =	vst.add.f32.msk $0xffff, v20  }
0x4ee: {  	[tilespmem:s10+$0x9570] =	vst.add.f32.msk $0xffff, v21  }
0x4ef: {  	[tilespmem:s10+$0x9900] =	vst.add.f32.msk $0xffff, v22  }
0x4f0: {  	[tilespmem:s10+$0x9910] =	vst.add.f32.msk $0xffff, v23  }
0x4f1: {  	[tilespmem:s10+$0x9920] =	vst.add.f32.msk $0xffff, v24  }
0x4f2: {  	[tilespmem:s10+$0x9930] =	vst.add.f32.msk $0xffff, v25  }
0x4f3: {  	[tilespmem:s10+$0x9940] =	vst.add.f32.msk $0xffff, v26  }
0x4f4: {  	[tilespmem:s10+$0x9950] =	vst.add.f32.msk $0xffff, v27  }
0x4f5: {  	[tilespmem:s10+$0x9960] =	vst.add.f32.msk $0xffff, v28  }
0x4f6: {  	[tilespmem:s10+$0x9970] =	vst.add.f32.msk $0xffff, v29  }
0x4f7: {  	[tilespmem:s10+$0x9D00] =	vst.add.f32.msk $0xffff, v30  }
0x4f8: {  	[tilespmem:s10+$0x9D10] =	vst.add.f32.msk $0xffff, v31  }
0x4f9: {  	[tilespmem:s10+$0x9D20] =	vst.add.f32.msk $0xffff, v32  }
0x4fa: {  	[tilespmem:s10+$0x9D30] =	vst.add.f32.msk $0xffff, v33  }
0x4fb: {  	[tilespmem:s10+$0x9D40] =	vst.add.f32.msk $0xffff, v34  }
0x4fc: {  	[tilespmem:s10+$0x9D50] =	vst.add.f32.msk $0xffff, v35  }
0x4fd: {  	[tilespmem:s10+$0x9D60] =	vst.add.f32.msk $0xffff, v36  }
0x4fe: {  	[tilespmem:s10+$0x9D70] =	vst.add.f32.msk $0xffff, v37  }
0x4ff: {  	[tilespmem:s10+$0xA100] =	vst.add.f32.msk $0xffff, v38  }
0x500: {  	[tilespmem:s10+$0xA110] =	vst.add.f32.msk $0xffff, v39  }
0x501: {  	[tilespmem:s10+$0xA120] =	vst.add.f32.msk $0xffff, v40  }
0x502: {  	[tilespmem:s10+$0xA130] =	vst.add.f32.msk $0xffff, v41  }
0x503: {  	[tilespmem:s10+$0xA140] =	vst.add.f32.msk $0xffff, v42  }
0x504: {  	[tilespmem:s10+$0xA150] =	vst.add.f32.msk $0xffff, v43  }
0x505: {  	[tilespmem:s10+$0xA160] =	vst.add.f32.msk $0xffff, v44  }
0x506: {  	[tilespmem:s10+$0xA170] =	vst.add.f32.msk $0xffff, v45  }
0x507: {  	[tilespmem:s10+$0xA500] =	vst.add.f32.msk $0xffff, v46  }
0x508: {  	[tilespmem:s10+$0xA510] =	vst.add.f32.msk $0xffff, v47  }
0x509: {  	[tilespmem:s10+$0xA520] =	vst.add.f32.msk $0xffff, v48  }
0x50a: {  	s15 =	simm.s32 $0x0;
	s14 =	simm.s32 $0x2;
	[tilespmem:s10+$0xA530] =	vst.add.f32.msk $0xffff, v49  }
.LBB2_12:
0x50b: {  	p0 =	sne.s32 s14, $0x27;
	s15 =	smul.u32 $0x1800, s15;
	[tilespmem:s10+$0xA540] =	vst.add.f32.msk $0xffff, v5;
	s7 =	sadd.s32 $0x80, s7  }
0x50c: {  	s16 =	sand.u32 $0x380, s7;
	[tilespmem:s10+$0xA550] =	vst.add.f32.msk $0xffff, v4  }
0x50d: {  	[tilespmem:s10+$0xA560] =	vst.add.f32.msk $0xffff, v3;
	s10 =	sor.u32 s16, s15  }
0x50e: {  	v3 =	vld [tilespmem:s10+$0x2D70]  }
0x50f: {  	v6 =	vld [tilespmem:s10+$0x1900]  }
0x510: {  	v7 =	vld [tilespmem:s10+$0x1910]  }
0x511: {  	v8 =	vld [tilespmem:s10+$0x1920]  }
0x512: {  	v9 =	vld [tilespmem:s10+$0x1930]  }
0x513: {  	[tilespmem:s10+$0xA570] =	vst.add.f32.msk $0xffff, v3  }
0x514: {  	v10 =	vld [tilespmem:s10+$0x1940]  }
0x515: {  	v11 =	vld [tilespmem:s10+$0x1950]  }
0x516: {  	v12 =	vld [tilespmem:s10+$0x1960]  }
0x517: {  	v13 =	vld [tilespmem:s10+$0x1970]  }
0x518: {  	v14 =	vld [tilespmem:s10+$0x1D00]  }
0x519: {  	v15 =	vld [tilespmem:s10+$0x1D10]  }
0x51a: {  	v16 =	vld [tilespmem:s10+$0x1D20]  }
0x51b: {  	v17 =	vld [tilespmem:s10+$0x1D30]  }
0x51c: {  	v18 =	vld [tilespmem:s10+$0x1D40]  }
0x51d: {  	v19 =	vld [tilespmem:s10+$0x1D50]  }
0x51e: {  	v20 =	vld [tilespmem:s10+$0x1D60]  }
0x51f: {  	v21 =	vld [tilespmem:s10+$0x1D70]  }
0x520: {  	v22 =	vld [tilespmem:s10+$0x2100]  }
0x521: {  	v23 =	vld [tilespmem:s10+$0x2110]  }
0x522: {  	v24 =	vld [tilespmem:s10+$0x2120]  }
0x523: {  	v25 =	vld [tilespmem:s10+$0x2130]  }
0x524: {  	v26 =	vld [tilespmem:s10+$0x2140]  }
0x525: {  	v27 =	vld [tilespmem:s10+$0x2150]  }
0x526: {  	v28 =	vld [tilespmem:s10+$0x2160]  }
0x527: {  	v29 =	vld [tilespmem:s10+$0x2170]  }
0x528: {  	v30 =	vld [tilespmem:s10+$0x2500]  }
0x529: {  	v31 =	vld [tilespmem:s10+$0x2510]  }
0x52a: {  	v32 =	vld [tilespmem:s10+$0x2520]  }
0x52b: {  	v33 =	vld [tilespmem:s10+$0x2530]  }
0x52c: {  	v34 =	vld [tilespmem:s10+$0x2540]  }
0x52d: {  	v35 =	vld [tilespmem:s10+$0x2550]  }
0x52e: {  	v36 =	vld [tilespmem:s10+$0x2560]  }
0x52f: {  	v37 =	vld [tilespmem:s10+$0x2570]  }
0x530: {  	v38 =	vld [tilespmem:s10+$0x2900]  }
0x531: {  	v39 =	vld [tilespmem:s10+$0x2910]  }
0x532: {  	v40 =	vld [tilespmem:s10+$0x2920]  }
0x533: {  	v41 =	vld [tilespmem:s10+$0x2930]  }
0x534: {  	v42 =	vld [tilespmem:s10+$0x2940]  }
0x535: {  	v43 =	vld [tilespmem:s10+$0x2950]  }
0x536: {  	v44 =	vld [tilespmem:s10+$0x2960]  }
0x537: {  	v45 =	vld [tilespmem:s10+$0x2970]  }
0x538: {  	v46 =	vld [tilespmem:s10+$0x2D00]  }
0x539: {  	v47 =	vld [tilespmem:s10+$0x2D10]  }
0x53a: {  	v48 =	vld [tilespmem:s10+$0x2D20]  }
0x53b: {  	v49 =	vld [tilespmem:s10+$0x2D30]  }
0x53c: {  	v5 =	vld [tilespmem:s10+$0x2D40]  }
0x53d: {  	v4 =	vld [tilespmem:s10+$0x2D50]  }
0x53e: {  	v3 =	vld [tilespmem:s10+$0x2D60]  }
0x53f: {  	[tilespmem:s10+$0x9100] =	vst.add.f32.msk $0xffff, v6  }
0x540: {  	[tilespmem:s10+$0x9110] =	vst.add.f32.msk $0xffff, v7  }
0x541: {  	[tilespmem:s10+$0x9120] =	vst.add.f32.msk $0xffff, v8  }
0x542: {  	[tilespmem:s10+$0x9130] =	vst.add.f32.msk $0xffff, v9  }
0x543: {  	[tilespmem:s10+$0x9140] =	vst.add.f32.msk $0xffff, v10  }
0x544: {  	[tilespmem:s10+$0x9150] =	vst.add.f32.msk $0xffff, v11  }
0x545: {  	[tilespmem:s10+$0x9160] =	vst.add.f32.msk $0xffff, v12  }
0x546: {  	[tilespmem:s10+$0x9170] =	vst.add.f32.msk $0xffff, v13  }
0x547: {  	[tilespmem:s10+$0x9500] =	vst.add.f32.msk $0xffff, v14  }
0x548: {  	[tilespmem:s10+$0x9510] =	vst.add.f32.msk $0xffff, v15  }
0x549: {  	[tilespmem:s10+$0x9520] =	vst.add.f32.msk $0xffff, v16  }
0x54a: {  	[tilespmem:s10+$0x9530] =	vst.add.f32.msk $0xffff, v17  }
0x54b: {  	[tilespmem:s10+$0x9540] =	vst.add.f32.msk $0xffff, v18  }
0x54c: {  	[tilespmem:s10+$0x9550] =	vst.add.f32.msk $0xffff, v19  }
0x54d: {  	[tilespmem:s10+$0x9560] =	vst.add.f32.msk $0xffff, v20  }
0x54e: {  	[tilespmem:s10+$0x9570] =	vst.add.f32.msk $0xffff, v21  }
0x54f: {  	[tilespmem:s10+$0x9900] =	vst.add.f32.msk $0xffff, v22  }
0x550: {  	[tilespmem:s10+$0x9910] =	vst.add.f32.msk $0xffff, v23  }
0x551: {  	[tilespmem:s10+$0x9920] =	vst.add.f32.msk $0xffff, v24  }
0x552: {  	[tilespmem:s10+$0x9930] =	vst.add.f32.msk $0xffff, v25  }
0x553: {  	[tilespmem:s10+$0x9940] =	vst.add.f32.msk $0xffff, v26  }
0x554: {  	[tilespmem:s10+$0x9950] =	vst.add.f32.msk $0xffff, v27  }
0x555: {  	[tilespmem:s10+$0x9960] =	vst.add.f32.msk $0xffff, v28  }
0x556: {  	[tilespmem:s10+$0x9970] =	vst.add.f32.msk $0xffff, v29  }
0x557: {  	[tilespmem:s10+$0x9D00] =	vst.add.f32.msk $0xffff, v30  }
0x558: {  	[tilespmem:s10+$0x9D10] =	vst.add.f32.msk $0xffff, v31  }
0x559: {  	[tilespmem:s10+$0x9D20] =	vst.add.f32.msk $0xffff, v32  }
0x55a: {  	[tilespmem:s10+$0x9D30] =	vst.add.f32.msk $0xffff, v33  }
0x55b: {  	[tilespmem:s10+$0x9D40] =	vst.add.f32.msk $0xffff, v34  }
0x55c: {  	[tilespmem:s10+$0x9D50] =	vst.add.f32.msk $0xffff, v35  }
0x55d: {  	[tilespmem:s10+$0x9D60] =	vst.add.f32.msk $0xffff, v36  }
0x55e: {  	[tilespmem:s10+$0x9D70] =	vst.add.f32.msk $0xffff, v37  }
0x55f: {  	[tilespmem:s10+$0xA100] =	vst.add.f32.msk $0xffff, v38  }
0x560: {  	[tilespmem:s10+$0xA110] =	vst.add.f32.msk $0xffff, v39  }
0x561: {  	[tilespmem:s10+$0xA120] =	vst.add.f32.msk $0xffff, v40  }
0x562: {  	[tilespmem:s10+$0xA130] =	vst.add.f32.msk $0xffff, v41  }
0x563: {  	[tilespmem:s10+$0xA140] =	vst.add.f32.msk $0xffff, v42  }
0x564: {  	[tilespmem:s10+$0xA150] =	vst.add.f32.msk $0xffff, v43  }
0x565: {  	[tilespmem:s10+$0xA160] =	vst.add.f32.msk $0xffff, v44  }
.Ltmp5:
0x566: {  	[tilespmem:s10+$0xA170] =	vst.add.f32.msk $0xffff, v45;
	(pc) =	sbr.rel @p0 .LBB2_12-.Ltmp5, $4  }
0x567: {  	[tilespmem:s10+$0xA500] =	vst.add.f32.msk $0xffff, v46  }
0x568: {  	[tilespmem:s10+$0xA510] =	vst.add.f32.msk $0xffff, v47  }
0x569: {  	[tilespmem:s10+$0xA520] =	vst.add.f32.msk $0xffff, v48  }
0x56a: {  	s15 =	sshrl.u32 s14, $0x3;
	s14 =	sadd.s32 $0x1, s14;
	[tilespmem:s10+$0xA530] =	vst.add.f32.msk $0xffff, v49  }
0x56b: {  	s14 =	smul.u32 $0x1800, s15;
	[tilespmem:s10+$0xA540] =	vst.add.f32.msk $0xffff, v5;
	s7 =	sadd.s32 $0x80, s7  }
0x56c: {  	[tilespmem:s10+$0xA550] =	vst.add.f32.msk $0xffff, v4;
	s7 =	sand.u32 $0x380, s7  }
0x56d: {  	[tilespmem:s10+$0xA560] =	vst.add.f32.msk $0xffff, v3;
	s7 =	sor.u32 s7, s14  }
0x56e: {  	v3 =	vld [tilespmem:s7+$0x2D70]  }
0x56f: {  	v4 =	vld [tilespmem:s7+$0x1900]  }
0x570: {  	v5 =	vld [tilespmem:s7+$0x1910]  }
0x571: {  	v6 =	vld [tilespmem:s7+$0x1920]  }
0x572: {  	v7 =	vld [tilespmem:s7+$0x1930]  }
0x573: {  	v8 =	vld [tilespmem:s7+$0x1950]  }
0x574: {  	v9 =	vld [tilespmem:s7+$0x1960]  }
0x575: {  	v10 =	vld [tilespmem:s7+$0x1970]  }
0x576: {  	v11 =	vld [tilespmem:s7+$0x1D00]  }
0x577: {  	v12 =	vld [tilespmem:s7+$0x1D10]  }
0x578: {  	v13 =	vld [tilespmem:s7+$0x1D20]  }
0x579: {  	v14 =	vld [tilespmem:s7+$0x1D30]  }
0x57a: {  	v15 =	vld [tilespmem:s7+$0x1D40]  }
0x57b: {  	v16 =	vld [tilespmem:s7+$0x1D50]  }
0x57c: {  	v17 =	vld [tilespmem:s7+$0x1D60]  }
0x57d: {  	v18 =	vld [tilespmem:s7+$0x1D70]  }
0x57e: {  	v19 =	vld [tilespmem:s7+$0x2100]  }
0x57f: {  	v20 =	vld [tilespmem:s7+$0x2110]  }
0x580: {  	v21 =	vld [tilespmem:s7+$0x2120]  }
0x581: {  	v22 =	vld [tilespmem:s7+$0x2130]  }
0x582: {  	v23 =	vld [tilespmem:s7+$0x2140]  }
0x583: {  	v24 =	vld [tilespmem:s7+$0x2150]  }
0x584: {  	v25 =	vld [tilespmem:s7+$0x2160]  }
0x585: {  	v26 =	vld [tilespmem:s7+$0x2170]  }
0x586: {  	v27 =	vld [tilespmem:s7+$0x2500]  }
0x587: {  	v28 =	vld [tilespmem:s7+$0x2510]  }
0x588: {  	v29 =	vld [tilespmem:s7+$0x2520]  }
0x589: {  	v30 =	vld [tilespmem:s7+$0x2530]  }
0x58a: {  	v31 =	vld [tilespmem:s7+$0x2540]  }
0x58b: {  	v32 =	vld [tilespmem:s7+$0x2550]  }
0x58c: {  	v33 =	vld [tilespmem:s7+$0x2560]  }
0x58d: {  	v34 =	vld [tilespmem:s7+$0x2570]  }
0x58e: {  	v35 =	vld [tilespmem:s7+$0x2900]  }
0x58f: {  	v36 =	vld [tilespmem:s7+$0x2910]  }
0x590: {  	v37 =	vld [tilespmem:s7+$0x2920]  }
0x591: {  	v38 =	vld [tilespmem:s7+$0x2930]  }
0x592: {  	v39 =	vld [tilespmem:s7+$0x2940]  }
0x593: {  	v40 =	vld [tilespmem:s7+$0x2950]  }
0x594: {  	v41 =	vld [tilespmem:s7+$0x2960]  }
0x595: {  	v42 =	vld [tilespmem:s7+$0x2970]  }
0x596: {  	v43 =	vld [tilespmem:s7+$0x2D00]  }
0x597: {  	v44 =	vld [tilespmem:s7+$0x2D10]  }
0x598: {  	v45 =	vld [tilespmem:s7+$0x2D20]  }
0x599: {  	v46 =	vld [tilespmem:s7+$0x2D30]  }
0x59a: {  	v47 =	vld [tilespmem:s7+$0x2D40]  }
0x59b: {  	v48 =	vld [tilespmem:s7+$0x2D50]  }
0x59c: {  	v49 =	vld [tilespmem:s7+$0x2D60]  }
0x59d: {  	[tilespmem:s7+$0xA570] =	vst.add.f32.msk $0xffff, v3  }
0x59e: {  	v3 =	vld [tilespmem:s7+$0x1940]  }
0x59f: {  	[tilespmem:s7+$0x9100] =	vst.add.f32.msk $0xffff, v4  }
0x5a0: {  	[tilespmem:s7+$0x9110] =	vst.add.f32.msk $0xffff, v5  }
0x5a1: {  	[tilespmem:s7+$0x9120] =	vst.add.f32.msk $0xffff, v6  }
0x5a2: {  	[tilespmem:s7+$0x9130] =	vst.add.f32.msk $0xffff, v7  }
0x5a3: {  	[tilespmem:s7+$0x9150] =	vst.add.f32.msk $0xffff, v8  }
0x5a4: {  	[tilespmem:s7+$0x9160] =	vst.add.f32.msk $0xffff, v9  }
0x5a5: {  	[tilespmem:s7+$0x9170] =	vst.add.f32.msk $0xffff, v10  }
0x5a6: {  	[tilespmem:s7+$0x9500] =	vst.add.f32.msk $0xffff, v11  }
0x5a7: {  	[tilespmem:s7+$0x9510] =	vst.add.f32.msk $0xffff, v12  }
0x5a8: {  	[tilespmem:s7+$0x9520] =	vst.add.f32.msk $0xffff, v13  }
0x5a9: {  	[tilespmem:s7+$0x9530] =	vst.add.f32.msk $0xffff, v14  }
0x5aa: {  	[tilespmem:s7+$0x9540] =	vst.add.f32.msk $0xffff, v15  }
0x5ab: {  	[tilespmem:s7+$0x9550] =	vst.add.f32.msk $0xffff, v16  }
0x5ac: {  	[tilespmem:s7+$0x9560] =	vst.add.f32.msk $0xffff, v17  }
0x5ad: {  	[tilespmem:s7+$0x9570] =	vst.add.f32.msk $0xffff, v18  }
0x5ae: {  	[tilespmem:s7+$0x9900] =	vst.add.f32.msk $0xffff, v19  }
0x5af: {  	[tilespmem:s7+$0x9910] =	vst.add.f32.msk $0xffff, v20  }
0x5b0: {  	[tilespmem:s7+$0x9920] =	vst.add.f32.msk $0xffff, v21  }
0x5b1: {  	[tilespmem:s7+$0x9930] =	vst.add.f32.msk $0xffff, v22  }
0x5b2: {  	[tilespmem:s7+$0x9940] =	vst.add.f32.msk $0xffff, v23  }
0x5b3: {  	[tilespmem:s7+$0x9950] =	vst.add.f32.msk $0xffff, v24  }
0x5b4: {  	[tilespmem:s7+$0x9960] =	vst.add.f32.msk $0xffff, v25  }
0x5b5: {  	[tilespmem:s7+$0x9970] =	vst.add.f32.msk $0xffff, v26  }
0x5b6: {  	[tilespmem:s7+$0x9D00] =	vst.add.f32.msk $0xffff, v27  }
0x5b7: {  	[tilespmem:s7+$0x9D10] =	vst.add.f32.msk $0xffff, v28  }
0x5b8: {  	[tilespmem:s7+$0x9D20] =	vst.add.f32.msk $0xffff, v29  }
0x5b9: {  	[tilespmem:s7+$0x9D30] =	vst.add.f32.msk $0xffff, v30  }
0x5ba: {  	[tilespmem:s7+$0x9D40] =	vst.add.f32.msk $0xffff, v31  }
0x5bb: {  	[tilespmem:s7+$0x9D50] =	vst.add.f32.msk $0xffff, v32  }
0x5bc: {  	[tilespmem:s7+$0x9D60] =	vst.add.f32.msk $0xffff, v33  }
0x5bd: {  	[tilespmem:s7+$0x9D70] =	vst.add.f32.msk $0xffff, v34  }
0x5be: {  	[tilespmem:s7+$0xA100] =	vst.add.f32.msk $0xffff, v35  }
0x5bf: {  	[tilespmem:s7+$0xA110] =	vst.add.f32.msk $0xffff, v36  }
0x5c0: {  	[tilespmem:s7+$0xA120] =	vst.add.f32.msk $0xffff, v37  }
0x5c1: {  	[tilespmem:s7+$0xA130] =	vst.add.f32.msk $0xffff, v38  }
0x5c2: {  	[tilespmem:s7+$0xA140] =	vst.add.f32.msk $0xffff, v39  }
0x5c3: {  	[tilespmem:s7+$0xA150] =	vst.add.f32.msk $0xffff, v40  }
0x5c4: {  	[tilespmem:s7+$0xA160] =	vst.add.f32.msk $0xffff, v41  }
0x5c5: {  	[tilespmem:s7+$0xA170] =	vst.add.f32.msk $0xffff, v42  }
0x5c6: {  	[tilespmem:s7+$0xA500] =	vst.add.f32.msk $0xffff, v43  }
0x5c7: {  	[tilespmem:s7+$0xA510] =	vst.add.f32.msk $0xffff, v44  }
0x5c8: {  	[tilespmem:s7+$0xA520] =	vst.add.f32.msk $0xffff, v45  }
0x5c9: {  	[tilespmem:s7+$0xA530] =	vst.add.f32.msk $0xffff, v46  }
0x5ca: {  	[tilespmem:s7+$0xA540] =	vst.add.f32.msk $0xffff, v47  }
0x5cb: {  	[tilespmem:s7+$0xA550] =	vst.add.f32.msk $0xffff, v48  }
0x5cc: {  	[tilespmem:s7+$0xA560] =	vst.add.f32.msk $0xffff, v49  }
0x5cd: {  	s20 =	rddreg [dreg:$0x6];
	[tilespmem:s7+$0x9140] =	vst.add.f32.msk $0xffff, v3  }
0x5ce: {  	[hbm4b:s20+s6] =	stream.linear.scatter [tilespmem:s13], [sflag:$0x4], $0x7800, $0x38;
	[tilespmem:$0x1F900] =	vst v63  }
0x5cf: {  	_ =	swait.ge [sflag:s30], $0x7800  }
0x5d0: {  	s21 =	rddreg [dreg:$0x8]  }
0x5d1: {  	s22 =	rddreg [dreg:$0x7];
	s10 =	sadd.s32 $0x1, s21  }
0x5d2: {  	p0 =	sne.s32 s10, s22  }
.Ltmp6:
0x5d3: {  	_ = 	snop;
	(pc) =	sbr.rel @p0 .LBB2_1-.Ltmp6, $3  }
0x5d4: {  	_ =	sdelay $0x1  }
0x5d5: {  	[sflag:s30] =	ssyncset.done $0x0  }
0x5d6: {  	[sflag:s30] =	ssyncadd.s32 $0xFFFF8800  }
0x5d7: {  	_ =	sfence.sel $0x180000  }
0x5d8: {  	[bflag:$0x0] =	sbarrier.arrive $0xFFFF  }
0x5d9: {  	_ =	strace $0x90000047  }
0x5da: {  	s0 =	stileid.u32;
	[bflag:$0x2] =	sbarrier.arrive $0xFFFF  }
0x5db: {  	p0 =	sne.s32 s0, $0x0;
	s0 =	rddreg [dreg:$0x4]  }
0x5dc: {  	s0 =	sadd.s32 @!p0 $0x100000, s0  }
0x5dd: {  	[sflag:s0] =	ssyncadd.tile.s32 @!p0 $0x1;
	_ =	shalt  }
.Lfunc_end2:
_tile_overlayer_lowered:
.L_overlay_start_2:
0x5de: {  	(tag) =	ssettag $0x2  }
0x5df: {  	s0 =	rddreg [dreg:$0x0];
	s2 =	stileid.u32  }
0x5e0: {  	s1 =	rddreg [dreg:$0x1];
	p0 =	sne.s32 s2, $0x0  }
0x5e1: {  	s3 =	rddreg [dreg:$0x2];
	[bflag:$0x3] =	sbarrier.arrive $0xFFFF;
	s2 =	simm.s32 @!p0 $0x1C07  }
0x5e2: {  	[timem:s3], [sflag:s2] =	dma.local @!p0 [hbm:s0], s1  }
0x5e3: {  	s0 =	simm.s32 @!p0 $0x7  }
0x5e4: {  	_ =	swait.ge @!p0 [sflag:s0], s1  }
0x5e5: {  	s1 =	ssub.s32 @!p0 $0x0, s1;
	[sflag:s0] =	ssyncset.done @!p0 $0x0  }
0x5e6: {  	[sflag:s0] =	ssyncadd.s32 @!p0 s1  }
0x5e7: {  	[bflag:$0x3] =	sbarrier.arrive $0xFFFF  }
0x5e8: {  	_ =	shalt  }

</sc_bundles>
